<compile_context>
chip_gen: v7x
topology: tpu7x:2x2x1
jax: 0.10.2.dev20260603
libtpu: 0.0.44.dev20260713+nightly
codegen_flags: <defaults>
</compile_context>

<pallas_src>
import functools

import jax
import jax.numpy as jnp
from jax import lax
from jax.experimental import pallas as pl
from jax.experimental.pallas import tpu as pltpu
from jax.experimental.pallas import tpu_sc as plsc

N = 10000
E = 320000
NODE_DIM = 128
HIDDEN = 128
E_IN_PAD = 32
OUT_DIM = 10
G = 64
L = 2

NW = 32
BLK = 128
NP = 10240
NSH = NP // 2
ACC = 5248
EBS = 158
EP = 16 * EBS * BLK
ROWS_W = NP // NW
ROWS_S = NP // 16
NBLK = NP // 256
EBLK = 1024
NEB = EP // EBLK

_mesh = plsc.VectorSubcoreMesh(core_axis_name="c", subcore_axis_name="s")
_sc_params = pltpu.CompilerParams(needs_layout_passes=False)
_sc_edge_params = pltpu.CompilerParams(needs_layout_passes=False,
                                       use_tc_tiling_on_sc=False)



def _emb_body(table_hbm, idx_hbm, out_hbm, idx_v, rows_v, sem):
    wid = lax.axis_index("s") * 2 + lax.axis_index("c")
    base = wid * ROWS_W

    def body(r, carry):
        off = base + r * 64
        pltpu.sync_copy(idx_hbm.at[pl.ds(off, 64)], idx_v)
        pltpu.async_copy(table_hbm.at[idx_v], rows_v, sem).wait()
        pltpu.sync_copy(rows_v, out_hbm.at[pl.ds(off, 64)])
        return carry

    lax.fori_loop(0, ROWS_W // 64, body, 0)


def _embedding_lookup(node_table, x_pad):
    return pl.kernel(
        _emb_body,
        out_type=jax.ShapeDtypeStruct((NP, NODE_DIM), jnp.float32),
        mesh=_mesh,
        compiler_params=_sc_params,
        scratch_types=[
            pltpu.VMEM((64,), jnp.int32),
            pltpu.VMEM((64, NODE_DIM), jnp.float32),
            pltpu.SemaphoreType.DMA,
        ],
    )(node_table, x_pad)


def _edge_body(q_hbm, k_hbm, v_hbm, ein_hbm, src_hbm, dst_hbm,
               agg_hbm, be_hbm,
               src_v, dst_v, dstloc_v, qv, kv, vv, einv, vout, eout,
               agg_s, be_s, sem0):
    c = lax.axis_index("c")
    s = lax.axis_index("s")

    z16 = jnp.zeros((16,), jnp.float32)

    def zrow(i, carry):
        for j in range(8):
            vout[i, pl.ds(16 * j, 16)] = z16
        for j in range(2):
            eout[i, pl.ds(16 * j, 16)] = z16
        return carry

    lax.fori_loop(0, BLK, zrow, 0)

    for r in range(3):
        blk = s + 16 * r

        @pl.when(blk < ACC // BLK)
        def _():
            pltpu.sync_copy(vout, agg_s.at[pl.ds(blk * BLK, BLK)])
            pltpu.sync_copy(eout, be_s.at[pl.ds(blk * BLK, BLK)])

    plsc.subcore_barrier()

    nlo = c * NSH
    inv = jnp.float32(1.0 / (float(HIDDEN) ** 0.5))
    ebase = s * (EBS * BLK)

    def eblock(b, carry):
        off = ebase + b * BLK
        pltpu.sync_copy(src_hbm.at[pl.ds(off, BLK)], src_v)
        pltpu.sync_copy(dst_hbm.at[pl.ds(off, BLK)], dst_v)
        cp_k = pltpu.async_copy(k_hbm.at[src_v], kv, sem0)
        cp_q = pltpu.async_copy(q_hbm.at[dst_v], qv, sem0)
        cp_v = pltpu.async_copy(v_hbm.at[src_v], vv, sem0)
        cp_e = pltpu.async_copy(ein_hbm.at[pl.ds(off, BLK)], einv, sem0)
        for t in range(BLK // 16):
            d16 = dst_v[pl.ds(16 * t, 16)] - nlo
            oob = (d16 < 0) | (d16 >= NSH)
            dstloc_v[pl.ds(16 * t, 16)] = jnp.where(oob, NSH, d16)
        cp_k.wait()
        cp_q.wait()
        cp_v.wait()
        cp_e.wait()

        @plsc.parallel_loop(0, BLK, unroll=6)
        def pedge(i):
            acc = qv[i, pl.ds(0, 16)] * kv[i, pl.ds(0, 16)]
            for u in range(1, 8):
                acc = acc + qv[i, pl.ds(16 * u, 16)] * kv[i, pl.ds(16 * u, 16)]
            ein_hi = einv[i, pl.ds(16, 16)]
            acc = acc + qv[i, pl.ds(128, 16)] * einv[i, pl.ds(0, 16)]
            acc = acc + qv[i, pl.ds(144, 16)] * ein_hi
            alpha = plsc.cumsum(acc)[15] * inv
            m = ein_hi[15]
            sv = jnp.exp(jnp.full((16,), alpha, jnp.float32)) * m
            for u in range(8):
                vout[i, pl.ds(16 * u, 16)] = vv[i, pl.ds(16 * u, 16)] * sv
            for u in range(2):
                eout[i, pl.ds(16 * u, 16)] = einv[i, pl.ds(16 * u, 16)] * sv

        pltpu.sync_copy(vout, agg_s.at[dstloc_v], add=True)
        pltpu.sync_copy(eout, be_s.at[dstloc_v], add=True)
        return carry

    lax.fori_loop(0, EBS, eblock, 0)
    plsc.subcore_barrier()

    for r in range(3):
        blk = s + 16 * r

        @pl.when(blk < NSH // BLK)
        def _():
            pltpu.sync_copy(agg_s.at[pl.ds(blk * BLK, BLK)],
                            agg_hbm.at[pl.ds(nlo + blk * BLK, BLK)])
            pltpu.sync_copy(be_s.at[pl.ds(blk * BLK, BLK)],
                            be_hbm.at[pl.ds(nlo + blk * BLK, BLK)])


def _edge_pass(q160, k, v, ein, src, dst):
    return pl.kernel(
        _edge_body,
        out_type=[
            jax.ShapeDtypeStruct((NP, HIDDEN), jnp.float32),
            jax.ShapeDtypeStruct((NP, E_IN_PAD), jnp.float32),
        ],
        mesh=_mesh,
        compiler_params=_sc_edge_params,
        scratch_types=[
            pltpu.VMEM((BLK,), jnp.int32),
            pltpu.VMEM((BLK,), jnp.int32),
            pltpu.VMEM((BLK,), jnp.int32),
            pltpu.VMEM((BLK, HIDDEN + E_IN_PAD), jnp.float32),
            pltpu.VMEM((BLK, HIDDEN), jnp.float32),
            pltpu.VMEM((BLK, HIDDEN), jnp.float32),
            pltpu.VMEM((BLK, E_IN_PAD), jnp.float32),
            pltpu.VMEM((BLK, HIDDEN), jnp.float32),
            pltpu.VMEM((BLK, E_IN_PAD), jnp.float32),
            pltpu.VMEM_SHARED((ACC, HIDDEN), jnp.float32),
            pltpu.VMEM_SHARED((ACC, E_IN_PAD), jnp.float32),
            pltpu.SemaphoreType.DMA,
        ],
    )(q160, k, v, ein, src, dst)



def _ein_build_kernel(a0_ref, a1_ref, a2_ref, t0_ref, t1_ref, t2_ref, o_ref):
    i = pl.program_id(0)
    lanes = lax.broadcasted_iota(jnp.int32, (EBLK, 16), 1)
    oh0 = (a0_ref[...] == lanes).astype(jnp.float32)
    oh1 = (a1_ref[...] == lanes).astype(jnp.float32)
    oh2 = (a2_ref[...] == lanes).astype(jnp.float32)
    out = (jnp.dot(oh0, t0_ref[...], preferred_element_type=jnp.float32)
           + jnp.dot(oh1, t1_ref[...], preferred_element_type=jnp.float32)
           + jnp.dot(oh2, t2_ref[...], preferred_element_type=jnp.float32))
    rows = lax.broadcasted_iota(jnp.int32, (EBLK, 1), 0) + i * EBLK
    valid = (rows < E).astype(jnp.float32)
    o_ref[...] = out * valid


def _build_ein(attr_pad, edge_table):
    a0 = attr_pad[:, 0:1]
    a1 = attr_pad[:, 1:2]
    a2 = attr_pad[:, 2:3]
    t0 = jnp.zeros((16, E_IN_PAD), jnp.float32)
    t0 = t0.at[:, :16].set(edge_table.astype(jnp.float32))
    t0 = t0.at[:, 31].set(1.0)
    ar = jnp.arange(16, dtype=jnp.float32)
    t1 = jnp.zeros((16, E_IN_PAD), jnp.float32).at[:, 16].set(ar)
    t2 = jnp.zeros((16, E_IN_PAD), jnp.float32).at[:, 17].set(ar)
    return pl.pallas_call(
        _ein_build_kernel,
        grid=(NEB,),
        in_specs=[
            pl.BlockSpec((EBLK, 1), lambda i: (i, 0)),
            pl.BlockSpec((EBLK, 1), lambda i: (i, 0)),
            pl.BlockSpec((EBLK, 1), lambda i: (i, 0)),
            pl.BlockSpec((16, E_IN_PAD), lambda i: (0, 0)),
            pl.BlockSpec((16, E_IN_PAD), lambda i: (0, 0)),
            pl.BlockSpec((16, E_IN_PAD), lambda i: (0, 0)),
        ],
        out_specs=pl.BlockSpec((EBLK, E_IN_PAD), lambda i: (i, 0)),
        out_shape=jax.ShapeDtypeStruct((EP, E_IN_PAD), jnp.float32),
    )(a0, a1, a2, t0, t1, t2)


def _wqe_kernel(wq_ref, bq_ref, wet_ref, wqe_ref, bqe_ref):
    wqe_ref[...] = jnp.dot(wq_ref[...], wet_ref[...],
                           preferred_element_type=jnp.float32)
    bqe_ref[...] = jnp.dot(bq_ref[...], wet_ref[...],
                           preferred_element_type=jnp.float32)


def _proj_kernel(h_ref, w_ref, b_ref, q_ref, k_ref, v_ref, s_ref):
    o = jnp.dot(h_ref[...], w_ref[...],
                preferred_element_type=jnp.float32) + b_ref[...]
    q_ref[...] = jnp.concatenate([o[:, 0:128], o[:, 512:544]], axis=1)
    k_ref[...] = o[:, 128:256]
    v_ref[...] = o[:, 256:384]
    s_ref[...] = o[:, 384:512]


def _project(h, wcat, bcat):
    shp = jax.ShapeDtypeStruct((NP, HIDDEN), jnp.float32)
    return pl.pallas_call(
        _proj_kernel,
        grid=(NBLK,),
        in_specs=[
            pl.BlockSpec((256, HIDDEN), lambda i: (i, 0)),
            pl.BlockSpec((HIDDEN, 544), lambda i: (0, 0)),
            pl.BlockSpec((1, 544), lambda i: (0, 0)),
        ],
        out_specs=[
            pl.BlockSpec((256, HIDDEN + E_IN_PAD), lambda i: (i, 0)),
            pl.BlockSpec((256, HIDDEN), lambda i: (i, 0)),
            pl.BlockSpec((256, HIDDEN), lambda i: (i, 0)),
            pl.BlockSpec((256, HIDDEN), lambda i: (i, 0)),
        ],
        out_shape=[jax.ShapeDtypeStruct((NP, HIDDEN + E_IN_PAD), jnp.float32),
                   shp, shp, shp],
    )(h, wcat, bcat)


def _combine_kernel(a_ref, b_ref, skip_ref, wep_ref, o_ref):
    agg = a_ref[...]
    be = b_ref[...]
    col = lax.broadcasted_iota(jnp.int32, (256, E_IN_PAD), 1)
    den = jnp.sum(jnp.where(col == 31, be, 0.0), axis=1, keepdims=True)
    val = (agg + jnp.dot(be, wep_ref[...], preferred_element_type=jnp.float32)
           ) / (den + 1e-16) + skip_ref[...]
    o_ref[...] = jnp.maximum(val, 0.0)


def _combine(agg, be, skip, wep):
    return pl.pallas_call(
        _combine_kernel,
        grid=(NBLK,),
        in_specs=[
            pl.BlockSpec((256, HIDDEN), lambda i: (i, 0)),
            pl.BlockSpec((256, E_IN_PAD), lambda i: (i, 0)),
            pl.BlockSpec((256, HIDDEN), lambda i: (i, 0)),
            pl.BlockSpec((E_IN_PAD, HIDDEN), lambda i: (0, 0)),
        ],
        out_specs=pl.BlockSpec((256, HIDDEN), lambda i: (i, 0)),
        out_shape=jax.ShapeDtypeStruct((NP, HIDDEN), jnp.float32),
    )(agg, be, skip, wep)


def _pool_proj_kernel(h_ref, gw_ref, gb_ref, nw_ref, nb_ref, g_ref, f_ref):
    h = h_ref[...]
    g_ref[...] = jnp.dot(h, gw_ref[...],
                         preferred_element_type=jnp.float32) + gb_ref[...]
    f_ref[...] = jnp.dot(h, nw_ref[...],
                         preferred_element_type=jnp.float32) + nb_ref[...]


def _pool_max_kernel(g_ref, b_ref, o_ref):
    i = pl.program_id(0)
    oh = b_ref[...] == lax.broadcasted_iota(jnp.int32, (G, 256), 0)
    g = jnp.broadcast_to(g_ref[...], (G, 256))
    m = jnp.max(jnp.where(oh, g, -3e38), axis=1, keepdims=True)

    @pl.when(i == 0)
    def _():
        o_ref[...] = jnp.full((G, 8), -3e38, jnp.float32)

    o_ref[...] = jnp.maximum(o_ref[...], jnp.broadcast_to(m, (G, 8)))


def _pool_acc_kernel(g_ref, f_ref, b_ref, m_ref, den_ref, p_ref):
    i = pl.program_id(0)
    oh = (b_ref[...] == lax.broadcasted_iota(jnp.int32, (G, 256), 0)
          ).astype(jnp.float32)
    mnode = jnp.sum(m_ref[...][:, 0:1] * oh, axis=0, keepdims=True)
    a = jnp.exp(g_ref[...] - mnode)
    wa = oh * a

    @pl.when(i == 0)
    def _():
        den_ref[...] = jnp.zeros((G, 8), jnp.float32)
        p_ref[...] = jnp.zeros((G, 16), jnp.float32)

    den_ref[...] += jnp.broadcast_to(
        jnp.sum(wa, axis=1, keepdims=True), (G, 8))
    p_ref[...] += jnp.dot(wa, f_ref[...], preferred_element_type=jnp.float32)


def _pool_final_kernel(p_ref, den_ref, o_ref):
    p = p_ref[...][:, :OUT_DIM] / (den_ref[...][:, 0:1] + 1e-16)
    m = jnp.max(p, axis=1, keepdims=True)
    lse = jnp.log(jnp.sum(jnp.exp(p - m), axis=1, keepdims=True))
    o_ref[...] = p - m - lse


def _pooling(h, gate_W, gate_b, nn_W, nn_b, batch_t):
    gwp = jnp.zeros((HIDDEN, 8), jnp.float32).at[:, 0].set(gate_W[:, 0])
    gbp = jnp.zeros((1, 8), jnp.float32).at[0, 0].set(gate_b[0])
    nwp = jnp.zeros((HIDDEN, 16), jnp.float32).at[:, :OUT_DIM].set(nn_W)
    nbp = jnp.zeros((1, 16), jnp.float32).at[0, :OUT_DIM].set(nn_b)

    gate8, feat = pl.pallas_call(
        _pool_proj_kernel,
        grid=(NBLK,),
        in_specs=[
            pl.BlockSpec((256, HIDDEN), lambda i: (i, 0)),
            pl.BlockSpec((HIDDEN, 8), lambda i: (0, 0)),
            pl.BlockSpec((1, 8), lambda i: (0, 0)),
            pl.BlockSpec((HIDDEN, 16), lambda i: (0, 0)),
            pl.BlockSpec((1, 16), lambda i: (0, 0)),
        ],
        out_specs=[
            pl.BlockSpec((256, 8), lambda i: (i, 0)),
            pl.BlockSpec((256, 16), lambda i: (i, 0)),
        ],
        out_shape=[jax.ShapeDtypeStruct((NP, 8), jnp.float32),
                   jax.ShapeDtypeStruct((NP, 16), jnp.float32)],
    )(h, gwp, gbp, nwp, nbp)

    gate_t = gate8[:, 0].reshape(1, NP)

    gmax = pl.pallas_call(
        _pool_max_kernel,
        grid=(NBLK,),
        in_specs=[
            pl.BlockSpec((1, 256), lambda i: (0, i)),
            pl.BlockSpec((1, 256), lambda i: (0, i)),
        ],
        out_specs=pl.BlockSpec((G, 8), lambda i: (0, 0)),
        out_shape=jax.ShapeDtypeStruct((G, 8), jnp.float32),
    )(gate_t, batch_t)

    den, pooled = pl.pallas_call(
        _pool_acc_kernel,
        grid=(NBLK,),
        in_specs=[
            pl.BlockSpec((1, 256), lambda i: (0, i)),
            pl.BlockSpec((256, 16), lambda i: (i, 0)),
            pl.BlockSpec((1, 256), lambda i: (0, i)),
            pl.BlockSpec((G, 8), lambda i: (0, 0)),
        ],
        out_specs=[
            pl.BlockSpec((G, 8), lambda i: (0, 0)),
            pl.BlockSpec((G, 16), lambda i: (0, 0)),
        ],
        out_shape=[jax.ShapeDtypeStruct((G, 8), jnp.float32),
                   jax.ShapeDtypeStruct((G, 16), jnp.float32)],
    )(gate_t, feat, batch_t, gmax)

    return pl.pallas_call(
        _pool_final_kernel,
        out_shape=jax.ShapeDtypeStruct((G, OUT_DIM), jnp.float32),
    )(pooled, den)



def kernel(x, edge_index, edge_attr, batch, node_table, edge_table,
           Wq, bq, Wk, bk, Wv, bv, We, Wskip, bskip,
           gate_W, gate_b, nn_W, nn_b):
    x_pad = jnp.pad(x.astype(jnp.int32), (0, NP - N))
    src = jnp.pad(edge_index[0].astype(jnp.int32), (0, EP - E))
    dst = jnp.pad(edge_index[1].astype(jnp.int32), (0, EP - E))
    attr_pad = jnp.pad(edge_attr.astype(jnp.int32), ((0, EP - E), (0, 0)))
    batch_t = jnp.pad(batch.astype(jnp.int32), (0, NP - N),
                      constant_values=G).reshape(1, NP)

    ein = _build_ein(attr_pad, edge_table)
    h = _embedding_lookup(node_table, x_pad)

    for l in range(L):
        wet = jnp.zeros((HIDDEN, E_IN_PAD), jnp.float32)
        wet = wet.at[:, :We.shape[1]].set(We[l].T)
        wqe, bqe = pl.pallas_call(
            _wqe_kernel,
            out_shape=[jax.ShapeDtypeStruct((HIDDEN, E_IN_PAD), jnp.float32),
                       jax.ShapeDtypeStruct((1, E_IN_PAD), jnp.float32)],
        )(Wq[l], bq[l].reshape(1, HIDDEN), wet)

        wcat = jnp.concatenate([Wq[l], Wk[l], Wv[l], Wskip[l], wqe], axis=1)
        bcat = jnp.concatenate(
            [bq[l].reshape(1, -1), bk[l].reshape(1, -1), bv[l].reshape(1, -1),
             bskip[l].reshape(1, -1), bqe], axis=1)

        q160, k, v, skip = _project(h, wcat, bcat)
        agg, be = _edge_pass(q160, k, v, ein, src, dst)

        wep = jnp.zeros((E_IN_PAD, HIDDEN), jnp.float32)
        wep = wep.at[:We.shape[1], :].set(We[l])
        h = _combine(agg, be, skip, wep)

    return _pooling(h, gate_W, gate_b, nn_W, nn_b, batch_t)

# --- scband reference (transcript-rebuilt; emitter-appended) ---
"""Pipeline reference for scband-net-4466765988048 (READ-ONLY COPY).

The authoritative reference and input builder live on the scoring server;
editing this copy changes nothing except your own understanding.
"""

import jax, jax.numpy as jnp
import numpy as np

N = 10000
E = 320000
NUM_NODE_CAT = 10000
NUM_EDGE_CAT = 16
NODE_DIM = 128
EDGE_DIM = 16
E_IN = EDGE_DIM + 2
HIDDEN = 128
OUT_DIM = 10
L = 2
G = 64


def setup_inputs(seed: int = 0) -> dict:
    key = jax.random.key(seed)
    ks = jax.random.split(key, 16)
    s = 0.05
    x = jax.random.randint(ks[0], (N,), 0, NUM_NODE_CAT)
    edge_index = jax.random.randint(ks[1], (2, E), 0, N)
    edge_attr = jax.random.randint(ks[2], (E, 3), 0, NUM_EDGE_CAT)
    batch = jnp.sort(jax.random.randint(ks[3], (N,), 0, G))
    node_table = jax.random.normal(ks[4], (NUM_NODE_CAT, NODE_DIM), jnp.float32) * s
    edge_table = jax.random.normal(ks[5], (NUM_EDGE_CAT, EDGE_DIM), jnp.float32) * s
    Wq = jax.random.normal(ks[6], (L, HIDDEN, HIDDEN), jnp.float32) * s
    bq = jnp.zeros((L, HIDDEN), jnp.float32)
    Wk = jax.random.normal(ks[7], (L, HIDDEN, HIDDEN), jnp.float32) * s
    bk = jnp.zeros((L, HIDDEN), jnp.float32)
    Wv = jax.random.normal(ks[8], (L, HIDDEN, HIDDEN), jnp.float32) * s
    bv = jnp.zeros((L, HIDDEN), jnp.float32)
    We = jax.random.normal(ks[9], (L, E_IN, HIDDEN), jnp.float32) * s
    Wskip = jax.random.normal(ks[10], (L, HIDDEN, HIDDEN), jnp.float32) * s
    bskip = jnp.zeros((L, HIDDEN), jnp.float32)
    gate_W = jax.random.normal(ks[11], (HIDDEN, 1), jnp.float32) * s
    gate_b = jnp.zeros((1,), jnp.float32)
    nn_W = jax.random.normal(ks[12], (HIDDEN, OUT_DIM), jnp.float32) * s
    nn_b = jnp.zeros((OUT_DIM,), jnp.float32)
    return {"x": x, "edge_index": edge_index, "edge_attr": edge_attr, "batch": batch,
            "node_table": node_table, "edge_table": edge_table,
            "Wq": Wq, "bq": bq, "Wk": Wk, "bk": bk, "Wv": Wv, "bv": bv,
            "We": We, "Wskip": Wskip, "bskip": bskip,
            "gate_W": gate_W, "gate_b": gate_b, "nn_W": nn_W, "nn_b": nn_b}


def segment_softmax(alpha, seg, num_segments):
    amax = jax.ops.segment_max(alpha, seg, num_segments=num_segments)
    amax = jnp.where(jnp.isfinite(amax), amax, 0.0)
    a = jnp.exp(alpha - amax[seg])
    denom = jax.ops.segment_sum(a, seg, num_segments=num_segments)
    return a / (denom[seg] + 1e-16)


def reference(x, edge_index, edge_attr, batch, node_table, edge_table,
              Wq, bq, Wk, bk, Wv, bv, We, Wskip, bskip,
              gate_W, gate_b, nn_W, nn_b):
    # node embedding lookup (Embedding + squeeze)
    h = node_table[x]
    # edge embedding for categorical col 0, concat raw float cols 1:
    emb = edge_table[edge_attr[:, 0]]
    e_in = jnp.concatenate([emb, edge_attr[:, 1:].astype(jnp.float32)], axis=1)
    src = edge_index[0]
    dst = edge_index[1]
    for l in range(L):
        # TransformerConv (heads=1, concat=True, root_weight=True, beta=False)
        q = h @ Wq[l] + bq[l]
        k = h @ Wk[l] + bk[l]
        v = h @ Wv[l] + bv[l]
        e = e_in @ We[l]
        k_j = k[src] + e
        v_j = v[src] + e
        alpha = jnp.sum(q[dst] * k_j, axis=-1) / jnp.sqrt(float(HIDDEN))
        alpha = segment_softmax(alpha, dst, N)
        agg = jax.ops.segment_sum(v_j * alpha[:, None], dst, num_segments=N)
        h = agg + h @ Wskip[l] + bskip[l]
        h = jax.nn.relu(h)
    # GlobalAttention pooling
    gate = (h @ gate_W + gate_b)[:, 0]
    gate = segment_softmax(gate, batch, G)
    feat = h @ nn_W + nn_b
    pooled = jax.ops.segment_sum(gate[:, None] * feat, batch, num_segments=G)
    return jax.nn.log_softmax(pooled, axis=1)

if __name__ == "__main__":
    import jax
    _d = setup_inputs()
    print(jax.jit(kernel)(*tuple(_d.values())))

</pallas_src>

<mosaic_0001>
#map = affine_map<(d0, d1) -> (0, 0)>
#map1 = affine_map<(d0, d1) -> (0)>
module attributes {stable_mosaic.version = 14 : i64} {
  func.func @_emb_body(%arg0: i32, %arg1: i32, %arg2: memref<10000x128xf32, #tpu.memory_space<hbm>>, %arg3: memref<10240xi32, #tpu.memory_space<hbm>>, %arg4: memref<10240x128xf32, #tpu.memory_space<hbm>>, %arg5: memref<64xi32, #tpu.memory_space<vmem>>, %arg6: memref<64x128xf32, #tpu.memory_space<vmem>>, %arg7: memref<!tpu.dma_semaphore, #tpu.memory_space<semaphore_mem>>) attributes {dimension_semantics = [#tpu.dimension_semantics<core_parallel>, #tpu.dimension_semantics<subcore_parallel>], iteration_bounds = array<i64: 2, 16>, scalar_prefetch = 0 : i64, scratch_operands = 3 : i64, tpu.core_type = #tpu.core_type<sc_vector_subcore>, window_params = [{transform_indices = #map}, {transform_indices = #map1}, {transform_indices = #map}]} {
    %mul3A = arith.constant 2 : i32
    %mul3A_0 = arith.muli %arg1, %mul3A : i32
    %add3A = arith.addi %mul3A_0, %arg0 : i32
    %mul3A_1 = arith.constant 320 : i32
    %mul3A_2 = arith.muli %add3A, %mul3A_1 : i32
    %scan3A = arith.constant 0 : i32
    %scan3A_3 = arith.constant 0 : i32
    %scan3A_4 = arith.constant 5 : i32
    %scan3A_5 = arith.addi %scan3A_3, %scan3A_4 : i32
    %scan3A_6 = arith.constant 1 : i32
    scf.for %scan3A_8 = %scan3A_3 to %scan3A_5 step %scan3A_6  : i32 {
      %mul3A_9 = arith.constant 64 : i32
      %mul3A_10 = arith.muli %scan3A_8, %mul3A_9 : i32
      %add3A_11 = arith.addi %mul3A_2, %mul3A_10 : i32
      "tpu.region"() ({
        %run_scoped3A = tpu.sem_alloc : memref<!tpu.dma_semaphore, #tpu.memory_space<semaphore_mem>>
        %dma_start3A_16 = tpu.memref_slice %arg3[%add3A_11] : memref<10240xi32, #tpu.memory_space<hbm>> -> memref<64xi32, #tpu.memory_space<hbm>>
        %dma_start3A_17 = tpu.memref_slice %arg3[%add3A_11] : memref<10240xi32, #tpu.memory_space<hbm>> -> memref<64xi32, #tpu.memory_space<hbm>>
        tpu.enqueue_dma source(%dma_start3A_17 : memref<64xi32, #tpu.memory_space<hbm>>) target(%arg5 : memref<64xi32, #tpu.memory_space<vmem>>) target_semaphore(%run_scoped3A : memref<!tpu.dma_semaphore, #tpu.memory_space<semaphore_mem>>)
        %dma_wait3A_18 = tpu.memref_slice %arg3[%add3A_11] : memref<10240xi32, #tpu.memory_space<hbm>> -> memref<64xi32, #tpu.memory_space<hbm>>
        %dma_wait3A_19 = tpu.memref_slice %arg3[%add3A_11] : memref<10240xi32, #tpu.memory_space<hbm>> -> memref<64xi32, #tpu.memory_space<hbm>>
        tpu.wait_dma2 semaphore(%run_scoped3A : memref<!tpu.dma_semaphore, #tpu.memory_space<semaphore_mem>>) src(%dma_wait3A_19 : memref<64xi32, #tpu.memory_space<hbm>>) dst(%arg5 : memref<64xi32, #tpu.memory_space<vmem>>)
        tpu.yield
      }) : () -> ()
      %dma_start3A = arith.constant 0 : i32
      %dma_start3A_12 = arith.constant 0 : i32
      %dma_start3A_13 = tpu.memref_slice %arg2[%dma_start3A, %dma_start3A_12] : memref<10000x128xf32, #tpu.memory_space<hbm>> -> memref<10000x128xf32, #tpu.memory_space<hbm>>
      tpu.enqueue_indirect_dma source(%dma_start3A_13 : memref<10000x128xf32, #tpu.memory_space<hbm>>) target(%arg6 : memref<64x128xf32, #tpu.memory_space<vmem>>) offsets(%arg5 : memref<64xi32, #tpu.memory_space<vmem>>) semaphore(%arg7 : memref<!tpu.dma_semaphore, #tpu.memory_space<semaphore_mem>>)
      %dma_wait3A = arith.constant 0 : i32
      %dma_wait3A_14 = arith.constant 0 : i32
      %dma_wait3A_15 = tpu.memref_slice %arg2[%dma_wait3A, %dma_wait3A_14] : memref<10000x128xf32, #tpu.memory_space<hbm>> -> memref<10000x128xf32, #tpu.memory_space<hbm>>
      tpu.wait_indirect_dma semaphore(%arg7 : memref<!tpu.dma_semaphore, #tpu.memory_space<semaphore_mem>>) src(%dma_wait3A_15 : memref<10000x128xf32, #tpu.memory_space<hbm>>) dst(%arg6 : memref<64x128xf32, #tpu.memory_space<vmem>>)
      "tpu.region"() ({
        %run_scoped3A = tpu.sem_alloc : memref<!tpu.dma_semaphore, #tpu.memory_space<semaphore_mem>>
        %dma_start3A_16 = arith.constant 0 : i32
        %dma_start3A_17 = tpu.memref_slice %arg4[%add3A_11, %dma_start3A_16] : memref<10240x128xf32, #tpu.memory_space<hbm>> -> memref<64x128xf32, #tpu.memory_space<hbm>>
        %dma_start3A_18 = arith.constant 0 : i32
        %dma_start3A_19 = tpu.memref_slice %arg4[%add3A_11, %dma_start3A_18] : memref<10240x128xf32, #tpu.memory_space<hbm>> -> memref<64x128xf32, #tpu.memory_space<hbm>>
        tpu.enqueue_dma source(%arg6 : memref<64x128xf32, #tpu.memory_space<vmem>>) target(%dma_start3A_19 : memref<64x128xf32, #tpu.memory_space<hbm>>) target_semaphore(%run_scoped3A : memref<!tpu.dma_semaphore, #tpu.memory_space<semaphore_mem>>)
        %dma_wait3A_20 = arith.constant 0 : i32
        %dma_wait3A_21 = tpu.memref_slice %arg4[%add3A_11, %dma_wait3A_20] : memref<10240x128xf32, #tpu.memory_space<hbm>> -> memref<64x128xf32, #tpu.memory_space<hbm>>
        %dma_wait3A_22 = arith.constant 0 : i32
        %dma_wait3A_23 = tpu.memref_slice %arg4[%add3A_11, %dma_wait3A_22] : memref<10240x128xf32, #tpu.memory_space<hbm>> -> memref<64x128xf32, #tpu.memory_space<hbm>>
        tpu.wait_dma2 semaphore(%run_scoped3A : memref<!tpu.dma_semaphore, #tpu.memory_space<semaphore_mem>>) src(%arg6 : memref<64x128xf32, #tpu.memory_space<vmem>>) dst(%dma_wait3A_23 : memref<64x128xf32, #tpu.memory_space<hbm>>)
        tpu.yield
      }) : () -> ()
    }
    %scan3A_7 = arith.constant 5 : i32
    return
  }
}

#map = affine_map<(d0, d1) -> (0, 0)>
#map1 = affine_map<(d0, d1) -> (0)>
module attributes {stable_mosaic.version = 14 : i64} {
  func.func @_edge_body(%arg0: i32, %arg1: i32, %arg2: memref<10240x160xf32, #tpu.memory_space<hbm>>, %arg3: memref<10240x128xf32, #tpu.memory_space<hbm>>, %arg4: memref<10240x128xf32, #tpu.memory_space<hbm>>, %arg5: memref<323584x32xf32, #tpu.memory_space<hbm>>, %arg6: memref<323584xi32, #tpu.memory_space<hbm>>, %arg7: memref<323584xi32, #tpu.memory_space<hbm>>, %arg8: memref<10240x128xf32, #tpu.memory_space<hbm>>, %arg9: memref<10240x32xf32, #tpu.memory_space<hbm>>, %arg10: memref<128xi32, #tpu.memory_space<vmem>>, %arg11: memref<128xi32, #tpu.memory_space<vmem>>, %arg12: memref<128xi32, #tpu.memory_space<vmem>>, %arg13: memref<128x160xf32, #tpu.memory_space<vmem>>, %arg14: memref<128x128xf32, #tpu.memory_space<vmem>>, %arg15: memref<128x128xf32, #tpu.memory_space<vmem>>, %arg16: memref<128x32xf32, #tpu.memory_space<vmem>>, %arg17: memref<128x128xf32, #tpu.memory_space<vmem>>, %arg18: memref<128x32xf32, #tpu.memory_space<vmem>>, %arg19: memref<5248x128xf32, #tpu.memory_space<vmem_shared>>, %arg20: memref<5248x32xf32, #tpu.memory_space<vmem_shared>>, %arg21: memref<!tpu.dma_semaphore, #tpu.memory_space<semaphore_mem>>) attributes {dimension_semantics = [#tpu.dimension_semantics<core_parallel>, #tpu.dimension_semantics<subcore_parallel>], iteration_bounds = array<i64: 2, 16>, scalar_prefetch = 0 : i64, scratch_operands = 12 : i64, tpu.core_type = #tpu.core_type<sc_vector_subcore>, window_params = [{transform_indices = #map}, {transform_indices = #map}, {transform_indices = #map}, {transform_indices = #map}, {transform_indices = #map1}, {transform_indices = #map1}, {transform_indices = #map}, {transform_indices = #map}]} {
    %broadcast_in_dim3A = arith.constant 0.000000e+00 : f32
    %broadcast_in_dim3A_0 = vector.broadcast %broadcast_in_dim3A : f32 to vector<16xf32>
    %scan3A = arith.constant 0 : i32
    %scan3A_1 = arith.constant 0 : i32
    %scan3A_2 = arith.constant 128 : i32
    %scan3A_3 = arith.addi %scan3A_1, %scan3A_2 : i32
    %scan3A_4 = arith.constant 1 : i32
    scf.for %scan3A_55 = %scan3A_1 to %scan3A_3 step %scan3A_4  : i32 {
      %swap3A = arith.index_cast %scan3A_55 : i32 to index
      %swap3A_56 = arith.constant 0 : index
      %swap3A_57 = tpu.vector_load %arg17[%swap3A, %swap3A_56] {strides = array<i32>} : memref<128x128xf32, #tpu.memory_space<vmem>>, vector<16xf32>,
      tpu.vector_store %arg17[%swap3A, %swap3A_56], %broadcast_in_dim3A_0 {strides = array<i32>} : memref<128x128xf32, #tpu.memory_space<vmem>>, vector<16xf32>,
      %swap3A_58 = arith.index_cast %scan3A_55 : i32 to index
      %swap3A_59 = arith.constant 16 : index
      %swap3A_60 = tpu.vector_load %arg17[%swap3A_58, %swap3A_59] {strides = array<i32>} : memref<128x128xf32, #tpu.memory_space<vmem>>, vector<16xf32>,
      tpu.vector_store %arg17[%swap3A_58, %swap3A_59], %broadcast_in_dim3A_0 {strides = array<i32>} : memref<128x128xf32, #tpu.memory_space<vmem>>, vector<16xf32>,
      %swap3A_61 = arith.index_cast %scan3A_55 : i32 to index
      %swap3A_62 = arith.constant 32 : index
      %swap3A_63 = tpu.vector_load %arg17[%swap3A_61, %swap3A_62] {strides = array<i32>} : memref<128x128xf32, #tpu.memory_space<vmem>>, vector<16xf32>,
      tpu.vector_store %arg17[%swap3A_61, %swap3A_62], %broadcast_in_dim3A_0 {strides = array<i32>} : memref<128x128xf32, #tpu.memory_space<vmem>>, vector<16xf32>,
      %swap3A_64 = arith.index_cast %scan3A_55 : i32 to index
      %swap3A_65 = arith.constant 48 : index
      %swap3A_66 = tpu.vector_load %arg17[%swap3A_64, %swap3A_65] {strides = array<i32>} : memref<128x128xf32, #tpu.memory_space<vmem>>, vector<16xf32>,
      tpu.vector_store %arg17[%swap3A_64, %swap3A_65], %broadcast_in_dim3A_0 {strides = array<i32>} : memref<128x128xf32, #tpu.memory_space<vmem>>, vector<16xf32>,
      %swap3A_67 = arith.index_cast %scan3A_55 : i32 to index
      %swap3A_68 = arith.constant 64 : index
      %swap3A_69 = tpu.vector_load %arg17[%swap3A_67, %swap3A_68] {strides = array<i32>} : memref<128x128xf32, #tpu.memory_space<vmem>>, vector<16xf32>,
      tpu.vector_store %arg17[%swap3A_67, %swap3A_68], %broadcast_in_dim3A_0 {strides = array<i32>} : memref<128x128xf32, #tpu.memory_space<vmem>>, vector<16xf32>,
      %swap3A_70 = arith.index_cast %scan3A_55 : i32 to index
      %swap3A_71 = arith.constant 80 : index
      %swap3A_72 = tpu.vector_load %arg17[%swap3A_70, %swap3A_71] {strides = array<i32>} : memref<128x128xf32, #tpu.memory_space<vmem>>, vector<16xf32>,
      tpu.vector_store %arg17[%swap3A_70, %swap3A_71], %broadcast_in_dim3A_0 {strides = array<i32>} : memref<128x128xf32, #tpu.memory_space<vmem>>, vector<16xf32>,
      %swap3A_73 = arith.index_cast %scan3A_55 : i32 to index
      %swap3A_74 = arith.constant 96 : index
      %swap3A_75 = tpu.vector_load %arg17[%swap3A_73, %swap3A_74] {strides = array<i32>} : memref<128x128xf32, #tpu.memory_space<vmem>>, vector<16xf32>,
      tpu.vector_store %arg17[%swap3A_73, %swap3A_74], %broadcast_in_dim3A_0 {strides = array<i32>} : memref<128x128xf32, #tpu.memory_space<vmem>>, vector<16xf32>,
      %swap3A_76 = arith.index_cast %scan3A_55 : i32 to index
      %swap3A_77 = arith.constant 112 : index
      %swap3A_78 = tpu.vector_load %arg17[%swap3A_76, %swap3A_77] {strides = array<i32>} : memref<128x128xf32, #tpu.memory_space<vmem>>, vector<16xf32>,
      tpu.vector_store %arg17[%swap3A_76, %swap3A_77], %broadcast_in_dim3A_0 {strides = array<i32>} : memref<128x128xf32, #tpu.memory_space<vmem>>, vector<16xf32>,
      %swap3A_79 = arith.index_cast %scan3A_55 : i32 to index
      %swap3A_80 = arith.constant 0 : index
      %swap3A_81 = tpu.vector_load %arg18[%swap3A_79, %swap3A_80] {strides = array<i32>} : memref<128x32xf32, #tpu.memory_space<vmem>>, vector<16xf32>,
      tpu.vector_store %arg18[%swap3A_79, %swap3A_80], %broadcast_in_dim3A_0 {strides = array<i32>} : memref<128x32xf32, #tpu.memory_space<vmem>>, vector<16xf32>,
      %swap3A_82 = arith.index_cast %scan3A_55 : i32 to index
      %swap3A_83 = arith.constant 16 : index
      %swap3A_84 = tpu.vector_load %arg18[%swap3A_82, %swap3A_83] {strides = array<i32>} : memref<128x32xf32, #tpu.memory_space<vmem>>, vector<16xf32>,
      tpu.vector_store %arg18[%swap3A_82, %swap3A_83], %broadcast_in_dim3A_0 {strides = array<i32>} : memref<128x32xf32, #tpu.memory_space<vmem>>, vector<16xf32>,
    }
    %scan3A_5 = arith.constant 128 : i32
    %add3A = arith.constant 0 : i32
    %add3A_6 = arith.addi %arg1, %add3A : i32
    %lt3A = arith.constant 41 : i32
    %lt3A_7 = arith.cmpi slt, %add3A_6, %lt3A : i32
    %convert_element_type3A = arith.extui %lt3A_7 : i1 to i32
    %cond3A = arith.constant 0 : i32
    %cond3A_8 = arith.cmpi ne, %convert_element_type3A, %cond3A : i32
    scf.if %cond3A_8 {
      %mul3A_55 = arith.constant 128 : i32
      %mul3A_56 = arith.muli %add3A_6, %mul3A_55 : i32
      "tpu.region"() ({
        %run_scoped3A = tpu.sem_alloc : memref<!tpu.dma_semaphore, #tpu.memory_space<semaphore_mem>>
        %dma_start3A = arith.constant 0 : i32
        %dma_start3A_59 = tpu.memref_slice %arg19[%mul3A_56, %dma_start3A] : memref<5248x128xf32, #tpu.memory_space<vmem_shared>> -> memref<128x128xf32, #tpu.memory_space<vmem_shared>>
        %dma_start3A_60 = arith.constant 0 : i32
        %dma_start3A_61 = tpu.memref_slice %arg19[%mul3A_56, %dma_start3A_60] : memref<5248x128xf32, #tpu.memory_space<vmem_shared>> -> memref<128x128xf32, #tpu.memory_space<vmem_shared>>
        tpu.enqueue_dma source(%arg17 : memref<128x128xf32, #tpu.memory_space<vmem>>) target(%dma_start3A_61 : memref<128x128xf32, #tpu.memory_space<vmem_shared>>) target_semaphore(%run_scoped3A : memref<!tpu.dma_semaphore, #tpu.memory_space<semaphore_mem>>)
        %dma_wait3A = arith.constant 0 : i32
        %dma_wait3A_62 = tpu.memref_slice %arg19[%mul3A_56, %dma_wait3A] : memref<5248x128xf32, #tpu.memory_space<vmem_shared>> -> memref<128x128xf32, #tpu.memory_space<vmem_shared>>
        %dma_wait3A_63 = arith.constant 0 : i32
        %dma_wait3A_64 = tpu.memref_slice %arg19[%mul3A_56, %dma_wait3A_63] : memref<5248x128xf32, #tpu.memory_space<vmem_shared>> -> memref<128x128xf32, #tpu.memory_space<vmem_shared>>
        tpu.wait_dma2 semaphore(%run_scoped3A : memref<!tpu.dma_semaphore, #tpu.memory_space<semaphore_mem>>) src(%arg17 : memref<128x128xf32, #tpu.memory_space<vmem>>) dst(%dma_wait3A_64 : memref<128x128xf32, #tpu.memory_space<vmem_shared>>)
        tpu.yield
      }) : () -> ()
      %mul3A_57 = arith.constant 128 : i32
      %mul3A_58 = arith.muli %add3A_6, %mul3A_57 : i32
      "tpu.region"() ({
        %run_scoped3A = tpu.sem_alloc : memref<!tpu.dma_semaphore, #tpu.memory_space<semaphore_mem>>
        %dma_start3A = arith.constant 0 : i32
        %dma_start3A_59 = tpu.memref_slice %arg20[%mul3A_58, %dma_start3A] : memref<5248x32xf32, #tpu.memory_space<vmem_shared>> -> memref<128x32xf32, #tpu.memory_space<vmem_shared>>
        %dma_start3A_60 = arith.constant 0 : i32
        %dma_start3A_61 = tpu.memref_slice %arg20[%mul3A_58, %dma_start3A_60] : memref<5248x32xf32, #tpu.memory_space<vmem_shared>> -> memref<128x32xf32, #tpu.memory_space<vmem_shared>>
        tpu.enqueue_dma source(%arg18 : memref<128x32xf32, #tpu.memory_space<vmem>>) target(%dma_start3A_61 : memref<128x32xf32, #tpu.memory_space<vmem_shared>>) target_semaphore(%run_scoped3A : memref<!tpu.dma_semaphore, #tpu.memory_space<semaphore_mem>>)
        %dma_wait3A = arith.constant 0 : i32
        %dma_wait3A_62 = tpu.memref_slice %arg20[%mul3A_58, %dma_wait3A] : memref<5248x32xf32, #tpu.memory_space<vmem_shared>> -> memref<128x32xf32, #tpu.memory_space<vmem_shared>>
        %dma_wait3A_63 = arith.constant 0 : i32
        %dma_wait3A_64 = tpu.memref_slice %arg20[%mul3A_58, %dma_wait3A_63] : memref<5248x32xf32, #tpu.memory_space<vmem_shared>> -> memref<128x32xf32, #tpu.memory_space<vmem_shared>>
        tpu.wait_dma2 semaphore(%run_scoped3A : memref<!tpu.dma_semaphore, #tpu.memory_space<semaphore_mem>>) src(%arg18 : memref<128x32xf32, #tpu.memory_space<vmem>>) dst(%dma_wait3A_64 : memref<128x32xf32, #tpu.memory_space<vmem_shared>>)
        tpu.yield
      }) : () -> ()
    } else {
    }
    %add3A_9 = arith.constant 16 : i32
    %add3A_10 = arith.addi %arg1, %add3A_9 : i32
    %lt3A_11 = arith.constant 41 : i32
    %lt3A_12 = arith.cmpi slt, %add3A_10, %lt3A_11 : i32
    %convert_element_type3A_13 = arith.extui %lt3A_12 : i1 to i32
    %cond3A_14 = arith.constant 0 : i32
    %cond3A_15 = arith.cmpi ne, %convert_element_type3A_13, %cond3A_14 : i32
    scf.if %cond3A_15 {
      %mul3A_55 = arith.constant 128 : i32
      %mul3A_56 = arith.muli %add3A_10, %mul3A_55 : i32
      "tpu.region"() ({
        %run_scoped3A = tpu.sem_alloc : memref<!tpu.dma_semaphore, #tpu.memory_space<semaphore_mem>>
        %dma_start3A = arith.constant 0 : i32
        %dma_start3A_59 = tpu.memref_slice %arg19[%mul3A_56, %dma_start3A] : memref<5248x128xf32, #tpu.memory_space<vmem_shared>> -> memref<128x128xf32, #tpu.memory_space<vmem_shared>>
        %dma_start3A_60 = arith.constant 0 : i32
        %dma_start3A_61 = tpu.memref_slice %arg19[%mul3A_56, %dma_start3A_60] : memref<5248x128xf32, #tpu.memory_space<vmem_shared>> -> memref<128x128xf32, #tpu.memory_space<vmem_shared>>
        tpu.enqueue_dma source(%arg17 : memref<128x128xf32, #tpu.memory_space<vmem>>) target(%dma_start3A_61 : memref<128x128xf32, #tpu.memory_space<vmem_shared>>) target_semaphore(%run_scoped3A : memref<!tpu.dma_semaphore, #tpu.memory_space<semaphore_mem>>)
        %dma_wait3A = arith.constant 0 : i32
        %dma_wait3A_62 = tpu.memref_slice %arg19[%mul3A_56, %dma_wait3A] : memref<5248x128xf32, #tpu.memory_space<vmem_shared>> -> memref<128x128xf32, #tpu.memory_space<vmem_shared>>
        %dma_wait3A_63 = arith.constant 0 : i32
        %dma_wait3A_64 = tpu.memref_slice %arg19[%mul3A_56, %dma_wait3A_63] : memref<5248x128xf32, #tpu.memory_space<vmem_shared>> -> memref<128x128xf32, #tpu.memory_space<vmem_shared>>
        tpu.wait_dma2 semaphore(%run_scoped3A : memref<!tpu.dma_semaphore, #tpu.memory_space<semaphore_mem>>) src(%arg17 : memref<128x128xf32, #tpu.memory_space<vmem>>) dst(%dma_wait3A_64 : memref<128x128xf32, #tpu.memory_space<vmem_shared>>)
        tpu.yield
      }) : () -> ()
      %mul3A_57 = arith.constant 128 : i32
      %mul3A_58 = arith.muli %add3A_10, %mul3A_57 : i32
      "tpu.region"() ({
        %run_scoped3A = tpu.sem_alloc : memref<!tpu.dma_semaphore, #tpu.memory_space<semaphore_mem>>
        %dma_start3A = arith.constant 0 : i32
        %dma_start3A_59 = tpu.memref_slice %arg20[%mul3A_58, %dma_start3A] : memref<5248x32xf32, #tpu.memory_space<vmem_shared>> -> memref<128x32xf32, #tpu.memory_space<vmem_shared>>
        %dma_start3A_60 = arith.constant 0 : i32
        %dma_start3A_61 = tpu.memref_slice %arg20[%mul3A_58, %dma_start3A_60] : memref<5248x32xf32, #tpu.memory_space<vmem_shared>> -> memref<128x32xf32, #tpu.memory_space<vmem_shared>>
        tpu.enqueue_dma source(%arg18 : memref<128x32xf32, #tpu.memory_space<vmem>>) target(%dma_start3A_61 : memref<128x32xf32, #tpu.memory_space<vmem_shared>>) target_semaphore(%run_scoped3A : memref<!tpu.dma_semaphore, #tpu.memory_space<semaphore_mem>>)
        %dma_wait3A = arith.constant 0 : i32
        %dma_wait3A_62 = tpu.memref_slice %arg20[%mul3A_58, %dma_wait3A] : memref<5248x32xf32, #tpu.memory_space<vmem_shared>> -> memref<128x32xf32, #tpu.memory_space<vmem_shared>>
        %dma_wait3A_63 = arith.constant 0 : i32
        %dma_wait3A_64 = tpu.memref_slice %arg20[%mul3A_58, %dma_wait3A_63] : memref<5248x32xf32, #tpu.memory_space<vmem_shared>> -> memref<128x32xf32, #tpu.memory_space<vmem_shared>>
        tpu.wait_dma2 semaphore(%run_scoped3A : memref<!tpu.dma_semaphore, #tpu.memory_space<semaphore_mem>>) src(%arg18 : memref<128x32xf32, #tpu.memory_space<vmem>>) dst(%dma_wait3A_64 : memref<128x32xf32, #tpu.memory_space<vmem_shared>>)
        tpu.yield
      }) : () -> ()
    } else {
    }
    %add3A_16 = arith.constant 32 : i32
    %add3A_17 = arith.addi %arg1, %add3A_16 : i32
    %lt3A_18 = arith.constant 41 : i32
    %lt3A_19 = arith.cmpi slt, %add3A_17, %lt3A_18 : i32
    %convert_element_type3A_20 = arith.extui %lt3A_19 : i1 to i32
    %cond3A_21 = arith.constant 0 : i32
    %cond3A_22 = arith.cmpi ne, %convert_element_type3A_20, %cond3A_21 : i32
    scf.if %cond3A_22 {
      %mul3A_55 = arith.constant 128 : i32
      %mul3A_56 = arith.muli %add3A_17, %mul3A_55 : i32
      "tpu.region"() ({
        %run_scoped3A = tpu.sem_alloc : memref<!tpu.dma_semaphore, #tpu.memory_space<semaphore_mem>>
        %dma_start3A = arith.constant 0 : i32
        %dma_start3A_59 = tpu.memref_slice %arg19[%mul3A_56, %dma_start3A] : memref<5248x128xf32, #tpu.memory_space<vmem_shared>> -> memref<128x128xf32, #tpu.memory_space<vmem_shared>>
        %dma_start3A_60 = arith.constant 0 : i32
        %dma_start3A_61 = tpu.memref_slice %arg19[%mul3A_56, %dma_start3A_60] : memref<5248x128xf32, #tpu.memory_space<vmem_shared>> -> memref<128x128xf32, #tpu.memory_space<vmem_shared>>
        tpu.enqueue_dma source(%arg17 : memref<128x128xf32, #tpu.memory_space<vmem>>) target(%dma_start3A_61 : memref<128x128xf32, #tpu.memory_space<vmem_shared>>) target_semaphore(%run_scoped3A : memref<!tpu.dma_semaphore, #tpu.memory_space<semaphore_mem>>)
        %dma_wait3A = arith.constant 0 : i32
        %dma_wait3A_62 = tpu.memref_slice %arg19[%mul3A_56, %dma_wait3A] : memref<5248x128xf32, #tpu.memory_space<vmem_shared>> -> memref<128x128xf32, #tpu.memory_space<vmem_shared>>
        %dma_wait3A_63 = arith.constant 0 : i32
        %dma_wait3A_64 = tpu.memref_slice %arg19[%mul3A_56, %dma_wait3A_63] : memref<5248x128xf32, #tpu.memory_space<vmem_shared>> -> memref<128x128xf32, #tpu.memory_space<vmem_shared>>
        tpu.wait_dma2 semaphore(%run_scoped3A : memref<!tpu.dma_semaphore, #tpu.memory_space<semaphore_mem>>) src(%arg17 : memref<128x128xf32, #tpu.memory_space<vmem>>) dst(%dma_wait3A_64 : memref<128x128xf32, #tpu.memory_space<vmem_shared>>)
        tpu.yield
      }) : () -> ()
      %mul3A_57 = arith.constant 128 : i32
      %mul3A_58 = arith.muli %add3A_17, %mul3A_57 : i32
      "tpu.region"() ({
        %run_scoped3A = tpu.sem_alloc : memref<!tpu.dma_semaphore, #tpu.memory_space<semaphore_mem>>
        %dma_start3A = arith.constant 0 : i32
        %dma_start3A_59 = tpu.memref_slice %arg20[%mul3A_58, %dma_start3A] : memref<5248x32xf32, #tpu.memory_space<vmem_shared>> -> memref<128x32xf32, #tpu.memory_space<vmem_shared>>
        %dma_start3A_60 = arith.constant 0 : i32
        %dma_start3A_61 = tpu.memref_slice %arg20[%mul3A_58, %dma_start3A_60] : memref<5248x32xf32, #tpu.memory_space<vmem_shared>> -> memref<128x32xf32, #tpu.memory_space<vmem_shared>>
        tpu.enqueue_dma source(%arg18 : memref<128x32xf32, #tpu.memory_space<vmem>>) target(%dma_start3A_61 : memref<128x32xf32, #tpu.memory_space<vmem_shared>>) target_semaphore(%run_scoped3A : memref<!tpu.dma_semaphore, #tpu.memory_space<semaphore_mem>>)
        %dma_wait3A = arith.constant 0 : i32
        %dma_wait3A_62 = tpu.memref_slice %arg20[%mul3A_58, %dma_wait3A] : memref<5248x32xf32, #tpu.memory_space<vmem_shared>> -> memref<128x32xf32, #tpu.memory_space<vmem_shared>>
        %dma_wait3A_63 = arith.constant 0 : i32
        %dma_wait3A_64 = tpu.memref_slice %arg20[%mul3A_58, %dma_wait3A_63] : memref<5248x32xf32, #tpu.memory_space<vmem_shared>> -> memref<128x32xf32, #tpu.memory_space<vmem_shared>>
        tpu.wait_dma2 semaphore(%run_scoped3A : memref<!tpu.dma_semaphore, #tpu.memory_space<semaphore_mem>>) src(%arg18 : memref<128x32xf32, #tpu.memory_space<vmem>>) dst(%dma_wait3A_64 : memref<128x32xf32, #tpu.memory_space<vmem_shared>>)
        tpu.yield
      }) : () -> ()
    } else {
    }
    %barrier3A = arith.constant 0 : index
    tpu.barrier barrier_id(%barrier3A)
    %mul3A = arith.constant 5120 : i32
    %mul3A_23 = arith.muli %arg0, %mul3A : i32
    %mul3A_24 = arith.constant 20224 : i32
    %mul3A_25 = arith.muli %arg1, %mul3A_24 : i32
    %scan3A_26 = arith.constant 0 : i32
    %scan3A_27 = arith.constant 0.0883883461 : f32
    %scan3A_28 = arith.constant 0 : i32
    %scan3A_29 = arith.constant 158 : i32
    %scan3A_30 = arith.addi %scan3A_28, %scan3A_29 : i32
    %scan3A_31 = arith.constant 1 : i32
    scf.for %scan3A_55 = %scan3A_28 to %scan3A_30 step %scan3A_31  : i32 {
      %mul3A_56 = arith.constant 128 : i32
      %mul3A_57 = arith.muli %scan3A_55, %mul3A_56 : i32
      %add3A_58 = arith.addi %mul3A_25, %mul3A_57 : i32
      "tpu.region"() ({
        %run_scoped3A = tpu.sem_alloc : memref<!tpu.dma_semaphore, #tpu.memory_space<semaphore_mem>>
        %dma_start3A_206 = tpu.memref_slice %arg6[%add3A_58] : memref<323584xi32, #tpu.memory_space<hbm>> -> memref<128xi32, #tpu.memory_space<hbm>>
        %dma_start3A_207 = tpu.memref_slice %arg6[%add3A_58] : memref<323584xi32, #tpu.memory_space<hbm>> -> memref<128xi32, #tpu.memory_space<hbm>>
        tpu.enqueue_dma source(%dma_start3A_207 : memref<128xi32, #tpu.memory_space<hbm>>) target(%arg10 : memref<128xi32, #tpu.memory_space<vmem>>) target_semaphore(%run_scoped3A : memref<!tpu.dma_semaphore, #tpu.memory_space<semaphore_mem>>)
        %dma_wait3A_208 = tpu.memref_slice %arg6[%add3A_58] : memref<323584xi32, #tpu.memory_space<hbm>> -> memref<128xi32, #tpu.memory_space<hbm>>
        %dma_wait3A_209 = tpu.memref_slice %arg6[%add3A_58] : memref<323584xi32, #tpu.memory_space<hbm>> -> memref<128xi32, #tpu.memory_space<hbm>>
        tpu.wait_dma2 semaphore(%run_scoped3A : memref<!tpu.dma_semaphore, #tpu.memory_space<semaphore_mem>>) src(%dma_wait3A_209 : memref<128xi32, #tpu.memory_space<hbm>>) dst(%arg10 : memref<128xi32, #tpu.memory_space<vmem>>)
        tpu.yield
      }) : () -> ()
      "tpu.region"() ({
        %run_scoped3A = tpu.sem_alloc : memref<!tpu.dma_semaphore, #tpu.memory_space<semaphore_mem>>
        %dma_start3A_206 = tpu.memref_slice %arg7[%add3A_58] : memref<323584xi32, #tpu.memory_space<hbm>> -> memref<128xi32, #tpu.memory_space<hbm>>
        %dma_start3A_207 = tpu.memref_slice %arg7[%add3A_58] : memref<323584xi32, #tpu.memory_space<hbm>> -> memref<128xi32, #tpu.memory_space<hbm>>
        tpu.enqueue_dma source(%dma_start3A_207 : memref<128xi32, #tpu.memory_space<hbm>>) target(%arg11 : memref<128xi32, #tpu.memory_space<vmem>>) target_semaphore(%run_scoped3A : memref<!tpu.dma_semaphore, #tpu.memory_space<semaphore_mem>>)
        %dma_wait3A_208 = tpu.memref_slice %arg7[%add3A_58] : memref<323584xi32, #tpu.memory_space<hbm>> -> memref<128xi32, #tpu.memory_space<hbm>>
        %dma_wait3A_209 = tpu.memref_slice %arg7[%add3A_58] : memref<323584xi32, #tpu.memory_space<hbm>> -> memref<128xi32, #tpu.memory_space<hbm>>
        tpu.wait_dma2 semaphore(%run_scoped3A : memref<!tpu.dma_semaphore, #tpu.memory_space<semaphore_mem>>) src(%dma_wait3A_209 : memref<128xi32, #tpu.memory_space<hbm>>) dst(%arg11 : memref<128xi32, #tpu.memory_space<vmem>>)
        tpu.yield
      }) : () -> ()
      %dma_start3A = arith.constant 0 : i32
      %dma_start3A_59 = arith.constant 0 : i32
      %dma_start3A_60 = tpu.memref_slice %arg3[%dma_start3A, %dma_start3A_59] : memref<10240x128xf32, #tpu.memory_space<hbm>> -> memref<10240x128xf32, #tpu.memory_space<hbm>>
      tpu.enqueue_indirect_dma source(%dma_start3A_60 : memref<10240x128xf32, #tpu.memory_space<hbm>>) target(%arg14 : memref<128x128xf32, #tpu.memory_space<vmem>>) offsets(%arg10 : memref<128xi32, #tpu.memory_space<vmem>>) semaphore(%arg21 : memref<!tpu.dma_semaphore, #tpu.memory_space<semaphore_mem>>)
      %dma_start3A_61 = arith.constant 0 : i32
      %dma_start3A_62 = arith.constant 0 : i32
      %dma_start3A_63 = tpu.memref_slice %arg2[%dma_start3A_61, %dma_start3A_62] : memref<10240x160xf32, #tpu.memory_space<hbm>> -> memref<10240x160xf32, #tpu.memory_space<hbm>>
      tpu.enqueue_indirect_dma source(%dma_start3A_63 : memref<10240x160xf32, #tpu.memory_space<hbm>>) target(%arg13 : memref<128x160xf32, #tpu.memory_space<vmem>>) offsets(%arg11 : memref<128xi32, #tpu.memory_space<vmem>>) semaphore(%arg21 : memref<!tpu.dma_semaphore, #tpu.memory_space<semaphore_mem>>)
      %dma_start3A_64 = arith.constant 0 : i32
      %dma_start3A_65 = arith.constant 0 : i32
      %dma_start3A_66 = tpu.memref_slice %arg4[%dma_start3A_64, %dma_start3A_65] : memref<10240x128xf32, #tpu.memory_space<hbm>> -> memref<10240x128xf32, #tpu.memory_space<hbm>>
      tpu.enqueue_indirect_dma source(%dma_start3A_66 : memref<10240x128xf32, #tpu.memory_space<hbm>>) target(%arg15 : memref<128x128xf32, #tpu.memory_space<vmem>>) offsets(%arg10 : memref<128xi32, #tpu.memory_space<vmem>>) semaphore(%arg21 : memref<!tpu.dma_semaphore, #tpu.memory_space<semaphore_mem>>)
      %dma_start3A_67 = arith.constant 0 : i32
      %dma_start3A_68 = tpu.memref_slice %arg5[%add3A_58, %dma_start3A_67] : memref<323584x32xf32, #tpu.memory_space<hbm>> -> memref<128x32xf32, #tpu.memory_space<hbm>>
      %dma_start3A_69 = arith.constant 0 : i32
      %dma_start3A_70 = tpu.memref_slice %arg5[%add3A_58, %dma_start3A_69] : memref<323584x32xf32, #tpu.memory_space<hbm>> -> memref<128x32xf32, #tpu.memory_space<hbm>>
      tpu.enqueue_dma source(%dma_start3A_70 : memref<128x32xf32, #tpu.memory_space<hbm>>) target(%arg16 : memref<128x32xf32, #tpu.memory_space<vmem>>) target_semaphore(%arg21 : memref<!tpu.dma_semaphore, #tpu.memory_space<semaphore_mem>>)
      %get3A = arith.constant 0 : index
      %get3A_71 = tpu.vector_load %arg11[%get3A] {strides = array<i32>} : memref<128xi32, #tpu.memory_space<vmem>>, vector<16xi32>,
      %sub3A = vector.broadcast %mul3A_23 : i32 to vector<16xi32>
      %sub3A_72 = arith.subi %get3A_71, %sub3A : vector<16xi32>
      %lt3A_73 = arith.constant 0 : i32
      %lt3A_74 = vector.broadcast %lt3A_73 : i32 to vector<16xi32>
      %lt3A_75 = arith.cmpi slt, %sub3A_72, %lt3A_74 : vector<16xi32>
      %ge3A = arith.constant 5120 : i32
      %ge3A_76 = vector.broadcast %ge3A : i32 to vector<16xi32>
      %ge3A_77 = arith.cmpi sge, %sub3A_72, %ge3A_76 : vector<16xi32>
      %or3A = arith.ori %lt3A_75, %ge3A_77 : vector<16xi1>
      %jit3A = arith.constant 5120 : i32
      %broadcast_in_dim3A_78 = vector.broadcast %jit3A : i32 to vector<16xi32>
      %select_n3A = arith.select %or3A, %broadcast_in_dim3A_78, %sub3A_72 : vector<16xi1>, vector<16xi32>
      %swap3A = arith.constant 0 : index
      %swap3A_79 = tpu.vector_load %arg12[%swap3A] {strides = array<i32>} : memref<128xi32, #tpu.memory_space<vmem>>, vector<16xi32>,
      tpu.vector_store %arg12[%swap3A], %select_n3A {strides = array<i32>} : memref<128xi32, #tpu.memory_space<vmem>>, vector<16xi32>,
      %get3A_80 = arith.constant 16 : index
      %get3A_81 = tpu.vector_load %arg11[%get3A_80] {strides = array<i32>} : memref<128xi32, #tpu.memory_space<vmem>>, vector<16xi32>,
      %sub3A_82 = vector.broadcast %mul3A_23 : i32 to vector<16xi32>
      %sub3A_83 = arith.subi %get3A_81, %sub3A_82 : vector<16xi32>
      %lt3A_84 = arith.constant 0 : i32
      %lt3A_85 = vector.broadcast %lt3A_84 : i32 to vector<16xi32>
      %lt3A_86 = arith.cmpi slt, %sub3A_83, %lt3A_85 : vector<16xi32>
      %ge3A_87 = arith.constant 5120 : i32
      %ge3A_88 = vector.broadcast %ge3A_87 : i32 to vector<16xi32>
      %ge3A_89 = arith.cmpi sge, %sub3A_83, %ge3A_88 : vector<16xi32>
      %or3A_90 = arith.ori %lt3A_86, %ge3A_89 : vector<16xi1>
      %jit3A_91 = arith.constant 5120 : i32
      %broadcast_in_dim3A_92 = vector.broadcast %jit3A_91 : i32 to vector<16xi32>
      %select_n3A_93 = arith.select %or3A_90, %broadcast_in_dim3A_92, %sub3A_83 : vector<16xi1>, vector<16xi32>
      %swap3A_94 = arith.constant 16 : index
      %swap3A_95 = tpu.vector_load %arg12[%swap3A_94] {strides = array<i32>} : memref<128xi32, #tpu.memory_space<vmem>>, vector<16xi32>,
      tpu.vector_store %arg12[%swap3A_94], %select_n3A_93 {strides = array<i32>} : memref<128xi32, #tpu.memory_space<vmem>>, vector<16xi32>,
      %get3A_96 = arith.constant 32 : index
      %get3A_97 = tpu.vector_load %arg11[%get3A_96] {strides = array<i32>} : memref<128xi32, #tpu.memory_space<vmem>>, vector<16xi32>,
      %sub3A_98 = vector.broadcast %mul3A_23 : i32 to vector<16xi32>
      %sub3A_99 = arith.subi %get3A_97, %sub3A_98 : vector<16xi32>
      %lt3A_100 = arith.constant 0 : i32
      %lt3A_101 = vector.broadcast %lt3A_100 : i32 to vector<16xi32>
      %lt3A_102 = arith.cmpi slt, %sub3A_99, %lt3A_101 : vector<16xi32>
      %ge3A_103 = arith.constant 5120 : i32
      %ge3A_104 = vector.broadcast %ge3A_103 : i32 to vector<16xi32>
      %ge3A_105 = arith.cmpi sge, %sub3A_99, %ge3A_104 : vector<16xi32>
      %or3A_106 = arith.ori %lt3A_102, %ge3A_105 : vector<16xi1>
      %jit3A_107 = arith.constant 5120 : i32
      %broadcast_in_dim3A_108 = vector.broadcast %jit3A_107 : i32 to vector<16xi32>
      %select_n3A_109 = arith.select %or3A_106, %broadcast_in_dim3A_108, %sub3A_99 : vector<16xi1>, vector<16xi32>
      %swap3A_110 = arith.constant 32 : index
      %swap3A_111 = tpu.vector_load %arg12[%swap3A_110] {strides = array<i32>} : memref<128xi32, #tpu.memory_space<vmem>>, vector<16xi32>,
      tpu.vector_store %arg12[%swap3A_110], %select_n3A_109 {strides = array<i32>} : memref<128xi32, #tpu.memory_space<vmem>>, vector<16xi32>,
      %get3A_112 = arith.constant 48 : index
      %get3A_113 = tpu.vector_load %arg11[%get3A_112] {strides = array<i32>} : memref<128xi32, #tpu.memory_space<vmem>>, vector<16xi32>,
      %sub3A_114 = vector.broadcast %mul3A_23 : i32 to vector<16xi32>
      %sub3A_115 = arith.subi %get3A_113, %sub3A_114 : vector<16xi32>
      %lt3A_116 = arith.constant 0 : i32
      %lt3A_117 = vector.broadcast %lt3A_116 : i32 to vector<16xi32>
      %lt3A_118 = arith.cmpi slt, %sub3A_115, %lt3A_117 : vector<16xi32>
      %ge3A_119 = arith.constant 5120 : i32
      %ge3A_120 = vector.broadcast %ge3A_119 : i32 to vector<16xi32>
      %ge3A_121 = arith.cmpi sge, %sub3A_115, %ge3A_120 : vector<16xi32>
      %or3A_122 = arith.ori %lt3A_118, %ge3A_121 : vector<16xi1>
      %jit3A_123 = arith.constant 5120 : i32
      %broadcast_in_dim3A_124 = vector.broadcast %jit3A_123 : i32 to vector<16xi32>
      %select_n3A_125 = arith.select %or3A_122, %broadcast_in_dim3A_124, %sub3A_115 : vector<16xi1>, vector<16xi32>
      %swap3A_126 = arith.constant 48 : index
      %swap3A_127 = tpu.vector_load %arg12[%swap3A_126] {strides = array<i32>} : memref<128xi32, #tpu.memory_space<vmem>>, vector<16xi32>,
      tpu.vector_store %arg12[%swap3A_126], %select_n3A_125 {strides = array<i32>} : memref<128xi32, #tpu.memory_space<vmem>>, vector<16xi32>,
      %get3A_128 = arith.constant 64 : index
      %get3A_129 = tpu.vector_load %arg11[%get3A_128] {strides = array<i32>} : memref<128xi32, #tpu.memory_space<vmem>>, vector<16xi32>,
      %sub3A_130 = vector.broadcast %mul3A_23 : i32 to vector<16xi32>
      %sub3A_131 = arith.subi %get3A_129, %sub3A_130 : vector<16xi32>
      %lt3A_132 = arith.constant 0 : i32
      %lt3A_133 = vector.broadcast %lt3A_132 : i32 to vector<16xi32>
      %lt3A_134 = arith.cmpi slt, %sub3A_131, %lt3A_133 : vector<16xi32>
      %ge3A_135 = arith.constant 5120 : i32
      %ge3A_136 = vector.broadcast %ge3A_135 : i32 to vector<16xi32>
      %ge3A_137 = arith.cmpi sge, %sub3A_131, %ge3A_136 : vector<16xi32>
      %or3A_138 = arith.ori %lt3A_134, %ge3A_137 : vector<16xi1>
      %jit3A_139 = arith.constant 5120 : i32
      %broadcast_in_dim3A_140 = vector.broadcast %jit3A_139 : i32 to vector<16xi32>
      %select_n3A_141 = arith.select %or3A_138, %broadcast_in_dim3A_140, %sub3A_131 : vector<16xi1>, vector<16xi32>
      %swap3A_142 = arith.constant 64 : index
      %swap3A_143 = tpu.vector_load %arg12[%swap3A_142] {strides = array<i32>} : memref<128xi32, #tpu.memory_space<vmem>>, vector<16xi32>,
      tpu.vector_store %arg12[%swap3A_142], %select_n3A_141 {strides = array<i32>} : memref<128xi32, #tpu.memory_space<vmem>>, vector<16xi32>,
      %get3A_144 = arith.constant 80 : index
      %get3A_145 = tpu.vector_load %arg11[%get3A_144] {strides = array<i32>} : memref<128xi32, #tpu.memory_space<vmem>>, vector<16xi32>,
      %sub3A_146 = vector.broadcast %mul3A_23 : i32 to vector<16xi32>
      %sub3A_147 = arith.subi %get3A_145, %sub3A_146 : vector<16xi32>
      %lt3A_148 = arith.constant 0 : i32
      %lt3A_149 = vector.broadcast %lt3A_148 : i32 to vector<16xi32>
      %lt3A_150 = arith.cmpi slt, %sub3A_147, %lt3A_149 : vector<16xi32>
      %ge3A_151 = arith.constant 5120 : i32
      %ge3A_152 = vector.broadcast %ge3A_151 : i32 to vector<16xi32>
      %ge3A_153 = arith.cmpi sge, %sub3A_147, %ge3A_152 : vector<16xi32>
      %or3A_154 = arith.ori %lt3A_150, %ge3A_153 : vector<16xi1>
      %jit3A_155 = arith.constant 5120 : i32
      %broadcast_in_dim3A_156 = vector.broadcast %jit3A_155 : i32 to vector<16xi32>
      %select_n3A_157 = arith.select %or3A_154, %broadcast_in_dim3A_156, %sub3A_147 : vector<16xi1>, vector<16xi32>
      %swap3A_158 = arith.constant 80 : index
      %swap3A_159 = tpu.vector_load %arg12[%swap3A_158] {strides = array<i32>} : memref<128xi32, #tpu.memory_space<vmem>>, vector<16xi32>,
      tpu.vector_store %arg12[%swap3A_158], %select_n3A_157 {strides = array<i32>} : memref<128xi32, #tpu.memory_space<vmem>>, vector<16xi32>,
      %get3A_160 = arith.constant 96 : index
      %get3A_161 = tpu.vector_load %arg11[%get3A_160] {strides = array<i32>} : memref<128xi32, #tpu.memory_space<vmem>>, vector<16xi32>,
      %sub3A_162 = vector.broadcast %mul3A_23 : i32 to vector<16xi32>
      %sub3A_163 = arith.subi %get3A_161, %sub3A_162 : vector<16xi32>
      %lt3A_164 = arith.constant 0 : i32
      %lt3A_165 = vector.broadcast %lt3A_164 : i32 to vector<16xi32>
      %lt3A_166 = arith.cmpi slt, %sub3A_163, %lt3A_165 : vector<16xi32>
      %ge3A_167 = arith.constant 5120 : i32
      %ge3A_168 = vector.broadcast %ge3A_167 : i32 to vector<16xi32>
      %ge3A_169 = arith.cmpi sge, %sub3A_163, %ge3A_168 : vector<16xi32>
      %or3A_170 = arith.ori %lt3A_166, %ge3A_169 : vector<16xi1>
      %jit3A_171 = arith.constant 5120 : i32
      %broadcast_in_dim3A_172 = vector.broadcast %jit3A_171 : i32 to vector<16xi32>
      %select_n3A_173 = arith.select %or3A_170, %broadcast_in_dim3A_172, %sub3A_163 : vector<16xi1>, vector<16xi32>
      %swap3A_174 = arith.constant 96 : index
      %swap3A_175 = tpu.vector_load %arg12[%swap3A_174] {strides = array<i32>} : memref<128xi32, #tpu.memory_space<vmem>>, vector<16xi32>,
      tpu.vector_store %arg12[%swap3A_174], %select_n3A_173 {strides = array<i32>} : memref<128xi32, #tpu.memory_space<vmem>>, vector<16xi32>,
      %get3A_176 = arith.constant 112 : index
      %get3A_177 = tpu.vector_load %arg11[%get3A_176] {strides = array<i32>} : memref<128xi32, #tpu.memory_space<vmem>>, vector<16xi32>,
      %sub3A_178 = vector.broadcast %mul3A_23 : i32 to vector<16xi32>
      %sub3A_179 = arith.subi %get3A_177, %sub3A_178 : vector<16xi32>
      %lt3A_180 = arith.constant 0 : i32
      %lt3A_181 = vector.broadcast %lt3A_180 : i32 to vector<16xi32>
      %lt3A_182 = arith.cmpi slt, %sub3A_179, %lt3A_181 : vector<16xi32>
      %ge3A_183 = arith.constant 5120 : i32
      %ge3A_184 = vector.broadcast %ge3A_183 : i32 to vector<16xi32>
      %ge3A_185 = arith.cmpi sge, %sub3A_179, %ge3A_184 : vector<16xi32>
      %or3A_186 = arith.ori %lt3A_182, %ge3A_185 : vector<16xi1>
      %jit3A_187 = arith.constant 5120 : i32
      %broadcast_in_dim3A_188 = vector.broadcast %jit3A_187 : i32 to vector<16xi32>
      %select_n3A_189 = arith.select %or3A_186, %broadcast_in_dim3A_188, %sub3A_179 : vector<16xi1>, vector<16xi32>
      %swap3A_190 = arith.constant 112 : index
      %swap3A_191 = tpu.vector_load %arg12[%swap3A_190] {strides = array<i32>} : memref<128xi32, #tpu.memory_space<vmem>>, vector<16xi32>,
      tpu.vector_store %arg12[%swap3A_190], %select_n3A_189 {strides = array<i32>} : memref<128xi32, #tpu.memory_space<vmem>>, vector<16xi32>,
      %dma_wait3A = arith.constant 0 : i32
      %dma_wait3A_192 = arith.constant 0 : i32
      %dma_wait3A_193 = tpu.memref_slice %arg3[%dma_wait3A, %dma_wait3A_192] : memref<10240x128xf32, #tpu.memory_space<hbm>> -> memref<10240x128xf32, #tpu.memory_space<hbm>>
      tpu.wait_indirect_dma semaphore(%arg21 : memref<!tpu.dma_semaphore, #tpu.memory_space<semaphore_mem>>) src(%dma_wait3A_193 : memref<10240x128xf32, #tpu.memory_space<hbm>>) dst(%arg14 : memref<128x128xf32, #tpu.memory_space<vmem>>)
      %dma_wait3A_194 = arith.constant 0 : i32
      %dma_wait3A_195 = arith.constant 0 : i32
      %dma_wait3A_196 = tpu.memref_slice %arg2[%dma_wait3A_194, %dma_wait3A_195] : memref<10240x160xf32, #tpu.memory_space<hbm>> -> memref<10240x160xf32, #tpu.memory_space<hbm>>
      tpu.wait_indirect_dma semaphore(%arg21 : memref<!tpu.dma_semaphore, #tpu.memory_space<semaphore_mem>>) src(%dma_wait3A_196 : memref<10240x160xf32, #tpu.memory_space<hbm>>) dst(%arg13 : memref<128x160xf32, #tpu.memory_space<vmem>>)
      %dma_wait3A_197 = arith.constant 0 : i32
      %dma_wait3A_198 = arith.constant 0 : i32
      %dma_wait3A_199 = tpu.memref_slice %arg4[%dma_wait3A_197, %dma_wait3A_198] : memref<10240x128xf32, #tpu.memory_space<hbm>> -> memref<10240x128xf32, #tpu.memory_space<hbm>>
      tpu.wait_indirect_dma semaphore(%arg21 : memref<!tpu.dma_semaphore, #tpu.memory_space<semaphore_mem>>) src(%dma_wait3A_199 : memref<10240x128xf32, #tpu.memory_space<hbm>>) dst(%arg15 : memref<128x128xf32, #tpu.memory_space<vmem>>)
      %dma_wait3A_200 = arith.constant 0 : i32
      %dma_wait3A_201 = tpu.memref_slice %arg5[%add3A_58, %dma_wait3A_200] : memref<323584x32xf32, #tpu.memory_space<hbm>> -> memref<128x32xf32, #tpu.memory_space<hbm>>
      %dma_wait3A_202 = arith.constant 0 : i32
      %dma_wait3A_203 = tpu.memref_slice %arg5[%add3A_58, %dma_wait3A_202] : memref<323584x32xf32, #tpu.memory_space<hbm>> -> memref<128x32xf32, #tpu.memory_space<hbm>>
      tpu.wait_dma2 semaphore(%arg21 : memref<!tpu.dma_semaphore, #tpu.memory_space<semaphore_mem>>) src(%dma_wait3A_203 : memref<128x32xf32, #tpu.memory_space<hbm>>) dst(%arg16 : memref<128x32xf32, #tpu.memory_space<vmem>>)
      %parallel_loop3A = arith.constant 0 : i32
      %parallel_loop3A_204 = arith.constant 128 : i32
      %parallel_loop3A_205 = arith.constant 1 : i32
      scf.for %parallel_loop3A_206 = %parallel_loop3A to %parallel_loop3A_204 step %parallel_loop3A_205  : i32 {
        %parallel_loop3A_207 = arith.index_cast %parallel_loop3A_206 : i32 to index
        %parallel_loop3A_208 = arith.constant 0 : index
        %parallel_loop3A_209 = tpu.vector_load %arg13[%parallel_loop3A_207, %parallel_loop3A_208] {strides = array<i32>} : memref<128x160xf32, #tpu.memory_space<vmem>>, vector<16xf32>,
        %parallel_loop3A_210 = arith.index_cast %parallel_loop3A_206 : i32 to index
        %parallel_loop3A_211 = arith.constant 0 : index
        %parallel_loop3A_212 = tpu.vector_load %arg14[%parallel_loop3A_210, %parallel_loop3A_211] {strides = array<i32>} : memref<128x128xf32, #tpu.memory_space<vmem>>, vector<16xf32>,
        %parallel_loop3A_213 = arith.mulf %parallel_loop3A_209, %parallel_loop3A_212 : vector<16xf32>
        %parallel_loop3A_214 = arith.index_cast %parallel_loop3A_206 : i32 to index
        %parallel_loop3A_215 = arith.constant 16 : index
        %parallel_loop3A_216 = tpu.vector_load %arg13[%parallel_loop3A_214, %parallel_loop3A_215] {strides = array<i32>} : memref<128x160xf32, #tpu.memory_space<vmem>>, vector<16xf32>,
        %parallel_loop3A_217 = arith.index_cast %parallel_loop3A_206 : i32 to index
        %parallel_loop3A_218 = arith.constant 16 : index
        %parallel_loop3A_219 = tpu.vector_load %arg14[%parallel_loop3A_217, %parallel_loop3A_218] {strides = array<i32>} : memref<128x128xf32, #tpu.memory_space<vmem>>, vector<16xf32>,
        %parallel_loop3A_220 = arith.mulf %parallel_loop3A_216, %parallel_loop3A_219 : vector<16xf32>
        %parallel_loop3A_221 = arith.addf %parallel_loop3A_213, %parallel_loop3A_220 : vector<16xf32>
        %parallel_loop3A_222 = arith.index_cast %parallel_loop3A_206 : i32 to index
        %parallel_loop3A_223 = arith.constant 32 : index
        %parallel_loop3A_224 = tpu.vector_load %arg13[%parallel_loop3A_222, %parallel_loop3A_223] {strides = array<i32>} : memref<128x160xf32, #tpu.memory_space<vmem>>, vector<16xf32>,
        %parallel_loop3A_225 = arith.index_cast %parallel_loop3A_206 : i32 to index
        %parallel_loop3A_226 = arith.constant 32 : index
        %parallel_loop3A_227 = tpu.vector_load %arg14[%parallel_loop3A_225, %parallel_loop3A_226] {strides = array<i32>} : memref<128x128xf32, #tpu.memory_space<vmem>>, vector<16xf32>,
        %parallel_loop3A_228 = arith.mulf %parallel_loop3A_224, %parallel_loop3A_227 : vector<16xf32>
        %parallel_loop3A_229 = arith.addf %parallel_loop3A_221, %parallel_loop3A_228 : vector<16xf32>
        %parallel_loop3A_230 = arith.index_cast %parallel_loop3A_206 : i32 to index
        %parallel_loop3A_231 = arith.constant 48 : index
        %parallel_loop3A_232 = tpu.vector_load %arg13[%parallel_loop3A_230, %parallel_loop3A_231] {strides = array<i32>} : memref<128x160xf32, #tpu.memory_space<vmem>>, vector<16xf32>,
        %parallel_loop3A_233 = arith.index_cast %parallel_loop3A_206 : i32 to index
        %parallel_loop3A_234 = arith.constant 48 : index
        %parallel_loop3A_235 = tpu.vector_load %arg14[%parallel_loop3A_233, %parallel_loop3A_234] {strides = array<i32>} : memref<128x128xf32, #tpu.memory_space<vmem>>, vector<16xf32>,
        %parallel_loop3A_236 = arith.mulf %parallel_loop3A_232, %parallel_loop3A_235 : vector<16xf32>
        %parallel_loop3A_237 = arith.addf %parallel_loop3A_229, %parallel_loop3A_236 : vector<16xf32>
        %parallel_loop3A_238 = arith.index_cast %parallel_loop3A_206 : i32 to index
        %parallel_loop3A_239 = arith.constant 64 : index
        %parallel_loop3A_240 = tpu.vector_load %arg13[%parallel_loop3A_238, %parallel_loop3A_239] {strides = array<i32>} : memref<128x160xf32, #tpu.memory_space<vmem>>, vector<16xf32>,
        %parallel_loop3A_241 = arith.index_cast %parallel_loop3A_206 : i32 to index
        %parallel_loop3A_242 = arith.constant 64 : index
        %parallel_loop3A_243 = tpu.vector_load %arg14[%parallel_loop3A_241, %parallel_loop3A_242] {strides = array<i32>} : memref<128x128xf32, #tpu.memory_space<vmem>>, vector<16xf32>,
        %parallel_loop3A_244 = arith.mulf %parallel_loop3A_240, %parallel_loop3A_243 : vector<16xf32>
        %parallel_loop3A_245 = arith.addf %parallel_loop3A_237, %parallel_loop3A_244 : vector<16xf32>
        %parallel_loop3A_246 = arith.index_cast %parallel_loop3A_206 : i32 to index
        %parallel_loop3A_247 = arith.constant 80 : index
        %parallel_loop3A_248 = tpu.vector_load %arg13[%parallel_loop3A_246, %parallel_loop3A_247] {strides = array<i32>} : memref<128x160xf32, #tpu.memory_space<vmem>>, vector<16xf32>,
        %parallel_loop3A_249 = arith.index_cast %parallel_loop3A_206 : i32 to index
        %parallel_loop3A_250 = arith.constant 80 : index
        %parallel_loop3A_251 = tpu.vector_load %arg14[%parallel_loop3A_249, %parallel_loop3A_250] {strides = array<i32>} : memref<128x128xf32, #tpu.memory_space<vmem>>, vector<16xf32>,
        %parallel_loop3A_252 = arith.mulf %parallel_loop3A_248, %parallel_loop3A_251 : vector<16xf32>
        %parallel_loop3A_253 = arith.addf %parallel_loop3A_245, %parallel_loop3A_252 : vector<16xf32>
        %parallel_loop3A_254 = arith.index_cast %parallel_loop3A_206 : i32 to index
        %parallel_loop3A_255 = arith.constant 96 : index
        %parallel_loop3A_256 = tpu.vector_load %arg13[%parallel_loop3A_254, %parallel_loop3A_255] {strides = array<i32>} : memref<128x160xf32, #tpu.memory_space<vmem>>, vector<16xf32>,
        %parallel_loop3A_257 = arith.index_cast %parallel_loop3A_206 : i32 to index
        %parallel_loop3A_258 = arith.constant 96 : index
        %parallel_loop3A_259 = tpu.vector_load %arg14[%parallel_loop3A_257, %parallel_loop3A_258] {strides = array<i32>} : memref<128x128xf32, #tpu.memory_space<vmem>>, vector<16xf32>,
        %parallel_loop3A_260 = arith.mulf %parallel_loop3A_256, %parallel_loop3A_259 : vector<16xf32>
        %parallel_loop3A_261 = arith.addf %parallel_loop3A_253, %parallel_loop3A_260 : vector<16xf32>
        %parallel_loop3A_262 = arith.index_cast %parallel_loop3A_206 : i32 to index
        %parallel_loop3A_263 = arith.constant 112 : index
        %parallel_loop3A_264 = tpu.vector_load %arg13[%parallel_loop3A_262, %parallel_loop3A_263] {strides = array<i32>} : memref<128x160xf32, #tpu.memory_space<vmem>>, vector<16xf32>,
        %parallel_loop3A_265 = arith.index_cast %parallel_loop3A_206 : i32 to index
        %parallel_loop3A_266 = arith.constant 112 : index
        %parallel_loop3A_267 = tpu.vector_load %arg14[%parallel_loop3A_265, %parallel_loop3A_266] {strides = array<i32>} : memref<128x128xf32, #tpu.memory_space<vmem>>, vector<16xf32>,
        %parallel_loop3A_268 = arith.mulf %parallel_loop3A_264, %parallel_loop3A_267 : vector<16xf32>
        %parallel_loop3A_269 = arith.addf %parallel_loop3A_261, %parallel_loop3A_268 : vector<16xf32>
        %parallel_loop3A_270 = arith.index_cast %parallel_loop3A_206 : i32 to index
        %parallel_loop3A_271 = arith.constant 16 : index
        %parallel_loop3A_272 = tpu.vector_load %arg16[%parallel_loop3A_270, %parallel_loop3A_271] {strides = array<i32>} : memref<128x32xf32, #tpu.memory_space<vmem>>, vector<16xf32>,
        %parallel_loop3A_273 = arith.index_cast %parallel_loop3A_206 : i32 to index
        %parallel_loop3A_274 = arith.constant 128 : index
        %parallel_loop3A_275 = tpu.vector_load %arg13[%parallel_loop3A_273, %parallel_loop3A_274] {strides = array<i32>} : memref<128x160xf32, #tpu.memory_space<vmem>>, vector<16xf32>,
        %parallel_loop3A_276 = arith.index_cast %parallel_loop3A_206 : i32 to index
        %parallel_loop3A_277 = arith.constant 0 : index
        %parallel_loop3A_278 = tpu.vector_load %arg16[%parallel_loop3A_276, %parallel_loop3A_277] {strides = array<i32>} : memref<128x32xf32, #tpu.memory_space<vmem>>, vector<16xf32>,
        %parallel_loop3A_279 = arith.mulf %parallel_loop3A_275, %parallel_loop3A_278 : vector<16xf32>
        %parallel_loop3A_280 = arith.addf %parallel_loop3A_269, %parallel_loop3A_279 : vector<16xf32>
        %parallel_loop3A_281 = arith.index_cast %parallel_loop3A_206 : i32 to index
        %parallel_loop3A_282 = arith.constant 144 : index
        %parallel_loop3A_283 = tpu.vector_load %arg13[%parallel_loop3A_281, %parallel_loop3A_282] {strides = array<i32>} : memref<128x160xf32, #tpu.memory_space<vmem>>, vector<16xf32>,
        %parallel_loop3A_284 = arith.mulf %parallel_loop3A_283, %parallel_loop3A_272 : vector<16xf32>
        %parallel_loop3A_285 = arith.addf %parallel_loop3A_280, %parallel_loop3A_284 : vector<16xf32>
        %parallel_loop3A_286 = arith.constant true
        %parallel_loop3A_287 = vector.broadcast %parallel_loop3A_286 : i1 to vector<16xi1>
        %parallel_loop3A_288 = tpu.scan <sum>, %parallel_loop3A_285 masked %parallel_loop3A_287 : vector<16xf32>, vector<16xi1> -> vector<16xf32>
        %parallel_loop3A_289 = vector.extract_strided_slice %parallel_loop3A_288 {offsets = [15], sizes = [1], strides = [1]} : vector<16xf32> to vector<1xf32>
        %parallel_loop3A_290 = vector.extract %parallel_loop3A_289[0] : f32 from vector<1xf32>
        %parallel_loop3A_291 = arith.mulf %parallel_loop3A_290, %scan3A_27 : f32
        %parallel_loop3A_292 = vector.extract_strided_slice %parallel_loop3A_272 {offsets = [15], sizes = [1], strides = [1]} : vector<16xf32> to vector<1xf32>
        %parallel_loop3A_293 = vector.extract %parallel_loop3A_292[0] : f32 from vector<1xf32>
        %parallel_loop3A_294 = vector.broadcast %parallel_loop3A_291 : f32 to vector<16xf32>
        %parallel_loop3A_295 = math.exp %parallel_loop3A_294 : vector<16xf32>
        %parallel_loop3A_296 = vector.broadcast %parallel_loop3A_293 : f32 to vector<16xf32>
        %parallel_loop3A_297 = arith.mulf %parallel_loop3A_295, %parallel_loop3A_296 : vector<16xf32>
        %parallel_loop3A_298 = arith.index_cast %parallel_loop3A_206 : i32 to index
        %parallel_loop3A_299 = arith.constant 0 : index
        %parallel_loop3A_300 = tpu.vector_load %arg15[%parallel_loop3A_298, %parallel_loop3A_299] {strides = array<i32>} : memref<128x128xf32, #tpu.memory_space<vmem>>, vector<16xf32>,
        %parallel_loop3A_301 = arith.mulf %parallel_loop3A_300, %parallel_loop3A_297 : vector<16xf32>
        %parallel_loop3A_302 = arith.index_cast %parallel_loop3A_206 : i32 to index
        %parallel_loop3A_303 = arith.constant 0 : index
        %parallel_loop3A_304 = tpu.vector_load %arg17[%parallel_loop3A_302, %parallel_loop3A_303] {strides = array<i32>} : memref<128x128xf32, #tpu.memory_space<vmem>>, vector<16xf32>,
        tpu.vector_store %arg17[%parallel_loop3A_302, %parallel_loop3A_303], %parallel_loop3A_301 {strides = array<i32>} : memref<128x128xf32, #tpu.memory_space<vmem>>, vector<16xf32>,
        %parallel_loop3A_305 = arith.index_cast %parallel_loop3A_206 : i32 to index
        %parallel_loop3A_306 = arith.constant 16 : index
        %parallel_loop3A_307 = tpu.vector_load %arg15[%parallel_loop3A_305, %parallel_loop3A_306] {strides = array<i32>} : memref<128x128xf32, #tpu.memory_space<vmem>>, vector<16xf32>,
        %parallel_loop3A_308 = arith.mulf %parallel_loop3A_307, %parallel_loop3A_297 : vector<16xf32>
        %parallel_loop3A_309 = arith.index_cast %parallel_loop3A_206 : i32 to index
        %parallel_loop3A_310 = arith.constant 16 : index
        %parallel_loop3A_311 = tpu.vector_load %arg17[%parallel_loop3A_309, %parallel_loop3A_310] {strides = array<i32>} : memref<128x128xf32, #tpu.memory_space<vmem>>, vector<16xf32>,
        tpu.vector_store %arg17[%parallel_loop3A_309, %parallel_loop3A_310], %parallel_loop3A_308 {strides = array<i32>} : memref<128x128xf32, #tpu.memory_space<vmem>>, vector<16xf32>,
        %parallel_loop3A_312 = arith.index_cast %parallel_loop3A_206 : i32 to index
        %parallel_loop3A_313 = arith.constant 32 : index
        %parallel_loop3A_314 = tpu.vector_load %arg15[%parallel_loop3A_312, %parallel_loop3A_313] {strides = array<i32>} : memref<128x128xf32, #tpu.memory_space<vmem>>, vector<16xf32>,
        %parallel_loop3A_315 = arith.mulf %parallel_loop3A_314, %parallel_loop3A_297 : vector<16xf32>
        %parallel_loop3A_316 = arith.index_cast %parallel_loop3A_206 : i32 to index
        %parallel_loop3A_317 = arith.constant 32 : index
        %parallel_loop3A_318 = tpu.vector_load %arg17[%parallel_loop3A_316, %parallel_loop3A_317] {strides = array<i32>} : memref<128x128xf32, #tpu.memory_space<vmem>>, vector<16xf32>,
        tpu.vector_store %arg17[%parallel_loop3A_316, %parallel_loop3A_317], %parallel_loop3A_315 {strides = array<i32>} : memref<128x128xf32, #tpu.memory_space<vmem>>, vector<16xf32>,
        %parallel_loop3A_319 = arith.index_cast %parallel_loop3A_206 : i32 to index
        %parallel_loop3A_320 = arith.constant 48 : index
        %parallel_loop3A_321 = tpu.vector_load %arg15[%parallel_loop3A_319, %parallel_loop3A_320] {strides = array<i32>} : memref<128x128xf32, #tpu.memory_space<vmem>>, vector<16xf32>,
        %parallel_loop3A_322 = arith.mulf %parallel_loop3A_321, %parallel_loop3A_297 : vector<16xf32>
        %parallel_loop3A_323 = arith.index_cast %parallel_loop3A_206 : i32 to index
        %parallel_loop3A_324 = arith.constant 48 : index
        %parallel_loop3A_325 = tpu.vector_load %arg17[%parallel_loop3A_323, %parallel_loop3A_324] {strides = array<i32>} : memref<128x128xf32, #tpu.memory_space<vmem>>, vector<16xf32>,
        tpu.vector_store %arg17[%parallel_loop3A_323, %parallel_loop3A_324], %parallel_loop3A_322 {strides = array<i32>} : memref<128x128xf32, #tpu.memory_space<vmem>>, vector<16xf32>,
        %parallel_loop3A_326 = arith.index_cast %parallel_loop3A_206 : i32 to index
        %parallel_loop3A_327 = arith.constant 64 : index
        %parallel_loop3A_328 = tpu.vector_load %arg15[%parallel_loop3A_326, %parallel_loop3A_327] {strides = array<i32>} : memref<128x128xf32, #tpu.memory_space<vmem>>, vector<16xf32>,
        %parallel_loop3A_329 = arith.mulf %parallel_loop3A_328, %parallel_loop3A_297 : vector<16xf32>
        %parallel_loop3A_330 = arith.index_cast %parallel_loop3A_206 : i32 to index
        %parallel_loop3A_331 = arith.constant 64 : index
        %parallel_loop3A_332 = tpu.vector_load %arg17[%parallel_loop3A_330, %parallel_loop3A_331] {strides = array<i32>} : memref<128x128xf32, #tpu.memory_space<vmem>>, vector<16xf32>,
        tpu.vector_store %arg17[%parallel_loop3A_330, %parallel_loop3A_331], %parallel_loop3A_329 {strides = array<i32>} : memref<128x128xf32, #tpu.memory_space<vmem>>, vector<16xf32>,
        %parallel_loop3A_333 = arith.index_cast %parallel_loop3A_206 : i32 to index
        %parallel_loop3A_334 = arith.constant 80 : index
        %parallel_loop3A_335 = tpu.vector_load %arg15[%parallel_loop3A_333, %parallel_loop3A_334] {strides = array<i32>} : memref<128x128xf32, #tpu.memory_space<vmem>>, vector<16xf32>,
        %parallel_loop3A_336 = arith.mulf %parallel_loop3A_335, %parallel_loop3A_297 : vector<16xf32>
        %parallel_loop3A_337 = arith.index_cast %parallel_loop3A_206 : i32 to index
        %parallel_loop3A_338 = arith.constant 80 : index
        %parallel_loop3A_339 = tpu.vector_load %arg17[%parallel_loop3A_337, %parallel_loop3A_338] {strides = array<i32>} : memref<128x128xf32, #tpu.memory_space<vmem>>, vector<16xf32>,
        tpu.vector_store %arg17[%parallel_loop3A_337, %parallel_loop3A_338], %parallel_loop3A_336 {strides = array<i32>} : memref<128x128xf32, #tpu.memory_space<vmem>>, vector<16xf32>,
        %parallel_loop3A_340 = arith.index_cast %parallel_loop3A_206 : i32 to index
        %parallel_loop3A_341 = arith.constant 96 : index
        %parallel_loop3A_342 = tpu.vector_load %arg15[%parallel_loop3A_340, %parallel_loop3A_341] {strides = array<i32>} : memref<128x128xf32, #tpu.memory_space<vmem>>, vector<16xf32>,
        %parallel_loop3A_343 = arith.mulf %parallel_loop3A_342, %parallel_loop3A_297 : vector<16xf32>
        %parallel_loop3A_344 = arith.index_cast %parallel_loop3A_206 : i32 to index
        %parallel_loop3A_345 = arith.constant 96 : index
        %parallel_loop3A_346 = tpu.vector_load %arg17[%parallel_loop3A_344, %parallel_loop3A_345] {strides = array<i32>} : memref<128x128xf32, #tpu.memory_space<vmem>>, vector<16xf32>,
        tpu.vector_store %arg17[%parallel_loop3A_344, %parallel_loop3A_345], %parallel_loop3A_343 {strides = array<i32>} : memref<128x128xf32, #tpu.memory_space<vmem>>, vector<16xf32>,
        %parallel_loop3A_347 = arith.index_cast %parallel_loop3A_206 : i32 to index
        %parallel_loop3A_348 = arith.constant 112 : index
        %parallel_loop3A_349 = tpu.vector_load %arg15[%parallel_loop3A_347, %parallel_loop3A_348] {strides = array<i32>} : memref<128x128xf32, #tpu.memory_space<vmem>>, vector<16xf32>,
        %parallel_loop3A_350 = arith.mulf %parallel_loop3A_349, %parallel_loop3A_297 : vector<16xf32>
        %parallel_loop3A_351 = arith.index_cast %parallel_loop3A_206 : i32 to index
        %parallel_loop3A_352 = arith.constant 112 : index
        %parallel_loop3A_353 = tpu.vector_load %arg17[%parallel_loop3A_351, %parallel_loop3A_352] {strides = array<i32>} : memref<128x128xf32, #tpu.memory_space<vmem>>, vector<16xf32>,
        tpu.vector_store %arg17[%parallel_loop3A_351, %parallel_loop3A_352], %parallel_loop3A_350 {strides = array<i32>} : memref<128x128xf32, #tpu.memory_space<vmem>>, vector<16xf32>,
        %parallel_loop3A_354 = arith.index_cast %parallel_loop3A_206 : i32 to index
        %parallel_loop3A_355 = arith.constant 0 : index
        %parallel_loop3A_356 = tpu.vector_load %arg16[%parallel_loop3A_354, %parallel_loop3A_355] {strides = array<i32>} : memref<128x32xf32, #tpu.memory_space<vmem>>, vector<16xf32>,
        %parallel_loop3A_357 = arith.mulf %parallel_loop3A_356, %parallel_loop3A_297 : vector<16xf32>
        %parallel_loop3A_358 = arith.index_cast %parallel_loop3A_206 : i32 to index
        %parallel_loop3A_359 = arith.constant 0 : index
        %parallel_loop3A_360 = tpu.vector_load %arg18[%parallel_loop3A_358, %parallel_loop3A_359] {strides = array<i32>} : memref<128x32xf32, #tpu.memory_space<vmem>>, vector<16xf32>,
        tpu.vector_store %arg18[%parallel_loop3A_358, %parallel_loop3A_359], %parallel_loop3A_357 {strides = array<i32>} : memref<128x32xf32, #tpu.memory_space<vmem>>, vector<16xf32>,
        %parallel_loop3A_361 = arith.index_cast %parallel_loop3A_206 : i32 to index
        %parallel_loop3A_362 = arith.constant 16 : index
        %parallel_loop3A_363 = tpu.vector_load %arg16[%parallel_loop3A_361, %parallel_loop3A_362] {strides = array<i32>} : memref<128x32xf32, #tpu.memory_space<vmem>>, vector<16xf32>,
        %parallel_loop3A_364 = arith.mulf %parallel_loop3A_363, %parallel_loop3A_297 : vector<16xf32>
        %parallel_loop3A_365 = arith.index_cast %parallel_loop3A_206 : i32 to index
        %parallel_loop3A_366 = arith.constant 16 : index
        %parallel_loop3A_367 = tpu.vector_load %arg18[%parallel_loop3A_365, %parallel_loop3A_366] {strides = array<i32>} : memref<128x32xf32, #tpu.memory_space<vmem>>, vector<16xf32>,
        tpu.vector_store %arg18[%parallel_loop3A_365, %parallel_loop3A_366], %parallel_loop3A_364 {strides = array<i32>} : memref<128x32xf32, #tpu.memory_space<vmem>>, vector<16xf32>,
      } {sc.loop_unroll_factor = 6 : i64, sc.parallel_access}
      "tpu.region"() ({
        %run_scoped3A = tpu.sem_alloc : memref<!tpu.dma_semaphore, #tpu.memory_space<semaphore_mem>>
        %dma_start3A_206 = arith.constant 0 : i32
        %dma_start3A_207 = arith.constant 0 : i32
        %dma_start3A_208 = tpu.memref_slice %arg19[%dma_start3A_206, %dma_start3A_207] : memref<5248x128xf32, #tpu.memory_space<vmem_shared>> -> memref<5248x128xf32, #tpu.memory_space<vmem_shared>>
        tpu.enqueue_indirect_dma source(%arg17 : memref<128x128xf32, #tpu.memory_space<vmem>>) target(%dma_start3A_208 : memref<5248x128xf32, #tpu.memory_space<vmem_shared>>) offsets(%arg12 : memref<128xi32, #tpu.memory_space<vmem>>) semaphore(%run_scoped3A : memref<!tpu.dma_semaphore, #tpu.memory_space<semaphore_mem>>) {add = true}
        %dma_wait3A_209 = arith.constant 0 : i32
        %dma_wait3A_210 = arith.constant 0 : i32
        %dma_wait3A_211 = tpu.memref_slice %arg19[%dma_wait3A_209, %dma_wait3A_210] : memref<5248x128xf32, #tpu.memory_space<vmem_shared>> -> memref<5248x128xf32, #tpu.memory_space<vmem_shared>>
        tpu.wait_indirect_dma semaphore(%run_scoped3A : memref<!tpu.dma_semaphore, #tpu.memory_space<semaphore_mem>>) src(%arg17 : memref<128x128xf32, #tpu.memory_space<vmem>>) dst(%dma_wait3A_211 : memref<5248x128xf32, #tpu.memory_space<vmem_shared>>)
        tpu.yield
      }) : () -> ()
      "tpu.region"() ({
        %run_scoped3A = tpu.sem_alloc : memref<!tpu.dma_semaphore, #tpu.memory_space<semaphore_mem>>
        %dma_start3A_206 = arith.constant 0 : i32
        %dma_start3A_207 = arith.constant 0 : i32
        %dma_start3A_208 = tpu.memref_slice %arg20[%dma_start3A_206, %dma_start3A_207] : memref<5248x32xf32, #tpu.memory_space<vmem_shared>> -> memref<5248x32xf32, #tpu.memory_space<vmem_shared>>
        tpu.enqueue_indirect_dma source(%arg18 : memref<128x32xf32, #tpu.memory_space<vmem>>) target(%dma_start3A_208 : memref<5248x32xf32, #tpu.memory_space<vmem_shared>>) offsets(%arg12 : memref<128xi32, #tpu.memory_space<vmem>>) semaphore(%run_scoped3A : memref<!tpu.dma_semaphore, #tpu.memory_space<semaphore_mem>>) {add = true}
        %dma_wait3A_209 = arith.constant 0 : i32
        %dma_wait3A_210 = arith.constant 0 : i32
        %dma_wait3A_211 = tpu.memref_slice %arg20[%dma_wait3A_209, %dma_wait3A_210] : memref<5248x32xf32, #tpu.memory_space<vmem_shared>> -> memref<5248x32xf32, #tpu.memory_space<vmem_shared>>
        tpu.wait_indirect_dma semaphore(%run_scoped3A : memref<!tpu.dma_semaphore, #tpu.memory_space<semaphore_mem>>) src(%arg18 : memref<128x32xf32, #tpu.memory_space<vmem>>) dst(%dma_wait3A_211 : memref<5248x32xf32, #tpu.memory_space<vmem_shared>>)
        tpu.yield
      }) : () -> ()
    }
    %scan3A_32 = arith.constant 158 : i32
    %barrier3A_33 = arith.constant 0 : index
    tpu.barrier barrier_id(%barrier3A_33)
    %add3A_34 = arith.constant 0 : i32
    %add3A_35 = arith.addi %arg1, %add3A_34 : i32
    %lt3A_36 = arith.constant 40 : i32
    %lt3A_37 = arith.cmpi slt, %add3A_35, %lt3A_36 : i32
    %convert_element_type3A_38 = arith.extui %lt3A_37 : i1 to i32
    %cond3A_39 = arith.constant 0 : i32
    %cond3A_40 = arith.cmpi ne, %convert_element_type3A_38, %cond3A_39 : i32
    scf.if %cond3A_40 {
      %mul3A_55 = arith.constant 128 : i32
      %mul3A_56 = arith.muli %add3A_35, %mul3A_55 : i32
      %mul3A_57 = arith.constant 128 : i32
      %mul3A_58 = arith.muli %add3A_35, %mul3A_57 : i32
      %add3A_59 = arith.addi %mul3A_23, %mul3A_58 : i32
      "tpu.region"() ({
        %run_scoped3A = tpu.sem_alloc : memref<!tpu.dma_semaphore, #tpu.memory_space<semaphore_mem>>
        %dma_start3A = arith.constant 0 : i32
        %dma_start3A_65 = tpu.memref_slice %arg8[%add3A_59, %dma_start3A] : memref<10240x128xf32, #tpu.memory_space<hbm>> -> memref<128x128xf32, #tpu.memory_space<hbm>>
        %dma_start3A_66 = arith.constant 0 : i32
        %dma_start3A_67 = tpu.memref_slice %arg19[%mul3A_56, %dma_start3A_66] : memref<5248x128xf32, #tpu.memory_space<vmem_shared>> -> memref<128x128xf32, #tpu.memory_space<vmem_shared>>
        tpu.enqueue_dma source(%dma_start3A_67 : memref<128x128xf32, #tpu.memory_space<vmem_shared>>) target(%dma_start3A_65 : memref<128x128xf32, #tpu.memory_space<hbm>>) target_semaphore(%run_scoped3A : memref<!tpu.dma_semaphore, #tpu.memory_space<semaphore_mem>>)
        %dma_wait3A = arith.constant 0 : i32
        %dma_wait3A_68 = tpu.memref_slice %arg8[%add3A_59, %dma_wait3A] : memref<10240x128xf32, #tpu.memory_space<hbm>> -> memref<128x128xf32, #tpu.memory_space<hbm>>
        %dma_wait3A_69 = arith.constant 0 : i32
        %dma_wait3A_70 = tpu.memref_slice %arg19[%mul3A_56, %dma_wait3A_69] : memref<5248x128xf32, #tpu.memory_space<vmem_shared>> -> memref<128x128xf32, #tpu.memory_space<vmem_shared>>
        tpu.wait_dma2 semaphore(%run_scoped3A : memref<!tpu.dma_semaphore, #tpu.memory_space<semaphore_mem>>) src(%dma_wait3A_70 : memref<128x128xf32, #tpu.memory_space<vmem_shared>>) dst(%dma_wait3A_68 : memref<128x128xf32, #tpu.memory_space<hbm>>)
        tpu.yield
      }) : () -> ()
      %mul3A_60 = arith.constant 128 : i32
      %mul3A_61 = arith.muli %add3A_35, %mul3A_60 : i32
      %mul3A_62 = arith.constant 128 : i32
      %mul3A_63 = arith.muli %add3A_35, %mul3A_62 : i32
      %add3A_64 = arith.addi %mul3A_23, %mul3A_63 : i32
      "tpu.region"() ({
        %run_scoped3A = tpu.sem_alloc : memref<!tpu.dma_semaphore, #tpu.memory_space<semaphore_mem>>
        %dma_start3A = arith.constant 0 : i32
        %dma_start3A_65 = tpu.memref_slice %arg9[%add3A_64, %dma_start3A] : memref<10240x32xf32, #tpu.memory_space<hbm>> -> memref<128x32xf32, #tpu.memory_space<hbm>>
        %dma_start3A_66 = arith.constant 0 : i32
        %dma_start3A_67 = tpu.memref_slice %arg20[%mul3A_61, %dma_start3A_66] : memref<5248x32xf32, #tpu.memory_space<vmem_shared>> -> memref<128x32xf32, #tpu.memory_space<vmem_shared>>
        tpu.enqueue_dma source(%dma_start3A_67 : memref<128x32xf32, #tpu.memory_space<vmem_shared>>) target(%dma_start3A_65 : memref<128x32xf32, #tpu.memory_space<hbm>>) target_semaphore(%run_scoped3A : memref<!tpu.dma_semaphore, #tpu.memory_space<semaphore_mem>>)
        %dma_wait3A = arith.constant 0 : i32
        %dma_wait3A_68 = tpu.memref_slice %arg9[%add3A_64, %dma_wait3A] : memref<10240x32xf32, #tpu.memory_space<hbm>> -> memref<128x32xf32, #tpu.memory_space<hbm>>
        %dma_wait3A_69 = arith.constant 0 : i32
        %dma_wait3A_70 = tpu.memref_slice %arg20[%mul3A_61, %dma_wait3A_69] : memref<5248x32xf32, #tpu.memory_space<vmem_shared>> -> memref<128x32xf32, #tpu.memory_space<vmem_shared>>
        tpu.wait_dma2 semaphore(%run_scoped3A : memref<!tpu.dma_semaphore, #tpu.memory_space<semaphore_mem>>) src(%dma_wait3A_70 : memref<128x32xf32, #tpu.memory_space<vmem_shared>>) dst(%dma_wait3A_68 : memref<128x32xf32, #tpu.memory_space<hbm>>)
        tpu.yield
      }) : () -> ()
    } else {
    }
    %add3A_41 = arith.constant 16 : i32
    %add3A_42 = arith.addi %arg1, %add3A_41 : i32
    %lt3A_43 = arith.constant 40 : i32
    %lt3A_44 = arith.cmpi slt, %add3A_42, %lt3A_43 : i32
    %convert_element_type3A_45 = arith.extui %lt3A_44 : i1 to i32
    %cond3A_46 = arith.constant 0 : i32
    %cond3A_47 = arith.cmpi ne, %convert_element_type3A_45, %cond3A_46 : i32
    scf.if %cond3A_47 {
      %mul3A_55 = arith.constant 128 : i32
      %mul3A_56 = arith.muli %add3A_42, %mul3A_55 : i32
      %mul3A_57 = arith.constant 128 : i32
      %mul3A_58 = arith.muli %add3A_42, %mul3A_57 : i32
      %add3A_59 = arith.addi %mul3A_23, %mul3A_58 : i32
      "tpu.region"() ({
        %run_scoped3A = tpu.sem_alloc : memref<!tpu.dma_semaphore, #tpu.memory_space<semaphore_mem>>
        %dma_start3A = arith.constant 0 : i32
        %dma_start3A_65 = tpu.memref_slice %arg8[%add3A_59, %dma_start3A] : memref<10240x128xf32, #tpu.memory_space<hbm>> -> memref<128x128xf32, #tpu.memory_space<hbm>>
        %dma_start3A_66 = arith.constant 0 : i32
        %dma_start3A_67 = tpu.memref_slice %arg19[%mul3A_56, %dma_start3A_66] : memref<5248x128xf32, #tpu.memory_space<vmem_shared>> -> memref<128x128xf32, #tpu.memory_space<vmem_shared>>
        tpu.enqueue_dma source(%dma_start3A_67 : memref<128x128xf32, #tpu.memory_space<vmem_shared>>) target(%dma_start3A_65 : memref<128x128xf32, #tpu.memory_space<hbm>>) target_semaphore(%run_scoped3A : memref<!tpu.dma_semaphore, #tpu.memory_space<semaphore_mem>>)
        %dma_wait3A = arith.constant 0 : i32
        %dma_wait3A_68 = tpu.memref_slice %arg8[%add3A_59, %dma_wait3A] : memref<10240x128xf32, #tpu.memory_space<hbm>> -> memref<128x128xf32, #tpu.memory_space<hbm>>
        %dma_wait3A_69 = arith.constant 0 : i32
        %dma_wait3A_70 = tpu.memref_slice %arg19[%mul3A_56, %dma_wait3A_69] : memref<5248x128xf32, #tpu.memory_space<vmem_shared>> -> memref<128x128xf32, #tpu.memory_space<vmem_shared>>
        tpu.wait_dma2 semaphore(%run_scoped3A : memref<!tpu.dma_semaphore, #tpu.memory_space<semaphore_mem>>) src(%dma_wait3A_70 : memref<128x128xf32, #tpu.memory_space<vmem_shared>>) dst(%dma_wait3A_68 : memref<128x128xf32, #tpu.memory_space<hbm>>)
        tpu.yield
      }) : () -> ()
      %mul3A_60 = arith.constant 128 : i32
      %mul3A_61 = arith.muli %add3A_42, %mul3A_60 : i32
      %mul3A_62 = arith.constant 128 : i32
      %mul3A_63 = arith.muli %add3A_42, %mul3A_62 : i32
      %add3A_64 = arith.addi %mul3A_23, %mul3A_63 : i32
      "tpu.region"() ({
        %run_scoped3A = tpu.sem_alloc : memref<!tpu.dma_semaphore, #tpu.memory_space<semaphore_mem>>
        %dma_start3A = arith.constant 0 : i32
        %dma_start3A_65 = tpu.memref_slice %arg9[%add3A_64, %dma_start3A] : memref<10240x32xf32, #tpu.memory_space<hbm>> -> memref<128x32xf32, #tpu.memory_space<hbm>>
        %dma_start3A_66 = arith.constant 0 : i32
        %dma_start3A_67 = tpu.memref_slice %arg20[%mul3A_61, %dma_start3A_66] : memref<5248x32xf32, #tpu.memory_space<vmem_shared>> -> memref<128x32xf32, #tpu.memory_space<vmem_shared>>
        tpu.enqueue_dma source(%dma_start3A_67 : memref<128x32xf32, #tpu.memory_space<vmem_shared>>) target(%dma_start3A_65 : memref<128x32xf32, #tpu.memory_space<hbm>>) target_semaphore(%run_scoped3A : memref<!tpu.dma_semaphore, #tpu.memory_space<semaphore_mem>>)
        %dma_wait3A = arith.constant 0 : i32
        %dma_wait3A_68 = tpu.memref_slice %arg9[%add3A_64, %dma_wait3A] : memref<10240x32xf32, #tpu.memory_space<hbm>> -> memref<128x32xf32, #tpu.memory_space<hbm>>
        %dma_wait3A_69 = arith.constant 0 : i32
        %dma_wait3A_70 = tpu.memref_slice %arg20[%mul3A_61, %dma_wait3A_69] : memref<5248x32xf32, #tpu.memory_space<vmem_shared>> -> memref<128x32xf32, #tpu.memory_space<vmem_shared>>
        tpu.wait_dma2 semaphore(%run_scoped3A : memref<!tpu.dma_semaphore, #tpu.memory_space<semaphore_mem>>) src(%dma_wait3A_70 : memref<128x32xf32, #tpu.memory_space<vmem_shared>>) dst(%dma_wait3A_68 : memref<128x32xf32, #tpu.memory_space<hbm>>)
        tpu.yield
      }) : () -> ()
    } else {
    }
    %add3A_48 = arith.constant 32 : i32
    %add3A_49 = arith.addi %arg1, %add3A_48 : i32
    %lt3A_50 = arith.constant 40 : i32
    %lt3A_51 = arith.cmpi slt, %add3A_49, %lt3A_50 : i32
    %convert_element_type3A_52 = arith.extui %lt3A_51 : i1 to i32
    %cond3A_53 = arith.constant 0 : i32
    %cond3A_54 = arith.cmpi ne, %convert_element_type3A_52, %cond3A_53 : i32
    scf.if %cond3A_54 {
      %mul3A_55 = arith.constant 128 : i32
      %mul3A_56 = arith.muli %add3A_49, %mul3A_55 : i32
      %mul3A_57 = arith.constant 128 : i32
      %mul3A_58 = arith.muli %add3A_49, %mul3A_57 : i32
      %add3A_59 = arith.addi %mul3A_23, %mul3A_58 : i32
      "tpu.region"() ({
        %run_scoped3A = tpu.sem_alloc : memref<!tpu.dma_semaphore, #tpu.memory_space<semaphore_mem>>
        %dma_start3A = arith.constant 0 : i32
        %dma_start3A_65 = tpu.memref_slice %arg8[%add3A_59, %dma_start3A] : memref<10240x128xf32, #tpu.memory_space<hbm>> -> memref<128x128xf32, #tpu.memory_space<hbm>>
        %dma_start3A_66 = arith.constant 0 : i32
        %dma_start3A_67 = tpu.memref_slice %arg19[%mul3A_56, %dma_start3A_66] : memref<5248x128xf32, #tpu.memory_space<vmem_shared>> -> memref<128x128xf32, #tpu.memory_space<vmem_shared>>
        tpu.enqueue_dma source(%dma_start3A_67 : memref<128x128xf32, #tpu.memory_space<vmem_shared>>) target(%dma_start3A_65 : memref<128x128xf32, #tpu.memory_space<hbm>>) target_semaphore(%run_scoped3A : memref<!tpu.dma_semaphore, #tpu.memory_space<semaphore_mem>>)
        %dma_wait3A = arith.constant 0 : i32
        %dma_wait3A_68 = tpu.memref_slice %arg8[%add3A_59, %dma_wait3A] : memref<10240x128xf32, #tpu.memory_space<hbm>> -> memref<128x128xf32, #tpu.memory_space<hbm>>
        %dma_wait3A_69 = arith.constant 0 : i32
        %dma_wait3A_70 = tpu.memref_slice %arg19[%mul3A_56, %dma_wait3A_69] : memref<5248x128xf32, #tpu.memory_space<vmem_shared>> -> memref<128x128xf32, #tpu.memory_space<vmem_shared>>
        tpu.wait_dma2 semaphore(%run_scoped3A : memref<!tpu.dma_semaphore, #tpu.memory_space<semaphore_mem>>) src(%dma_wait3A_70 : memref<128x128xf32, #tpu.memory_space<vmem_shared>>) dst(%dma_wait3A_68 : memref<128x128xf32, #tpu.memory_space<hbm>>)
        tpu.yield
      }) : () -> ()
      %mul3A_60 = arith.constant 128 : i32
      %mul3A_61 = arith.muli %add3A_49, %mul3A_60 : i32
      %mul3A_62 = arith.constant 128 : i32
      %mul3A_63 = arith.muli %add3A_49, %mul3A_62 : i32
      %add3A_64 = arith.addi %mul3A_23, %mul3A_63 : i32
      "tpu.region"() ({
        %run_scoped3A = tpu.sem_alloc : memref<!tpu.dma_semaphore, #tpu.memory_space<semaphore_mem>>
        %dma_start3A = arith.constant 0 : i32
        %dma_start3A_65 = tpu.memref_slice %arg9[%add3A_64, %dma_start3A] : memref<10240x32xf32, #tpu.memory_space<hbm>> -> memref<128x32xf32, #tpu.memory_space<hbm>>
        %dma_start3A_66 = arith.constant 0 : i32
        %dma_start3A_67 = tpu.memref_slice %arg20[%mul3A_61, %dma_start3A_66] : memref<5248x32xf32, #tpu.memory_space<vmem_shared>> -> memref<128x32xf32, #tpu.memory_space<vmem_shared>>
        tpu.enqueue_dma source(%dma_start3A_67 : memref<128x32xf32, #tpu.memory_space<vmem_shared>>) target(%dma_start3A_65 : memref<128x32xf32, #tpu.memory_space<hbm>>) target_semaphore(%run_scoped3A : memref<!tpu.dma_semaphore, #tpu.memory_space<semaphore_mem>>)
        %dma_wait3A = arith.constant 0 : i32
        %dma_wait3A_68 = tpu.memref_slice %arg9[%add3A_64, %dma_wait3A] : memref<10240x32xf32, #tpu.memory_space<hbm>> -> memref<128x32xf32, #tpu.memory_space<hbm>>
        %dma_wait3A_69 = arith.constant 0 : i32
        %dma_wait3A_70 = tpu.memref_slice %arg20[%mul3A_61, %dma_wait3A_69] : memref<5248x32xf32, #tpu.memory_space<vmem_shared>> -> memref<128x32xf32, #tpu.memory_space<vmem_shared>>
        tpu.wait_dma2 semaphore(%run_scoped3A : memref<!tpu.dma_semaphore, #tpu.memory_space<semaphore_mem>>) src(%dma_wait3A_70 : memref<128x32xf32, #tpu.memory_space<vmem_shared>>) dst(%dma_wait3A_68 : memref<128x32xf32, #tpu.memory_space<hbm>>)
        tpu.yield
      }) : () -> ()
    } else {
    }
    return
  }
}

#map = affine_map<(d0, d1) -> (0, 0)>
#map1 = affine_map<(d0, d1) -> (0)>
module attributes {stable_mosaic.version = 14 : i64} {
  func.func @_edge_body(%arg0: i32, %arg1: i32, %arg2: memref<10240x160xf32, #tpu.memory_space<hbm>>, %arg3: memref<10240x128xf32, #tpu.memory_space<hbm>>, %arg4: memref<10240x128xf32, #tpu.memory_space<hbm>>, %arg5: memref<323584x32xf32, #tpu.memory_space<hbm>>, %arg6: memref<323584xi32, #tpu.memory_space<hbm>>, %arg7: memref<323584xi32, #tpu.memory_space<hbm>>, %arg8: memref<10240x128xf32, #tpu.memory_space<hbm>>, %arg9: memref<10240x32xf32, #tpu.memory_space<hbm>>, %arg10: memref<128xi32, #tpu.memory_space<vmem>>, %arg11: memref<128xi32, #tpu.memory_space<vmem>>, %arg12: memref<128xi32, #tpu.memory_space<vmem>>, %arg13: memref<128x160xf32, #tpu.memory_space<vmem>>, %arg14: memref<128x128xf32, #tpu.memory_space<vmem>>, %arg15: memref<128x128xf32, #tpu.memory_space<vmem>>, %arg16: memref<128x32xf32, #tpu.memory_space<vmem>>, %arg17: memref<128x128xf32, #tpu.memory_space<vmem>>, %arg18: memref<128x32xf32, #tpu.memory_space<vmem>>, %arg19: memref<5248x128xf32, #tpu.memory_space<vmem_shared>>, %arg20: memref<5248x32xf32, #tpu.memory_space<vmem_shared>>, %arg21: memref<!tpu.dma_semaphore, #tpu.memory_space<semaphore_mem>>) attributes {dimension_semantics = [#tpu.dimension_semantics<core_parallel>, #tpu.dimension_semantics<subcore_parallel>], iteration_bounds = array<i64: 2, 16>, scalar_prefetch = 0 : i64, scratch_operands = 12 : i64, tpu.core_type = #tpu.core_type<sc_vector_subcore>, window_params = [{transform_indices = #map}, {transform_indices = #map}, {transform_indices = #map}, {transform_indices = #map}, {transform_indices = #map1}, {transform_indices = #map1}, {transform_indices = #map}, {transform_indices = #map}]} {
    %broadcast_in_dim3A = arith.constant 0.000000e+00 : f32
    %broadcast_in_dim3A_0 = vector.broadcast %broadcast_in_dim3A : f32 to vector<16xf32>
    %scan3A = arith.constant 0 : i32
    %scan3A_1 = arith.constant 0 : i32
    %scan3A_2 = arith.constant 128 : i32
    %scan3A_3 = arith.addi %scan3A_1, %scan3A_2 : i32
    %scan3A_4 = arith.constant 1 : i32
    scf.for %scan3A_55 = %scan3A_1 to %scan3A_3 step %scan3A_4  : i32 {
      %swap3A = arith.index_cast %scan3A_55 : i32 to index
      %swap3A_56 = arith.constant 0 : index
      %swap3A_57 = tpu.vector_load %arg17[%swap3A, %swap3A_56] {strides = array<i32>} : memref<128x128xf32, #tpu.memory_space<vmem>>, vector<16xf32>,
      tpu.vector_store %arg17[%swap3A, %swap3A_56], %broadcast_in_dim3A_0 {strides = array<i32>} : memref<128x128xf32, #tpu.memory_space<vmem>>, vector<16xf32>,
      %swap3A_58 = arith.index_cast %scan3A_55 : i32 to index
      %swap3A_59 = arith.constant 16 : index
      %swap3A_60 = tpu.vector_load %arg17[%swap3A_58, %swap3A_59] {strides = array<i32>} : memref<128x128xf32, #tpu.memory_space<vmem>>, vector<16xf32>,
      tpu.vector_store %arg17[%swap3A_58, %swap3A_59], %broadcast_in_dim3A_0 {strides = array<i32>} : memref<128x128xf32, #tpu.memory_space<vmem>>, vector<16xf32>,
      %swap3A_61 = arith.index_cast %scan3A_55 : i32 to index
      %swap3A_62 = arith.constant 32 : index
      %swap3A_63 = tpu.vector_load %arg17[%swap3A_61, %swap3A_62] {strides = array<i32>} : memref<128x128xf32, #tpu.memory_space<vmem>>, vector<16xf32>,
      tpu.vector_store %arg17[%swap3A_61, %swap3A_62], %broadcast_in_dim3A_0 {strides = array<i32>} : memref<128x128xf32, #tpu.memory_space<vmem>>, vector<16xf32>,
      %swap3A_64 = arith.index_cast %scan3A_55 : i32 to index
      %swap3A_65 = arith.constant 48 : index
      %swap3A_66 = tpu.vector_load %arg17[%swap3A_64, %swap3A_65] {strides = array<i32>} : memref<128x128xf32, #tpu.memory_space<vmem>>, vector<16xf32>,
      tpu.vector_store %arg17[%swap3A_64, %swap3A_65], %broadcast_in_dim3A_0 {strides = array<i32>} : memref<128x128xf32, #tpu.memory_space<vmem>>, vector<16xf32>,
      %swap3A_67 = arith.index_cast %scan3A_55 : i32 to index
      %swap3A_68 = arith.constant 64 : index
      %swap3A_69 = tpu.vector_load %arg17[%swap3A_67, %swap3A_68] {strides = array<i32>} : memref<128x128xf32, #tpu.memory_space<vmem>>, vector<16xf32>,
      tpu.vector_store %arg17[%swap3A_67, %swap3A_68], %broadcast_in_dim3A_0 {strides = array<i32>} : memref<128x128xf32, #tpu.memory_space<vmem>>, vector<16xf32>,
      %swap3A_70 = arith.index_cast %scan3A_55 : i32 to index
      %swap3A_71 = arith.constant 80 : index
      %swap3A_72 = tpu.vector_load %arg17[%swap3A_70, %swap3A_71] {strides = array<i32>} : memref<128x128xf32, #tpu.memory_space<vmem>>, vector<16xf32>,
      tpu.vector_store %arg17[%swap3A_70, %swap3A_71], %broadcast_in_dim3A_0 {strides = array<i32>} : memref<128x128xf32, #tpu.memory_space<vmem>>, vector<16xf32>,
      %swap3A_73 = arith.index_cast %scan3A_55 : i32 to index
      %swap3A_74 = arith.constant 96 : index
      %swap3A_75 = tpu.vector_load %arg17[%swap3A_73, %swap3A_74] {strides = array<i32>} : memref<128x128xf32, #tpu.memory_space<vmem>>, vector<16xf32>,
      tpu.vector_store %arg17[%swap3A_73, %swap3A_74], %broadcast_in_dim3A_0 {strides = array<i32>} : memref<128x128xf32, #tpu.memory_space<vmem>>, vector<16xf32>,
      %swap3A_76 = arith.index_cast %scan3A_55 : i32 to index
      %swap3A_77 = arith.constant 112 : index
      %swap3A_78 = tpu.vector_load %arg17[%swap3A_76, %swap3A_77] {strides = array<i32>} : memref<128x128xf32, #tpu.memory_space<vmem>>, vector<16xf32>,
      tpu.vector_store %arg17[%swap3A_76, %swap3A_77], %broadcast_in_dim3A_0 {strides = array<i32>} : memref<128x128xf32, #tpu.memory_space<vmem>>, vector<16xf32>,
      %swap3A_79 = arith.index_cast %scan3A_55 : i32 to index
      %swap3A_80 = arith.constant 0 : index
      %swap3A_81 = tpu.vector_load %arg18[%swap3A_79, %swap3A_80] {strides = array<i32>} : memref<128x32xf32, #tpu.memory_space<vmem>>, vector<16xf32>,
      tpu.vector_store %arg18[%swap3A_79, %swap3A_80], %broadcast_in_dim3A_0 {strides = array<i32>} : memref<128x32xf32, #tpu.memory_space<vmem>>, vector<16xf32>,
      %swap3A_82 = arith.index_cast %scan3A_55 : i32 to index
      %swap3A_83 = arith.constant 16 : index
      %swap3A_84 = tpu.vector_load %arg18[%swap3A_82, %swap3A_83] {strides = array<i32>} : memref<128x32xf32, #tpu.memory_space<vmem>>, vector<16xf32>,
      tpu.vector_store %arg18[%swap3A_82, %swap3A_83], %broadcast_in_dim3A_0 {strides = array<i32>} : memref<128x32xf32, #tpu.memory_space<vmem>>, vector<16xf32>,
    }
    %scan3A_5 = arith.constant 128 : i32
    %add3A = arith.constant 0 : i32
    %add3A_6 = arith.addi %arg1, %add3A : i32
    %lt3A = arith.constant 41 : i32
    %lt3A_7 = arith.cmpi slt, %add3A_6, %lt3A : i32
    %convert_element_type3A = arith.extui %lt3A_7 : i1 to i32
    %cond3A = arith.constant 0 : i32
    %cond3A_8 = arith.cmpi ne, %convert_element_type3A, %cond3A : i32
    scf.if %cond3A_8 {
      %mul3A_55 = arith.constant 128 : i32
      %mul3A_56 = arith.muli %add3A_6, %mul3A_55 : i32
      "tpu.region"() ({
        %run_scoped3A = tpu.sem_alloc : memref<!tpu.dma_semaphore, #tpu.memory_space<semaphore_mem>>
        %dma_start3A = arith.constant 0 : i32
        %dma_start3A_59 = tpu.memref_slice %arg19[%mul3A_56, %dma_start3A] : memref<5248x128xf32, #tpu.memory_space<vmem_shared>> -> memref<128x128xf32, #tpu.memory_space<vmem_shared>>
        %dma_start3A_60 = arith.constant 0 : i32
        %dma_start3A_61 = tpu.memref_slice %arg19[%mul3A_56, %dma_start3A_60] : memref<5248x128xf32, #tpu.memory_space<vmem_shared>> -> memref<128x128xf32, #tpu.memory_space<vmem_shared>>
        tpu.enqueue_dma source(%arg17 : memref<128x128xf32, #tpu.memory_space<vmem>>) target(%dma_start3A_61 : memref<128x128xf32, #tpu.memory_space<vmem_shared>>) target_semaphore(%run_scoped3A : memref<!tpu.dma_semaphore, #tpu.memory_space<semaphore_mem>>)
        %dma_wait3A = arith.constant 0 : i32
        %dma_wait3A_62 = tpu.memref_slice %arg19[%mul3A_56, %dma_wait3A] : memref<5248x128xf32, #tpu.memory_space<vmem_shared>> -> memref<128x128xf32, #tpu.memory_space<vmem_shared>>
        %dma_wait3A_63 = arith.constant 0 : i32
        %dma_wait3A_64 = tpu.memref_slice %arg19[%mul3A_56, %dma_wait3A_63] : memref<5248x128xf32, #tpu.memory_space<vmem_shared>> -> memref<128x128xf32, #tpu.memory_space<vmem_shared>>
        tpu.wait_dma2 semaphore(%run_scoped3A : memref<!tpu.dma_semaphore, #tpu.memory_space<semaphore_mem>>) src(%arg17 : memref<128x128xf32, #tpu.memory_space<vmem>>) dst(%dma_wait3A_64 : memref<128x128xf32, #tpu.memory_space<vmem_shared>>)
        tpu.yield
      }) : () -> ()
      %mul3A_57 = arith.constant 128 : i32
      %mul3A_58 = arith.muli %add3A_6, %mul3A_57 : i32
      "tpu.region"() ({
        %run_scoped3A = tpu.sem_alloc : memref<!tpu.dma_semaphore, #tpu.memory_space<semaphore_mem>>
        %dma_start3A = arith.constant 0 : i32
        %dma_start3A_59 = tpu.memref_slice %arg20[%mul3A_58, %dma_start3A] : memref<5248x32xf32, #tpu.memory_space<vmem_shared>> -> memref<128x32xf32, #tpu.memory_space<vmem_shared>>
        %dma_start3A_60 = arith.constant 0 : i32
        %dma_start3A_61 = tpu.memref_slice %arg20[%mul3A_58, %dma_start3A_60] : memref<5248x32xf32, #tpu.memory_space<vmem_shared>> -> memref<128x32xf32, #tpu.memory_space<vmem_shared>>
        tpu.enqueue_dma source(%arg18 : memref<128x32xf32, #tpu.memory_space<vmem>>) target(%dma_start3A_61 : memref<128x32xf32, #tpu.memory_space<vmem_shared>>) target_semaphore(%run_scoped3A : memref<!tpu.dma_semaphore, #tpu.memory_space<semaphore_mem>>)
        %dma_wait3A = arith.constant 0 : i32
        %dma_wait3A_62 = tpu.memref_slice %arg20[%mul3A_58, %dma_wait3A] : memref<5248x32xf32, #tpu.memory_space<vmem_shared>> -> memref<128x32xf32, #tpu.memory_space<vmem_shared>>
        %dma_wait3A_63 = arith.constant 0 : i32
        %dma_wait3A_64 = tpu.memref_slice %arg20[%mul3A_58, %dma_wait3A_63] : memref<5248x32xf32, #tpu.memory_space<vmem_shared>> -> memref<128x32xf32, #tpu.memory_space<vmem_shared>>
        tpu.wait_dma2 semaphore(%run_scoped3A : memref<!tpu.dma_semaphore, #tpu.memory_space<semaphore_mem>>) src(%arg18 : memref<128x32xf32, #tpu.memory_space<vmem>>) dst(%dma_wait3A_64 : memref<128x32xf32, #tpu.memory_space<vmem_shared>>)
        tpu.yield
      }) : () -> ()
    } else {
    }
    %add3A_9 = arith.constant 16 : i32
    %add3A_10 = arith.addi %arg1, %add3A_9 : i32
    %lt3A_11 = arith.constant 41 : i32
    %lt3A_12 = arith.cmpi slt, %add3A_10, %lt3A_11 : i32
    %convert_element_type3A_13 = arith.extui %lt3A_12 : i1 to i32
    %cond3A_14 = arith.constant 0 : i32
    %cond3A_15 = arith.cmpi ne, %convert_element_type3A_13, %cond3A_14 : i32
    scf.if %cond3A_15 {
      %mul3A_55 = arith.constant 128 : i32
      %mul3A_56 = arith.muli %add3A_10, %mul3A_55 : i32
      "tpu.region"() ({
        %run_scoped3A = tpu.sem_alloc : memref<!tpu.dma_semaphore, #tpu.memory_space<semaphore_mem>>
        %dma_start3A = arith.constant 0 : i32
        %dma_start3A_59 = tpu.memref_slice %arg19[%mul3A_56, %dma_start3A] : memref<5248x128xf32, #tpu.memory_space<vmem_shared>> -> memref<128x128xf32, #tpu.memory_space<vmem_shared>>
        %dma_start3A_60 = arith.constant 0 : i32
        %dma_start3A_61 = tpu.memref_slice %arg19[%mul3A_56, %dma_start3A_60] : memref<5248x128xf32, #tpu.memory_space<vmem_shared>> -> memref<128x128xf32, #tpu.memory_space<vmem_shared>>
        tpu.enqueue_dma source(%arg17 : memref<128x128xf32, #tpu.memory_space<vmem>>) target(%dma_start3A_61 : memref<128x128xf32, #tpu.memory_space<vmem_shared>>) target_semaphore(%run_scoped3A : memref<!tpu.dma_semaphore, #tpu.memory_space<semaphore_mem>>)
        %dma_wait3A = arith.constant 0 : i32
        %dma_wait3A_62 = tpu.memref_slice %arg19[%mul3A_56, %dma_wait3A] : memref<5248x128xf32, #tpu.memory_space<vmem_shared>> -> memref<128x128xf32, #tpu.memory_space<vmem_shared>>
        %dma_wait3A_63 = arith.constant 0 : i32
        %dma_wait3A_64 = tpu.memref_slice %arg19[%mul3A_56, %dma_wait3A_63] : memref<5248x128xf32, #tpu.memory_space<vmem_shared>> -> memref<128x128xf32, #tpu.memory_space<vmem_shared>>
        tpu.wait_dma2 semaphore(%run_scoped3A : memref<!tpu.dma_semaphore, #tpu.memory_space<semaphore_mem>>) src(%arg17 : memref<128x128xf32, #tpu.memory_space<vmem>>) dst(%dma_wait3A_64 : memref<128x128xf32, #tpu.memory_space<vmem_shared>>)
        tpu.yield
      }) : () -> ()
      %mul3A_57 = arith.constant 128 : i32
      %mul3A_58 = arith.muli %add3A_10, %mul3A_57 : i32
      "tpu.region"() ({
        %run_scoped3A = tpu.sem_alloc : memref<!tpu.dma_semaphore, #tpu.memory_space<semaphore_mem>>
        %dma_start3A = arith.constant 0 : i32
        %dma_start3A_59 = tpu.memref_slice %arg20[%mul3A_58, %dma_start3A] : memref<5248x32xf32, #tpu.memory_space<vmem_shared>> -> memref<128x32xf32, #tpu.memory_space<vmem_shared>>
        %dma_start3A_60 = arith.constant 0 : i32
        %dma_start3A_61 = tpu.memref_slice %arg20[%mul3A_58, %dma_start3A_60] : memref<5248x32xf32, #tpu.memory_space<vmem_shared>> -> memref<128x32xf32, #tpu.memory_space<vmem_shared>>
        tpu.enqueue_dma source(%arg18 : memref<128x32xf32, #tpu.memory_space<vmem>>) target(%dma_start3A_61 : memref<128x32xf32, #tpu.memory_space<vmem_shared>>) target_semaphore(%run_scoped3A : memref<!tpu.dma_semaphore, #tpu.memory_space<semaphore_mem>>)
        %dma_wait3A = arith.constant 0 : i32
        %dma_wait3A_62 = tpu.memref_slice %arg20[%mul3A_58, %dma_wait3A] : memref<5248x32xf32, #tpu.memory_space<vmem_shared>> -> memref<128x32xf32, #tpu.memory_space<vmem_shared>>
        %dma_wait3A_63 = arith.constant 0 : i32
        %dma_wait3A_64 = tpu.memref_slice %arg20[%mul3A_58, %dma_wait3A_63] : memref<5248x32xf32, #tpu.memory_space<vmem_shared>> -> memref<128x32xf32, #tpu.memory_space<vmem_shared>>
        tpu.wait_dma2 semaphore(%run_scoped3A : memref<!tpu.dma_semaphore, #tpu.memory_space<semaphore_mem>>) src(%arg18 : memref<128x32xf32, #tpu.memory_space<vmem>>) dst(%dma_wait3A_64 : memref<128x32xf32, #tpu.memory_space<vmem_shared>>)
        tpu.yield
      }) : () -> ()
    } else {
    }
    %add3A_16 = arith.constant 32 : i32
    %add3A_17 = arith.addi %arg1, %add3A_16 : i32
    %lt3A_18 = arith.constant 41 : i32
    %lt3A_19 = arith.cmpi slt, %add3A_17, %lt3A_18 : i32
    %convert_element_type3A_20 = arith.extui %lt3A_19 : i1 to i32
    %cond3A_21 = arith.constant 0 : i32
    %cond3A_22 = arith.cmpi ne, %convert_element_type3A_20, %cond3A_21 : i32
    scf.if %cond3A_22 {
      %mul3A_55 = arith.constant 128 : i32
      %mul3A_56 = arith.muli %add3A_17, %mul3A_55 : i32
      "tpu.region"() ({
        %run_scoped3A = tpu.sem_alloc : memref<!tpu.dma_semaphore, #tpu.memory_space<semaphore_mem>>
        %dma_start3A = arith.constant 0 : i32
        %dma_start3A_59 = tpu.memref_slice %arg19[%mul3A_56, %dma_start3A] : memref<5248x128xf32, #tpu.memory_space<vmem_shared>> -> memref<128x128xf32, #tpu.memory_space<vmem_shared>>
        %dma_start3A_60 = arith.constant 0 : i32
        %dma_start3A_61 = tpu.memref_slice %arg19[%mul3A_56, %dma_start3A_60] : memref<5248x128xf32, #tpu.memory_space<vmem_shared>> -> memref<128x128xf32, #tpu.memory_space<vmem_shared>>
        tpu.enqueue_dma source(%arg17 : memref<128x128xf32, #tpu.memory_space<vmem>>) target(%dma_start3A_61 : memref<128x128xf32, #tpu.memory_space<vmem_shared>>) target_semaphore(%run_scoped3A : memref<!tpu.dma_semaphore, #tpu.memory_space<semaphore_mem>>)
        %dma_wait3A = arith.constant 0 : i32
        %dma_wait3A_62 = tpu.memref_slice %arg19[%mul3A_56, %dma_wait3A] : memref<5248x128xf32, #tpu.memory_space<vmem_shared>> -> memref<128x128xf32, #tpu.memory_space<vmem_shared>>
        %dma_wait3A_63 = arith.constant 0 : i32
        %dma_wait3A_64 = tpu.memref_slice %arg19[%mul3A_56, %dma_wait3A_63] : memref<5248x128xf32, #tpu.memory_space<vmem_shared>> -> memref<128x128xf32, #tpu.memory_space<vmem_shared>>
        tpu.wait_dma2 semaphore(%run_scoped3A : memref<!tpu.dma_semaphore, #tpu.memory_space<semaphore_mem>>) src(%arg17 : memref<128x128xf32, #tpu.memory_space<vmem>>) dst(%dma_wait3A_64 : memref<128x128xf32, #tpu.memory_space<vmem_shared>>)
        tpu.yield
      }) : () -> ()
      %mul3A_57 = arith.constant 128 : i32
      %mul3A_58 = arith.muli %add3A_17, %mul3A_57 : i32
      "tpu.region"() ({
        %run_scoped3A = tpu.sem_alloc : memref<!tpu.dma_semaphore, #tpu.memory_space<semaphore_mem>>
        %dma_start3A = arith.constant 0 : i32
        %dma_start3A_59 = tpu.memref_slice %arg20[%mul3A_58, %dma_start3A] : memref<5248x32xf32, #tpu.memory_space<vmem_shared>> -> memref<128x32xf32, #tpu.memory_space<vmem_shared>>
        %dma_start3A_60 = arith.constant 0 : i32
        %dma_start3A_61 = tpu.memref_slice %arg20[%mul3A_58, %dma_start3A_60] : memref<5248x32xf32, #tpu.memory_space<vmem_shared>> -> memref<128x32xf32, #tpu.memory_space<vmem_shared>>
        tpu.enqueue_dma source(%arg18 : memref<128x32xf32, #tpu.memory_space<vmem>>) target(%dma_start3A_61 : memref<128x32xf32, #tpu.memory_space<vmem_shared>>) target_semaphore(%run_scoped3A : memref<!tpu.dma_semaphore, #tpu.memory_space<semaphore_mem>>)
        %dma_wait3A = arith.constant 0 : i32
        %dma_wait3A_62 = tpu.memref_slice %arg20[%mul3A_58, %dma_wait3A] : memref<5248x32xf32, #tpu.memory_space<vmem_shared>> -> memref<128x32xf32, #tpu.memory_space<vmem_shared>>
        %dma_wait3A_63 = arith.constant 0 : i32
        %dma_wait3A_64 = tpu.memref_slice %arg20[%mul3A_58, %dma_wait3A_63] : memref<5248x32xf32, #tpu.memory_space<vmem_shared>> -> memref<128x32xf32, #tpu.memory_space<vmem_shared>>
        tpu.wait_dma2 semaphore(%run_scoped3A : memref<!tpu.dma_semaphore, #tpu.memory_space<semaphore_mem>>) src(%arg18 : memref<128x32xf32, #tpu.memory_space<vmem>>) dst(%dma_wait3A_64 : memref<128x32xf32, #tpu.memory_space<vmem_shared>>)
        tpu.yield
      }) : () -> ()
    } else {
    }
    %barrier3A = arith.constant 0 : index
    tpu.barrier barrier_id(%barrier3A)
    %mul3A = arith.constant 5120 : i32
    %mul3A_23 = arith.muli %arg0, %mul3A : i32
    %mul3A_24 = arith.constant 20224 : i32
    %mul3A_25 = arith.muli %arg1, %mul3A_24 : i32
    %scan3A_26 = arith.constant 0 : i32
    %scan3A_27 = arith.constant 0.0883883461 : f32
    %scan3A_28 = arith.constant 0 : i32
    %scan3A_29 = arith.constant 158 : i32
    %scan3A_30 = arith.addi %scan3A_28, %scan3A_29 : i32
    %scan3A_31 = arith.constant 1 : i32
    scf.for %scan3A_55 = %scan3A_28 to %scan3A_30 step %scan3A_31  : i32 {
      %mul3A_56 = arith.constant 128 : i32
      %mul3A_57 = arith.muli %scan3A_55, %mul3A_56 : i32
      %add3A_58 = arith.addi %mul3A_25, %mul3A_57 : i32
      "tpu.region"() ({
        %run_scoped3A = tpu.sem_alloc : memref<!tpu.dma_semaphore, #tpu.memory_space<semaphore_mem>>
        %dma_start3A_206 = tpu.memref_slice %arg6[%add3A_58] : memref<323584xi32, #tpu.memory_space<hbm>> -> memref<128xi32, #tpu.memory_space<hbm>>
        %dma_start3A_207 = tpu.memref_slice %arg6[%add3A_58] : memref<323584xi32, #tpu.memory_space<hbm>> -> memref<128xi32, #tpu.memory_space<hbm>>
        tpu.enqueue_dma source(%dma_start3A_207 : memref<128xi32, #tpu.memory_space<hbm>>) target(%arg10 : memref<128xi32, #tpu.memory_space<vmem>>) target_semaphore(%run_scoped3A : memref<!tpu.dma_semaphore, #tpu.memory_space<semaphore_mem>>)
        %dma_wait3A_208 = tpu.memref_slice %arg6[%add3A_58] : memref<323584xi32, #tpu.memory_space<hbm>> -> memref<128xi32, #tpu.memory_space<hbm>>
        %dma_wait3A_209 = tpu.memref_slice %arg6[%add3A_58] : memref<323584xi32, #tpu.memory_space<hbm>> -> memref<128xi32, #tpu.memory_space<hbm>>
        tpu.wait_dma2 semaphore(%run_scoped3A : memref<!tpu.dma_semaphore, #tpu.memory_space<semaphore_mem>>) src(%dma_wait3A_209 : memref<128xi32, #tpu.memory_space<hbm>>) dst(%arg10 : memref<128xi32, #tpu.memory_space<vmem>>)
        tpu.yield
      }) : () -> ()
      "tpu.region"() ({
        %run_scoped3A = tpu.sem_alloc : memref<!tpu.dma_semaphore, #tpu.memory_space<semaphore_mem>>
        %dma_start3A_206 = tpu.memref_slice %arg7[%add3A_58] : memref<323584xi32, #tpu.memory_space<hbm>> -> memref<128xi32, #tpu.memory_space<hbm>>
        %dma_start3A_207 = tpu.memref_slice %arg7[%add3A_58] : memref<323584xi32, #tpu.memory_space<hbm>> -> memref<128xi32, #tpu.memory_space<hbm>>
        tpu.enqueue_dma source(%dma_start3A_207 : memref<128xi32, #tpu.memory_space<hbm>>) target(%arg11 : memref<128xi32, #tpu.memory_space<vmem>>) target_semaphore(%run_scoped3A : memref<!tpu.dma_semaphore, #tpu.memory_space<semaphore_mem>>)
        %dma_wait3A_208 = tpu.memref_slice %arg7[%add3A_58] : memref<323584xi32, #tpu.memory_space<hbm>> -> memref<128xi32, #tpu.memory_space<hbm>>
        %dma_wait3A_209 = tpu.memref_slice %arg7[%add3A_58] : memref<323584xi32, #tpu.memory_space<hbm>> -> memref<128xi32, #tpu.memory_space<hbm>>
        tpu.wait_dma2 semaphore(%run_scoped3A : memref<!tpu.dma_semaphore, #tpu.memory_space<semaphore_mem>>) src(%dma_wait3A_209 : memref<128xi32, #tpu.memory_space<hbm>>) dst(%arg11 : memref<128xi32, #tpu.memory_space<vmem>>)
        tpu.yield
      }) : () -> ()
      %dma_start3A = arith.constant 0 : i32
      %dma_start3A_59 = arith.constant 0 : i32
      %dma_start3A_60 = tpu.memref_slice %arg3[%dma_start3A, %dma_start3A_59] : memref<10240x128xf32, #tpu.memory_space<hbm>> -> memref<10240x128xf32, #tpu.memory_space<hbm>>
      tpu.enqueue_indirect_dma source(%dma_start3A_60 : memref<10240x128xf32, #tpu.memory_space<hbm>>) target(%arg14 : memref<128x128xf32, #tpu.memory_space<vmem>>) offsets(%arg10 : memref<128xi32, #tpu.memory_space<vmem>>) semaphore(%arg21 : memref<!tpu.dma_semaphore, #tpu.memory_space<semaphore_mem>>)
      %dma_start3A_61 = arith.constant 0 : i32
      %dma_start3A_62 = arith.constant 0 : i32
      %dma_start3A_63 = tpu.memref_slice %arg2[%dma_start3A_61, %dma_start3A_62] : memref<10240x160xf32, #tpu.memory_space<hbm>> -> memref<10240x160xf32, #tpu.memory_space<hbm>>
      tpu.enqueue_indirect_dma source(%dma_start3A_63 : memref<10240x160xf32, #tpu.memory_space<hbm>>) target(%arg13 : memref<128x160xf32, #tpu.memory_space<vmem>>) offsets(%arg11 : memref<128xi32, #tpu.memory_space<vmem>>) semaphore(%arg21 : memref<!tpu.dma_semaphore, #tpu.memory_space<semaphore_mem>>)
      %dma_start3A_64 = arith.constant 0 : i32
      %dma_start3A_65 = arith.constant 0 : i32
      %dma_start3A_66 = tpu.memref_slice %arg4[%dma_start3A_64, %dma_start3A_65] : memref<10240x128xf32, #tpu.memory_space<hbm>> -> memref<10240x128xf32, #tpu.memory_space<hbm>>
      tpu.enqueue_indirect_dma source(%dma_start3A_66 : memref<10240x128xf32, #tpu.memory_space<hbm>>) target(%arg15 : memref<128x128xf32, #tpu.memory_space<vmem>>) offsets(%arg10 : memref<128xi32, #tpu.memory_space<vmem>>) semaphore(%arg21 : memref<!tpu.dma_semaphore, #tpu.memory_space<semaphore_mem>>)
      %dma_start3A_67 = arith.constant 0 : i32
      %dma_start3A_68 = tpu.memref_slice %arg5[%add3A_58, %dma_start3A_67] : memref<323584x32xf32, #tpu.memory_space<hbm>> -> memref<128x32xf32, #tpu.memory_space<hbm>>
      %dma_start3A_69 = arith.constant 0 : i32
      %dma_start3A_70 = tpu.memref_slice %arg5[%add3A_58, %dma_start3A_69] : memref<323584x32xf32, #tpu.memory_space<hbm>> -> memref<128x32xf32, #tpu.memory_space<hbm>>
      tpu.enqueue_dma source(%dma_start3A_70 : memref<128x32xf32, #tpu.memory_space<hbm>>) target(%arg16 : memref<128x32xf32, #tpu.memory_space<vmem>>) target_semaphore(%arg21 : memref<!tpu.dma_semaphore, #tpu.memory_space<semaphore_mem>>)
      %get3A = arith.constant 0 : index
      %get3A_71 = tpu.vector_load %arg11[%get3A] {strides = array<i32>} : memref<128xi32, #tpu.memory_space<vmem>>, vector<16xi32>,
      %sub3A = vector.broadcast %mul3A_23 : i32 to vector<16xi32>
      %sub3A_72 = arith.subi %get3A_71, %sub3A : vector<16xi32>
      %lt3A_73 = arith.constant 0 : i32
      %lt3A_74 = vector.broadcast %lt3A_73 : i32 to vector<16xi32>
      %lt3A_75 = arith.cmpi slt, %sub3A_72, %lt3A_74 : vector<16xi32>
      %ge3A = arith.constant 5120 : i32
      %ge3A_76 = vector.broadcast %ge3A : i32 to vector<16xi32>
      %ge3A_77 = arith.cmpi sge, %sub3A_72, %ge3A_76 : vector<16xi32>
      %or3A = arith.ori %lt3A_75, %ge3A_77 : vector<16xi1>
      %jit3A = arith.constant 5120 : i32
      %broadcast_in_dim3A_78 = vector.broadcast %jit3A : i32 to vector<16xi32>
      %select_n3A = arith.select %or3A, %broadcast_in_dim3A_78, %sub3A_72 : vector<16xi1>, vector<16xi32>
      %swap3A = arith.constant 0 : index
      %swap3A_79 = tpu.vector_load %arg12[%swap3A] {strides = array<i32>} : memref<128xi32, #tpu.memory_space<vmem>>, vector<16xi32>,
      tpu.vector_store %arg12[%swap3A], %select_n3A {strides = array<i32>} : memref<128xi32, #tpu.memory_space<vmem>>, vector<16xi32>,
      %get3A_80 = arith.constant 16 : index
      %get3A_81 = tpu.vector_load %arg11[%get3A_80] {strides = array<i32>} : memref<128xi32, #tpu.memory_space<vmem>>, vector<16xi32>,
      %sub3A_82 = vector.broadcast %mul3A_23 : i32 to vector<16xi32>
      %sub3A_83 = arith.subi %get3A_81, %sub3A_82 : vector<16xi32>
      %lt3A_84 = arith.constant 0 : i32
      %lt3A_85 = vector.broadcast %lt3A_84 : i32 to vector<16xi32>
      %lt3A_86 = arith.cmpi slt, %sub3A_83, %lt3A_85 : vector<16xi32>
      %ge3A_87 = arith.constant 5120 : i32
      %ge3A_88 = vector.broadcast %ge3A_87 : i32 to vector<16xi32>
      %ge3A_89 = arith.cmpi sge, %sub3A_83, %ge3A_88 : vector<16xi32>
      %or3A_90 = arith.ori %lt3A_86, %ge3A_89 : vector<16xi1>
      %jit3A_91 = arith.constant 5120 : i32
      %broadcast_in_dim3A_92 = vector.broadcast %jit3A_91 : i32 to vector<16xi32>
      %select_n3A_93 = arith.select %or3A_90, %broadcast_in_dim3A_92, %sub3A_83 : vector<16xi1>, vector<16xi32>
      %swap3A_94 = arith.constant 16 : index
      %swap3A_95 = tpu.vector_load %arg12[%swap3A_94] {strides = array<i32>} : memref<128xi32, #tpu.memory_space<vmem>>, vector<16xi32>,
      tpu.vector_store %arg12[%swap3A_94], %select_n3A_93 {strides = array<i32>} : memref<128xi32, #tpu.memory_space<vmem>>, vector<16xi32>,
      %get3A_96 = arith.constant 32 : index
      %get3A_97 = tpu.vector_load %arg11[%get3A_96] {strides = array<i32>} : memref<128xi32, #tpu.memory_space<vmem>>, vector<16xi32>,
      %sub3A_98 = vector.broadcast %mul3A_23 : i32 to vector<16xi32>
      %sub3A_99 = arith.subi %get3A_97, %sub3A_98 : vector<16xi32>
      %lt3A_100 = arith.constant 0 : i32
      %lt3A_101 = vector.broadcast %lt3A_100 : i32 to vector<16xi32>
      %lt3A_102 = arith.cmpi slt, %sub3A_99, %lt3A_101 : vector<16xi32>
      %ge3A_103 = arith.constant 5120 : i32
      %ge3A_104 = vector.broadcast %ge3A_103 : i32 to vector<16xi32>
      %ge3A_105 = arith.cmpi sge, %sub3A_99, %ge3A_104 : vector<16xi32>
      %or3A_106 = arith.ori %lt3A_102, %ge3A_105 : vector<16xi1>
      %jit3A_107 = arith.constant 5120 : i32
      %broadcast_in_dim3A_108 = vector.broadcast %jit3A_107 : i32 to vector<16xi32>
      %select_n3A_109 = arith.select %or3A_106, %broadcast_in_dim3A_108, %sub3A_99 : vector<16xi1>, vector<16xi32>
      %swap3A_110 = arith.constant 32 : index
      %swap3A_111 = tpu.vector_load %arg12[%swap3A_110] {strides = array<i32>} : memref<128xi32, #tpu.memory_space<vmem>>, vector<16xi32>,
      tpu.vector_store %arg12[%swap3A_110], %select_n3A_109 {strides = array<i32>} : memref<128xi32, #tpu.memory_space<vmem>>, vector<16xi32>,
      %get3A_112 = arith.constant 48 : index
      %get3A_113 = tpu.vector_load %arg11[%get3A_112] {strides = array<i32>} : memref<128xi32, #tpu.memory_space<vmem>>, vector<16xi32>,
      %sub3A_114 = vector.broadcast %mul3A_23 : i32 to vector<16xi32>
      %sub3A_115 = arith.subi %get3A_113, %sub3A_114 : vector<16xi32>
      %lt3A_116 = arith.constant 0 : i32
      %lt3A_117 = vector.broadcast %lt3A_116 : i32 to vector<16xi32>
      %lt3A_118 = arith.cmpi slt, %sub3A_115, %lt3A_117 : vector<16xi32>
      %ge3A_119 = arith.constant 5120 : i32
      %ge3A_120 = vector.broadcast %ge3A_119 : i32 to vector<16xi32>
      %ge3A_121 = arith.cmpi sge, %sub3A_115, %ge3A_120 : vector<16xi32>
      %or3A_122 = arith.ori %lt3A_118, %ge3A_121 : vector<16xi1>
      %jit3A_123 = arith.constant 5120 : i32
      %broadcast_in_dim3A_124 = vector.broadcast %jit3A_123 : i32 to vector<16xi32>
      %select_n3A_125 = arith.select %or3A_122, %broadcast_in_dim3A_124, %sub3A_115 : vector<16xi1>, vector<16xi32>
      %swap3A_126 = arith.constant 48 : index
      %swap3A_127 = tpu.vector_load %arg12[%swap3A_126] {strides = array<i32>} : memref<128xi32, #tpu.memory_space<vmem>>, vector<16xi32>,
      tpu.vector_store %arg12[%swap3A_126], %select_n3A_125 {strides = array<i32>} : memref<128xi32, #tpu.memory_space<vmem>>, vector<16xi32>,
      %get3A_128 = arith.constant 64 : index
      %get3A_129 = tpu.vector_load %arg11[%get3A_128] {strides = array<i32>} : memref<128xi32, #tpu.memory_space<vmem>>, vector<16xi32>,
      %sub3A_130 = vector.broadcast %mul3A_23 : i32 to vector<16xi32>
      %sub3A_131 = arith.subi %get3A_129, %sub3A_130 : vector<16xi32>
      %lt3A_132 = arith.constant 0 : i32
      %lt3A_133 = vector.broadcast %lt3A_132 : i32 to vector<16xi32>
      %lt3A_134 = arith.cmpi slt, %sub3A_131, %lt3A_133 : vector<16xi32>
      %ge3A_135 = arith.constant 5120 : i32
      %ge3A_136 = vector.broadcast %ge3A_135 : i32 to vector<16xi32>
      %ge3A_137 = arith.cmpi sge, %sub3A_131, %ge3A_136 : vector<16xi32>
      %or3A_138 = arith.ori %lt3A_134, %ge3A_137 : vector<16xi1>
      %jit3A_139 = arith.constant 5120 : i32
      %broadcast_in_dim3A_140 = vector.broadcast %jit3A_139 : i32 to vector<16xi32>
      %select_n3A_141 = arith.select %or3A_138, %broadcast_in_dim3A_140, %sub3A_131 : vector<16xi1>, vector<16xi32>
      %swap3A_142 = arith.constant 64 : index
      %swap3A_143 = tpu.vector_load %arg12[%swap3A_142] {strides = array<i32>} : memref<128xi32, #tpu.memory_space<vmem>>, vector<16xi32>,
      tpu.vector_store %arg12[%swap3A_142], %select_n3A_141 {strides = array<i32>} : memref<128xi32, #tpu.memory_space<vmem>>, vector<16xi32>,
      %get3A_144 = arith.constant 80 : index
      %get3A_145 = tpu.vector_load %arg11[%get3A_144] {strides = array<i32>} : memref<128xi32, #tpu.memory_space<vmem>>, vector<16xi32>,
      %sub3A_146 = vector.broadcast %mul3A_23 : i32 to vector<16xi32>
      %sub3A_147 = arith.subi %get3A_145, %sub3A_146 : vector<16xi32>
      %lt3A_148 = arith.constant 0 : i32
      %lt3A_149 = vector.broadcast %lt3A_148 : i32 to vector<16xi32>
      %lt3A_150 = arith.cmpi slt, %sub3A_147, %lt3A_149 : vector<16xi32>
      %ge3A_151 = arith.constant 5120 : i32
      %ge3A_152 = vector.broadcast %ge3A_151 : i32 to vector<16xi32>
      %ge3A_153 = arith.cmpi sge, %sub3A_147, %ge3A_152 : vector<16xi32>
      %or3A_154 = arith.ori %lt3A_150, %ge3A_153 : vector<16xi1>
      %jit3A_155 = arith.constant 5120 : i32
      %broadcast_in_dim3A_156 = vector.broadcast %jit3A_155 : i32 to vector<16xi32>
      %select_n3A_157 = arith.select %or3A_154, %broadcast_in_dim3A_156, %sub3A_147 : vector<16xi1>, vector<16xi32>
      %swap3A_158 = arith.constant 80 : index
      %swap3A_159 = tpu.vector_load %arg12[%swap3A_158] {strides = array<i32>} : memref<128xi32, #tpu.memory_space<vmem>>, vector<16xi32>,
      tpu.vector_store %arg12[%swap3A_158], %select_n3A_157 {strides = array<i32>} : memref<128xi32, #tpu.memory_space<vmem>>, vector<16xi32>,
      %get3A_160 = arith.constant 96 : index
      %get3A_161 = tpu.vector_load %arg11[%get3A_160] {strides = array<i32>} : memref<128xi32, #tpu.memory_space<vmem>>, vector<16xi32>,
      %sub3A_162 = vector.broadcast %mul3A_23 : i32 to vector<16xi32>
      %sub3A_163 = arith.subi %get3A_161, %sub3A_162 : vector<16xi32>
      %lt3A_164 = arith.constant 0 : i32
      %lt3A_165 = vector.broadcast %lt3A_164 : i32 to vector<16xi32>
      %lt3A_166 = arith.cmpi slt, %sub3A_163, %lt3A_165 : vector<16xi32>
      %ge3A_167 = arith.constant 5120 : i32
      %ge3A_168 = vector.broadcast %ge3A_167 : i32 to vector<16xi32>
      %ge3A_169 = arith.cmpi sge, %sub3A_163, %ge3A_168 : vector<16xi32>
      %or3A_170 = arith.ori %lt3A_166, %ge3A_169 : vector<16xi1>
      %jit3A_171 = arith.constant 5120 : i32
      %broadcast_in_dim3A_172 = vector.broadcast %jit3A_171 : i32 to vector<16xi32>
      %select_n3A_173 = arith.select %or3A_170, %broadcast_in_dim3A_172, %sub3A_163 : vector<16xi1>, vector<16xi32>
      %swap3A_174 = arith.constant 96 : index
      %swap3A_175 = tpu.vector_load %arg12[%swap3A_174] {strides = array<i32>} : memref<128xi32, #tpu.memory_space<vmem>>, vector<16xi32>,
      tpu.vector_store %arg12[%swap3A_174], %select_n3A_173 {strides = array<i32>} : memref<128xi32, #tpu.memory_space<vmem>>, vector<16xi32>,
      %get3A_176 = arith.constant 112 : index
      %get3A_177 = tpu.vector_load %arg11[%get3A_176] {strides = array<i32>} : memref<128xi32, #tpu.memory_space<vmem>>, vector<16xi32>,
      %sub3A_178 = vector.broadcast %mul3A_23 : i32 to vector<16xi32>
      %sub3A_179 = arith.subi %get3A_177, %sub3A_178 : vector<16xi32>
      %lt3A_180 = arith.constant 0 : i32
      %lt3A_181 = vector.broadcast %lt3A_180 : i32 to vector<16xi32>
      %lt3A_182 = arith.cmpi slt, %sub3A_179, %lt3A_181 : vector<16xi32>
      %ge3A_183 = arith.constant 5120 : i32
      %ge3A_184 = vector.broadcast %ge3A_183 : i32 to vector<16xi32>
      %ge3A_185 = arith.cmpi sge, %sub3A_179, %ge3A_184 : vector<16xi32>
      %or3A_186 = arith.ori %lt3A_182, %ge3A_185 : vector<16xi1>
      %jit3A_187 = arith.constant 5120 : i32
      %broadcast_in_dim3A_188 = vector.broadcast %jit3A_187 : i32 to vector<16xi32>
      %select_n3A_189 = arith.select %or3A_186, %broadcast_in_dim3A_188, %sub3A_179 : vector<16xi1>, vector<16xi32>
      %swap3A_190 = arith.constant 112 : index
      %swap3A_191 = tpu.vector_load %arg12[%swap3A_190] {strides = array<i32>} : memref<128xi32, #tpu.memory_space<vmem>>, vector<16xi32>,
      tpu.vector_store %arg12[%swap3A_190], %select_n3A_189 {strides = array<i32>} : memref<128xi32, #tpu.memory_space<vmem>>, vector<16xi32>,
      %dma_wait3A = arith.constant 0 : i32
      %dma_wait3A_192 = arith.constant 0 : i32
      %dma_wait3A_193 = tpu.memref_slice %arg3[%dma_wait3A, %dma_wait3A_192] : memref<10240x128xf32, #tpu.memory_space<hbm>> -> memref<10240x128xf32, #tpu.memory_space<hbm>>
      tpu.wait_indirect_dma semaphore(%arg21 : memref<!tpu.dma_semaphore, #tpu.memory_space<semaphore_mem>>) src(%dma_wait3A_193 : memref<10240x128xf32, #tpu.memory_space<hbm>>) dst(%arg14 : memref<128x128xf32, #tpu.memory_space<vmem>>)
      %dma_wait3A_194 = arith.constant 0 : i32
      %dma_wait3A_195 = arith.constant 0 : i32
      %dma_wait3A_196 = tpu.memref_slice %arg2[%dma_wait3A_194, %dma_wait3A_195] : memref<10240x160xf32, #tpu.memory_space<hbm>> -> memref<10240x160xf32, #tpu.memory_space<hbm>>
      tpu.wait_indirect_dma semaphore(%arg21 : memref<!tpu.dma_semaphore, #tpu.memory_space<semaphore_mem>>) src(%dma_wait3A_196 : memref<10240x160xf32, #tpu.memory_space<hbm>>) dst(%arg13 : memref<128x160xf32, #tpu.memory_space<vmem>>)
      %dma_wait3A_197 = arith.constant 0 : i32
      %dma_wait3A_198 = arith.constant 0 : i32
      %dma_wait3A_199 = tpu.memref_slice %arg4[%dma_wait3A_197, %dma_wait3A_198] : memref<10240x128xf32, #tpu.memory_space<hbm>> -> memref<10240x128xf32, #tpu.memory_space<hbm>>
      tpu.wait_indirect_dma semaphore(%arg21 : memref<!tpu.dma_semaphore, #tpu.memory_space<semaphore_mem>>) src(%dma_wait3A_199 : memref<10240x128xf32, #tpu.memory_space<hbm>>) dst(%arg15 : memref<128x128xf32, #tpu.memory_space<vmem>>)
      %dma_wait3A_200 = arith.constant 0 : i32
      %dma_wait3A_201 = tpu.memref_slice %arg5[%add3A_58, %dma_wait3A_200] : memref<323584x32xf32, #tpu.memory_space<hbm>> -> memref<128x32xf32, #tpu.memory_space<hbm>>
      %dma_wait3A_202 = arith.constant 0 : i32
      %dma_wait3A_203 = tpu.memref_slice %arg5[%add3A_58, %dma_wait3A_202] : memref<323584x32xf32, #tpu.memory_space<hbm>> -> memref<128x32xf32, #tpu.memory_space<hbm>>
      tpu.wait_dma2 semaphore(%arg21 : memref<!tpu.dma_semaphore, #tpu.memory_space<semaphore_mem>>) src(%dma_wait3A_203 : memref<128x32xf32, #tpu.memory_space<hbm>>) dst(%arg16 : memref<128x32xf32, #tpu.memory_space<vmem>>)
      %parallel_loop3A = arith.constant 0 : i32
      %parallel_loop3A_204 = arith.constant 128 : i32
      %parallel_loop3A_205 = arith.constant 1 : i32
      scf.for %parallel_loop3A_206 = %parallel_loop3A to %parallel_loop3A_204 step %parallel_loop3A_205  : i32 {
        %parallel_loop3A_207 = arith.index_cast %parallel_loop3A_206 : i32 to index
        %parallel_loop3A_208 = arith.constant 0 : index
        %parallel_loop3A_209 = tpu.vector_load %arg13[%parallel_loop3A_207, %parallel_loop3A_208] {strides = array<i32>} : memref<128x160xf32, #tpu.memory_space<vmem>>, vector<16xf32>,
        %parallel_loop3A_210 = arith.index_cast %parallel_loop3A_206 : i32 to index
        %parallel_loop3A_211 = arith.constant 0 : index
        %parallel_loop3A_212 = tpu.vector_load %arg14[%parallel_loop3A_210, %parallel_loop3A_211] {strides = array<i32>} : memref<128x128xf32, #tpu.memory_space<vmem>>, vector<16xf32>,
        %parallel_loop3A_213 = arith.mulf %parallel_loop3A_209, %parallel_loop3A_212 : vector<16xf32>
        %parallel_loop3A_214 = arith.index_cast %parallel_loop3A_206 : i32 to index
        %parallel_loop3A_215 = arith.constant 16 : index
        %parallel_loop3A_216 = tpu.vector_load %arg13[%parallel_loop3A_214, %parallel_loop3A_215] {strides = array<i32>} : memref<128x160xf32, #tpu.memory_space<vmem>>, vector<16xf32>,
        %parallel_loop3A_217 = arith.index_cast %parallel_loop3A_206 : i32 to index
        %parallel_loop3A_218 = arith.constant 16 : index
        %parallel_loop3A_219 = tpu.vector_load %arg14[%parallel_loop3A_217, %parallel_loop3A_218] {strides = array<i32>} : memref<128x128xf32, #tpu.memory_space<vmem>>, vector<16xf32>,
        %parallel_loop3A_220 = arith.mulf %parallel_loop3A_216, %parallel_loop3A_219 : vector<16xf32>
        %parallel_loop3A_221 = arith.addf %parallel_loop3A_213, %parallel_loop3A_220 : vector<16xf32>
        %parallel_loop3A_222 = arith.index_cast %parallel_loop3A_206 : i32 to index
        %parallel_loop3A_223 = arith.constant 32 : index
        %parallel_loop3A_224 = tpu.vector_load %arg13[%parallel_loop3A_222, %parallel_loop3A_223] {strides = array<i32>} : memref<128x160xf32, #tpu.memory_space<vmem>>, vector<16xf32>,
        %parallel_loop3A_225 = arith.index_cast %parallel_loop3A_206 : i32 to index
        %parallel_loop3A_226 = arith.constant 32 : index
        %parallel_loop3A_227 = tpu.vector_load %arg14[%parallel_loop3A_225, %parallel_loop3A_226] {strides = array<i32>} : memref<128x128xf32, #tpu.memory_space<vmem>>, vector<16xf32>,
        %parallel_loop3A_228 = arith.mulf %parallel_loop3A_224, %parallel_loop3A_227 : vector<16xf32>
        %parallel_loop3A_229 = arith.addf %parallel_loop3A_221, %parallel_loop3A_228 : vector<16xf32>
        %parallel_loop3A_230 = arith.index_cast %parallel_loop3A_206 : i32 to index
        %parallel_loop3A_231 = arith.constant 48 : index
        %parallel_loop3A_232 = tpu.vector_load %arg13[%parallel_loop3A_230, %parallel_loop3A_231] {strides = array<i32>} : memref<128x160xf32, #tpu.memory_space<vmem>>, vector<16xf32>,
        %parallel_loop3A_233 = arith.index_cast %parallel_loop3A_206 : i32 to index
        %parallel_loop3A_234 = arith.constant 48 : index
        %parallel_loop3A_235 = tpu.vector_load %arg14[%parallel_loop3A_233, %parallel_loop3A_234] {strides = array<i32>} : memref<128x128xf32, #tpu.memory_space<vmem>>, vector<16xf32>,
        %parallel_loop3A_236 = arith.mulf %parallel_loop3A_232, %parallel_loop3A_235 : vector<16xf32>
        %parallel_loop3A_237 = arith.addf %parallel_loop3A_229, %parallel_loop3A_236 : vector<16xf32>
        %parallel_loop3A_238 = arith.index_cast %parallel_loop3A_206 : i32 to index
        %parallel_loop3A_239 = arith.constant 64 : index
        %parallel_loop3A_240 = tpu.vector_load %arg13[%parallel_loop3A_238, %parallel_loop3A_239] {strides = array<i32>} : memref<128x160xf32, #tpu.memory_space<vmem>>, vector<16xf32>,
        %parallel_loop3A_241 = arith.index_cast %parallel_loop3A_206 : i32 to index
        %parallel_loop3A_242 = arith.constant 64 : index
        %parallel_loop3A_243 = tpu.vector_load %arg14[%parallel_loop3A_241, %parallel_loop3A_242] {strides = array<i32>} : memref<128x128xf32, #tpu.memory_space<vmem>>, vector<16xf32>,
        %parallel_loop3A_244 = arith.mulf %parallel_loop3A_240, %parallel_loop3A_243 : vector<16xf32>
        %parallel_loop3A_245 = arith.addf %parallel_loop3A_237, %parallel_loop3A_244 : vector<16xf32>
        %parallel_loop3A_246 = arith.index_cast %parallel_loop3A_206 : i32 to index
        %parallel_loop3A_247 = arith.constant 80 : index
        %parallel_loop3A_248 = tpu.vector_load %arg13[%parallel_loop3A_246, %parallel_loop3A_247] {strides = array<i32>} : memref<128x160xf32, #tpu.memory_space<vmem>>, vector<16xf32>,
        %parallel_loop3A_249 = arith.index_cast %parallel_loop3A_206 : i32 to index
        %parallel_loop3A_250 = arith.constant 80 : index
        %parallel_loop3A_251 = tpu.vector_load %arg14[%parallel_loop3A_249, %parallel_loop3A_250] {strides = array<i32>} : memref<128x128xf32, #tpu.memory_space<vmem>>, vector<16xf32>,
        %parallel_loop3A_252 = arith.mulf %parallel_loop3A_248, %parallel_loop3A_251 : vector<16xf32>
        %parallel_loop3A_253 = arith.addf %parallel_loop3A_245, %parallel_loop3A_252 : vector<16xf32>
        %parallel_loop3A_254 = arith.index_cast %parallel_loop3A_206 : i32 to index
        %parallel_loop3A_255 = arith.constant 96 : index
        %parallel_loop3A_256 = tpu.vector_load %arg13[%parallel_loop3A_254, %parallel_loop3A_255] {strides = array<i32>} : memref<128x160xf32, #tpu.memory_space<vmem>>, vector<16xf32>,
        %parallel_loop3A_257 = arith.index_cast %parallel_loop3A_206 : i32 to index
        %parallel_loop3A_258 = arith.constant 96 : index
        %parallel_loop3A_259 = tpu.vector_load %arg14[%parallel_loop3A_257, %parallel_loop3A_258] {strides = array<i32>} : memref<128x128xf32, #tpu.memory_space<vmem>>, vector<16xf32>,
        %parallel_loop3A_260 = arith.mulf %parallel_loop3A_256, %parallel_loop3A_259 : vector<16xf32>
        %parallel_loop3A_261 = arith.addf %parallel_loop3A_253, %parallel_loop3A_260 : vector<16xf32>
        %parallel_loop3A_262 = arith.index_cast %parallel_loop3A_206 : i32 to index
        %parallel_loop3A_263 = arith.constant 112 : index
        %parallel_loop3A_264 = tpu.vector_load %arg13[%parallel_loop3A_262, %parallel_loop3A_263] {strides = array<i32>} : memref<128x160xf32, #tpu.memory_space<vmem>>, vector<16xf32>,
        %parallel_loop3A_265 = arith.index_cast %parallel_loop3A_206 : i32 to index
        %parallel_loop3A_266 = arith.constant 112 : index
        %parallel_loop3A_267 = tpu.vector_load %arg14[%parallel_loop3A_265, %parallel_loop3A_266] {strides = array<i32>} : memref<128x128xf32, #tpu.memory_space<vmem>>, vector<16xf32>,
        %parallel_loop3A_268 = arith.mulf %parallel_loop3A_264, %parallel_loop3A_267 : vector<16xf32>
        %parallel_loop3A_269 = arith.addf %parallel_loop3A_261, %parallel_loop3A_268 : vector<16xf32>
        %parallel_loop3A_270 = arith.index_cast %parallel_loop3A_206 : i32 to index
        %parallel_loop3A_271 = arith.constant 16 : index
        %parallel_loop3A_272 = tpu.vector_load %arg16[%parallel_loop3A_270, %parallel_loop3A_271] {strides = array<i32>} : memref<128x32xf32, #tpu.memory_space<vmem>>, vector<16xf32>,
        %parallel_loop3A_273 = arith.index_cast %parallel_loop3A_206 : i32 to index
        %parallel_loop3A_274 = arith.constant 128 : index
        %parallel_loop3A_275 = tpu.vector_load %arg13[%parallel_loop3A_273, %parallel_loop3A_274] {strides = array<i32>} : memref<128x160xf32, #tpu.memory_space<vmem>>, vector<16xf32>,
        %parallel_loop3A_276 = arith.index_cast %parallel_loop3A_206 : i32 to index
        %parallel_loop3A_277 = arith.constant 0 : index
        %parallel_loop3A_278 = tpu.vector_load %arg16[%parallel_loop3A_276, %parallel_loop3A_277] {strides = array<i32>} : memref<128x32xf32, #tpu.memory_space<vmem>>, vector<16xf32>,
        %parallel_loop3A_279 = arith.mulf %parallel_loop3A_275, %parallel_loop3A_278 : vector<16xf32>
        %parallel_loop3A_280 = arith.addf %parallel_loop3A_269, %parallel_loop3A_279 : vector<16xf32>
        %parallel_loop3A_281 = arith.index_cast %parallel_loop3A_206 : i32 to index
        %parallel_loop3A_282 = arith.constant 144 : index
        %parallel_loop3A_283 = tpu.vector_load %arg13[%parallel_loop3A_281, %parallel_loop3A_282] {strides = array<i32>} : memref<128x160xf32, #tpu.memory_space<vmem>>, vector<16xf32>,
        %parallel_loop3A_284 = arith.mulf %parallel_loop3A_283, %parallel_loop3A_272 : vector<16xf32>
        %parallel_loop3A_285 = arith.addf %parallel_loop3A_280, %parallel_loop3A_284 : vector<16xf32>
        %parallel_loop3A_286 = arith.constant true
        %parallel_loop3A_287 = vector.broadcast %parallel_loop3A_286 : i1 to vector<16xi1>
        %parallel_loop3A_288 = tpu.scan <sum>, %parallel_loop3A_285 masked %parallel_loop3A_287 : vector<16xf32>, vector<16xi1> -> vector<16xf32>
        %parallel_loop3A_289 = vector.extract_strided_slice %parallel_loop3A_288 {offsets = [15], sizes = [1], strides = [1]} : vector<16xf32> to vector<1xf32>
        %parallel_loop3A_290 = vector.extract %parallel_loop3A_289[0] : f32 from vector<1xf32>
        %parallel_loop3A_291 = arith.mulf %parallel_loop3A_290, %scan3A_27 : f32
        %parallel_loop3A_292 = vector.extract_strided_slice %parallel_loop3A_272 {offsets = [15], sizes = [1], strides = [1]} : vector<16xf32> to vector<1xf32>
        %parallel_loop3A_293 = vector.extract %parallel_loop3A_292[0] : f32 from vector<1xf32>
        %parallel_loop3A_294 = vector.broadcast %parallel_loop3A_291 : f32 to vector<16xf32>
        %parallel_loop3A_295 = math.exp %parallel_loop3A_294 : vector<16xf32>
        %parallel_loop3A_296 = vector.broadcast %parallel_loop3A_293 : f32 to vector<16xf32>
        %parallel_loop3A_297 = arith.mulf %parallel_loop3A_295, %parallel_loop3A_296 : vector<16xf32>
        %parallel_loop3A_298 = arith.index_cast %parallel_loop3A_206 : i32 to index
        %parallel_loop3A_299 = arith.constant 0 : index
        %parallel_loop3A_300 = tpu.vector_load %arg15[%parallel_loop3A_298, %parallel_loop3A_299] {strides = array<i32>} : memref<128x128xf32, #tpu.memory_space<vmem>>, vector<16xf32>,
        %parallel_loop3A_301 = arith.mulf %parallel_loop3A_300, %parallel_loop3A_297 : vector<16xf32>
        %parallel_loop3A_302 = arith.index_cast %parallel_loop3A_206 : i32 to index
        %parallel_loop3A_303 = arith.constant 0 : index
        %parallel_loop3A_304 = tpu.vector_load %arg17[%parallel_loop3A_302, %parallel_loop3A_303] {strides = array<i32>} : memref<128x128xf32, #tpu.memory_space<vmem>>, vector<16xf32>,
        tpu.vector_store %arg17[%parallel_loop3A_302, %parallel_loop3A_303], %parallel_loop3A_301 {strides = array<i32>} : memref<128x128xf32, #tpu.memory_space<vmem>>, vector<16xf32>,
        %parallel_loop3A_305 = arith.index_cast %parallel_loop3A_206 : i32 to index
        %parallel_loop3A_306 = arith.constant 16 : index
        %parallel_loop3A_307 = tpu.vector_load %arg15[%parallel_loop3A_305, %parallel_loop3A_306] {strides = array<i32>} : memref<128x128xf32, #tpu.memory_space<vmem>>, vector<16xf32>,
        %parallel_loop3A_308 = arith.mulf %parallel_loop3A_307, %parallel_loop3A_297 : vector<16xf32>
        %parallel_loop3A_309 = arith.index_cast %parallel_loop3A_206 : i32 to index
        %parallel_loop3A_310 = arith.constant 16 : index
        %parallel_loop3A_311 = tpu.vector_load %arg17[%parallel_loop3A_309, %parallel_loop3A_310] {strides = array<i32>} : memref<128x128xf32, #tpu.memory_space<vmem>>, vector<16xf32>,
        tpu.vector_store %arg17[%parallel_loop3A_309, %parallel_loop3A_310], %parallel_loop3A_308 {strides = array<i32>} : memref<128x128xf32, #tpu.memory_space<vmem>>, vector<16xf32>,
        %parallel_loop3A_312 = arith.index_cast %parallel_loop3A_206 : i32 to index
        %parallel_loop3A_313 = arith.constant 32 : index
        %parallel_loop3A_314 = tpu.vector_load %arg15[%parallel_loop3A_312, %parallel_loop3A_313] {strides = array<i32>} : memref<128x128xf32, #tpu.memory_space<vmem>>, vector<16xf32>,
        %parallel_loop3A_315 = arith.mulf %parallel_loop3A_314, %parallel_loop3A_297 : vector<16xf32>
        %parallel_loop3A_316 = arith.index_cast %parallel_loop3A_206 : i32 to index
        %parallel_loop3A_317 = arith.constant 32 : index
        %parallel_loop3A_318 = tpu.vector_load %arg17[%parallel_loop3A_316, %parallel_loop3A_317] {strides = array<i32>} : memref<128x128xf32, #tpu.memory_space<vmem>>, vector<16xf32>,
        tpu.vector_store %arg17[%parallel_loop3A_316, %parallel_loop3A_317], %parallel_loop3A_315 {strides = array<i32>} : memref<128x128xf32, #tpu.memory_space<vmem>>, vector<16xf32>,
        %parallel_loop3A_319 = arith.index_cast %parallel_loop3A_206 : i32 to index
        %parallel_loop3A_320 = arith.constant 48 : index
        %parallel_loop3A_321 = tpu.vector_load %arg15[%parallel_loop3A_319, %parallel_loop3A_320] {strides = array<i32>} : memref<128x128xf32, #tpu.memory_space<vmem>>, vector<16xf32>,
        %parallel_loop3A_322 = arith.mulf %parallel_loop3A_321, %parallel_loop3A_297 : vector<16xf32>
        %parallel_loop3A_323 = arith.index_cast %parallel_loop3A_206 : i32 to index
        %parallel_loop3A_324 = arith.constant 48 : index
        %parallel_loop3A_325 = tpu.vector_load %arg17[%parallel_loop3A_323, %parallel_loop3A_324] {strides = array<i32>} : memref<128x128xf32, #tpu.memory_space<vmem>>, vector<16xf32>,
        tpu.vector_store %arg17[%parallel_loop3A_323, %parallel_loop3A_324], %parallel_loop3A_322 {strides = array<i32>} : memref<128x128xf32, #tpu.memory_space<vmem>>, vector<16xf32>,
        %parallel_loop3A_326 = arith.index_cast %parallel_loop3A_206 : i32 to index
        %parallel_loop3A_327 = arith.constant 64 : index
        %parallel_loop3A_328 = tpu.vector_load %arg15[%parallel_loop3A_326, %parallel_loop3A_327] {strides = array<i32>} : memref<128x128xf32, #tpu.memory_space<vmem>>, vector<16xf32>,
        %parallel_loop3A_329 = arith.mulf %parallel_loop3A_328, %parallel_loop3A_297 : vector<16xf32>
        %parallel_loop3A_330 = arith.index_cast %parallel_loop3A_206 : i32 to index
        %parallel_loop3A_331 = arith.constant 64 : index
        %parallel_loop3A_332 = tpu.vector_load %arg17[%parallel_loop3A_330, %parallel_loop3A_331] {strides = array<i32>} : memref<128x128xf32, #tpu.memory_space<vmem>>, vector<16xf32>,
        tpu.vector_store %arg17[%parallel_loop3A_330, %parallel_loop3A_331], %parallel_loop3A_329 {strides = array<i32>} : memref<128x128xf32, #tpu.memory_space<vmem>>, vector<16xf32>,
        %parallel_loop3A_333 = arith.index_cast %parallel_loop3A_206 : i32 to index
        %parallel_loop3A_334 = arith.constant 80 : index
        %parallel_loop3A_335 = tpu.vector_load %arg15[%parallel_loop3A_333, %parallel_loop3A_334] {strides = array<i32>} : memref<128x128xf32, #tpu.memory_space<vmem>>, vector<16xf32>,
        %parallel_loop3A_336 = arith.mulf %parallel_loop3A_335, %parallel_loop3A_297 : vector<16xf32>
        %parallel_loop3A_337 = arith.index_cast %parallel_loop3A_206 : i32 to index
        %parallel_loop3A_338 = arith.constant 80 : index
        %parallel_loop3A_339 = tpu.vector_load %arg17[%parallel_loop3A_337, %parallel_loop3A_338] {strides = array<i32>} : memref<128x128xf32, #tpu.memory_space<vmem>>, vector<16xf32>,
        tpu.vector_store %arg17[%parallel_loop3A_337, %parallel_loop3A_338], %parallel_loop3A_336 {strides = array<i32>} : memref<128x128xf32, #tpu.memory_space<vmem>>, vector<16xf32>,
        %parallel_loop3A_340 = arith.index_cast %parallel_loop3A_206 : i32 to index
        %parallel_loop3A_341 = arith.constant 96 : index
        %parallel_loop3A_342 = tpu.vector_load %arg15[%parallel_loop3A_340, %parallel_loop3A_341] {strides = array<i32>} : memref<128x128xf32, #tpu.memory_space<vmem>>, vector<16xf32>,
        %parallel_loop3A_343 = arith.mulf %parallel_loop3A_342, %parallel_loop3A_297 : vector<16xf32>
        %parallel_loop3A_344 = arith.index_cast %parallel_loop3A_206 : i32 to index
        %parallel_loop3A_345 = arith.constant 96 : index
        %parallel_loop3A_346 = tpu.vector_load %arg17[%parallel_loop3A_344, %parallel_loop3A_345] {strides = array<i32>} : memref<128x128xf32, #tpu.memory_space<vmem>>, vector<16xf32>,
        tpu.vector_store %arg17[%parallel_loop3A_344, %parallel_loop3A_345], %parallel_loop3A_343 {strides = array<i32>} : memref<128x128xf32, #tpu.memory_space<vmem>>, vector<16xf32>,
        %parallel_loop3A_347 = arith.index_cast %parallel_loop3A_206 : i32 to index
        %parallel_loop3A_348 = arith.constant 112 : index
        %parallel_loop3A_349 = tpu.vector_load %arg15[%parallel_loop3A_347, %parallel_loop3A_348] {strides = array<i32>} : memref<128x128xf32, #tpu.memory_space<vmem>>, vector<16xf32>,
        %parallel_loop3A_350 = arith.mulf %parallel_loop3A_349, %parallel_loop3A_297 : vector<16xf32>
        %parallel_loop3A_351 = arith.index_cast %parallel_loop3A_206 : i32 to index
        %parallel_loop3A_352 = arith.constant 112 : index
        %parallel_loop3A_353 = tpu.vector_load %arg17[%parallel_loop3A_351, %parallel_loop3A_352] {strides = array<i32>} : memref<128x128xf32, #tpu.memory_space<vmem>>, vector<16xf32>,
        tpu.vector_store %arg17[%parallel_loop3A_351, %parallel_loop3A_352], %parallel_loop3A_350 {strides = array<i32>} : memref<128x128xf32, #tpu.memory_space<vmem>>, vector<16xf32>,
        %parallel_loop3A_354 = arith.index_cast %parallel_loop3A_206 : i32 to index
        %parallel_loop3A_355 = arith.constant 0 : index
        %parallel_loop3A_356 = tpu.vector_load %arg16[%parallel_loop3A_354, %parallel_loop3A_355] {strides = array<i32>} : memref<128x32xf32, #tpu.memory_space<vmem>>, vector<16xf32>,
        %parallel_loop3A_357 = arith.mulf %parallel_loop3A_356, %parallel_loop3A_297 : vector<16xf32>
        %parallel_loop3A_358 = arith.index_cast %parallel_loop3A_206 : i32 to index
        %parallel_loop3A_359 = arith.constant 0 : index
        %parallel_loop3A_360 = tpu.vector_load %arg18[%parallel_loop3A_358, %parallel_loop3A_359] {strides = array<i32>} : memref<128x32xf32, #tpu.memory_space<vmem>>, vector<16xf32>,
        tpu.vector_store %arg18[%parallel_loop3A_358, %parallel_loop3A_359], %parallel_loop3A_357 {strides = array<i32>} : memref<128x32xf32, #tpu.memory_space<vmem>>, vector<16xf32>,
        %parallel_loop3A_361 = arith.index_cast %parallel_loop3A_206 : i32 to index
        %parallel_loop3A_362 = arith.constant 16 : index
        %parallel_loop3A_363 = tpu.vector_load %arg16[%parallel_loop3A_361, %parallel_loop3A_362] {strides = array<i32>} : memref<128x32xf32, #tpu.memory_space<vmem>>, vector<16xf32>,
        %parallel_loop3A_364 = arith.mulf %parallel_loop3A_363, %parallel_loop3A_297 : vector<16xf32>
        %parallel_loop3A_365 = arith.index_cast %parallel_loop3A_206 : i32 to index
        %parallel_loop3A_366 = arith.constant 16 : index
        %parallel_loop3A_367 = tpu.vector_load %arg18[%parallel_loop3A_365, %parallel_loop3A_366] {strides = array<i32>} : memref<128x32xf32, #tpu.memory_space<vmem>>, vector<16xf32>,
        tpu.vector_store %arg18[%parallel_loop3A_365, %parallel_loop3A_366], %parallel_loop3A_364 {strides = array<i32>} : memref<128x32xf32, #tpu.memory_space<vmem>>, vector<16xf32>,
      } {sc.loop_unroll_factor = 6 : i64, sc.parallel_access}
      "tpu.region"() ({
        %run_scoped3A = tpu.sem_alloc : memref<!tpu.dma_semaphore, #tpu.memory_space<semaphore_mem>>
        %dma_start3A_206 = arith.constant 0 : i32
        %dma_start3A_207 = arith.constant 0 : i32
        %dma_start3A_208 = tpu.memref_slice %arg19[%dma_start3A_206, %dma_start3A_207] : memref<5248x128xf32, #tpu.memory_space<vmem_shared>> -> memref<5248x128xf32, #tpu.memory_space<vmem_shared>>
        tpu.enqueue_indirect_dma source(%arg17 : memref<128x128xf32, #tpu.memory_space<vmem>>) target(%dma_start3A_208 : memref<5248x128xf32, #tpu.memory_space<vmem_shared>>) offsets(%arg12 : memref<128xi32, #tpu.memory_space<vmem>>) semaphore(%run_scoped3A : memref<!tpu.dma_semaphore, #tpu.memory_space<semaphore_mem>>) {add = true}
        %dma_wait3A_209 = arith.constant 0 : i32
        %dma_wait3A_210 = arith.constant 0 : i32
        %dma_wait3A_211 = tpu.memref_slice %arg19[%dma_wait3A_209, %dma_wait3A_210] : memref<5248x128xf32, #tpu.memory_space<vmem_shared>> -> memref<5248x128xf32, #tpu.memory_space<vmem_shared>>
        tpu.wait_indirect_dma semaphore(%run_scoped3A : memref<!tpu.dma_semaphore, #tpu.memory_space<semaphore_mem>>) src(%arg17 : memref<128x128xf32, #tpu.memory_space<vmem>>) dst(%dma_wait3A_211 : memref<5248x128xf32, #tpu.memory_space<vmem_shared>>)
        tpu.yield
      }) : () -> ()
      "tpu.region"() ({
        %run_scoped3A = tpu.sem_alloc : memref<!tpu.dma_semaphore, #tpu.memory_space<semaphore_mem>>
        %dma_start3A_206 = arith.constant 0 : i32
        %dma_start3A_207 = arith.constant 0 : i32
        %dma_start3A_208 = tpu.memref_slice %arg20[%dma_start3A_206, %dma_start3A_207] : memref<5248x32xf32, #tpu.memory_space<vmem_shared>> -> memref<5248x32xf32, #tpu.memory_space<vmem_shared>>
        tpu.enqueue_indirect_dma source(%arg18 : memref<128x32xf32, #tpu.memory_space<vmem>>) target(%dma_start3A_208 : memref<5248x32xf32, #tpu.memory_space<vmem_shared>>) offsets(%arg12 : memref<128xi32, #tpu.memory_space<vmem>>) semaphore(%run_scoped3A : memref<!tpu.dma_semaphore, #tpu.memory_space<semaphore_mem>>) {add = true}
        %dma_wait3A_209 = arith.constant 0 : i32
        %dma_wait3A_210 = arith.constant 0 : i32
        %dma_wait3A_211 = tpu.memref_slice %arg20[%dma_wait3A_209, %dma_wait3A_210] : memref<5248x32xf32, #tpu.memory_space<vmem_shared>> -> memref<5248x32xf32, #tpu.memory_space<vmem_shared>>
        tpu.wait_indirect_dma semaphore(%run_scoped3A : memref<!tpu.dma_semaphore, #tpu.memory_space<semaphore_mem>>) src(%arg18 : memref<128x32xf32, #tpu.memory_space<vmem>>) dst(%dma_wait3A_211 : memref<5248x32xf32, #tpu.memory_space<vmem_shared>>)
        tpu.yield
      }) : () -> ()
    }
    %scan3A_32 = arith.constant 158 : i32
    %barrier3A_33 = arith.constant 0 : index
    tpu.barrier barrier_id(%barrier3A_33)
    %add3A_34 = arith.constant 0 : i32
    %add3A_35 = arith.addi %arg1, %add3A_34 : i32
    %lt3A_36 = arith.constant 40 : i32
    %lt3A_37 = arith.cmpi slt, %add3A_35, %lt3A_36 : i32
    %convert_element_type3A_38 = arith.extui %lt3A_37 : i1 to i32
    %cond3A_39 = arith.constant 0 : i32
    %cond3A_40 = arith.cmpi ne, %convert_element_type3A_38, %cond3A_39 : i32
    scf.if %cond3A_40 {
      %mul3A_55 = arith.constant 128 : i32
      %mul3A_56 = arith.muli %add3A_35, %mul3A_55 : i32
      %mul3A_57 = arith.constant 128 : i32
      %mul3A_58 = arith.muli %add3A_35, %mul3A_57 : i32
      %add3A_59 = arith.addi %mul3A_23, %mul3A_58 : i32
      "tpu.region"() ({
        %run_scoped3A = tpu.sem_alloc : memref<!tpu.dma_semaphore, #tpu.memory_space<semaphore_mem>>
        %dma_start3A = arith.constant 0 : i32
        %dma_start3A_65 = tpu.memref_slice %arg8[%add3A_59, %dma_start3A] : memref<10240x128xf32, #tpu.memory_space<hbm>> -> memref<128x128xf32, #tpu.memory_space<hbm>>
        %dma_start3A_66 = arith.constant 0 : i32
        %dma_start3A_67 = tpu.memref_slice %arg19[%mul3A_56, %dma_start3A_66] : memref<5248x128xf32, #tpu.memory_space<vmem_shared>> -> memref<128x128xf32, #tpu.memory_space<vmem_shared>>
        tpu.enqueue_dma source(%dma_start3A_67 : memref<128x128xf32, #tpu.memory_space<vmem_shared>>) target(%dma_start3A_65 : memref<128x128xf32, #tpu.memory_space<hbm>>) target_semaphore(%run_scoped3A : memref<!tpu.dma_semaphore, #tpu.memory_space<semaphore_mem>>)
        %dma_wait3A = arith.constant 0 : i32
        %dma_wait3A_68 = tpu.memref_slice %arg8[%add3A_59, %dma_wait3A] : memref<10240x128xf32, #tpu.memory_space<hbm>> -> memref<128x128xf32, #tpu.memory_space<hbm>>
        %dma_wait3A_69 = arith.constant 0 : i32
        %dma_wait3A_70 = tpu.memref_slice %arg19[%mul3A_56, %dma_wait3A_69] : memref<5248x128xf32, #tpu.memory_space<vmem_shared>> -> memref<128x128xf32, #tpu.memory_space<vmem_shared>>
        tpu.wait_dma2 semaphore(%run_scoped3A : memref<!tpu.dma_semaphore, #tpu.memory_space<semaphore_mem>>) src(%dma_wait3A_70 : memref<128x128xf32, #tpu.memory_space<vmem_shared>>) dst(%dma_wait3A_68 : memref<128x128xf32, #tpu.memory_space<hbm>>)
        tpu.yield
      }) : () -> ()
      %mul3A_60 = arith.constant 128 : i32
      %mul3A_61 = arith.muli %add3A_35, %mul3A_60 : i32
      %mul3A_62 = arith.constant 128 : i32
      %mul3A_63 = arith.muli %add3A_35, %mul3A_62 : i32
      %add3A_64 = arith.addi %mul3A_23, %mul3A_63 : i32
      "tpu.region"() ({
        %run_scoped3A = tpu.sem_alloc : memref<!tpu.dma_semaphore, #tpu.memory_space<semaphore_mem>>
        %dma_start3A = arith.constant 0 : i32
        %dma_start3A_65 = tpu.memref_slice %arg9[%add3A_64, %dma_start3A] : memref<10240x32xf32, #tpu.memory_space<hbm>> -> memref<128x32xf32, #tpu.memory_space<hbm>>
        %dma_start3A_66 = arith.constant 0 : i32
        %dma_start3A_67 = tpu.memref_slice %arg20[%mul3A_61, %dma_start3A_66] : memref<5248x32xf32, #tpu.memory_space<vmem_shared>> -> memref<128x32xf32, #tpu.memory_space<vmem_shared>>
        tpu.enqueue_dma source(%dma_start3A_67 : memref<128x32xf32, #tpu.memory_space<vmem_shared>>) target(%dma_start3A_65 : memref<128x32xf32, #tpu.memory_space<hbm>>) target_semaphore(%run_scoped3A : memref<!tpu.dma_semaphore, #tpu.memory_space<semaphore_mem>>)
        %dma_wait3A = arith.constant 0 : i32
        %dma_wait3A_68 = tpu.memref_slice %arg9[%add3A_64, %dma_wait3A] : memref<10240x32xf32, #tpu.memory_space<hbm>> -> memref<128x32xf32, #tpu.memory_space<hbm>>
        %dma_wait3A_69 = arith.constant 0 : i32
        %dma_wait3A_70 = tpu.memref_slice %arg20[%mul3A_61, %dma_wait3A_69] : memref<5248x32xf32, #tpu.memory_space<vmem_shared>> -> memref<128x32xf32, #tpu.memory_space<vmem_shared>>
        tpu.wait_dma2 semaphore(%run_scoped3A : memref<!tpu.dma_semaphore, #tpu.memory_space<semaphore_mem>>) src(%dma_wait3A_70 : memref<128x32xf32, #tpu.memory_space<vmem_shared>>) dst(%dma_wait3A_68 : memref<128x32xf32, #tpu.memory_space<hbm>>)
        tpu.yield
      }) : () -> ()
    } else {
    }
    %add3A_41 = arith.constant 16 : i32
    %add3A_42 = arith.addi %arg1, %add3A_41 : i32
    %lt3A_43 = arith.constant 40 : i32
    %lt3A_44 = arith.cmpi slt, %add3A_42, %lt3A_43 : i32
    %convert_element_type3A_45 = arith.extui %lt3A_44 : i1 to i32
    %cond3A_46 = arith.constant 0 : i32
    %cond3A_47 = arith.cmpi ne, %convert_element_type3A_45, %cond3A_46 : i32
    scf.if %cond3A_47 {
      %mul3A_55 = arith.constant 128 : i32
      %mul3A_56 = arith.muli %add3A_42, %mul3A_55 : i32
      %mul3A_57 = arith.constant 128 : i32
      %mul3A_58 = arith.muli %add3A_42, %mul3A_57 : i32
      %add3A_59 = arith.addi %mul3A_23, %mul3A_58 : i32
      "tpu.region"() ({
        %run_scoped3A = tpu.sem_alloc : memref<!tpu.dma_semaphore, #tpu.memory_space<semaphore_mem>>
        %dma_start3A = arith.constant 0 : i32
        %dma_start3A_65 = tpu.memref_slice %arg8[%add3A_59, %dma_start3A] : memref<10240x128xf32, #tpu.memory_space<hbm>> -> memref<128x128xf32, #tpu.memory_space<hbm>>
        %dma_start3A_66 = arith.constant 0 : i32
        %dma_start3A_67 = tpu.memref_slice %arg19[%mul3A_56, %dma_start3A_66] : memref<5248x128xf32, #tpu.memory_space<vmem_shared>> -> memref<128x128xf32, #tpu.memory_space<vmem_shared>>
        tpu.enqueue_dma source(%dma_start3A_67 : memref<128x128xf32, #tpu.memory_space<vmem_shared>>) target(%dma_start3A_65 : memref<128x128xf32, #tpu.memory_space<hbm>>) target_semaphore(%run_scoped3A : memref<!tpu.dma_semaphore, #tpu.memory_space<semaphore_mem>>)
        %dma_wait3A = arith.constant 0 : i32
        %dma_wait3A_68 = tpu.memref_slice %arg8[%add3A_59, %dma_wait3A] : memref<10240x128xf32, #tpu.memory_space<hbm>> -> memref<128x128xf32, #tpu.memory_space<hbm>>
        %dma_wait3A_69 = arith.constant 0 : i32
        %dma_wait3A_70 = tpu.memref_slice %arg19[%mul3A_56, %dma_wait3A_69] : memref<5248x128xf32, #tpu.memory_space<vmem_shared>> -> memref<128x128xf32, #tpu.memory_space<vmem_shared>>
        tpu.wait_dma2 semaphore(%run_scoped3A : memref<!tpu.dma_semaphore, #tpu.memory_space<semaphore_mem>>) src(%dma_wait3A_70 : memref<128x128xf32, #tpu.memory_space<vmem_shared>>) dst(%dma_wait3A_68 : memref<128x128xf32, #tpu.memory_space<hbm>>)
        tpu.yield
      }) : () -> ()
      %mul3A_60 = arith.constant 128 : i32
      %mul3A_61 = arith.muli %add3A_42, %mul3A_60 : i32
      %mul3A_62 = arith.constant 128 : i32
      %mul3A_63 = arith.muli %add3A_42, %mul3A_62 : i32
      %add3A_64 = arith.addi %mul3A_23, %mul3A_63 : i32
      "tpu.region"() ({
        %run_scoped3A = tpu.sem_alloc : memref<!tpu.dma_semaphore, #tpu.memory_space<semaphore_mem>>
        %dma_start3A = arith.constant 0 : i32
        %dma_start3A_65 = tpu.memref_slice %arg9[%add3A_64, %dma_start3A] : memref<10240x32xf32, #tpu.memory_space<hbm>> -> memref<128x32xf32, #tpu.memory_space<hbm>>
        %dma_start3A_66 = arith.constant 0 : i32
        %dma_start3A_67 = tpu.memref_slice %arg20[%mul3A_61, %dma_start3A_66] : memref<5248x32xf32, #tpu.memory_space<vmem_shared>> -> memref<128x32xf32, #tpu.memory_space<vmem_shared>>
        tpu.enqueue_dma source(%dma_start3A_67 : memref<128x32xf32, #tpu.memory_space<vmem_shared>>) target(%dma_start3A_65 : memref<128x32xf32, #tpu.memory_space<hbm>>) target_semaphore(%run_scoped3A : memref<!tpu.dma_semaphore, #tpu.memory_space<semaphore_mem>>)
        %dma_wait3A = arith.constant 0 : i32
        %dma_wait3A_68 = tpu.memref_slice %arg9[%add3A_64, %dma_wait3A] : memref<10240x32xf32, #tpu.memory_space<hbm>> -> memref<128x32xf32, #tpu.memory_space<hbm>>
        %dma_wait3A_69 = arith.constant 0 : i32
        %dma_wait3A_70 = tpu.memref_slice %arg20[%mul3A_61, %dma_wait3A_69] : memref<5248x32xf32, #tpu.memory_space<vmem_shared>> -> memref<128x32xf32, #tpu.memory_space<vmem_shared>>
        tpu.wait_dma2 semaphore(%run_scoped3A : memref<!tpu.dma_semaphore, #tpu.memory_space<semaphore_mem>>) src(%dma_wait3A_70 : memref<128x32xf32, #tpu.memory_space<vmem_shared>>) dst(%dma_wait3A_68 : memref<128x32xf32, #tpu.memory_space<hbm>>)
        tpu.yield
      }) : () -> ()
    } else {
    }
    %add3A_48 = arith.constant 32 : i32
    %add3A_49 = arith.addi %arg1, %add3A_48 : i32
    %lt3A_50 = arith.constant 40 : i32
    %lt3A_51 = arith.cmpi slt, %add3A_49, %lt3A_50 : i32
    %convert_element_type3A_52 = arith.extui %lt3A_51 : i1 to i32
    %cond3A_53 = arith.constant 0 : i32
    %cond3A_54 = arith.cmpi ne, %convert_element_type3A_52, %cond3A_53 : i32
    scf.if %cond3A_54 {
      %mul3A_55 = arith.constant 128 : i32
      %mul3A_56 = arith.muli %add3A_49, %mul3A_55 : i32
      %mul3A_57 = arith.constant 128 : i32
      %mul3A_58 = arith.muli %add3A_49, %mul3A_57 : i32
      %add3A_59 = arith.addi %mul3A_23, %mul3A_58 : i32
      "tpu.region"() ({
        %run_scoped3A = tpu.sem_alloc : memref<!tpu.dma_semaphore, #tpu.memory_space<semaphore_mem>>
        %dma_start3A = arith.constant 0 : i32
        %dma_start3A_65 = tpu.memref_slice %arg8[%add3A_59, %dma_start3A] : memref<10240x128xf32, #tpu.memory_space<hbm>> -> memref<128x128xf32, #tpu.memory_space<hbm>>
        %dma_start3A_66 = arith.constant 0 : i32
        %dma_start3A_67 = tpu.memref_slice %arg19[%mul3A_56, %dma_start3A_66] : memref<5248x128xf32, #tpu.memory_space<vmem_shared>> -> memref<128x128xf32, #tpu.memory_space<vmem_shared>>
        tpu.enqueue_dma source(%dma_start3A_67 : memref<128x128xf32, #tpu.memory_space<vmem_shared>>) target(%dma_start3A_65 : memref<128x128xf32, #tpu.memory_space<hbm>>) target_semaphore(%run_scoped3A : memref<!tpu.dma_semaphore, #tpu.memory_space<semaphore_mem>>)
        %dma_wait3A = arith.constant 0 : i32
        %dma_wait3A_68 = tpu.memref_slice %arg8[%add3A_59, %dma_wait3A] : memref<10240x128xf32, #tpu.memory_space<hbm>> -> memref<128x128xf32, #tpu.memory_space<hbm>>
        %dma_wait3A_69 = arith.constant 0 : i32
        %dma_wait3A_70 = tpu.memref_slice %arg19[%mul3A_56, %dma_wait3A_69] : memref<5248x128xf32, #tpu.memory_space<vmem_shared>> -> memref<128x128xf32, #tpu.memory_space<vmem_shared>>
        tpu.wait_dma2 semaphore(%run_scoped3A : memref<!tpu.dma_semaphore, #tpu.memory_space<semaphore_mem>>) src(%dma_wait3A_70 : memref<128x128xf32, #tpu.memory_space<vmem_shared>>) dst(%dma_wait3A_68 : memref<128x128xf32, #tpu.memory_space<hbm>>)
        tpu.yield
      }) : () -> ()
      %mul3A_60 = arith.constant 128 : i32
      %mul3A_61 = arith.muli %add3A_49, %mul3A_60 : i32
      %mul3A_62 = arith.constant 128 : i32
      %mul3A_63 = arith.muli %add3A_49, %mul3A_62 : i32
      %add3A_64 = arith.addi %mul3A_23, %mul3A_63 : i32
      "tpu.region"() ({
        %run_scoped3A = tpu.sem_alloc : memref<!tpu.dma_semaphore, #tpu.memory_space<semaphore_mem>>
        %dma_start3A = arith.constant 0 : i32
        %dma_start3A_65 = tpu.memref_slice %arg9[%add3A_64, %dma_start3A] : memref<10240x32xf32, #tpu.memory_space<hbm>> -> memref<128x32xf32, #tpu.memory_space<hbm>>
        %dma_start3A_66 = arith.constant 0 : i32
        %dma_start3A_67 = tpu.memref_slice %arg20[%mul3A_61, %dma_start3A_66] : memref<5248x32xf32, #tpu.memory_space<vmem_shared>> -> memref<128x32xf32, #tpu.memory_space<vmem_shared>>
        tpu.enqueue_dma source(%dma_start3A_67 : memref<128x32xf32, #tpu.memory_space<vmem_shared>>) target(%dma_start3A_65 : memref<128x32xf32, #tpu.memory_space<hbm>>) target_semaphore(%run_scoped3A : memref<!tpu.dma_semaphore, #tpu.memory_space<semaphore_mem>>)
        %dma_wait3A = arith.constant 0 : i32
        %dma_wait3A_68 = tpu.memref_slice %arg9[%add3A_64, %dma_wait3A] : memref<10240x32xf32, #tpu.memory_space<hbm>> -> memref<128x32xf32, #tpu.memory_space<hbm>>
        %dma_wait3A_69 = arith.constant 0 : i32
        %dma_wait3A_70 = tpu.memref_slice %arg20[%mul3A_61, %dma_wait3A_69] : memref<5248x32xf32, #tpu.memory_space<vmem_shared>> -> memref<128x32xf32, #tpu.memory_space<vmem_shared>>
        tpu.wait_dma2 semaphore(%run_scoped3A : memref<!tpu.dma_semaphore, #tpu.memory_space<semaphore_mem>>) src(%dma_wait3A_70 : memref<128x32xf32, #tpu.memory_space<vmem_shared>>) dst(%dma_wait3A_68 : memref<128x32xf32, #tpu.memory_space<hbm>>)
        tpu.yield
      }) : () -> ()
    } else {
    }
    return
  }
}

module attributes {stable_mosaic.version = 14 : i64} {
  func.func @_ein_build_kernel(%arg0: i32, %arg1: memref<1024x1xi32, #tpu.memory_space<vmem>>, %arg2: memref<1024x1xi32, #tpu.memory_space<vmem>>, %arg3: memref<1024x1xi32, #tpu.memory_space<vmem>>, %arg4: memref<16x32xf32, #tpu.memory_space<vmem>>, %arg5: memref<16x32xf32, #tpu.memory_space<vmem>>, %arg6: memref<16x32xf32, #tpu.memory_space<vmem>>, %arg7: memref<1024x32xf32, #tpu.memory_space<vmem>>) attributes {dimension_semantics = [#tpu.dimension_semantics<arbitrary>], iteration_bounds = array<i64: 316>, scalar_prefetch = 0 : i64, scratch_operands = 0 : i64, tpu.core_type = #tpu.core_type<tc>, window_params = [{transform_indices = @transform_0, window_bounds = array<i64: 1024, 1>}, {transform_indices = @transform_1, window_bounds = array<i64: 1024, 1>}, {transform_indices = @transform_2, window_bounds = array<i64: 1024, 1>}, {pipeline_mode = #tpu.pipeline_mode<synchronous>, transform_indices = @transform_3, window_bounds = array<i64: 16, 32>}, {pipeline_mode = #tpu.pipeline_mode<synchronous>, transform_indices = @transform_4, window_bounds = array<i64: 16, 32>}, {pipeline_mode = #tpu.pipeline_mode<synchronous>, transform_indices = @transform_5, window_bounds = array<i64: 16, 32>}, {transform_indices = @transform_6, window_bounds = array<i64: 1024, 32>}]} {
    %iota3A = tpu.iota {dimensions = array<i32: 1>} : vector<1024x16xi32>
    %get3A = arith.constant 0 : index
    %get3A_0 = arith.constant 0 : index
    %get3A_1 = vector.load %arg1[%get3A, %get3A_0] : memref<1024x1xi32, #tpu.memory_space<vmem>>, vector<1024x1xi32>
    %eq3A = vector.broadcast %get3A_1 : vector<1024x1xi32> to vector<1024x16xi32>
    %eq3A_2 = arith.cmpi eq, %eq3A, %iota3A : vector<1024x16xi32>
    %convert_element_type3A = arith.extui %eq3A_2 : vector<1024x16xi1> to vector<1024x16xi32>
    %convert_element_type3A_3 = arith.sitofp %convert_element_type3A : vector<1024x16xi32> to vector<1024x16xf32>
    %get3A_4 = arith.constant 0 : index
    %get3A_5 = arith.constant 0 : index
    %get3A_6 = vector.load %arg2[%get3A_4, %get3A_5] : memref<1024x1xi32, #tpu.memory_space<vmem>>, vector<1024x1xi32>
    %eq3A_7 = vector.broadcast %get3A_6 : vector<1024x1xi32> to vector<1024x16xi32>
    %eq3A_8 = arith.cmpi eq, %eq3A_7, %iota3A : vector<1024x16xi32>
    %convert_element_type3A_9 = arith.extui %eq3A_8 : vector<1024x16xi1> to vector<1024x16xi32>
    %convert_element_type3A_10 = arith.sitofp %convert_element_type3A_9 : vector<1024x16xi32> to vector<1024x16xf32>
    %get3A_11 = arith.constant 0 : index
    %get3A_12 = arith.constant 0 : index
    %get3A_13 = vector.load %arg3[%get3A_11, %get3A_12] : memref<1024x1xi32, #tpu.memory_space<vmem>>, vector<1024x1xi32>
    %eq3A_14 = vector.broadcast %get3A_13 : vector<1024x1xi32> to vector<1024x16xi32>
    %eq3A_15 = arith.cmpi eq, %eq3A_14, %iota3A : vector<1024x16xi32>
    %convert_element_type3A_16 = arith.extui %eq3A_15 : vector<1024x16xi1> to vector<1024x16xi32>
    %convert_element_type3A_17 = arith.sitofp %convert_element_type3A_16 : vector<1024x16xi32> to vector<1024x16xf32>
    %get3A_18 = arith.constant 0 : index
    %get3A_19 = arith.constant 0 : index
    %get3A_20 = vector.load %arg4[%get3A_18, %get3A_19] : memref<16x32xf32, #tpu.memory_space<vmem>>, vector<16x32xf32>
    %dot_general3A = arith.constant dense<0.000000e+00> : vector<1024x32xf32>
    %dot_general3A_21 = tpu.matmul %convert_element_type3A_3, %get3A_20, %dot_general3A {dimension_numbers = #tpu.dot_dimension_numbers<[1], [0], [0], [1], [0, 0, 1, 1], [], []>, transpose_lhs_hint = false} : vector<1024x16xf32>, vector<16x32xf32>, vector<1024x32xf32> -> vector<1024x32xf32>
    %get3A_22 = arith.constant 0 : index
    %get3A_23 = arith.constant 0 : index
    %get3A_24 = vector.load %arg5[%get3A_22, %get3A_23] : memref<16x32xf32, #tpu.memory_space<vmem>>, vector<16x32xf32>
    %dot_general3A_25 = arith.constant dense<0.000000e+00> : vector<1024x32xf32>
    %dot_general3A_26 = tpu.matmul %convert_element_type3A_10, %get3A_24, %dot_general3A_25 {dimension_numbers = #tpu.dot_dimension_numbers<[1], [0], [0], [1], [0, 0, 1, 1], [], []>, transpose_lhs_hint = false} : vector<1024x16xf32>, vector<16x32xf32>, vector<1024x32xf32> -> vector<1024x32xf32>
    %add3A = arith.addf %dot_general3A_21, %dot_general3A_26 : vector<1024x32xf32>
    %get3A_27 = arith.constant 0 : index
    %get3A_28 = arith.constant 0 : index
    %get3A_29 = vector.load %arg6[%get3A_27, %get3A_28] : memref<16x32xf32, #tpu.memory_space<vmem>>, vector<16x32xf32>
    %dot_general3A_30 = arith.constant dense<0.000000e+00> : vector<1024x32xf32>
    %dot_general3A_31 = tpu.matmul %convert_element_type3A_17, %get3A_29, %dot_general3A_30 {dimension_numbers = #tpu.dot_dimension_numbers<[1], [0], [0], [1], [0, 0, 1, 1], [], []>, transpose_lhs_hint = false} : vector<1024x16xf32>, vector<16x32xf32>, vector<1024x32xf32> -> vector<1024x32xf32>
    %add3A_32 = arith.addf %add3A, %dot_general3A_31 : vector<1024x32xf32>
    %iota3A_33 = tpu.iota {dimensions = array<i32: 0>} : vector<1024x1xi32>
    %mul3A = arith.constant 1024 : i32
    %mul3A_34 = arith.muli %arg0, %mul3A : i32
    %add3A_35 = vector.broadcast %mul3A_34 : i32 to vector<1024x1xi32>
    %add3A_36 = arith.addi %iota3A_33, %add3A_35 : vector<1024x1xi32>
    %lt3A = arith.constant 320000 : i32
    %lt3A_37 = vector.broadcast %lt3A : i32 to vector<1024x1xi32>
    %lt3A_38 = arith.cmpi slt, %add3A_36, %lt3A_37 : vector<1024x1xi32>
    %convert_element_type3A_39 = arith.extui %lt3A_38 : vector<1024x1xi1> to vector<1024x1xi32>
    %convert_element_type3A_40 = arith.sitofp %convert_element_type3A_39 : vector<1024x1xi32> to vector<1024x1xf32>
    %mul3A_41 = vector.broadcast %convert_element_type3A_40 : vector<1024x1xf32> to vector<1024x32xf32>
    %mul3A_42 = arith.mulf %add3A_32, %mul3A_41 : vector<1024x32xf32>
    %swap3A = arith.constant 0 : index
    %swap3A_43 = arith.constant 0 : index
    %swap3A_44 = vector.load %arg7[%swap3A, %swap3A_43] : memref<1024x32xf32, #tpu.memory_space<vmem>>, vector<1024x32xf32>
    tpu.vector_store %arg7[%swap3A, %swap3A_43], %mul3A_42 {strides = array<i32>} : memref<1024x32xf32, #tpu.memory_space<vmem>>, vector<1024x32xf32>,
    return
  }
  func.func @transform_0(%arg0: i32) -> (i32, i32) {
    %c0_i32 = arith.constant 0 : i32
    %c0_i32_0 = arith.constant 0 : i32
    return %arg0, %c0_i32 : i32, i32
  }
  func.func @transform_1(%arg0: i32) -> (i32, i32) {
    %c0_i32 = arith.constant 0 : i32
    %c0_i32_0 = arith.constant 0 : i32
    return %arg0, %c0_i32 : i32, i32
  }
  func.func @transform_2(%arg0: i32) -> (i32, i32) {
    %c0_i32 = arith.constant 0 : i32
    %c0_i32_0 = arith.constant 0 : i32
    return %arg0, %c0_i32 : i32, i32
  }
  func.func @transform_3(%arg0: i32) -> (i32, i32) {
    %c0_i32 = arith.constant 0 : i32
    %c0_i32_0 = arith.constant 0 : i32
    %c0_i32_1 = arith.constant 0 : i32
    return %c0_i32, %c0_i32_0 : i32, i32
  }
  func.func @transform_4(%arg0: i32) -> (i32, i32) {
    %c0_i32 = arith.constant 0 : i32
    %c0_i32_0 = arith.constant 0 : i32
    %c0_i32_1 = arith.constant 0 : i32
    return %c0_i32, %c0_i32_0 : i32, i32
  }
  func.func @transform_5(%arg0: i32) -> (i32, i32) {
    %c0_i32 = arith.constant 0 : i32
    %c0_i32_0 = arith.constant 0 : i32
    %c0_i32_1 = arith.constant 0 : i32
    return %c0_i32, %c0_i32_0 : i32, i32
  }
  func.func @transform_6(%arg0: i32) -> (i32, i32) {
    %c0_i32 = arith.constant 0 : i32
    %c0_i32_0 = arith.constant 0 : i32
    return %arg0, %c0_i32 : i32, i32
  }
}

module attributes {stable_mosaic.version = 14 : i64} {
  func.func @_wqe_kernel(%arg0: memref<128x128xf32, #tpu.memory_space<vmem>>, %arg1: memref<1x128xf32, #tpu.memory_space<vmem>>, %arg2: memref<128x32xf32, #tpu.memory_space<vmem>>, %arg3: memref<128x32xf32, #tpu.memory_space<vmem>>, %arg4: memref<1x32xf32, #tpu.memory_space<vmem>>) attributes {dimension_semantics = [], scalar_prefetch = 0 : i64, scratch_operands = 0 : i64, tpu.core_type = #tpu.core_type<tc>} {
    %get3A = arith.constant 0 : index
    %get3A_0 = arith.constant 0 : index
    %get3A_1 = vector.load %arg0[%get3A, %get3A_0] : memref<128x128xf32, #tpu.memory_space<vmem>>, vector<128x128xf32>
    %get3A_2 = arith.constant 0 : index
    %get3A_3 = arith.constant 0 : index
    %get3A_4 = vector.load %arg2[%get3A_2, %get3A_3] : memref<128x32xf32, #tpu.memory_space<vmem>>, vector<128x32xf32>
    %dot_general3A = arith.constant dense<0.000000e+00> : vector<128x32xf32>
    %dot_general3A_5 = tpu.matmul %get3A_1, %get3A_4, %dot_general3A {dimension_numbers = #tpu.dot_dimension_numbers<[1], [0], [0], [1], [0, 0, 1, 1], [], []>, transpose_lhs_hint = false} : vector<128x128xf32>, vector<128x32xf32>, vector<128x32xf32> -> vector<128x32xf32>
    %swap3A = arith.constant 0 : index
    %swap3A_6 = arith.constant 0 : index
    %swap3A_7 = vector.load %arg3[%swap3A, %swap3A_6] : memref<128x32xf32, #tpu.memory_space<vmem>>, vector<128x32xf32>
    tpu.vector_store %arg3[%swap3A, %swap3A_6], %dot_general3A_5 {strides = array<i32>} : memref<128x32xf32, #tpu.memory_space<vmem>>, vector<128x32xf32>,
    %get3A_8 = arith.constant 0 : index
    %get3A_9 = arith.constant 0 : index
    %get3A_10 = vector.load %arg1[%get3A_8, %get3A_9] : memref<1x128xf32, #tpu.memory_space<vmem>>, vector<1x128xf32>
    %get3A_11 = arith.constant 0 : index
    %get3A_12 = arith.constant 0 : index
    %get3A_13 = vector.load %arg2[%get3A_11, %get3A_12] : memref<128x32xf32, #tpu.memory_space<vmem>>, vector<128x32xf32>
    %dot_general3A_14 = arith.constant dense<0.000000e+00> : vector<1x32xf32>
    %dot_general3A_15 = tpu.matmul %get3A_10, %get3A_13, %dot_general3A_14 {dimension_numbers = #tpu.dot_dimension_numbers<[1], [0], [0], [1], [0, 0, 1, 1], [], []>, transpose_lhs_hint = false} : vector<1x128xf32>, vector<128x32xf32>, vector<1x32xf32> -> vector<1x32xf32>
    %swap3A_16 = arith.constant 0 : index
    %swap3A_17 = arith.constant 0 : index
    %swap3A_18 = vector.load %arg4[%swap3A_16, %swap3A_17] : memref<1x32xf32, #tpu.memory_space<vmem>>, vector<1x32xf32>
    tpu.vector_store %arg4[%swap3A_16, %swap3A_17], %dot_general3A_15 {strides = array<i32>} : memref<1x32xf32, #tpu.memory_space<vmem>>, vector<1x32xf32>,
    return
  }
}

module attributes {stable_mosaic.version = 14 : i64} {
  func.func @_proj_kernel(%arg0: i32, %arg1: memref<256x128xf32, #tpu.memory_space<vmem>>, %arg2: memref<128x544xf32, #tpu.memory_space<vmem>>, %arg3: memref<1x544xf32, #tpu.memory_space<vmem>>, %arg4: memref<256x160xf32, #tpu.memory_space<vmem>>, %arg5: memref<256x128xf32, #tpu.memory_space<vmem>>, %arg6: memref<256x128xf32, #tpu.memory_space<vmem>>, %arg7: memref<256x128xf32, #tpu.memory_space<vmem>>) attributes {dimension_semantics = [#tpu.dimension_semantics<arbitrary>], iteration_bounds = array<i64: 40>, scalar_prefetch = 0 : i64, scratch_operands = 0 : i64, tpu.core_type = #tpu.core_type<tc>, window_params = [{transform_indices = @transform_0, window_bounds = array<i64: 256, 128>}, {pipeline_mode = #tpu.pipeline_mode<synchronous>, transform_indices = @transform_1, window_bounds = array<i64: 128, 544>}, {pipeline_mode = #tpu.pipeline_mode<synchronous>, transform_indices = @transform_2, window_bounds = array<i64: 1, 544>}, {transform_indices = @transform_3, window_bounds = array<i64: 256, 160>}, {transform_indices = @transform_4, window_bounds = array<i64: 256, 128>}, {transform_indices = @transform_5, window_bounds = array<i64: 256, 128>}, {transform_indices = @transform_6, window_bounds = array<i64: 256, 128>}]} {
    %get3A = arith.constant 0 : index
    %get3A_0 = arith.constant 0 : index
    %get3A_1 = vector.load %arg1[%get3A, %get3A_0] : memref<256x128xf32, #tpu.memory_space<vmem>>, vector<256x128xf32>
    %get3A_2 = arith.constant 0 : index
    %get3A_3 = arith.constant 0 : index
    %get3A_4 = vector.load %arg2[%get3A_2, %get3A_3] : memref<128x544xf32, #tpu.memory_space<vmem>>, vector<128x544xf32>
    %dot_general3A = arith.constant dense<0.000000e+00> : vector<256x544xf32>
    %dot_general3A_5 = tpu.matmul %get3A_1, %get3A_4, %dot_general3A {dimension_numbers = #tpu.dot_dimension_numbers<[1], [0], [0], [1], [0, 0, 1, 1], [], []>, transpose_lhs_hint = false} : vector<256x128xf32>, vector<128x544xf32>, vector<256x544xf32> -> vector<256x544xf32>
    %get3A_6 = arith.constant 0 : index
    %get3A_7 = arith.constant 0 : index
    %get3A_8 = vector.load %arg3[%get3A_6, %get3A_7] : memref<1x544xf32, #tpu.memory_space<vmem>>, vector<1x544xf32>
    %add3A = vector.broadcast %get3A_8 : vector<1x544xf32> to vector<256x544xf32>
    %add3A_9 = arith.addf %dot_general3A_5, %add3A : vector<256x544xf32>
    %slice3A = vector.extract_strided_slice %add3A_9 {offsets = [0, 0], sizes = [256, 128], strides = [1, 1]} : vector<256x544xf32> to vector<256x128xf32>
    %slice3A_10 = vector.extract_strided_slice %add3A_9 {offsets = [0, 512], sizes = [256, 32], strides = [1, 1]} : vector<256x544xf32> to vector<256x32xf32>
    %concatenate3A = tpu.concatenate %slice3A, %slice3A_10 in 1 : vector<256x128xf32>, vector<256x32xf32> -> vector<256x160xf32>
    %swap3A = arith.constant 0 : index
    %swap3A_11 = arith.constant 0 : index
    %swap3A_12 = vector.load %arg4[%swap3A, %swap3A_11] : memref<256x160xf32, #tpu.memory_space<vmem>>, vector<256x160xf32>
    tpu.vector_store %arg4[%swap3A, %swap3A_11], %concatenate3A {strides = array<i32>} : memref<256x160xf32, #tpu.memory_space<vmem>>, vector<256x160xf32>,
    %slice3A_13 = vector.extract_strided_slice %add3A_9 {offsets = [0, 128], sizes = [256, 128], strides = [1, 1]} : vector<256x544xf32> to vector<256x128xf32>
    %swap3A_14 = arith.constant 0 : index
    %swap3A_15 = arith.constant 0 : index
    %swap3A_16 = vector.load %arg5[%swap3A_14, %swap3A_15] : memref<256x128xf32, #tpu.memory_space<vmem>>, vector<256x128xf32>
    tpu.vector_store %arg5[%swap3A_14, %swap3A_15], %slice3A_13 {strides = array<i32>} : memref<256x128xf32, #tpu.memory_space<vmem>>, vector<256x128xf32>,
    %slice3A_17 = vector.extract_strided_slice %add3A_9 {offsets = [0, 256], sizes = [256, 128], strides = [1, 1]} : vector<256x544xf32> to vector<256x128xf32>
    %swap3A_18 = arith.constant 0 : index
    %swap3A_19 = arith.constant 0 : index
    %swap3A_20 = vector.load %arg6[%swap3A_18, %swap3A_19] : memref<256x128xf32, #tpu.memory_space<vmem>>, vector<256x128xf32>
    tpu.vector_store %arg6[%swap3A_18, %swap3A_19], %slice3A_17 {strides = array<i32>} : memref<256x128xf32, #tpu.memory_space<vmem>>, vector<256x128xf32>,
    %slice3A_21 = vector.extract_strided_slice %add3A_9 {offsets = [0, 384], sizes = [256, 128], strides = [1, 1]} : vector<256x544xf32> to vector<256x128xf32>
    %swap3A_22 = arith.constant 0 : index
    %swap3A_23 = arith.constant 0 : index
    %swap3A_24 = vector.load %arg7[%swap3A_22, %swap3A_23] : memref<256x128xf32, #tpu.memory_space<vmem>>, vector<256x128xf32>
    tpu.vector_store %arg7[%swap3A_22, %swap3A_23], %slice3A_21 {strides = array<i32>} : memref<256x128xf32, #tpu.memory_space<vmem>>, vector<256x128xf32>,
    return
  }
  func.func @transform_0(%arg0: i32) -> (i32, i32) {
    %c0_i32 = arith.constant 0 : i32
    %c0_i32_0 = arith.constant 0 : i32
    return %arg0, %c0_i32 : i32, i32
  }
  func.func @transform_1(%arg0: i32) -> (i32, i32) {
    %c0_i32 = arith.constant 0 : i32
    %c0_i32_0 = arith.constant 0 : i32
    %c0_i32_1 = arith.constant 0 : i32
    return %c0_i32, %c0_i32_0 : i32, i32
  }
  func.func @transform_2(%arg0: i32) -> (i32, i32) {
    %c0_i32 = arith.constant 0 : i32
    %c0_i32_0 = arith.constant 0 : i32
    %c0_i32_1 = arith.constant 0 : i32
    return %c0_i32, %c0_i32_0 : i32, i32
  }
  func.func @transform_3(%arg0: i32) -> (i32, i32) {
    %c0_i32 = arith.constant 0 : i32
    %c0_i32_0 = arith.constant 0 : i32
    return %arg0, %c0_i32 : i32, i32
  }
  func.func @transform_4(%arg0: i32) -> (i32, i32) {
    %c0_i32 = arith.constant 0 : i32
    %c0_i32_0 = arith.constant 0 : i32
    return %arg0, %c0_i32 : i32, i32
  }
  func.func @transform_5(%arg0: i32) -> (i32, i32) {
    %c0_i32 = arith.constant 0 : i32
    %c0_i32_0 = arith.constant 0 : i32
    return %arg0, %c0_i32 : i32, i32
  }
  func.func @transform_6(%arg0: i32) -> (i32, i32) {
    %c0_i32 = arith.constant 0 : i32
    %c0_i32_0 = arith.constant 0 : i32
    return %arg0, %c0_i32 : i32, i32
  }
}

module attributes {stable_mosaic.version = 14 : i64} {
  func.func @_combine_kernel(%arg0: i32, %arg1: memref<256x128xf32, #tpu.memory_space<vmem>>, %arg2: memref<256x32xf32, #tpu.memory_space<vmem>>, %arg3: memref<256x128xf32, #tpu.memory_space<vmem>>, %arg4: memref<32x128xf32, #tpu.memory_space<vmem>>, %arg5: memref<256x128xf32, #tpu.memory_space<vmem>>) attributes {dimension_semantics = [#tpu.dimension_semantics<arbitrary>], iteration_bounds = array<i64: 40>, scalar_prefetch = 0 : i64, scratch_operands = 0 : i64, tpu.core_type = #tpu.core_type<tc>, window_params = [{transform_indices = @transform_0, window_bounds = array<i64: 256, 128>}, {transform_indices = @transform_1, window_bounds = array<i64: 256, 32>}, {transform_indices = @transform_2, window_bounds = array<i64: 256, 128>}, {pipeline_mode = #tpu.pipeline_mode<synchronous>, transform_indices = @transform_3, window_bounds = array<i64: 32, 128>}, {transform_indices = @transform_4, window_bounds = array<i64: 256, 128>}]} {
    %get3A = arith.constant 0 : index
    %get3A_0 = arith.constant 0 : index
    %get3A_1 = vector.load %arg1[%get3A, %get3A_0] : memref<256x128xf32, #tpu.memory_space<vmem>>, vector<256x128xf32>
    %get3A_2 = arith.constant 0 : index
    %get3A_3 = arith.constant 0 : index
    %get3A_4 = vector.load %arg2[%get3A_2, %get3A_3] : memref<256x32xf32, #tpu.memory_space<vmem>>, vector<256x32xf32>
    %iota3A = tpu.iota {dimensions = array<i32: 1>} : vector<256x32xi32>
    %eq3A = arith.constant 31 : i32
    %eq3A_5 = vector.broadcast %eq3A : i32 to vector<256x32xi32>
    %eq3A_6 = arith.cmpi eq, %iota3A, %eq3A_5 : vector<256x32xi32>
    %jit3A = arith.constant 0.000000e+00 : f32
    %broadcast_in_dim3A = vector.broadcast %jit3A : f32 to vector<256x32xf32>
    %select_n3A = arith.select %eq3A_6, %get3A_4, %broadcast_in_dim3A : vector<256x32xi1>, vector<256x32xf32>
    %reduce_sum3A = arith.constant dense<0.000000e+00> : vector<256xf32>
    %reduce_sum3A_7 = vector.multi_reduction <add>, %select_n3A, %reduce_sum3A [1] : vector<256x32xf32> to vector<256xf32>
    %broadcast_in_dim3A_8 = vector.shape_cast %reduce_sum3A_7 : vector<256xf32> to vector<256x1xf32>
    %get3A_9 = arith.constant 0 : index
    %get3A_10 = arith.constant 0 : index
    %get3A_11 = vector.load %arg4[%get3A_9, %get3A_10] : memref<32x128xf32, #tpu.memory_space<vmem>>, vector<32x128xf32>
    %dot_general3A = arith.constant dense<0.000000e+00> : vector<256x128xf32>
    %dot_general3A_12 = tpu.matmul %get3A_4, %get3A_11, %dot_general3A {dimension_numbers = #tpu.dot_dimension_numbers<[1], [0], [0], [1], [0, 0, 1, 1], [], []>, transpose_lhs_hint = false} : vector<256x32xf32>, vector<32x128xf32>, vector<256x128xf32> -> vector<256x128xf32>
    %add3A = arith.addf %get3A_1, %dot_general3A_12 : vector<256x128xf32>
    %add3A_13 = arith.constant 1.000000e-16 : f32
    %add3A_14 = vector.broadcast %add3A_13 : f32 to vector<256x1xf32>
    %add3A_15 = arith.addf %broadcast_in_dim3A_8, %add3A_14 : vector<256x1xf32>
    %div3A = vector.broadcast %add3A_15 : vector<256x1xf32> to vector<256x128xf32>
    %div3A_16 = arith.divf %add3A, %div3A : vector<256x128xf32>
    %get3A_17 = arith.constant 0 : index
    %get3A_18 = arith.constant 0 : index
    %get3A_19 = vector.load %arg3[%get3A_17, %get3A_18] : memref<256x128xf32, #tpu.memory_space<vmem>>, vector<256x128xf32>
    %add3A_20 = arith.addf %div3A_16, %get3A_19 : vector<256x128xf32>
    %max3A = arith.constant 0.000000e+00 : f32
    %max3A_21 = vector.broadcast %max3A : f32 to vector<256x128xf32>
    %max3A_22 = arith.maximumf %add3A_20, %max3A_21 : vector<256x128xf32>
    %swap3A = arith.constant 0 : index
    %swap3A_23 = arith.constant 0 : index
    %swap3A_24 = vector.load %arg5[%swap3A, %swap3A_23] : memref<256x128xf32, #tpu.memory_space<vmem>>, vector<256x128xf32>
    tpu.vector_store %arg5[%swap3A, %swap3A_23], %max3A_22 {strides = array<i32>} : memref<256x128xf32, #tpu.memory_space<vmem>>, vector<256x128xf32>,
    return
  }
  func.func @transform_0(%arg0: i32) -> (i32, i32) {
    %c0_i32 = arith.constant 0 : i32
    %c0_i32_0 = arith.constant 0 : i32
    return %arg0, %c0_i32 : i32, i32
  }
  func.func @transform_1(%arg0: i32) -> (i32, i32) {
    %c0_i32 = arith.constant 0 : i32
    %c0_i32_0 = arith.constant 0 : i32
    return %arg0, %c0_i32 : i32, i32
  }
  func.func @transform_2(%arg0: i32) -> (i32, i32) {
    %c0_i32 = arith.constant 0 : i32
    %c0_i32_0 = arith.constant 0 : i32
    return %arg0, %c0_i32 : i32, i32
  }
  func.func @transform_3(%arg0: i32) -> (i32, i32) {
    %c0_i32 = arith.constant 0 : i32
    %c0_i32_0 = arith.constant 0 : i32
    %c0_i32_1 = arith.constant 0 : i32
    return %c0_i32, %c0_i32_0 : i32, i32
  }
  func.func @transform_4(%arg0: i32) -> (i32, i32) {
    %c0_i32 = arith.constant 0 : i32
    %c0_i32_0 = arith.constant 0 : i32
    return %arg0, %c0_i32 : i32, i32
  }
}

module attributes {stable_mosaic.version = 14 : i64} {
  func.func @_pool_proj_kernel(%arg0: i32, %arg1: memref<256x128xf32, #tpu.memory_space<vmem>>, %arg2: memref<128x8xf32, #tpu.memory_space<vmem>>, %arg3: memref<1x8xf32, #tpu.memory_space<vmem>>, %arg4: memref<128x16xf32, #tpu.memory_space<vmem>>, %arg5: memref<1x16xf32, #tpu.memory_space<vmem>>, %arg6: memref<256x8xf32, #tpu.memory_space<vmem>>, %arg7: memref<256x16xf32, #tpu.memory_space<vmem>>) attributes {dimension_semantics = [#tpu.dimension_semantics<arbitrary>], iteration_bounds = array<i64: 40>, scalar_prefetch = 0 : i64, scratch_operands = 0 : i64, tpu.core_type = #tpu.core_type<tc>, window_params = [{transform_indices = @transform_0, window_bounds = array<i64: 256, 128>}, {pipeline_mode = #tpu.pipeline_mode<synchronous>, transform_indices = @transform_1, window_bounds = array<i64: 128, 8>}, {pipeline_mode = #tpu.pipeline_mode<synchronous>, transform_indices = @transform_2, window_bounds = array<i64: 1, 8>}, {pipeline_mode = #tpu.pipeline_mode<synchronous>, transform_indices = @transform_3, window_bounds = array<i64: 128, 16>}, {pipeline_mode = #tpu.pipeline_mode<synchronous>, transform_indices = @transform_4, window_bounds = array<i64: 1, 16>}, {transform_indices = @transform_5, window_bounds = array<i64: 256, 8>}, {transform_indices = @transform_6, window_bounds = array<i64: 256, 16>}]} {
    %get3A = arith.constant 0 : index
    %get3A_0 = arith.constant 0 : index
    %get3A_1 = vector.load %arg1[%get3A, %get3A_0] : memref<256x128xf32, #tpu.memory_space<vmem>>, vector<256x128xf32>
    %get3A_2 = arith.constant 0 : index
    %get3A_3 = arith.constant 0 : index
    %get3A_4 = vector.load %arg2[%get3A_2, %get3A_3] : memref<128x8xf32, #tpu.memory_space<vmem>>, vector<128x8xf32>
    %dot_general3A = arith.constant dense<0.000000e+00> : vector<256x8xf32>
    %dot_general3A_5 = tpu.matmul %get3A_1, %get3A_4, %dot_general3A {dimension_numbers = #tpu.dot_dimension_numbers<[1], [0], [0], [1], [0, 0, 1, 1], [], []>, transpose_lhs_hint = false} : vector<256x128xf32>, vector<128x8xf32>, vector<256x8xf32> -> vector<256x8xf32>
    %get3A_6 = arith.constant 0 : index
    %get3A_7 = arith.constant 0 : index
    %get3A_8 = vector.load %arg3[%get3A_6, %get3A_7] : memref<1x8xf32, #tpu.memory_space<vmem>>, vector<1x8xf32>
    %add3A = vector.broadcast %get3A_8 : vector<1x8xf32> to vector<256x8xf32>
    %add3A_9 = arith.addf %dot_general3A_5, %add3A : vector<256x8xf32>
    %swap3A = arith.constant 0 : index
    %swap3A_10 = arith.constant 0 : index
    %swap3A_11 = vector.load %arg6[%swap3A, %swap3A_10] : memref<256x8xf32, #tpu.memory_space<vmem>>, vector<256x8xf32>
    tpu.vector_store %arg6[%swap3A, %swap3A_10], %add3A_9 {strides = array<i32>} : memref<256x8xf32, #tpu.memory_space<vmem>>, vector<256x8xf32>,
    %get3A_12 = arith.constant 0 : index
    %get3A_13 = arith.constant 0 : index
    %get3A_14 = vector.load %arg4[%get3A_12, %get3A_13] : memref<128x16xf32, #tpu.memory_space<vmem>>, vector<128x16xf32>
    %dot_general3A_15 = arith.constant dense<0.000000e+00> : vector<256x16xf32>
    %dot_general3A_16 = tpu.matmul %get3A_1, %get3A_14, %dot_general3A_15 {dimension_numbers = #tpu.dot_dimension_numbers<[1], [0], [0], [1], [0, 0, 1, 1], [], []>, transpose_lhs_hint = false} : vector<256x128xf32>, vector<128x16xf32>, vector<256x16xf32> -> vector<256x16xf32>
    %get3A_17 = arith.constant 0 : index
    %get3A_18 = arith.constant 0 : index
    %get3A_19 = vector.load %arg5[%get3A_17, %get3A_18] : memref<1x16xf32, #tpu.memory_space<vmem>>, vector<1x16xf32>
    %add3A_20 = vector.broadcast %get3A_19 : vector<1x16xf32> to vector<256x16xf32>
    %add3A_21 = arith.addf %dot_general3A_16, %add3A_20 : vector<256x16xf32>
    %swap3A_22 = arith.constant 0 : index
    %swap3A_23 = arith.constant 0 : index
    %swap3A_24 = vector.load %arg7[%swap3A_22, %swap3A_23] : memref<256x16xf32, #tpu.memory_space<vmem>>, vector<256x16xf32>
    tpu.vector_store %arg7[%swap3A_22, %swap3A_23], %add3A_21 {strides = array<i32>} : memref<256x16xf32, #tpu.memory_space<vmem>>, vector<256x16xf32>,
    return
  }
  func.func @transform_0(%arg0: i32) -> (i32, i32) {
    %c0_i32 = arith.constant 0 : i32
    %c0_i32_0 = arith.constant 0 : i32
    return %arg0, %c0_i32 : i32, i32
  }
  func.func @transform_1(%arg0: i32) -> (i32, i32) {
    %c0_i32 = arith.constant 0 : i32
    %c0_i32_0 = arith.constant 0 : i32
    %c0_i32_1 = arith.constant 0 : i32
    return %c0_i32, %c0_i32_0 : i32, i32
  }
  func.func @transform_2(%arg0: i32) -> (i32, i32) {
    %c0_i32 = arith.constant 0 : i32
    %c0_i32_0 = arith.constant 0 : i32
    %c0_i32_1 = arith.constant 0 : i32
    return %c0_i32, %c0_i32_0 : i32, i32
  }
  func.func @transform_3(%arg0: i32) -> (i32, i32) {
    %c0_i32 = arith.constant 0 : i32
    %c0_i32_0 = arith.constant 0 : i32
    %c0_i32_1 = arith.constant 0 : i32
    return %c0_i32, %c0_i32_0 : i32, i32
  }
  func.func @transform_4(%arg0: i32) -> (i32, i32) {
    %c0_i32 = arith.constant 0 : i32
    %c0_i32_0 = arith.constant 0 : i32
    %c0_i32_1 = arith.constant 0 : i32
    return %c0_i32, %c0_i32_0 : i32, i32
  }
  func.func @transform_5(%arg0: i32) -> (i32, i32) {
    %c0_i32 = arith.constant 0 : i32
    %c0_i32_0 = arith.constant 0 : i32
    return %arg0, %c0_i32 : i32, i32
  }
  func.func @transform_6(%arg0: i32) -> (i32, i32) {
    %c0_i32 = arith.constant 0 : i32
    %c0_i32_0 = arith.constant 0 : i32
    return %arg0, %c0_i32 : i32, i32
  }
}

module attributes {stable_mosaic.version = 14 : i64} {
  func.func @_pool_max_kernel(%arg0: i32, %arg1: memref<1x256xf32, #tpu.memory_space<vmem>>, %arg2: memref<1x256xi32, #tpu.memory_space<vmem>>, %arg3: memref<64x8xf32, #tpu.memory_space<vmem>>) attributes {dimension_semantics = [#tpu.dimension_semantics<arbitrary>], iteration_bounds = array<i64: 40>, scalar_prefetch = 0 : i64, scratch_operands = 0 : i64, tpu.core_type = #tpu.core_type<tc>, window_params = [{transform_indices = @transform_0, window_bounds = array<i64: 1, 256>}, {transform_indices = @transform_1, window_bounds = array<i64: 1, 256>}, {pipeline_mode = #tpu.pipeline_mode<synchronous>, transform_indices = @transform_2, window_bounds = array<i64: 64, 8>}]} {
    %get3A = arith.constant 0 : index
    %get3A_0 = arith.constant 0 : index
    %get3A_1 = vector.load %arg2[%get3A, %get3A_0] : memref<1x256xi32, #tpu.memory_space<vmem>>, vector<1x256xi32>
    %iota3A = tpu.iota {dimensions = array<i32: 0>} : vector<64x256xi32>
    %eq3A = vector.broadcast %get3A_1 : vector<1x256xi32> to vector<64x256xi32>
    %eq3A_2 = arith.cmpi eq, %eq3A, %iota3A : vector<64x256xi32>
    %get3A_3 = arith.constant 0 : index
    %get3A_4 = arith.constant 0 : index
    %get3A_5 = vector.load %arg1[%get3A_3, %get3A_4] : memref<1x256xf32, #tpu.memory_space<vmem>>, vector<1x256xf32>
    %broadcast_in_dim3A = vector.shape_cast %get3A_5 : vector<1x256xf32> to vector<1x256xf32>
    %broadcast_in_dim3A_6 = vector.broadcast %broadcast_in_dim3A : vector<1x256xf32> to vector<64x256xf32>
    %jit3A = arith.constant -3.000000e+38 : f32
    %broadcast_in_dim3A_7 = vector.broadcast %jit3A : f32 to vector<64x256xf32>
    %select_n3A = arith.select %eq3A_2, %broadcast_in_dim3A_6, %broadcast_in_dim3A_7 : vector<64x256xi1>, vector<64x256xf32>
    %reduce_max3A = arith.constant dense<0xFF800000> : vector<64xf32>
    %reduce_max3A_8 = vector.multi_reduction <maximumf>, %select_n3A, %reduce_max3A [1] : vector<64x256xf32> to vector<64xf32>
    %broadcast_in_dim3A_9 = vector.shape_cast %reduce_max3A_8 : vector<64xf32> to vector<64x1xf32>
    %eq3A_10 = arith.constant 0 : i32
    %eq3A_11 = arith.cmpi eq, %arg0, %eq3A_10 : i32
    %convert_element_type3A = arith.extui %eq3A_11 : i1 to i32
    %cond3A = arith.constant 0 : i32
    %cond3A_12 = arith.cmpi ne, %convert_element_type3A, %cond3A : i32
    scf.if %cond3A_12 {
      %broadcast_in_dim3A_20 = arith.constant -3.000000e+38 : f32
      %broadcast_in_dim3A_21 = vector.broadcast %broadcast_in_dim3A_20 : f32 to vector<64x8xf32>
      %swap3A_22 = arith.constant 0 : index
      %swap3A_23 = arith.constant 0 : index
      %swap3A_24 = vector.load %arg3[%swap3A_22, %swap3A_23] : memref<64x8xf32, #tpu.memory_space<vmem>>, vector<64x8xf32>
      tpu.vector_store %arg3[%swap3A_22, %swap3A_23], %broadcast_in_dim3A_21 {strides = array<i32>} : memref<64x8xf32, #tpu.memory_space<vmem>>, vector<64x8xf32>,
    } else {
    }
    %get3A_13 = arith.constant 0 : index
    %get3A_14 = arith.constant 0 : index
    %get3A_15 = vector.load %arg3[%get3A_13, %get3A_14] : memref<64x8xf32, #tpu.memory_space<vmem>>, vector<64x8xf32>
    %broadcast_in_dim3A_16 = vector.shape_cast %broadcast_in_dim3A_9 : vector<64x1xf32> to vector<64x1xf32>
    %broadcast_in_dim3A_17 = vector.broadcast %broadcast_in_dim3A_16 : vector<64x1xf32> to vector<64x8xf32>
    %max3A = arith.maximumf %get3A_15, %broadcast_in_dim3A_17 : vector<64x8xf32>
    %swap3A = arith.constant 0 : index
    %swap3A_18 = arith.constant 0 : index
    %swap3A_19 = vector.load %arg3[%swap3A, %swap3A_18] : memref<64x8xf32, #tpu.memory_space<vmem>>, vector<64x8xf32>
    tpu.vector_store %arg3[%swap3A, %swap3A_18], %max3A {strides = array<i32>} : memref<64x8xf32, #tpu.memory_space<vmem>>, vector<64x8xf32>,
    return
  }
  func.func @transform_0(%arg0: i32) -> (i32, i32) {
    %c0_i32 = arith.constant 0 : i32
    %c0_i32_0 = arith.constant 0 : i32
    return %c0_i32, %arg0 : i32, i32
  }
  func.func @transform_1(%arg0: i32) -> (i32, i32) {
    %c0_i32 = arith.constant 0 : i32
    %c0_i32_0 = arith.constant 0 : i32
    return %c0_i32, %arg0 : i32, i32
  }
  func.func @transform_2(%arg0: i32) -> (i32, i32) {
    %c0_i32 = arith.constant 0 : i32
    %c0_i32_0 = arith.constant 0 : i32
    %c0_i32_1 = arith.constant 0 : i32
    return %c0_i32, %c0_i32_0 : i32, i32
  }
}

module attributes {stable_mosaic.version = 14 : i64} {
  func.func @_pool_acc_kernel(%arg0: i32, %arg1: memref<1x256xf32, #tpu.memory_space<vmem>>, %arg2: memref<256x16xf32, #tpu.memory_space<vmem>>, %arg3: memref<1x256xi32, #tpu.memory_space<vmem>>, %arg4: memref<64x8xf32, #tpu.memory_space<vmem>>, %arg5: memref<64x8xf32, #tpu.memory_space<vmem>>, %arg6: memref<64x16xf32, #tpu.memory_space<vmem>>) attributes {dimension_semantics = [#tpu.dimension_semantics<arbitrary>], iteration_bounds = array<i64: 40>, scalar_prefetch = 0 : i64, scratch_operands = 0 : i64, tpu.core_type = #tpu.core_type<tc>, window_params = [{transform_indices = @transform_0, window_bounds = array<i64: 1, 256>}, {transform_indices = @transform_1, window_bounds = array<i64: 256, 16>}, {transform_indices = @transform_2, window_bounds = array<i64: 1, 256>}, {pipeline_mode = #tpu.pipeline_mode<synchronous>, transform_indices = @transform_3, window_bounds = array<i64: 64, 8>}, {pipeline_mode = #tpu.pipeline_mode<synchronous>, transform_indices = @transform_4, window_bounds = array<i64: 64, 8>}, {pipeline_mode = #tpu.pipeline_mode<synchronous>, transform_indices = @transform_5, window_bounds = array<i64: 64, 16>}]} {
    %get3A = arith.constant 0 : index
    %get3A_0 = arith.constant 0 : index
    %get3A_1 = vector.load %arg3[%get3A, %get3A_0] : memref<1x256xi32, #tpu.memory_space<vmem>>, vector<1x256xi32>
    %iota3A = tpu.iota {dimensions = array<i32: 0>} : vector<64x256xi32>
    %eq3A = vector.broadcast %get3A_1 : vector<1x256xi32> to vector<64x256xi32>
    %eq3A_2 = arith.cmpi eq, %eq3A, %iota3A : vector<64x256xi32>
    %convert_element_type3A = arith.extui %eq3A_2 : vector<64x256xi1> to vector<64x256xi32>
    %convert_element_type3A_3 = arith.sitofp %convert_element_type3A : vector<64x256xi32> to vector<64x256xf32>
    %get3A_4 = arith.constant 0 : index
    %get3A_5 = arith.constant 0 : index
    %get3A_6 = vector.load %arg4[%get3A_4, %get3A_5] : memref<64x8xf32, #tpu.memory_space<vmem>>, vector<64x8xf32>
    %slice3A = vector.extract_strided_slice %get3A_6 {offsets = [0, 0], sizes = [64, 1], strides = [1, 1]} : vector<64x8xf32> to vector<64x1xf32>
    %mul3A = vector.broadcast %slice3A : vector<64x1xf32> to vector<64x256xf32>
    %mul3A_7 = arith.mulf %mul3A, %convert_element_type3A_3 : vector<64x256xf32>
    %reduce_sum3A = arith.constant dense<0.000000e+00> : vector<256xf32>
    %reduce_sum3A_8 = vector.multi_reduction <add>, %mul3A_7, %reduce_sum3A [0] : vector<64x256xf32> to vector<256xf32>
    %broadcast_in_dim3A = vector.shape_cast %reduce_sum3A_8 : vector<256xf32> to vector<1x256xf32>
    %get3A_9 = arith.constant 0 : index
    %get3A_10 = arith.constant 0 : index
    %get3A_11 = vector.load %arg1[%get3A_9, %get3A_10] : memref<1x256xf32, #tpu.memory_space<vmem>>, vector<1x256xf32>
    %sub3A = arith.subf %get3A_11, %broadcast_in_dim3A : vector<1x256xf32>
    %exp3A = math.exp %sub3A : vector<1x256xf32>
    %mul3A_12 = vector.broadcast %exp3A : vector<1x256xf32> to vector<64x256xf32>
    %mul3A_13 = arith.mulf %convert_element_type3A_3, %mul3A_12 : vector<64x256xf32>
    %eq3A_14 = arith.constant 0 : i32
    %eq3A_15 = arith.cmpi eq, %arg0, %eq3A_14 : i32
    %convert_element_type3A_16 = arith.extui %eq3A_15 : i1 to i32
    %cond3A = arith.constant 0 : i32
    %cond3A_17 = arith.cmpi ne, %convert_element_type3A_16, %cond3A : i32
    scf.if %cond3A_17 {
      %broadcast_in_dim3A_39 = arith.constant 0.000000e+00 : f32
      %broadcast_in_dim3A_40 = vector.broadcast %broadcast_in_dim3A_39 : f32 to vector<64x8xf32>
      %swap3A_41 = arith.constant 0 : index
      %swap3A_42 = arith.constant 0 : index
      %swap3A_43 = vector.load %arg5[%swap3A_41, %swap3A_42] : memref<64x8xf32, #tpu.memory_space<vmem>>, vector<64x8xf32>
      tpu.vector_store %arg5[%swap3A_41, %swap3A_42], %broadcast_in_dim3A_40 {strides = array<i32>} : memref<64x8xf32, #tpu.memory_space<vmem>>, vector<64x8xf32>,
      %broadcast_in_dim3A_44 = arith.constant 0.000000e+00 : f32
      %broadcast_in_dim3A_45 = vector.broadcast %broadcast_in_dim3A_44 : f32 to vector<64x16xf32>
      %swap3A_46 = arith.constant 0 : index
      %swap3A_47 = arith.constant 0 : index
      %swap3A_48 = vector.load %arg6[%swap3A_46, %swap3A_47] : memref<64x16xf32, #tpu.memory_space<vmem>>, vector<64x16xf32>
      tpu.vector_store %arg6[%swap3A_46, %swap3A_47], %broadcast_in_dim3A_45 {strides = array<i32>} : memref<64x16xf32, #tpu.memory_space<vmem>>, vector<64x16xf32>,
    } else {
    }
    %get3A_18 = arith.constant 0 : index
    %get3A_19 = arith.constant 0 : index
    %get3A_20 = vector.load %arg5[%get3A_18, %get3A_19] : memref<64x8xf32, #tpu.memory_space<vmem>>, vector<64x8xf32>
    %reduce_sum3A_21 = arith.constant dense<0.000000e+00> : vector<64xf32>
    %reduce_sum3A_22 = vector.multi_reduction <add>, %mul3A_13, %reduce_sum3A_21 [1] : vector<64x256xf32> to vector<64xf32>
    %broadcast_in_dim3A_23 = vector.shape_cast %reduce_sum3A_22 : vector<64xf32> to vector<64x1xf32>
    %broadcast_in_dim3A_24 = vector.shape_cast %broadcast_in_dim3A_23 : vector<64x1xf32> to vector<64x1xf32>
    %broadcast_in_dim3A_25 = vector.broadcast %broadcast_in_dim3A_24 : vector<64x1xf32> to vector<64x8xf32>
    %add3A = arith.addf %get3A_20, %broadcast_in_dim3A_25 : vector<64x8xf32>
    %swap3A = arith.constant 0 : index
    %swap3A_26 = arith.constant 0 : index
    %swap3A_27 = vector.load %arg5[%swap3A, %swap3A_26] : memref<64x8xf32, #tpu.memory_space<vmem>>, vector<64x8xf32>
    tpu.vector_store %arg5[%swap3A, %swap3A_26], %add3A {strides = array<i32>} : memref<64x8xf32, #tpu.memory_space<vmem>>, vector<64x8xf32>,
    %get3A_28 = arith.constant 0 : index
    %get3A_29 = arith.constant 0 : index
    %get3A_30 = vector.load %arg6[%get3A_28, %get3A_29] : memref<64x16xf32, #tpu.memory_space<vmem>>, vector<64x16xf32>
    %get3A_31 = arith.constant 0 : index
    %get3A_32 = arith.constant 0 : index
    %get3A_33 = vector.load %arg2[%get3A_31, %get3A_32] : memref<256x16xf32, #tpu.memory_space<vmem>>, vector<256x16xf32>
    %dot_general3A = arith.constant dense<0.000000e+00> : vector<64x16xf32>
    %dot_general3A_34 = tpu.matmul %mul3A_13, %get3A_33, %dot_general3A {dimension_numbers = #tpu.dot_dimension_numbers<[1], [0], [0], [1], [0, 0, 1, 1], [], []>, transpose_lhs_hint = false} : vector<64x256xf32>, vector<256x16xf32>, vector<64x16xf32> -> vector<64x16xf32>
    %add3A_35 = arith.addf %get3A_30, %dot_general3A_34 : vector<64x16xf32>
    %swap3A_36 = arith.constant 0 : index
    %swap3A_37 = arith.constant 0 : index
    %swap3A_38 = vector.load %arg6[%swap3A_36, %swap3A_37] : memref<64x16xf32, #tpu.memory_space<vmem>>, vector<64x16xf32>
    tpu.vector_store %arg6[%swap3A_36, %swap3A_37], %add3A_35 {strides = array<i32>} : memref<64x16xf32, #tpu.memory_space<vmem>>, vector<64x16xf32>,
    return
  }
  func.func @transform_0(%arg0: i32) -> (i32, i32) {
    %c0_i32 = arith.constant 0 : i32
    %c0_i32_0 = arith.constant 0 : i32
    return %c0_i32, %arg0 : i32, i32
  }
  func.func @transform_1(%arg0: i32) -> (i32, i32) {
    %c0_i32 = arith.constant 0 : i32
    %c0_i32_0 = arith.constant 0 : i32
    return %arg0, %c0_i32 : i32, i32
  }
  func.func @transform_2(%arg0: i32) -> (i32, i32) {
    %c0_i32 = arith.constant 0 : i32
    %c0_i32_0 = arith.constant 0 : i32
    return %c0_i32, %arg0 : i32, i32
  }
  func.func @transform_3(%arg0: i32) -> (i32, i32) {
    %c0_i32 = arith.constant 0 : i32
    %c0_i32_0 = arith.constant 0 : i32
    %c0_i32_1 = arith.constant 0 : i32
    return %c0_i32, %c0_i32_0 : i32, i32
  }
  func.func @transform_4(%arg0: i32) -> (i32, i32) {
    %c0_i32 = arith.constant 0 : i32
    %c0_i32_0 = arith.constant 0 : i32
    %c0_i32_1 = arith.constant 0 : i32
    return %c0_i32, %c0_i32_0 : i32, i32
  }
  func.func @transform_5(%arg0: i32) -> (i32, i32) {
    %c0_i32 = arith.constant 0 : i32
    %c0_i32_0 = arith.constant 0 : i32
    %c0_i32_1 = arith.constant 0 : i32
    return %c0_i32, %c0_i32_0 : i32, i32
  }
}

module attributes {stable_mosaic.version = 14 : i64} {
  func.func @_pool_final_kernel(%arg0: memref<64x16xf32, #tpu.memory_space<vmem>>, %arg1: memref<64x8xf32, #tpu.memory_space<vmem>>, %arg2: memref<64x10xf32, #tpu.memory_space<vmem>>) attributes {dimension_semantics = [], scalar_prefetch = 0 : i64, scratch_operands = 0 : i64, tpu.core_type = #tpu.core_type<tc>} {
    %get3A = arith.constant 0 : index
    %get3A_0 = arith.constant 0 : index
    %get3A_1 = vector.load %arg0[%get3A, %get3A_0] : memref<64x16xf32, #tpu.memory_space<vmem>>, vector<64x16xf32>
    %slice3A = vector.extract_strided_slice %get3A_1 {offsets = [0, 0], sizes = [64, 10], strides = [1, 1]} : vector<64x16xf32> to vector<64x10xf32>
    %get3A_2 = arith.constant 0 : index
    %get3A_3 = arith.constant 0 : index
    %get3A_4 = vector.load %arg1[%get3A_2, %get3A_3] : memref<64x8xf32, #tpu.memory_space<vmem>>, vector<64x8xf32>
    %slice3A_5 = vector.extract_strided_slice %get3A_4 {offsets = [0, 0], sizes = [64, 1], strides = [1, 1]} : vector<64x8xf32> to vector<64x1xf32>
    %add3A = arith.constant 1.000000e-16 : f32
    %add3A_6 = vector.broadcast %add3A : f32 to vector<64x1xf32>
    %add3A_7 = arith.addf %slice3A_5, %add3A_6 : vector<64x1xf32>
    %div3A = vector.broadcast %add3A_7 : vector<64x1xf32> to vector<64x10xf32>
    %div3A_8 = arith.divf %slice3A, %div3A : vector<64x10xf32>
    %reduce_max3A = arith.constant dense<0xFF800000> : vector<64xf32>
    %reduce_max3A_9 = vector.multi_reduction <maximumf>, %div3A_8, %reduce_max3A [1] : vector<64x10xf32> to vector<64xf32>
    %broadcast_in_dim3A = vector.shape_cast %reduce_max3A_9 : vector<64xf32> to vector<64x1xf32>
    %sub3A = vector.broadcast %broadcast_in_dim3A : vector<64x1xf32> to vector<64x10xf32>
    %sub3A_10 = arith.subf %div3A_8, %sub3A : vector<64x10xf32>
    %exp3A = math.exp %sub3A_10 : vector<64x10xf32>
    %reduce_sum3A = arith.constant dense<0.000000e+00> : vector<64xf32>
    %reduce_sum3A_11 = vector.multi_reduction <add>, %exp3A, %reduce_sum3A [1] : vector<64x10xf32> to vector<64xf32>
    %broadcast_in_dim3A_12 = vector.shape_cast %reduce_sum3A_11 : vector<64xf32> to vector<64x1xf32>
    %log3A = math.log %broadcast_in_dim3A_12 : vector<64x1xf32>
    %sub3A_13 = vector.broadcast %broadcast_in_dim3A : vector<64x1xf32> to vector<64x10xf32>
    %sub3A_14 = arith.subf %div3A_8, %sub3A_13 : vector<64x10xf32>
    %sub3A_15 = vector.broadcast %log3A : vector<64x1xf32> to vector<64x10xf32>
    %sub3A_16 = arith.subf %sub3A_14, %sub3A_15 : vector<64x10xf32>
    %swap3A = arith.constant 0 : index
    %swap3A_17 = arith.constant 0 : index
    %swap3A_18 = vector.load %arg2[%swap3A, %swap3A_17] : memref<64x10xf32, #tpu.memory_space<vmem>>, vector<64x10xf32>
    tpu.vector_store %arg2[%swap3A, %swap3A_17], %sub3A_16 {strides = array<i32>} : memref<64x10xf32, #tpu.memory_space<vmem>>, vector<64x10xf32>,
    return
  }
}

</mosaic_0001>

<sc_bundles>
// kernel: kernel.16.cloned.1.call-start
scs
__scs_entry_jumppad:
0x0: {  	(pc) =	sbr.rel $0x88, $3  }
0x1: {  	(tag) =	ssettag $0x0;
	lr =	simm.s32 $0x1  }
0x2: {  	[smem:$0x3F8E] =	sst lr;
	_ =	strace $0xD0000000  }
0x3: {  	_ = 	snop  }
0x4: {  	_ = 	snop  }
0x5: {  	_ = 	snop  }
0x6: {  	_ = 	snop  }
0x7: {  	_ = 	snop  }
__scs_overlays_trampoline_lowered:
0x8: {  	[smem:$0x3F9D] =	sst s0  }
0x9: {  	[smem:$0x3F9E] =	sst s1  }
0xa: {  	[smem:$0x3F9F] =	sst s2  }
0xb: {  	[smem:$0x3FA0] =	sst s3  }
0xc: {  	[smem:$0x3FA1] =	sst s4  }
0xd: {  	[smem:$0x3FA2] =	sst s5  }
0xe: {  	[smem:$0x3FA3] =	sst s6  }
0xf: {  	[smem:$0x3FA4] =	sst s7  }
0x10: {  	[smem:$0x3FA5] =	sst s8  }
0x11: {  	[smem:$0x3FA6] =	sst s9;
	s0 =	simm.s32 @!p0 $0x0  }
0x12: {  	s1 =	sld [smem:$0x3F8C];
	s0 =	simm.s32 @p0 $0x1  }
0x13: {  	[smem:$0x3FA7] =	sst s0;
	s0 =	simm.s32 @!p1 $0x0  }
0x14: {  	s2 =	sld [smem:$0x3F8B];
	s0 =	simm.s32 @p1 $0x1  }
0x15: {  	[smem:$0x3FA8] =	sst s0;
	s0 =	simm.s32 @!p2 $0x0  }
0x16: {  	s3 =	sld [smem:$0x3FDB];
	s0 =	simm.s32 @p2 $0x1  }
0x17: {  	s4 =	simm.s32 $0x1BF5;
	[smem:$0x3FAA] =	sst s0  }
0x18: {  	s0 =	sld [smem:$0x3F8D];
	_ =	swait.ge [sflag:s4], $0x0  }
0x19: {  	s7 =	sld [smem:$0x3F8E]  }
0x1a: {  	s8 =	sadd.s32 $0xFFFFE003, lr  }
0x1b: {  	s9 =	sadd.s32 $0xFFFFFEF7, lr;
	s5 =	simm.s32 $0xFFFFFFFF;
	p2 =	slt.u32 s8, $0xFFFFF086  }
0x1c: {  	p1 =	slt.u32 s9, $0xF7A;
	s5 =	simm.s32 @!p2 $0x0  }
0x1d: {  	s5 =	simm.s32 @p1 $0x1;
	p0 =	seq.s32 s7, s2  }
0x1e: {  	s7 =	smul.u32 @!p0 $0xF7A, s2;
	p2 =	seq.s32 @!p0 s5, $0x0  }
0x1f: {  	s9 =	smul.u32 $0xF7A, s1;
	s8 =	simm.s32 @!p0 $0x1BF5;
	p2 =	por !p2, p0  }
0x20: {  	[sflag:s8] =	ssyncset.s32 @!p0 $0xFFFFF086;
	s6 =	sadd.s32 @!p0 s3, s7;
	s7 =	simm.s32 @!p0 $0x108  }
0x21: {  	s3 =	sadd.s32 s3, s9;
	s6 =	sadd.s32 @!p0 $0x88, s6;
	s7 =	simm.s32 @p2 $0x1082  }
0x22: {  	[simem:s7], [sflag:s8] =	dma.local @!p0 [hbm:s6], $0xF7A  }
0x23: {  	s9 =	sor.u32 $0xD0000000, s2;
	s6 =	simm.s32 $0x108;
	_ =	swait.ge @!p0 [sflag:s8], $0x0  }
0x24: {  	s3 =	sadd.s32 $0x88, s3;
	s6 =	simm.s32 @!p1 $0x1082;
	[sflag:s4] =	ssyncset.s32 $0xFFFFF086  }
0x25: {  	[simem:s6], [sflag:s4] =	dma.local [hbm:s3], $0xF7A  }
0x26: {  	[smem:$0x3F8E] =	sst s1;
	(tag) =	ssettag s2;
	_ =	strace s9  }
0x27: {  	s1 =	sld [smem:$0x3F9E]  }
0x28: {  	s2 =	sld [smem:$0x3F9F]  }
0x29: {  	s4 =	sld [smem:$0x3FA1]  }
0x2a: {  	p0 =	seq.s32 s5, $0x0;
	s5 =	sld [smem:$0x3FA2]  }
0x2b: {  	s6 =	sld [smem:$0x3FA3]  }
0x2c: {  	s7 =	sld [smem:$0x3FA4]  }
0x2d: {  	s3 =	simm.s32 $0x108;
	s8 =	sld [smem:$0x3FA5]  }
0x2e: {  	s3 =	simm.s32 @!p0 $0x1082;
	s9 =	sld [smem:$0x3FA6]  }
0x2f: {  	lr =	sadd.s32 s0, s3;
	s0 =	sld [smem:$0x3F9D]  }
0x30: {  	s3 =	sld [smem:$0x3FA0]  }
0x31: {  	[smem:$0x3FA9] =	sst s10  }
0x32: {  	s10 =	sld [smem:$0x3FA7];
	_ =	sdelay $0x3  }
0x33: {  	p0 =	seq.s32 s10, $0x1;
	s10 =	sld [smem:$0x3FA9];
	_ =	sdelay $0x3  }
0x34: {  	[smem:$0x3FA9] =	sst s10  }
0x35: {  	s10 =	sld [smem:$0x3FA8];
	_ =	sdelay $0x3  }
0x36: {  	p1 =	seq.s32 s10, $0x1;
	s10 =	sld [smem:$0x3FA9];
	_ =	sdelay $0x3  }
0x37: {  	[smem:$0x3FA9] =	sst s10  }
0x38: {  	s10 =	sld [smem:$0x3FAA]  }
0x39: {  	_ = 	snop;
	(pc) =	sbr.ind lr, $3  }
0x3a: {  	_ = 	snop  }
0x3b: {  	_ = 	snop  }
0x3c: {  	p2 =	seq.s32 s10, $0x1;
	s10 =	sld [smem:$0x3FA9]  }
0x3d: {  	_ =	shalt  }
0x3e: {  	_ =	shalt  }
0x3f: {  	_ =	shalt  }
0x40: {  	_ =	shalt  }
0x41: {  	_ =	shalt  }
0x42: {  	_ =	shalt  }
0x43: {  	_ =	shalt  }
0x44: {  	_ =	shalt  }
0x45: {  	_ =	shalt  }
0x46: {  	_ =	shalt  }
0x47: {  	_ =	shalt  }
0x48: {  	_ =	shalt  }
0x49: {  	_ =	shalt  }
0x4a: {  	_ =	shalt  }
0x4b: {  	_ =	shalt  }
0x4c: {  	_ =	shalt  }
0x4d: {  	_ =	shalt  }
0x4e: {  	_ =	shalt  }
0x4f: {  	_ =	shalt  }
0x50: {  	_ =	shalt  }
0x51: {  	_ =	shalt  }
0x52: {  	_ =	shalt  }
0x53: {  	_ =	shalt  }
0x54: {  	_ =	shalt  }
0x55: {  	_ =	shalt  }
0x56: {  	_ =	shalt  }
0x57: {  	_ =	shalt  }
0x58: {  	_ =	shalt  }
0x59: {  	_ =	shalt  }
0x5a: {  	_ =	shalt  }
0x5b: {  	_ =	shalt  }
0x5c: {  	_ =	shalt  }
0x5d: {  	_ =	shalt  }
0x5e: {  	_ =	shalt  }
0x5f: {  	_ =	shalt  }
0x60: {  	_ =	shalt  }
0x61: {  	_ =	shalt  }
0x62: {  	_ =	shalt  }
0x63: {  	_ =	shalt  }
0x64: {  	_ =	shalt  }
0x65: {  	_ =	shalt  }
0x66: {  	_ =	shalt  }
0x67: {  	_ =	shalt  }
0x68: {  	_ =	shalt  }
0x69: {  	_ =	shalt  }
0x6a: {  	_ =	shalt  }
0x6b: {  	_ =	shalt  }
0x6c: {  	_ =	shalt  }
0x6d: {  	_ =	shalt  }
0x6e: {  	_ =	shalt  }
0x6f: {  	_ =	shalt  }
0x70: {  	_ =	shalt  }
0x71: {  	_ =	shalt  }
0x72: {  	_ =	shalt  }
0x73: {  	_ =	shalt  }
0x74: {  	_ =	shalt  }
0x75: {  	_ =	shalt  }
0x76: {  	_ =	shalt  }
0x77: {  	_ =	shalt  }
0x78: {  	_ =	shalt  }
0x79: {  	_ =	shalt  }
0x7a: {  	_ =	shalt  }
0x7b: {  	_ =	shalt  }
0x7c: {  	_ =	shalt  }
0x7d: {  	_ =	shalt  }
0x7e: {  	_ =	shalt  }
0x7f: {  	_ =	shalt  }
0x80: {  	_ =	shalt  }
0x81: {  	_ =	shalt  }
0x82: {  	_ =	shalt  }
0x83: {  	_ =	shalt  }
0x84: {  	_ =	shalt  }
0x85: {  	_ =	shalt  }
0x86: {  	_ =	shalt  }
0x87: {  	_ =	shalt  }
.Lfunc_end0:
.L_simem_size_0:
called_computation_lowered:
.L_overlay_start_0:
0x88: {  	s2 =	sld [smem:$0x3FD9]  }
0x89: {  	s3 =	sld [smem:$0x3FFE];
	_ =	sdelay $0x1  }
0x8a: {  	s1 =	srdreg.scid  }
0x8b: {  	s0 =	sand.u32 $0x1, s1  }
0x8c: {  	s17 =	sshll.u32 s0, $0xA;
	s2 =	sadd.s32 s3, s2  }
0x8d: {  	s2 =	sadd.s32 s2, s17  }
0x8e: {  	[smem:$0x3FB5] =	sst s2  }
0x8f: {  	_ = 	snop  }
0x90: {  	s2 =	sld [smem:$0x3FC5];
	(tm) =	ssettm $0x1  }
0x91: {  	s18 =	sld [smem:$0x3FFB];
	_ =	sdelay $0x3  }
0x92: {  	_ =	strace s18  }
0x93: {  	s3 =	sld [smem:$0x3FFC];
	_ =	sdelay $0x3  }
0x94: {  	_ =	strace s3  }
0x95: {  	s3 =	sld [smem:$0x3FFD];
	_ =	sdelay $0x3  }
0x96: {  	_ =	strace s3  }
0x97: {  	_ =	strace $0x8FFFFFFF  }
0x98: {  	s19 =	sld [smem:$0x3FDB];
	_ =	sdelay $0x1  }
0x99: {  	s4 =	simm.s32 $_scs_section_size  }
0x9a: {  	s5 =	simm.s32 $_size__tile_overlayer_lowered;
	s6 =	simm.s32 $_tile_overlayer_lowered  }
0x9b: {  	s22 =	simm.s32 $0x1BFF;
	s21 =	sshll.u32 s6, $0x1;
	s3 =	sadd.s32 s4, s19  }
0x9c: {  	s7 =	simm.s32 $0x0;
	s20 =	sshll.u32 s5, $0x1;
	s5 =	sadd.s32 s21, s3  }
0x9d: {  	[timem:s7], [sflag:s22] =	dma.local [hbm:s5], s20  }
0x9e: {  	_ =	swait.ge [sflag:s22], s20  }
0x9f: {  	s4 =	ssub.s32 $0x0, s20;
	[sflag:s22] =	ssyncset.done $0x0  }
0xa0: {  	[sflag:s22] =	ssyncadd.s32 s4;
	_ =	sdelay $0x1  }
0xa1: {  	s23 =	simm.s32 $0x1B8B  }
0xa2: {  	_ =	swait.ge [sflag:s23], $0x1  }
0xa3: {  	[sflag:s23] =	ssyncset.done $0x0  }
0xa4: {  	s25 =	simm.s32 $0x1B8E;
	s24 =	sld [smem:$0x3FFE];
	[sflag:s23] =	ssyncadd.s32 $0xFFFFFFFF  }
0xa5: {  	s26 =	simm.s32 $execute0_lowered;
	[smem:$0x3FD2] =	sst s25  }
0xa6: {  	s5 =	sshll.u32 s26, $0x1;
	_ =	strace $0x80000046;
	[dreg:$0x1] =	wrdreg $0xFFFFFFFF  }
0xa7: {  	s28 =	simm.s32 $_size_execute0_lowered;
	s3 =	sadd.s32 s3, s5;
	[dreg:$0x0] =	wrdreg $0x0  }
0xa8: {  	s5 =	sshll.u32 s28, $0x1;
	[dreg:$0x2] =	wrdreg s3  }
0xa9: {  	[dreg:$0x3] =	wrdreg s5  }
0xaa: {  	[dreg:$0x4] =	wrdreg $0xC0  }
0xab: {  	_ =	task [dreg:s7], $0x5FFFF  }
0xac: {  	[dreg:$0x1] =	wrdreg $0xFFFFFFFF  }
0xad: {  	[dreg:$0x0] =	wrdreg $0x60  }
0xae: {  	[dreg:$0x2] =	wrdreg s2  }
0xaf: {  	[dreg:$0x3] =	wrdreg s24  }
0xb0: {  	[dreg:$0x4] =	wrdreg $0x9  }
0xb1: {  	_ =	task.clear_ibuf [dreg:s7], $0x5FFFF;
	_ =	strace $0x90000046  }
0xb2: {  	s29 =	simm.s32 $0x9;
	_ =	strace $0x80000048  }
0xb3: {  	_ =	swait.ge [sflag:s29], $0x1  }
0xb4: {  	[sflag:s29] =	ssyncadd.s32 $0xFFFFFFFF  }
0xb5: {  	_ =	strace $0x90000048  }
0xb6: {  	_ =	sfence  }
0xb7: {  	s30 =	sld [smem:$0x0];
	_ =	sdelay $0x2  }
0xb8: {  	s31 =	sshll.u32 s1, $0xD;
	s1 =	sshrl.u32 s1, $0x2  }
0xb9: {  	s3 =	sand.u32 $0x4000, s31;
	s1 =	sadd.s32 s1, s30  }
0xba: {  	s0 =	sor.u32 s3, s0;
	s1 =	sshll.u32 s1, $0x11  }
0xbb: {  	s0 =	sor.u32 s1, s0  }
0xbc: {  	s0 =	sadd.s32 $0x8F2B, s0  }
0xbd: {  	[sflag:s0] =	ssyncadd.remote.s32 $0x1  }
0xbe: {  	_ =	sfence.sel $0xFFFF  }
0xbf: {  	[dreg:$0x0] =	wrdreg $0xFFFFFFFF;
	(pc) =	sbr.abs _section_cstart, $3  }
0xc0: {  	[dreg:$0x1] =	wrdreg $0xFFFFFFFF  }
0xc1: {  	_ =	task.clear_ibuf [dreg:s7], $0x2FFFF;
	_ =	strace $0x9FFFFFFF  }
0xc2: {  	(tm) =	ssettm $0x7FFFFFFF  }
0xc3: {  	_ =	shalt  }
tec
execute0_lowered:
.L_overlay_start_1:
0x0: {  	(tag) =	ssettag $0x1  }
0x1: {  	s1 =	srdreg.scid;
	s0 =	stileid.u32  }
0x2: {  	s17 =	sand.u32 $0x1, s1;
	s26 =	sshll.u32 s0, $0x1  }
0x3: {  	s2 =	rddreg [dreg:$0x0];
	s9 =	sor.u32 s17, s26  }
0x4: {  	s10 =	rddreg [dreg:$0x1];
	s18 =	smul.u32 $0x140, s9  }
0x5: {  	s3 =	simm.s32 $0x0;
	s1 =	rddreg [dreg:$0x2]  }
0x6: {  	[smem:$0x7FF] =	sst s3;
	s16 =	sadd.s32 $0x4C00, s10;
	s4 =	sshrl.u32 s18, $0x3  }
0x7: {  	_ =	strace $0x80000047;
	s5 =	sadd.s32 s16, s4;
	s4 =	simm.s32 $0x2  }
0x8: {  	[tilespmem:s3], [sflag:$0x2] =	stream.linear.gather [hbm4b:s5+s3], $0x40, $0x38;
	[tilespmem:$0x2080] =	vst v63  }
0x9: {  	_ =	swait.ge [sflag:s4], $0x40  }
0xa: {  	s6 =	simm.s32 $0x40;
	[sflag:s4] =	ssyncset.done $0x0  }
0xb: {  	s7 =	simm.s32 $0x80;
	s8 =	simm.s32 $0x1;
	[sflag:s4] =	ssyncadd.s32 $0xFFFFFFC0  }
0xc: {  	[tilespmem:s7], [sflag:$0x1] =	stream.indirect.gather [hbm4b:s2+s6], $0x80, s3, s6, $0xb8;
	[tilespmem:$0x2080] =	vst v63  }
0xd: {  	s9 =	smul.u32 $0x1400, s9;
	_ =	swait.ge [sflag:s8], $0x2000  }
0xe: {  	s19 =	sadd.s32 $0x5200, s10;
	[sflag:s8] =	ssyncset.done $0x0  }
0xf: {  	s9 =	sadd.s32 s19, s9;
	[sflag:s8] =	ssyncadd.s32 $0xFFFFE000  }
0x10: {  	[hbm4b:s9+s3] =	stream.linear.scatter [tilespmem:s7], [sflag:$0x2], $0x2000, $0x38;
	[tilespmem:$0x2080] =	vst v63  }
0x11: {  	s11 =	sadd.s32 $0x40, s18;
	_ =	swait.ge [sflag:s4], $0x2000  }
0x12: {  	s28 =	sshrl.u32 s11, $0x3;
	[sflag:s4] =	ssyncset.done $0x0  }
0x13: {  	s10 =	sadd.s32 s16, s28;
	[sflag:s4] =	ssyncadd.s32 $0xFFFFE000  }
0x14: {  	[tilespmem:s3], [sflag:$0x2] =	stream.linear.gather [hbm4b:s10+s3], $0x40, $0x38;
	[tilespmem:$0x2080] =	vst v63  }
0x15: {  	_ =	swait.ge [sflag:s4], $0x40  }
0x16: {  	[sflag:s4] =	ssyncset.done $0x0  }
0x17: {  	[sflag:s4] =	ssyncadd.s32 $0xFFFFFFC0  }
0x18: {  	[tilespmem:s7], [sflag:$0x1] =	stream.indirect.gather [hbm4b:s2+s6], $0x80, s3, s6, $0xb8;
	[tilespmem:$0x2080] =	vst v63  }
0x19: {  	_ =	swait.ge [sflag:s8], $0x2000  }
0x1a: {  	s11 =	sshll.u32 s11, $0x4;
	[sflag:s8] =	ssyncset.done $0x0  }
0x1b: {  	s11 =	sadd.s32 s19, s11;
	[sflag:s8] =	ssyncadd.s32 $0xFFFFE000  }
0x1c: {  	[hbm4b:s11+s3] =	stream.linear.scatter [tilespmem:s7], [sflag:$0x2], $0x2000, $0x38;
	[tilespmem:$0x2080] =	vst v63  }
0x1d: {  	s13 =	sadd.s32 $0x80, s18;
	_ =	swait.ge [sflag:s4], $0x2000  }
0x1e: {  	s12 =	sshrl.u32 s13, $0x3;
	[sflag:s4] =	ssyncset.done $0x0  }
0x1f: {  	s12 =	sadd.s32 s16, s12;
	[sflag:s4] =	ssyncadd.s32 $0xFFFFE000  }
0x20: {  	[tilespmem:s3], [sflag:$0x2] =	stream.linear.gather [hbm4b:s12+s3], $0x40, $0x38;
	[tilespmem:$0x2080] =	vst v63  }
0x21: {  	_ =	swait.ge [sflag:s4], $0x40  }
0x22: {  	[sflag:s4] =	ssyncset.done $0x0  }
0x23: {  	[sflag:s4] =	ssyncadd.s32 $0xFFFFFFC0  }
0x24: {  	[tilespmem:s7], [sflag:$0x1] =	stream.indirect.gather [hbm4b:s2+s6], $0x80, s3, s6, $0xb8;
	[tilespmem:$0x2080] =	vst v63  }
0x25: {  	_ =	swait.ge [sflag:s8], $0x2000  }
0x26: {  	s13 =	sshll.u32 s13, $0x4;
	[sflag:s8] =	ssyncset.done $0x0  }
0x27: {  	s13 =	sadd.s32 s19, s13;
	[sflag:s8] =	ssyncadd.s32 $0xFFFFE000  }
0x28: {  	[hbm4b:s13+s3] =	stream.linear.scatter [tilespmem:s7], [sflag:$0x2], $0x2000, $0x38;
	[tilespmem:$0x2080] =	vst v63  }
0x29: {  	s15 =	sadd.s32 $0xC0, s18;
	_ =	swait.ge [sflag:s4], $0x2000  }
0x2a: {  	s14 =	sshrl.u32 s15, $0x3;
	[sflag:s4] =	ssyncset.done $0x0  }
0x2b: {  	s14 =	sadd.s32 s16, s14;
	[sflag:s4] =	ssyncadd.s32 $0xFFFFE000  }
0x2c: {  	[tilespmem:s3], [sflag:$0x2] =	stream.linear.gather [hbm4b:s14+s3], $0x40, $0x38;
	[tilespmem:$0x2080] =	vst v63  }
0x2d: {  	_ =	swait.ge [sflag:s4], $0x40  }
0x2e: {  	[sflag:s4] =	ssyncset.done $0x0  }
0x2f: {  	[sflag:s4] =	ssyncadd.s32 $0xFFFFFFC0  }
0x30: {  	[tilespmem:s7], [sflag:$0x1] =	stream.indirect.gather [hbm4b:s2+s6], $0x80, s3, s6, $0xb8;
	[tilespmem:$0x2080] =	vst v63  }
0x31: {  	_ =	swait.ge [sflag:s8], $0x2000  }
0x32: {  	s15 =	sshll.u32 s15, $0x4;
	[sflag:s8] =	ssyncset.done $0x0  }
0x33: {  	s15 =	sadd.s32 s19, s15;
	[sflag:s8] =	ssyncadd.s32 $0xFFFFE000  }
0x34: {  	[hbm4b:s15+s3] =	stream.linear.scatter [tilespmem:s7], [sflag:$0x2], $0x2000, $0x38;
	[tilespmem:$0x2080] =	vst v63  }
0x35: {  	s18 =	sadd.s32 $0x100, s18;
	_ =	swait.ge [sflag:s4], $0x2000  }
0x36: {  	s20 =	sshrl.u32 s18, $0x3;
	[sflag:s4] =	ssyncset.done $0x0  }
0x37: {  	s17 =	ssub.s32 $0x2, s17;
	s16 =	sadd.s32 s16, s20;
	[sflag:s4] =	ssyncadd.s32 $0xFFFFE000  }
0x38: {  	[tilespmem:s3], [sflag:$0x2] =	stream.linear.gather [hbm4b:s16+s3], $0x40, $0x38;
	[tilespmem:$0x2080] =	vst v63  }
0x39: {  	s29 =	sshrl.u32 s17, $0x1;
	_ =	swait.ge [sflag:s4], $0x40  }
0x3a: {  	s20 =	ssub.s32 s17, s29;
	[sflag:s4] =	ssyncset.done $0x0  }
0x3b: {  	s31 =	smax.u32 s20, $0x1;
	[sflag:s4] =	ssyncadd.s32 $0xFFFFFFC0  }
0x3c: {  	[tilespmem:s7], [sflag:$0x1] =	stream.indirect.gather [hbm4b:s2+s6], $0x80, s3, s6, $0xb8;
	[tilespmem:$0x2080] =	vst v63  }
0x3d: {  	p0 =	sne.s32 s31, $0x1;
	_ =	swait.ge [sflag:s8], $0x2000  }
.Ltmp0:
0x3e: {  	s30 =	sshll.u32 s18, $0x4;
	[sflag:s8] =	ssyncset.done $0x0;
	(pc) =	sbr.rel @!p0 .LBB2_2-.Ltmp0, $4  }
0x3f: {  	s17 =	sadd.s32 s19, s30;
	[sflag:s8] =	ssyncadd.s32 $0xFFFFE000  }
0x40: {  	[hbm4b:s17+s3] =	stream.linear.scatter [tilespmem:s7], [sflag:$0x2], $0x2000, $0x38;
	[tilespmem:$0x2080] =	vst v63  }
0x41: {  	_ =	swait.ge [sflag:s4], $0x2000  }
0x42: {  	s18 =	sadd.s32 $0xFFFFFFFF, s31;
	[sflag:s4] =	ssyncset.done $0x0  }
.LBB2_1:
0x43: {  	p0 =	sne.s32 s18, $0x1;
	s18 =	sadd.s32 $0xFFFFFFFF, s18;
	[sflag:s4] =	ssyncadd.s32 $0xFFFFE000  }
0x44: {  	[tilespmem:s3], [sflag:$0x2] =	stream.linear.gather [hbm4b:s5+s3], $0x40, $0x38;
	[tilespmem:$0x2080] =	vst v63  }
0x45: {  	_ =	swait.ge [sflag:s4], $0x40  }
0x46: {  	[sflag:s4] =	ssyncset.done $0x0  }
0x47: {  	[sflag:s4] =	ssyncadd.s32 $0xFFFFFFC0  }
0x48: {  	[tilespmem:s7], [sflag:$0x1] =	stream.indirect.gather [hbm4b:s2+s6], $0x80, s3, s6, $0xb8;
	[tilespmem:$0x2080] =	vst v63  }
0x49: {  	_ =	swait.ge [sflag:s8], $0x2000  }
0x4a: {  	[sflag:s8] =	ssyncset.done $0x0  }
0x4b: {  	[sflag:s8] =	ssyncadd.s32 $0xFFFFE000  }
0x4c: {  	[hbm4b:s9+s3] =	stream.linear.scatter [tilespmem:s7], [sflag:$0x2], $0x2000, $0x38;
	[tilespmem:$0x2080] =	vst v63  }
0x4d: {  	_ =	swait.ge [sflag:s4], $0x2000  }
0x4e: {  	[sflag:s4] =	ssyncset.done $0x0  }
0x4f: {  	[sflag:s4] =	ssyncadd.s32 $0xFFFFE000  }
0x50: {  	[tilespmem:s3], [sflag:$0x2] =	stream.linear.gather [hbm4b:s10+s3], $0x40, $0x38;
	[tilespmem:$0x2080] =	vst v63  }
0x51: {  	_ =	swait.ge [sflag:s4], $0x40  }
0x52: {  	[sflag:s4] =	ssyncset.done $0x0  }
0x53: {  	[sflag:s4] =	ssyncadd.s32 $0xFFFFFFC0  }
0x54: {  	[tilespmem:s7], [sflag:$0x1] =	stream.indirect.gather [hbm4b:s2+s6], $0x80, s3, s6, $0xb8;
	[tilespmem:$0x2080] =	vst v63  }
0x55: {  	_ =	swait.ge [sflag:s8], $0x2000  }
0x56: {  	[sflag:s8] =	ssyncset.done $0x0  }
0x57: {  	[sflag:s8] =	ssyncadd.s32 $0xFFFFE000  }
0x58: {  	[hbm4b:s11+s3] =	stream.linear.scatter [tilespmem:s7], [sflag:$0x2], $0x2000, $0x38;
	[tilespmem:$0x2080] =	vst v63  }
0x59: {  	_ =	swait.ge [sflag:s4], $0x2000  }
0x5a: {  	[sflag:s4] =	ssyncset.done $0x0  }
0x5b: {  	[sflag:s4] =	ssyncadd.s32 $0xFFFFE000  }
0x5c: {  	[tilespmem:s3], [sflag:$0x2] =	stream.linear.gather [hbm4b:s12+s3], $0x40, $0x38;
	[tilespmem:$0x2080] =	vst v63  }
0x5d: {  	_ =	swait.ge [sflag:s4], $0x40  }
0x5e: {  	[sflag:s4] =	ssyncset.done $0x0  }
0x5f: {  	[sflag:s4] =	ssyncadd.s32 $0xFFFFFFC0  }
0x60: {  	[tilespmem:s7], [sflag:$0x1] =	stream.indirect.gather [hbm4b:s2+s6], $0x80, s3, s6, $0xb8;
	[tilespmem:$0x2080] =	vst v63  }
0x61: {  	_ =	swait.ge [sflag:s8], $0x2000  }
0x62: {  	[sflag:s8] =	ssyncset.done $0x0  }
0x63: {  	[sflag:s8] =	ssyncadd.s32 $0xFFFFE000  }
0x64: {  	[hbm4b:s13+s3] =	stream.linear.scatter [tilespmem:s7], [sflag:$0x2], $0x2000, $0x38;
	[tilespmem:$0x2080] =	vst v63  }
0x65: {  	_ =	swait.ge [sflag:s4], $0x2000  }
0x66: {  	[sflag:s4] =	ssyncset.done $0x0  }
0x67: {  	[sflag:s4] =	ssyncadd.s32 $0xFFFFE000  }
0x68: {  	[tilespmem:s3], [sflag:$0x2] =	stream.linear.gather [hbm4b:s14+s3], $0x40, $0x38;
	[tilespmem:$0x2080] =	vst v63  }
0x69: {  	_ =	swait.ge [sflag:s4], $0x40  }
0x6a: {  	[sflag:s4] =	ssyncset.done $0x0  }
0x6b: {  	[sflag:s4] =	ssyncadd.s32 $0xFFFFFFC0  }
0x6c: {  	[tilespmem:s7], [sflag:$0x1] =	stream.indirect.gather [hbm4b:s2+s6], $0x80, s3, s6, $0xb8;
	[tilespmem:$0x2080] =	vst v63  }
0x6d: {  	_ =	swait.ge [sflag:s8], $0x2000  }
0x6e: {  	[sflag:s8] =	ssyncset.done $0x0  }
0x6f: {  	[sflag:s8] =	ssyncadd.s32 $0xFFFFE000  }
0x70: {  	[hbm4b:s15+s3] =	stream.linear.scatter [tilespmem:s7], [sflag:$0x2], $0x2000, $0x38;
	[tilespmem:$0x2080] =	vst v63  }
0x71: {  	_ =	swait.ge [sflag:s4], $0x2000  }
0x72: {  	[sflag:s4] =	ssyncset.done $0x0  }
0x73: {  	[sflag:s4] =	ssyncadd.s32 $0xFFFFE000  }
0x74: {  	[tilespmem:s3], [sflag:$0x2] =	stream.linear.gather [hbm4b:s16+s3], $0x40, $0x38;
	[tilespmem:$0x2080] =	vst v63  }
0x75: {  	_ =	swait.ge [sflag:s4], $0x40  }
0x76: {  	[sflag:s4] =	ssyncset.done $0x0  }
0x77: {  	[sflag:s4] =	ssyncadd.s32 $0xFFFFFFC0  }
0x78: {  	[tilespmem:s7], [sflag:$0x1] =	stream.indirect.gather [hbm4b:s2+s6], $0x80, s3, s6, $0xb8;
	[tilespmem:$0x2080] =	vst v63  }
0x79: {  	_ =	swait.ge [sflag:s8], $0x2000  }
.Ltmp1:
0x7a: {  	[sflag:s8] =	ssyncset.done $0x0;
	(pc) =	sbr.rel @p0 .LBB2_1-.Ltmp1, $4  }
0x7b: {  	[sflag:s8] =	ssyncadd.s32 $0xFFFFE000  }
0x7c: {  	[hbm4b:s17+s3] =	stream.linear.scatter [tilespmem:s7], [sflag:$0x2], $0x2000, $0x38;
	[tilespmem:$0x2080] =	vst v63  }
0x7d: {  	_ =	swait.ge [sflag:s4], $0x2000  }
0x7e: {  	[sflag:s4] =	ssyncset.done $0x0  }
.LBB2_2:
0x7f: {  	[sflag:s4] =	ssyncadd.s32 $0xFFFFE000  }
0x80: {  	_ =	sfence.sel $0x180000  }
0x81: {  	[bflag:$0x0] =	sbarrier.arrive $0xFFFF  }
0x82: {  	p0 =	sne.s32 s0, $0x0;
	_ =	strace $0x90000047  }
0x83: {  	s0 =	sadd.s32 @!p0 $0x100000, s1;
	[bflag:$0x2] =	sbarrier.arrive $0xFFFF  }
0x84: {  	[sflag:s0] =	ssyncadd.tile.s32 @!p0 $0x1;
	_ =	shalt  }
.Lfunc_end2:
_tile_overlayer_lowered:
.L_overlay_start_2:
0x85: {  	(tag) =	ssettag $0x2  }
0x86: {  	s0 =	rddreg [dreg:$0x0];
	s2 =	stileid.u32  }
0x87: {  	s1 =	rddreg [dreg:$0x1];
	p0 =	sne.s32 s2, $0x0  }
0x88: {  	s3 =	rddreg [dreg:$0x2];
	[bflag:$0x3] =	sbarrier.arrive $0xFFFF;
	s2 =	simm.s32 @!p0 $0x1C02  }
0x89: {  	[timem:s3], [sflag:s2] =	dma.local @!p0 [hbm:s0], s1  }
0x8a: {  	s0 =	simm.s32 @!p0 $0x2  }
0x8b: {  	_ =	swait.ge @!p0 [sflag:s0], s1  }
0x8c: {  	s1 =	ssub.s32 @!p0 $0x0, s1;
	[sflag:s0] =	ssyncset.done @!p0 $0x0  }
0x8d: {  	[sflag:s0] =	ssyncadd.s32 @!p0 s1  }
0x8e: {  	[bflag:$0x3] =	sbarrier.arrive $0xFFFF  }
0x8f: {  	_ =	shalt  }

// kernel: kernel.19.cloned.1.call-start
scs
__scs_entry_jumppad:
0x0: {  	(pc) =	sbr.rel $0x88, $3  }
0x1: {  	(tag) =	ssettag $0x0;
	lr =	simm.s32 $0x1  }
0x2: {  	[smem:$0x3F8E] =	sst lr;
	_ =	strace $0xD0000000  }
0x3: {  	_ = 	snop  }
0x4: {  	_ = 	snop  }
0x5: {  	_ = 	snop  }
0x6: {  	_ = 	snop  }
0x7: {  	_ = 	snop  }
__scs_overlays_trampoline_lowered:
0x8: {  	[smem:$0x3F9D] =	sst s0  }
0x9: {  	[smem:$0x3F9E] =	sst s1  }
0xa: {  	[smem:$0x3F9F] =	sst s2  }
0xb: {  	[smem:$0x3FA0] =	sst s3  }
0xc: {  	[smem:$0x3FA1] =	sst s4  }
0xd: {  	[smem:$0x3FA2] =	sst s5  }
0xe: {  	[smem:$0x3FA3] =	sst s6  }
0xf: {  	[smem:$0x3FA4] =	sst s7  }
0x10: {  	[smem:$0x3FA5] =	sst s8  }
0x11: {  	[smem:$0x3FA6] =	sst s9;
	s0 =	simm.s32 @!p0 $0x0  }
0x12: {  	s1 =	sld [smem:$0x3F8C];
	s0 =	simm.s32 @p0 $0x1  }
0x13: {  	[smem:$0x3FA7] =	sst s0;
	s0 =	simm.s32 @!p1 $0x0  }
0x14: {  	s2 =	sld [smem:$0x3F8B];
	s0 =	simm.s32 @p1 $0x1  }
0x15: {  	[smem:$0x3FA8] =	sst s0;
	s0 =	simm.s32 @!p2 $0x0  }
0x16: {  	s3 =	sld [smem:$0x3FDB];
	s0 =	simm.s32 @p2 $0x1  }
0x17: {  	s4 =	simm.s32 $0x1BF5;
	[smem:$0x3FAA] =	sst s0  }
0x18: {  	s0 =	sld [smem:$0x3F8D];
	_ =	swait.ge [sflag:s4], $0x0  }
0x19: {  	s7 =	sld [smem:$0x3F8E]  }
0x1a: {  	s8 =	sadd.s32 $0xFFFFE003, lr  }
0x1b: {  	s9 =	sadd.s32 $0xFFFFFEF7, lr;
	s5 =	simm.s32 $0xFFFFFFFF;
	p2 =	slt.u32 s8, $0xFFFFF086  }
0x1c: {  	p1 =	slt.u32 s9, $0xF7A;
	s5 =	simm.s32 @!p2 $0x0  }
0x1d: {  	s5 =	simm.s32 @p1 $0x1;
	p0 =	seq.s32 s7, s2  }
0x1e: {  	s7 =	smul.u32 @!p0 $0xF7A, s2;
	p2 =	seq.s32 @!p0 s5, $0x0  }
0x1f: {  	s9 =	smul.u32 $0xF7A, s1;
	s8 =	simm.s32 @!p0 $0x1BF5;
	p2 =	por !p2, p0  }
0x20: {  	[sflag:s8] =	ssyncset.s32 @!p0 $0xFFFFF086;
	s6 =	sadd.s32 @!p0 s3, s7;
	s7 =	simm.s32 @!p0 $0x108  }
0x21: {  	s3 =	sadd.s32 s3, s9;
	s6 =	sadd.s32 @!p0 $0x88, s6;
	s7 =	simm.s32 @p2 $0x1082  }
0x22: {  	[simem:s7], [sflag:s8] =	dma.local @!p0 [hbm:s6], $0xF7A  }
0x23: {  	s9 =	sor.u32 $0xD0000000, s2;
	s6 =	simm.s32 $0x108;
	_ =	swait.ge @!p0 [sflag:s8], $0x0  }
0x24: {  	s3 =	sadd.s32 $0x88, s3;
	s6 =	simm.s32 @!p1 $0x1082;
	[sflag:s4] =	ssyncset.s32 $0xFFFFF086  }
0x25: {  	[simem:s6], [sflag:s4] =	dma.local [hbm:s3], $0xF7A  }
0x26: {  	[smem:$0x3F8E] =	sst s1;
	(tag) =	ssettag s2;
	_ =	strace s9  }
0x27: {  	s1 =	sld [smem:$0x3F9E]  }
0x28: {  	s2 =	sld [smem:$0x3F9F]  }
0x29: {  	s4 =	sld [smem:$0x3FA1]  }
0x2a: {  	p0 =	seq.s32 s5, $0x0;
	s5 =	sld [smem:$0x3FA2]  }
0x2b: {  	s6 =	sld [smem:$0x3FA3]  }
0x2c: {  	s7 =	sld [smem:$0x3FA4]  }
0x2d: {  	s3 =	simm.s32 $0x108;
	s8 =	sld [smem:$0x3FA5]  }
0x2e: {  	s3 =	simm.s32 @!p0 $0x1082;
	s9 =	sld [smem:$0x3FA6]  }
0x2f: {  	lr =	sadd.s32 s0, s3;
	s0 =	sld [smem:$0x3F9D]  }
0x30: {  	s3 =	sld [smem:$0x3FA0]  }
0x31: {  	[smem:$0x3FA9] =	sst s10  }
0x32: {  	s10 =	sld [smem:$0x3FA7];
	_ =	sdelay $0x3  }
0x33: {  	p0 =	seq.s32 s10, $0x1;
	s10 =	sld [smem:$0x3FA9];
	_ =	sdelay $0x3  }
0x34: {  	[smem:$0x3FA9] =	sst s10  }
0x35: {  	s10 =	sld [smem:$0x3FA8];
	_ =	sdelay $0x3  }
0x36: {  	p1 =	seq.s32 s10, $0x1;
	s10 =	sld [smem:$0x3FA9];
	_ =	sdelay $0x3  }
0x37: {  	[smem:$0x3FA9] =	sst s10  }
0x38: {  	s10 =	sld [smem:$0x3FAA]  }
0x39: {  	_ = 	snop;
	(pc) =	sbr.ind lr, $3  }
0x3a: {  	_ = 	snop  }
0x3b: {  	_ = 	snop  }
0x3c: {  	p2 =	seq.s32 s10, $0x1;
	s10 =	sld [smem:$0x3FA9]  }
0x3d: {  	_ =	shalt  }
0x3e: {  	_ =	shalt  }
0x3f: {  	_ =	shalt  }
0x40: {  	_ =	shalt  }
0x41: {  	_ =	shalt  }
0x42: {  	_ =	shalt  }
0x43: {  	_ =	shalt  }
0x44: {  	_ =	shalt  }
0x45: {  	_ =	shalt  }
0x46: {  	_ =	shalt  }
0x47: {  	_ =	shalt  }
0x48: {  	_ =	shalt  }
0x49: {  	_ =	shalt  }
0x4a: {  	_ =	shalt  }
0x4b: {  	_ =	shalt  }
0x4c: {  	_ =	shalt  }
0x4d: {  	_ =	shalt  }
0x4e: {  	_ =	shalt  }
0x4f: {  	_ =	shalt  }
0x50: {  	_ =	shalt  }
0x51: {  	_ =	shalt  }
0x52: {  	_ =	shalt  }
0x53: {  	_ =	shalt  }
0x54: {  	_ =	shalt  }
0x55: {  	_ =	shalt  }
0x56: {  	_ =	shalt  }
0x57: {  	_ =	shalt  }
0x58: {  	_ =	shalt  }
0x59: {  	_ =	shalt  }
0x5a: {  	_ =	shalt  }
0x5b: {  	_ =	shalt  }
0x5c: {  	_ =	shalt  }
0x5d: {  	_ =	shalt  }
0x5e: {  	_ =	shalt  }
0x5f: {  	_ =	shalt  }
0x60: {  	_ =	shalt  }
0x61: {  	_ =	shalt  }
0x62: {  	_ =	shalt  }
0x63: {  	_ =	shalt  }
0x64: {  	_ =	shalt  }
0x65: {  	_ =	shalt  }
0x66: {  	_ =	shalt  }
0x67: {  	_ =	shalt  }
0x68: {  	_ =	shalt  }
0x69: {  	_ =	shalt  }
0x6a: {  	_ =	shalt  }
0x6b: {  	_ =	shalt  }
0x6c: {  	_ =	shalt  }
0x6d: {  	_ =	shalt  }
0x6e: {  	_ =	shalt  }
0x6f: {  	_ =	shalt  }
0x70: {  	_ =	shalt  }
0x71: {  	_ =	shalt  }
0x72: {  	_ =	shalt  }
0x73: {  	_ =	shalt  }
0x74: {  	_ =	shalt  }
0x75: {  	_ =	shalt  }
0x76: {  	_ =	shalt  }
0x77: {  	_ =	shalt  }
0x78: {  	_ =	shalt  }
0x79: {  	_ =	shalt  }
0x7a: {  	_ =	shalt  }
0x7b: {  	_ =	shalt  }
0x7c: {  	_ =	shalt  }
0x7d: {  	_ =	shalt  }
0x7e: {  	_ =	shalt  }
0x7f: {  	_ =	shalt  }
0x80: {  	_ =	shalt  }
0x81: {  	_ =	shalt  }
0x82: {  	_ =	shalt  }
0x83: {  	_ =	shalt  }
0x84: {  	_ =	shalt  }
0x85: {  	_ =	shalt  }
0x86: {  	_ =	shalt  }
0x87: {  	_ =	shalt  }
.Lfunc_end0:
.L_simem_size_0:
called_computation.1_lowered:
.L_overlay_start_0:
0x88: {  	s2 =	sld [smem:$0x3FD9]  }
0x89: {  	s3 =	sld [smem:$0x3FFE];
	_ =	sdelay $0x1  }
0x8a: {  	s1 =	srdreg.scid  }
0x8b: {  	s0 =	sand.u32 $0x1, s1  }
0x8c: {  	s16 =	sshll.u32 s0, $0xA;
	s2 =	sadd.s32 s3, s2  }
0x8d: {  	s2 =	sadd.s32 s2, s16  }
0x8e: {  	[smem:$0x3FB5] =	sst s2  }
0x8f: {  	_ = 	snop  }
0x90: {  	(tm) =	ssettm $0x1  }
0x91: {  	s17 =	sld [smem:$0x3FFB];
	_ =	sdelay $0x3  }
0x92: {  	_ =	strace s17  }
0x93: {  	s2 =	sld [smem:$0x3FFC];
	_ =	sdelay $0x3  }
0x94: {  	_ =	strace s2  }
0x95: {  	s2 =	sld [smem:$0x3FFD];
	_ =	sdelay $0x3  }
0x96: {  	_ =	strace s2  }
0x97: {  	_ =	strace $0x8FFFFFFF  }
0x98: {  	s18 =	sld [smem:$0x3FDB];
	_ =	sdelay $0x1  }
0x99: {  	s19 =	simm.s32 $_scs_section_size  }
0x9a: {  	s4 =	simm.s32 $_size__tile_overlayer_lowered;
	s5 =	simm.s32 $_tile_overlayer_lowered  }
0x9b: {  	s22 =	simm.s32 $0x1BFF;
	s21 =	sshll.u32 s5, $0x1;
	s2 =	sadd.s32 s19, s18  }
0x9c: {  	s6 =	simm.s32 $0x0;
	s20 =	sshll.u32 s4, $0x1;
	s4 =	sadd.s32 s21, s2  }
0x9d: {  	[timem:s6], [sflag:s22] =	dma.local [hbm:s4], s20  }
0x9e: {  	_ =	swait.ge [sflag:s22], s20  }
0x9f: {  	s3 =	ssub.s32 $0x0, s20;
	[sflag:s22] =	ssyncset.done $0x0  }
0xa0: {  	[sflag:s22] =	ssyncadd.s32 s3;
	_ =	sdelay $0x1  }
0xa1: {  	s23 =	simm.s32 $0x1B8B  }
0xa2: {  	_ =	swait.ge [sflag:s23], $0x1  }
0xa3: {  	[sflag:s23] =	ssyncset.done $0x0  }
0xa4: {  	s25 =	simm.s32 $0x1B8E;
	s24 =	sld [smem:$0x3FFE];
	[sflag:s23] =	ssyncadd.s32 $0xFFFFFFFF  }
0xa5: {  	s26 =	simm.s32 $execute0_lowered;
	[smem:$0x3FD2] =	sst s25  }
0xa6: {  	s4 =	sshll.u32 s26, $0x1;
	_ =	strace $0x80000049;
	[dreg:$0x1] =	wrdreg $0xFFFFFFFF  }
0xa7: {  	s28 =	simm.s32 $_size_execute0_lowered;
	s2 =	sadd.s32 s2, s4;
	[dreg:$0x0] =	wrdreg $0x0  }
0xa8: {  	s4 =	sshll.u32 s28, $0x1;
	[dreg:$0x2] =	wrdreg s2  }
0xa9: {  	[dreg:$0x3] =	wrdreg s4  }
0xaa: {  	[dreg:$0x4] =	wrdreg $0xC0  }
0xab: {  	_ =	task [dreg:s6], $0x5FFFF  }
0xac: {  	[dreg:$0x1] =	wrdreg $0xFFFFFFFF  }
0xad: {  	[dreg:$0x0] =	wrdreg $0x60  }
0xae: {  	[dreg:$0x2] =	wrdreg s24  }
0xaf: {  	[dreg:$0x3] =	wrdreg $0x131800  }
0xb0: {  	[dreg:$0x4] =	wrdreg $0x1D5800  }
0xb1: {  	[dreg:$0x5] =	wrdreg $0x9  }
0xb2: {  	_ =	task.clear_ibuf [dreg:s6], $0x6FFFF;
	_ =	strace $0x90000049  }
0xb3: {  	s29 =	simm.s32 $0x9;
	_ =	strace $0x8000004B  }
0xb4: {  	_ =	swait.ge [sflag:s29], $0x1  }
0xb5: {  	[sflag:s29] =	ssyncadd.s32 $0xFFFFFFFF  }
0xb6: {  	_ =	strace $0x9000004B  }
0xb7: {  	_ =	sfence  }
0xb8: {  	s30 =	sld [smem:$0x0];
	_ =	sdelay $0x2  }
0xb9: {  	s31 =	sshll.u32 s1, $0xD;
	s1 =	sshrl.u32 s1, $0x2  }
0xba: {  	s3 =	sand.u32 $0x4000, s31;
	s1 =	sadd.s32 s1, s30  }
0xbb: {  	s0 =	sor.u32 s3, s0;
	s1 =	sshll.u32 s1, $0x11  }
0xbc: {  	s0 =	sor.u32 s1, s0  }
0xbd: {  	s0 =	sadd.s32 $0x8F2B, s0  }
0xbe: {  	[sflag:s0] =	ssyncadd.remote.s32 $0x1  }
0xbf: {  	_ =	sfence.sel $0xFFFF  }
0xc0: {  	[dreg:$0x0] =	wrdreg $0xFFFFFFFF;
	(pc) =	sbr.abs _section_cstart, $3  }
0xc1: {  	[dreg:$0x1] =	wrdreg $0xFFFFFFFF  }
0xc2: {  	_ =	task.clear_ibuf [dreg:s6], $0x2FFFF;
	_ =	strace $0x9FFFFFFF  }
0xc3: {  	(tm) =	ssettm $0x7FFFFFFF  }
tec
execute0_lowered:
.L_overlay_start_1:
0x0: {  	(tag) =	ssettag $0x1  }
0x1: {  	s0 =	rddreg [dreg:$0x0]  }
0x2: {  	s17 =	rddreg [dreg:$0x1]  }
0x3: {  	s18 =	rddreg [dreg:$0x2];
	s19 =	simm.s32 $0x0;
	s1 =	srdreg.scid  }
0x4: {  	s20 =	stileid.u32;
	s28 =	simm.s32 $0x12180;
	[smem:$0x7FF] =	sst s19  }
0x5: {  	s29 =	simm.s32 $0x80;
	s4 =	sadd.s32 $0x1F6200, s0;
	s6 =	sadd.s32 $0x1CE200, s0  }
0x6: {  	s5 =	sadd.s32 $0x4C00, s0;
	s7 =	sadd.s32 $0x2E600, s0;
	s8 =	sadd.s32 $0x174400, s0  }
0x7: {  	s1 =	sand.u32 $0x1, s1;
	s10 =	sadd.s32 $0x16A600, s0;
	s2 =	sadd.s32 $0x188200, s0  }
0x8: {  	s0 =	sadd.s32 $0x17E200, s0;
	s23 =	sshll.u32 s20, $0xE;
	s11 =	sor.u32 $0x10, s20  }
0x9: {  	s24 =	sshll.u32 s20, $0xC;
	s26 =	sor.u32 $0x20, s20;
	s13 =	sshll.u32 s20, $0x7  }
0xa: {  	p0 =	sgt.u32 s20, $0x8;
	p1 =	sgt.u32 s20, $0x7;
	_ =	strace $0x8000004A  }
0xb: {  	s3 =	ssub.s32 $0x2, s1;
	s21 =	sadd.s32 s23, s17;
	s12 =	sshll.u32 s11, $0xE  }
0xc: {  	s22 =	sadd.s32 s24, s18;
	s1 =	smul.u32 $0x1400, s1;
	s25 =	sshll.u32 s11, $0xC  }
0xd: {  	s11 =	sshll.u32 s11, $0x7;
	s14 =	sshll.u32 s26, $0x7;
	s31 =	sshll.u32 s26, $0xE  }
0xe: {  	s9 =	sshrl.u32 s3, $0x1;
	s24 =	sadd.s32 s12, s17;
	[dreg:$0x5] =	wrdreg s21  }
0xf: {  	s17 =	sadd.s32 s31, s17;
	[dreg:$0x6] =	wrdreg s22;
	s3 =	ssub.s32 s3, s9  }
0x10: {  	s13 =	sadd.s32 s13, s1;
	s11 =	sadd.s32 s1, s11;
	[dreg:$0x7] =	wrdreg s24  }
0x11: {  	s14 =	sadd.s32 s1, s14;
	s9 =	simm.s32 $0xD180;
	[dreg:$0xc] =	wrdreg s17  }
0x12: {  	s15 =	sshll.u32 s13, $0x4;
	s30 =	sshll.u32 s11, $0x4;
	s31 =	smax.u32 s3, $0x1  }
0x13: {  	s16 =	sshll.u32 s14, $0x4;
	s15 =	sadd.s32 s2, s15;
	[dreg:$0x11] =	wrdreg s31  }
0x14: {  	s23 =	sshll.u32 s13, $0x2;
	[dreg:$0x8] =	wrdreg s15;
	s15 =	sadd.s32 s2, s30  }
0x15: {  	s2 =	sadd.s32 s2, s16;
	s16 =	sadd.s32 s25, s18;
	[dreg:$0x9] =	wrdreg s15  }
0x16: {  	s25 =	sshll.u32 s11, $0x2;
	s30 =	sshll.u32 s14, $0x2;
	[dreg:$0xa] =	wrdreg s2  }
0x17: {  	s14 =	simm.s32 $0x1;
	s2 =	sadd.s32 s0, s23;
	[dreg:$0xb] =	wrdreg s16  }
0x18: {  	s15 =	sshll.u32 s26, $0xC;
	s26 =	sadd.s32 s0, s25;
	[dreg:$0xe] =	wrdreg s2  }
0x19: {  	s0 =	sadd.s32 s0, s30;
	s23 =	smul.u32 $0x4F00, s20;
	[dreg:$0xf] =	wrdreg s26  }
0x1a: {  	s25 =	simm.s32 $0xE180;
	s12 =	sadd.s32 s15, s18;
	[dreg:$0x10] =	wrdreg s0  }
0x1b: {  	v1 =	vimm.f32 $0.0e+00;
	v0 =	vmov s1;
	s26 =	simm.s32 $0x2;
	s15 =	simm.s32 $0x100;
	[dreg:$0xd] =	wrdreg s12  }
.LBB2_1:
0x1c: {  	s1 =	simm.s32 $0xE1C0  }
0x1d: {  	[tilespmem:s1+$0x20] =	vst v1  }
0x1e: {  	[tilespmem:s1+$0x10] =	vst v1  }
0x1f: {  	[tilespmem:s1+$0x0] =	vst v1  }
0x20: {  	[tilespmem:s1+$0xFFFFFFF0] =	vst v1  }
0x21: {  	[tilespmem:s1+$0xFFFFFFE0] =	vst v1  }
0x22: {  	[tilespmem:s1+$0xFFFFFFD0] =	vst v1  }
0x23: {  	[tilespmem:s1+$0xFFFFFFC0] =	vst v1  }
0x24: {  	[dreg:$0x4] =	wrdreg s19;
	s3 =	simm.s32 $0x0;
	s2 =	simm.s32 $0x80;
	[tilespmem:s1+$0x30] =	vst v1  }
.LBB2_2:
0x25: {  	p2 =	sne.s32 s2, $0x3F80;
	[tilespmem:s3+$0x12190] =	vst v1  }
0x26: {  	s1 =	sadd.s32 $0x80, s1;
	[tilespmem:s3+$0x12180] =	vst v1  }
0x27: {  	[tilespmem:s1+$0x20] =	vst v1  }
0x28: {  	[tilespmem:s1+$0x10] =	vst v1  }
0x29: {  	[tilespmem:s1+$0x0] =	vst v1  }
.Ltmp0:
0x2a: {  	[tilespmem:s1+$0xFFFFFFF0] =	vst v1;
	(pc) =	sbr.rel @p2 .LBB2_2-.Ltmp0, $4  }
0x2b: {  	[tilespmem:s1+$0xFFFFFFE0] =	vst v1  }
0x2c: {  	[tilespmem:s1+$0xFFFFFFD0] =	vst v1  }
0x2d: {  	[tilespmem:s1+$0xFFFFFFC0] =	vst v1  }
0x2e: {  	s3 =	sshra.s32 s2, $0x2;
	s2 =	sadd.s32 $0x80, s2;
	[tilespmem:s1+$0x30] =	vst v1  }
0x2f: {  	[tilespmem:s3+$0x12190] =	vst v1  }
0x30: {  	[tilespmem:s3+$0x12180] =	vst v1  }
0x31: {  	[spmem:s21] =	stream.linear.scatter [tilespmem:s25], [sflag:$0x2], $0x4000, $0x38;
	[tilespmem:$0x1FE80] =	vst v63  }
0x32: {  	_ =	swait.ge [sflag:s26], $0x4000  }
0x33: {  	[sflag:s26] =	ssyncset.done $0x0  }
0x34: {  	[sflag:s26] =	ssyncadd.s32 $0xFFFFC000  }
0x35: {  	[spmem:s22] =	stream.linear.scatter [tilespmem:s28], [sflag:$0x2], $0x1000, $0x38;
	[tilespmem:$0x1FE80] =	vst v63  }
0x36: {  	_ =	swait.ge [sflag:s26], $0x1000  }
0x37: {  	[sflag:s26] =	ssyncset.done $0x0  }
0x38: {  	[sflag:s26] =	ssyncadd.s32 $0xFFFFF000  }
0x39: {  	[spmem:s24] =	stream.linear.scatter [tilespmem:s25], [sflag:$0x2], $0x4000, $0x38;
	[tilespmem:$0x1FE80] =	vst v63  }
0x3a: {  	_ =	swait.ge [sflag:s26], $0x4000  }
0x3b: {  	[sflag:s26] =	ssyncset.done $0x0  }
0x3c: {  	[sflag:s26] =	ssyncadd.s32 $0xFFFFC000  }
0x3d: {  	[spmem:s16] =	stream.linear.scatter [tilespmem:s28], [sflag:$0x2], $0x1000, $0x38;
	[tilespmem:$0x1FE80] =	vst v63  }
0x3e: {  	_ =	swait.ge [sflag:s26], $0x1000  }
0x3f: {  	[sflag:s26] =	ssyncset.done $0x0  }
0x40: {  	s1 =	simm.s32 @!p0 $0xE180;
	[sflag:s26] =	ssyncadd.s32 $0xFFFFF000  }
0x41: {  	[spmem:s17] =	stream.linear.scatter @!p0 [tilespmem:s1], [sflag:$0x2], $0x4000, $0x38;
	[tilespmem:$0x1FE80] =	vst v63  }
0x42: {  	s1 =	simm.s32 @!p0 $0x2  }
0x43: {  	_ =	swait.ge @!p0 [sflag:s1], $0x4000  }
0x44: {  	[sflag:s1] =	ssyncset.done @!p0 $0x0  }
0x45: {  	s2 =	simm.s32 @!p0 $0x12180;
	[sflag:s1] =	ssyncadd.s32 @!p0 $0xFFFFC000  }
0x46: {  	[spmem:s12] =	stream.linear.scatter @!p0 [tilespmem:s2], [sflag:$0x2], $0x1000, $0x38;
	[tilespmem:$0x1FE80] =	vst v63  }
0x47: {  	_ =	swait.ge @!p0 [sflag:s1], $0x1000  }
0x48: {  	[sflag:s1] =	ssyncset.done @!p0 $0x0  }
0x49: {  	[sflag:s1] =	ssyncadd.s32 @!p0 $0xFFFFF000  }
0x4a: {  	s20 =	simm.s32 $0x0;
	s16 =	simm.s32 $0x0;
	[bflag:$0x0] =	sbarrier.arrive $0xFFFF  }
.LBB2_4:
0x4b: {  	s1 =	sshll.u32 s20, $0x7  }
0x4c: {  	s1 =	sadd.s32 s23, s1  }
0x4d: {  	s2 =	sshrl.u32 s1, $0x3  }
0x4e: {  	s3 =	sadd.s32 s8, s2  }
0x4f: {  	[tilespmem:s16], [sflag:$0x2] =	stream.linear.gather [hbm4b:s3+s16], $0x80, $0x38;
	[tilespmem:$0x1FE80] =	vst v63  }
0x50: {  	_ =	swait.ge [sflag:s26], $0x80  }
0x51: {  	[sflag:s26] =	ssyncset.done $0x0  }
0x52: {  	s2 =	sadd.s32 s10, s2;
	[sflag:s26] =	ssyncadd.s32 $0xFFFFFF80  }
0x53: {  	[tilespmem:s29], [sflag:$0x2] =	stream.linear.gather [hbm4b:s2+s16], $0x80, $0x38;
	[tilespmem:$0x1FE80] =	vst v63  }
0x54: {  	_ =	swait.ge [sflag:s26], $0x80  }
0x55: {  	[sflag:s26] =	ssyncset.done $0x0  }
0x56: {  	s0 =	simm.s32 $0x5180;
	[sflag:s26] =	ssyncadd.s32 $0xFFFFFF80  }
0x57: {  	[tilespmem:s0], [sflag:$0x1] =	stream.indirect.gather [hbm4b:s5+s29], $0x80, s16, s29, $0xb8;
	[tilespmem:$0x1FE80] =	vst v63  }
0x58: {  	s30 =	simm.s32 $0x180  }
0x59: {  	[tilespmem:s30], [sflag:$0x1] =	stream.indirect.gather [hbm4b:s4+s29], $0xA0, s29, s29, $0xb8;
	[tilespmem:$0x1FE80] =	vst v63  }
0x5a: {  	s31 =	simm.s32 $0x9180;
	s1 =	sshll.u32 s1, $0x2  }
0x5b: {  	[tilespmem:s31], [sflag:$0x1] =	stream.indirect.gather [hbm4b:s6+s29], $0x80, s16, s29, $0xb8;
	[tilespmem:$0x1FE80] =	vst v63  }
0x5c: {  	s1 =	sadd.s32 s7, s1  }
0x5d: {  	[tilespmem:s9], [sflag:$0x1] =	stream.linear.gather [hbm4b:s1+s16], $0x1000, $0x38;
	[tilespmem:$0x1FE80] =	vst v63  }
0x5e: {  	v2 =	vld [tilespmem:$0x80]  }
0x5f: {  	v3 =	vld [tilespmem:$0x90]  }
0x60: {  	v4 =	vld [tilespmem:$0xA0]  }
0x61: {  	v5 =	vld [tilespmem:$0xB0]  }
0x62: {  	v6 =	vld [tilespmem:$0xC0]  }
0x63: {  	v7 =	vld [tilespmem:$0xD0];
	v2 =	vsub.s32 v2, v0  }
0x64: {  	v8 =	vld [tilespmem:$0xE0];
	v3 =	vsub.s32 v3, v0;
	v2 =	vmin.u32 v2, $0x1400  }
0x65: {  	v63 =	vld [tilespmem:$0xF0];
	[tilespmem:$0x100] =	vst v2;
	v2 =	vmin.u32 v3, $0x1400;
	v3 =	vsub.s32 v4, v0  }
0x66: {  	[tilespmem:$0x110] =	vst v2;
	v2 =	vmin.u32 v3, $0x1400;
	v3 =	vsub.s32 v5, v0  }
0x67: {  	[tilespmem:$0x120] =	vst v2;
	v2 =	vmin.u32 v3, $0x1400;
	v3 =	vsub.s32 v6, v0  }
0x68: {  	[tilespmem:$0x130] =	vst v2;
	v2 =	vmin.u32 v3, $0x1400;
	v3 =	vsub.s32 v7, v0  }
0x69: {  	[tilespmem:$0x140] =	vst v2;
	v2 =	vmin.u32 v3, $0x1400;
	v3 =	vsub.s32 v8, v0  }
0x6a: {  	[tilespmem:$0x150] =	vst v2;
	v2 =	vmin.u32 v3, $0x1400;
	v3 =	vsub.s32 v63, v0  }
0x6b: {  	[tilespmem:$0x160] =	vst v2;
	v2 =	vmin.u32 v3, $0x1400  }
0x6c: {  	[tilespmem:$0x170] =	vst v2  }
0x6d: {  	_ =	swait.ge [sflag:s14], $0x4000  }
0x6e: {  	[sflag:s14] =	ssyncset.done $0x0  }
0x6f: {  	[sflag:s14] =	ssyncadd.s32 $0xFFFFC000  }
0x70: {  	_ =	swait.ge [sflag:s14], $0x5000  }
0x71: {  	[sflag:s14] =	ssyncset.done $0x0  }
0x72: {  	[sflag:s14] =	ssyncadd.s32 $0xFFFFB000  }
0x73: {  	_ =	swait.ge [sflag:s14], $0x4000  }
0x74: {  	[sflag:s14] =	ssyncset.done $0x0  }
0x75: {  	[sflag:s14] =	ssyncadd.s32 $0xFFFFC000  }
0x76: {  	_ =	swait.ge [sflag:s14], $0x1000  }
0x77: {  	[sflag:s14] =	ssyncset.done $0x0  }
0x78: {  	s21 =	simm.s32 $0x0;
	[sflag:s14] =	ssyncadd.s32 $0xFFFFF000  }
.LBB2_5:
0x79: {  	s1 =	sshll.u32 s21, $0x7  }
0x7a: {  	v8 =	vld [tilespmem:s1+$0x5180]  }
0x7b: {  	v10 =	vld [tilespmem:s1+$0x5190]  }
0x7c: {  	v12 =	vld [tilespmem:s1+$0x51A0]  }
0x7d: {  	v14 =	vld [tilespmem:s1+$0x51B0]  }
0x7e: {  	v16 =	vld [tilespmem:s1+$0x51C0]  }
0x7f: {  	v18 =	vld [tilespmem:s1+$0x51D0]  }
0x80: {  	v20 =	vld [tilespmem:s1+$0x51E0]  }
0x81: {  	s3 =	sshll.u32 s21, $0x5;
	v22 =	vld [tilespmem:s1+$0x51F0]  }
0x82: {  	s12 =	sor.u32 $0x1, s21;
	v7 =	vld [tilespmem:s3+$0xD190]  }
0x83: {  	v24 =	vld [tilespmem:s3+$0xD180];
	s17 =	sshll.u32 s12, $0x7  }
0x84: {  	v27 =	vld [tilespmem:s17+$0x5180]  }
0x85: {  	v29 =	vld [tilespmem:s17+$0x5190]  }
0x86: {  	v31 =	vld [tilespmem:s17+$0x51A0]  }
0x87: {  	v33 =	vld [tilespmem:s17+$0x51B0]  }
0x88: {  	v35 =	vld [tilespmem:s17+$0x51C0]  }
0x89: {  	v37 =	vld [tilespmem:s17+$0x51D0]  }
0x8a: {  	v39 =	vld [tilespmem:s17+$0x51E0]  }
0x8b: {  	s22 =	sshll.u32 s12, $0x5;
	v41 =	vld [tilespmem:s17+$0x51F0]  }
0x8c: {  	s24 =	sadd.s32 $0x2, s21;
	v3 =	vld [tilespmem:s22+$0xD190]  }
0x8d: {  	s13 =	sshll.u32 s24, $0x7;
	v43 =	vld [tilespmem:s22+$0xD180]  }
0x8e: {  	v46 =	vld [tilespmem:s13+$0x5180]  }
0x8f: {  	v48 =	vld [tilespmem:s13+$0x5190]  }
0x90: {  	v50 =	vld [tilespmem:s13+$0x51A0]  }
0x91: {  	v52 =	vld [tilespmem:s13+$0x51B0]  }
0x92: {  	v54 =	vld [tilespmem:s13+$0x51C0]  }
0x93: {  	v56 =	vld [tilespmem:s13+$0x51D0]  }
0x94: {  	s2 =	smul.u32 $0x280, s21;
	v58 =	vld [tilespmem:s13+$0x51E0]  }
0x95: {  	s24 =	sshll.u32 s24, $0x5;
	v60 =	vld [tilespmem:s13+$0x51F0]  }
0x96: {  	s11 =	sshra.s32 s2, $0x2;
	v2 =	vld [tilespmem:s24+$0xD190]  }
0x97: {  	v4 =	vld [tilespmem:s11+$0x180]  }
0x98: {  	v9 =	vld [tilespmem:s11+$0x190]  }
0x99: {  	v11 =	vld [tilespmem:s11+$0x1A0]  }
0x9a: {  	v13 =	vld [tilespmem:s11+$0x1B0]  }
0x9b: {  	v15 =	vld [tilespmem:s11+$0x1C0]  }
0x9c: {  	v17 =	vld [tilespmem:s11+$0x1D0]  }
0x9d: {  	v19 =	vld [tilespmem:s11+$0x1E0]  }
0x9e: {  	s18 =	smul.u32 $0x280, s12;
	v21 =	vld [tilespmem:s11+$0x1F0]  }
0x9f: {  	v23 =	vld [tilespmem:s11+$0x200]  }
0xa0: {  	v25 =	vld [tilespmem:s11+$0x210];
	s11 =	sshra.s32 s18, $0x2  }
0xa1: {  	v26 =	vld [tilespmem:s11+$0x180]  }
0xa2: {  	v28 =	vld [tilespmem:s11+$0x190]  }
0xa3: {  	v30 =	vld [tilespmem:s11+$0x1A0]  }
0xa4: {  	v32 =	vld [tilespmem:s11+$0x1B0]  }
0xa5: {  	v34 =	vld [tilespmem:s11+$0x1C0]  }
0xa6: {  	v36 =	vld [tilespmem:s11+$0x1D0]  }
0xa7: {  	v38 =	vld [tilespmem:s11+$0x1E0]  }
0xa8: {  	v40 =	vld [tilespmem:s11+$0x1F0]  }
0xa9: {  	s19 =	sadd.s32 $0x500, s2;
	v42 =	vld [tilespmem:s11+$0x200]  }
0xaa: {  	s12 =	sshra.s32 s19, $0x2;
	v44 =	vld [tilespmem:s11+$0x210]  }
0xab: {  	v45 =	vld [tilespmem:s12+$0x180]  }
0xac: {  	v47 =	vld [tilespmem:s12+$0x190]  }
0xad: {  	v49 =	vld [tilespmem:s12+$0x1A0]  }
0xae: {  	v51 =	vld [tilespmem:s12+$0x1B0]  }
0xaf: {  	v53 =	vld [tilespmem:s12+$0x1C0]  }
0xb0: {  	v55 =	vld [tilespmem:s12+$0x1D0]  }
0xb1: {  	v57 =	vld [tilespmem:s12+$0x1E0]  }
0xb2: {  	v59 =	vld [tilespmem:s12+$0x1F0]  }
0xb3: {  	v61 =	vmul.f32 v10, v9;
	v9 =	vld [tilespmem:s12+$0x200]  }
0xb4: {  	s30 =	sadd.s32 $0x780, s2;
	v10 =	vld [tilespmem:s24+$0xD180]  }
0xb5: {  	s19 =	sshra.s32 s30, $0x2;
	v4 =	vmul.f32 v8, v4;
	v62 =	vmul.f32 v12, v11;
	v11 =	vld [tilespmem:s12+$0x210]  }
0xb6: {  	s18 =	sadd.s32 $0x3, s21;
	v12 =	vld [tilespmem:s19+$0x180]  }
0xb7: {  	s12 =	sshll.u32 s18, $0x7;
	v63 =	vmul.f32 v14, v13;
	v14 =	vld [tilespmem:s19+$0x190];
	v4 =	vadd.f32 v61, v4  }
0xb8: {  	s31 =	sadd.s32 $0xA00, s2;
	s11 =	sshll.u32 s18, $0x5;
	v13 =	vld [tilespmem:s12+$0x5180]  }
0xb9: {  	s30 =	sshra.s32 s31, $0x2;
	v26 =	vmul.f32 v27, v26;
	v27 =	vld [tilespmem:s11+$0xD180];
	v4 =	vadd.f32 v62, v4  }
0xba: {  	v33 =	vmul.f32 v33, v32;
	v32 =	vld [tilespmem:s30+$0x180]  }
0xbb: {  	v61 =	vmul.f32 v16, v15;
	v15 =	vld [tilespmem:s12+$0x5190];
	v4 =	vadd.f32 v63, v4  }
0xbc: {  	v16 =	vld [tilespmem:s19+$0x1A0]  }
0xbd: {  	v62 =	vmul.f32 v18, v17;
	v17 =	vld [tilespmem:s12+$0x51A0];
	v4 =	vadd.f32 v61, v4  }
0xbe: {  	v18 =	vld [tilespmem:s19+$0x1B0]  }
0xbf: {  	v9 =	vmul.f32 v10, v9;
	v10 =	vld [tilespmem:s30+$0x200];
	v63 =	vmul.f32 v20, v19;
	v4 =	vadd.f32 v62, v4  }
0xc0: {  	s0 =	sadd.s32 $0x4, s21;
	v19 =	vld [tilespmem:s12+$0x51B0]  }
0xc1: {  	s18 =	sshll.u32 s0, $0x7;
	v20 =	vld [tilespmem:s19+$0x1C0];
	v61 =	vmul.f32 v22, v21;
	v4 =	vadd.f32 v63, v4  }
0xc2: {  	v12 =	vmul.f32 v13, v12;
	v13 =	vld [tilespmem:s18+$0x51C0]  }
0xc3: {  	v14 =	vmul.f32 v15, v14;
	v15 =	vld [tilespmem:s30+$0x1D0];
	v62 =	vmul.f32 v24, v23;
	v4 =	vadd.f32 v61, v4  }
0xc4: {  	v21 =	vld [tilespmem:s12+$0x51C0]  }
0xc5: {  	v22 =	vld [tilespmem:s19+$0x1D0];
	v63 =	vmul.f32 v25, v7;
	v4 =	vadd.f32 v62, v4  }
0xc6: {  	v12 =	vadd.f32 v14, v12;
	v14 =	vld [tilespmem:s30+$0x1F0];
	v61 =	vmul.f32 v29, v28  }
0xc7: {  	v23 =	vld [tilespmem:s12+$0x51D0];
	v8 =	vadd.f32 v63, v4  }
0xc8: {  	v24 =	vld [tilespmem:s19+$0x1E0];
	v26 =	vadd.f32 v61, v26;
	v62 =	vmul.f32 v31, v30  }
0xc9: {  	v25 =	vld [tilespmem:s12+$0x51E0];
	(xrf2) =	vadd.scan.msk.f32 $0xffff, v8  }
0xca: {  	v28 =	vld [tilespmem:s19+$0x1F0];
	v63 =	vadd.f32 v62, v26  }
0xcb: {  	v29 =	vld [tilespmem:s12+$0x51F0]  }
0xcc: {  	v30 =	vld [tilespmem:s19+$0x200];
	v61 =	vmul.f32 v35, v34;
	v8 =	vadd.f32 v33, v63  }
0xcd: {  	v31 =	vld [tilespmem:s19+$0x210];
	v63 =	vmul.f32 v46, v45;
	v45 =	vmul.f32 v48, v47  }
0xce: {  	v34 =	vld [tilespmem:s30+$0x190];
	v62 =	vmul.f32 v37, v36;
	v8 =	vadd.f32 v61, v8  }
0xcf: {  	v4 =	vld [tilespmem:s11+$0xD190];
	v47 =	vmul.f32 v50, v49;
	v35 =	vadd.f32 v45, v63  }
0xd0: {  	v37 =	vld [tilespmem:s18+$0x5190];
	v46 =	vmul.f32 v39, v38;
	v8 =	vadd.f32 v62, v8  }
0xd1: {  	v36 =	vld [tilespmem:s30+$0x1C0];
	v50 =	vmul.f32 v52, v51;
	v35 =	vadd.f32 v47, v35  }
0xd2: {  	v33 =	vld [tilespmem:s18+$0x5180];
	v48 =	vmul.f32 v41, v40;
	v8 =	vadd.f32 v46, v8  }
0xd3: {  	v38 =	vld [tilespmem:s30+$0x1A0];
	v51 =	vmul.f32 v43, v42;
	v35 =	vadd.f32 v50, v35;
	v49, _, _ =	vpop (xrf2)  }
0xd4: {  	v39 =	vld [tilespmem:s18+$0x51A0];
	v52 =	vmul.f32 v54, v53;
	v8 =	vadd.f32 v48, v8;
	(v2sf) =	vpush v49, $0xF  }
0xd5: {  	v40 =	vld [tilespmem:s30+$0x1B0];
	v53 =	vmul.f32 v44, v3  }
0xd6: {  	v54 =	vmul.f32 v56, v55;
	v42 =	vld [tilespmem:s18+$0x51D0];
	v35 =	vadd.f32 v52, v35;
	v8 =	vadd.f32 v51, v8  }
0xd7: {  	s19 =	sshll.u32 s0, $0x5;
	v55 =	vmul.f32 v17, v16;
	v16 =	vld [tilespmem:s30+$0x1E0]  }
0xd8: {  	v58 =	vmul.f32 v58, v57;
	v41 =	vld [tilespmem:s19+$0xD180];
	v56 =	vadd.f32 v54, v35;
	v8 =	vadd.f32 v53, v8  }
0xd9: {  	s2 =	sadd.s32 $0xC80, s2;
	v44 =	vld [tilespmem:s30+$0x210];
	s30 =	sadd.s32 $0x5, s21  }
0xda: {  	s31 =	sshra.s32 s2, $0x2;
	s2 =	sshll.u32 s30, $0x7;
	v45 =	vld [tilespmem:s18+$0x51B0];
	v63 =	vmul.f32 v60, v59;
	v17 =	vadd.f32 v58, v56;
	(xrf2) =	vadd.scan.msk.f32 $0xffff, v8  }
0xdb: {  	v61 =	vadd.f32 v55, v12;
	v55 =	vld [tilespmem:s2+$0x5190];
	v62 =	vmul.f32 v19, v18  }
0xdc: {  	v11 =	vmul.f32 v11, v2;
	v60 =	vld [tilespmem:s2+$0x51A0];
	v17 =	vadd.f32 v63, v17  }
0xdd: {  	v20 =	vmul.f32 v21, v20;
	v57 =	vmul.f32 v27, v30;
	v30 =	vld [tilespmem:s2+$0x51B0];
	v12 =	vadd.f32 v62, v61  }
0xde: {  	v43 =	vmul.f32 v37, v34;
	v34 =	vld [tilespmem:s31+$0x1D0];
	v33 =	vmul.f32 v33, v32;
	v9 =	vadd.f32 v9, v17  }
0xdf: {  	v26 =	vmul.f32 v23, v22;
	v47 =	vld [tilespmem:s31+$0x180];
	v12 =	vadd.f32 v20, v12  }
0xe0: {  	v50 =	vld [tilespmem:s2+$0x5180];
	v48 =	vadd.f32 v43, v33;
	v49 =	vmul.f32 v39, v38;
	v9 =	vadd.f32 v11, v9  }
0xe1: {  	v46 =	vmul.f32 v25, v24;
	v52 =	vld [tilespmem:s31+$0x190];
	v12 =	vadd.f32 v26, v12  }
0xe2: {  	v35 =	vld [tilespmem:s18+$0x51E0];
	v54 =	vmul.f32 v45, v40;
	v53 =	vadd.f32 v49, v48;
	(xrf2) =	vadd.scan.msk.f32 $0xffff, v9  }
0xe3: {  	v59 =	vmul.f32 v13, v36;
	v51 =	vmul.f32 v29, v28;
	v12 =	vadd.f32 v46, v12;
	v58 =	vld [tilespmem:s31+$0x1A0];
	s0 =	spop (v2sf)  }
0xe4: {  	v19 =	vld [tilespmem:s18+$0x51F0];
	v15 =	vmul.f32 v42, v15;
	v62 =	vmul.f32 v31, v4;
	v9 =	vadd.f32 v54, v53;
	v56, _, _ =	vpop (xrf2);
	s0 =	smul.f32 $8.838834610e-02, s0  }
0xe5: {  	v20 =	vmul.f32 v50, v47;
	v12 =	vadd.f32 v51, v12;
	v63 =	vld [tilespmem:s31+$0x1B0];
	(v2sf) =	vpush v56, $0xF  }
0xe6: {  	v31 =	vld [tilespmem:s31+$0x1C0];
	v17 =	vmul.f32 v55, v52;
	v9 =	vadd.f32 v59, v9;
	v61 =	vmov s0  }
0xe7: {  	v33 =	vld [tilespmem:s2+$0x51C0];
	v32 =	vmul.f32 v35, v16;
	v12 =	vadd.f32 v57, v12;
	v29 =	vmul.f32 $1.442695020e+00, v61  }
0xe8: {  	v8 =	vld [tilespmem:s19+$0xD190];
	v13 =	vmul.f32 v60, v58;
	v17 =	vadd.f32 v17, v20;
	v9 =	vadd.f32 v15, v9  }
0xe9: {  	v36 =	vld [tilespmem:s2+$0x51D0];
	v35 =	vmul.f32 v19, v14;
	v12 =	vadd.f32 v62, v12;
	v11 =	vbroadcast v29, $0x0  }
0xea: {  	v40 =	vld [tilespmem:s2+$0x51E0];
	v37 =	vmul.f32 v30, v63;
	v13 =	vadd.f32 v13, v17;
	v9 =	vadd.f32 v32, v9  }
0xeb: {  	v10 =	vmul.f32 v41, v10;
	v38 =	vld [tilespmem:s31+$0x1E0];
	(xrf2) =	vadd.scan.msk.f32 $0xffff, v12;
	(erf) = vpow2.f32 v11  }
0xec: {  	v43 =	vld [tilespmem:s31+$0x1F0];
	v42 =	vmul.f32 v33, v31;
	v41 =	vadd.f32 v37, v13;
	v9 =	vadd.f32 v35, v9;
	v39, _, _ =	vpop (xrf2)  }
0xed: {  	s30 =	sshll.u32 s30, $0x5;
	v45 =	vld [tilespmem:s2+$0x51F0];
	v44 =	vmul.f32 v44, v8;
	(v2sf) =	vpush v39, $0xF  }
0xee: {  	v47 =	vld [tilespmem:s30+$0xD180];
	v12 =	vmul.f32 v36, v34;
	v9 =	vadd.f32 v10, v9;
	v11 =	vadd.f32 v42, v41  }
0xef: {  	v46 =	vld [tilespmem:s31+$0x200]  }
0xf0: {  	v49 =	vld [tilespmem:s31+$0x210];
	v48 =	vmul.f32 v40, v38;
	v10 =	vadd.f32 v44, v9;
	v11 =	vadd.f32 v12, v11  }
0xf1: {  	v9 =	vld [tilespmem:s30+$0xD190]  }
0xf2: {  	v5 =	vld [tilespmem:s1+$0x9180];
	v14 =	vmul.f32 v45, v43;
	(xrf2) =	vadd.scan.msk.f32 $0xffff, v10;
	v11 =	vadd.f32 v48, v11  }
0xf3: {  	v6 =	vld [tilespmem:s1+$0x9190];
	v7 =	vbroadcast v7, $0xF  }
0xf4: {  	v51 =	vld [tilespmem:s1+$0x91A0];
	v13 =	vmul.f32 v47, v46;
	v11 =	vadd.f32 v14, v11;
	s31 =	spop (v2sf);
	v50 =	vpop (erf)  }
0xf5: {  	v52 =	vld [tilespmem:s1+$0x91B0];
	v53, _, _ =	vpop (xrf2);
	s0 =	smul.f32 $8.838834610e-02, s31;
	v7 =	vmul.f32 v50, v7  }
0xf6: {  	v54 =	vld [tilespmem:s1+$0x91C0];
	v10 =	vmul.f32 v49, v9;
	(v2sf) =	vpush v53, $0xF;
	v11 =	vadd.f32 v13, v11  }
0xf7: {  	v55 =	vld [tilespmem:s1+$0x91D0];
	v56 =	vmov s0;
	v5 =	vmul.f32 v7, v5  }
0xf8: {  	v59 =	vld [tilespmem:s1+$0x91F0];
	v60 =	vadd.f32 v10, v11;
	v17 =	vmul.f32 $1.442695020e+00, v56;
	v6 =	vmul.f32 v7, v6  }
0xf9: {  	v57 =	vld [tilespmem:s1+$0x91E0];
	v58 =	vmul.f32 v7, v51;
	[tilespmem:s1+$0xE180] =	vst v5  }
0xfa: {  	v61 =	vmul.f32 v7, v52;
	(xrf2) =	vadd.scan.msk.f32 $0xffff, v60;
	v62 =	vbroadcast v17, $0x0;
	[tilespmem:s1+$0xE190] =	vst v6  }
0xfb: {  	v63 =	vmul.f32 v7, v54;
	[tilespmem:s1+$0xE1A0] =	vst v58  }
0xfc: {  	v16, _, _ =	vpop (xrf2);
	v15 =	vmul.f32 v7, v55;
	s31 =	spop (v2sf);
	[tilespmem:s1+$0xE1B0] =	vst v61;
	(erf) = vpow2.f32 v62  }
0xfd: {  	v18 =	vmul.f32 v59, v7;
	(v2sf) =	vpush v16, $0xF;
	s0 =	smul.f32 $8.838834610e-02, s31;
	[tilespmem:s1+$0xE1C0] =	vst v63  }
0xfe: {  	v17 =	vmul.f32 v57, v7;
	[tilespmem:s1+$0xE1D0] =	vst v15  }
0xff: {  	[tilespmem:s1+$0xE1F0] =	vst v18;
	v19 =	vmov s0  }
0x100: {  	[tilespmem:s1+$0xE1E0] =	vst v17;
	v5 =	vmul.f32 $1.442695020e+00, v19  }
0x101: {  	v20 =	vld [tilespmem:s3+$0xD180]  }
0x102: {  	v10 =	vld [tilespmem:s3+$0xD190];
	v5 =	vbroadcast v5, $0x0  }
0x103: {  	v21 =	vld [tilespmem:s17+$0x9180]  }
0x104: {  	v22 =	vld [tilespmem:s17+$0x9190];
	v3 =	vbroadcast v3, $0xF;
	(erf) = vpow2.f32 v5;
	v26, _, _ =	vpop (xrf2)  }
0x105: {  	v24 =	vld [tilespmem:s17+$0x91A0];
	s1 =	spop (v2sf);
	v23 =	vpop (erf)  }
0x106: {  	v25 =	vld [tilespmem:s17+$0x91B0];
	v6 =	vmul.f32 v20, v7;
	s0 =	smul.f32 $8.838834610e-02, s1;
	(v2sf) =	vpush v26, $0xF;
	v3 =	vmul.f32 v23, v3  }
0x107: {  	v27 =	vld [tilespmem:s17+$0x91C0];
	v7 =	vmul.f32 v10, v7  }
0x108: {  	v29 =	vld [tilespmem:s17+$0x91D0];
	[tilespmem:s3+$0x12180] =	vst v6;
	v28 =	vmov s0;
	v30 =	vmul.f32 v3, v21  }
0x109: {  	v31 =	vld [tilespmem:s17+$0x91E0];
	[tilespmem:s3+$0x12190] =	vst v7;
	v15 =	vmul.f32 $1.442695020e+00, v28;
	v32 =	vmul.f32 v3, v22  }
0x10a: {  	v33 =	vld [tilespmem:s17+$0x91F0];
	v34 =	vmul.f32 v3, v24;
	[tilespmem:s17+$0xE180] =	vst v30  }
0x10b: {  	v35 =	vld [tilespmem:s13+$0x9180];
	v5 =	vmul.f32 v3, v25;
	v15 =	vbroadcast v15, $0x0;
	[tilespmem:s17+$0xE190] =	vst v32  }
0x10c: {  	v2 =	vbroadcast v2, $0xF;
	v37 =	vld [tilespmem:s13+$0x9190];
	v36 =	vmul.f32 v3, v27;
	s3 =	spop (v2sf);
	[tilespmem:s17+$0xE1A0] =	vst v34  }
0x10d: {  	v38 =	vld [tilespmem:s13+$0x91A0];
	v39 =	vmul.f32 v3, v29;
	s0 =	smul.f32 $8.838834610e-02, s3;
	[tilespmem:s17+$0xE1B0] =	vst v5;
	v40 =	vpop (erf);
	(erf) = vpow2.f32 v15  }
0x10e: {  	v41 =	vld [tilespmem:s13+$0x91B0];
	v42 =	vmul.f32 v31, v3;
	[tilespmem:s17+$0xE1C0] =	vst v36;
	v2 =	vmul.f32 v40, v2  }
0x10f: {  	v43 =	vld [tilespmem:s13+$0x91C0];
	v45 =	vmul.f32 v33, v3;
	[tilespmem:s17+$0xE1D0] =	vst v39;
	v44 =	vmov s0  }
0x110: {  	v47 =	vld [tilespmem:s13+$0x91D0];
	[tilespmem:s17+$0xE1E0] =	vst v42;
	v11 =	vmul.f32 $1.442695020e+00, v44;
	v46 =	vmul.f32 v2, v35  }
0x111: {  	v49 =	vld [tilespmem:s13+$0x91E0];
	[tilespmem:s17+$0xE1F0] =	vst v45;
	v48 =	vmul.f32 v2, v37  }
0x112: {  	v50 =	vld [tilespmem:s13+$0x91F0];
	v6 =	vmul.f32 v2, v38;
	v11 =	vbroadcast v11, $0x0;
	[tilespmem:s13+$0xE180] =	vst v46  }
0x113: {  	v36 =	vld [tilespmem:s22+$0xD180];
	v51 =	vmul.f32 v2, v41;
	[tilespmem:s13+$0xE190] =	vst v48  }
0x114: {  	v52 =	vld [tilespmem:s12+$0x9180];
	v10 =	vmul.f32 v2, v43;
	[tilespmem:s13+$0xE1A0] =	vst v6;
	(erf) = vpow2.f32 v11  }
0x115: {  	v4 =	vbroadcast v4, $0xF;
	v53 =	vld [tilespmem:s12+$0x9190];
	v55 =	vmul.f32 v2, v47;
	[tilespmem:s13+$0xE1B0] =	vst v51;
	s17 =	spop (v2sf)  }
0x116: {  	v56 =	vld [tilespmem:s12+$0x91A0];
	v57 =	vmul.f32 v49, v2;
	[tilespmem:s13+$0xE1C0] =	vst v10;
	v54 =	vpop (erf);
	s0 =	smul.f32 $8.838834610e-02, s17  }
0x117: {  	v58 =	vld [tilespmem:s12+$0x91B0];
	v59 =	vmul.f32 v50, v2;
	[tilespmem:s13+$0xE1D0] =	vst v55;
	v4 =	vmul.f32 v54, v4  }
0x118: {  	v60 =	vld [tilespmem:s12+$0x91C0];
	[tilespmem:s13+$0xE1E0] =	vst v57;
	v47 =	vmul.f32 v36, v3;
	v61 =	vmov s0  }
0x119: {  	v63 =	vld [tilespmem:s12+$0x91D0];
	[tilespmem:s13+$0xE1F0] =	vst v59;
	v62 =	vmul.f32 v4, v52;
	v13 =	vmul.f32 $1.442695020e+00, v61  }
0x11a: {  	v17 =	vld [tilespmem:s12+$0x91E0];
	[tilespmem:s22+$0x12180] =	vst v47;
	v16 =	vmul.f32 v4, v53  }
0x11b: {  	v19 =	vld [tilespmem:s12+$0x91F0];
	v18 =	vmul.f32 v4, v56;
	[tilespmem:s12+$0xE180] =	vst v62;
	v13 =	vbroadcast v13, $0x0  }
0x11c: {  	v8 =	vbroadcast v8, $0xF;
	v21 =	vld [tilespmem:s18+$0x9180];
	v20 =	vmul.f32 v4, v58;
	[tilespmem:s12+$0xE190] =	vst v16  }
0x11d: {  	v22 =	vld [tilespmem:s18+$0x9190];
	v7 =	vmul.f32 v4, v60;
	[tilespmem:s12+$0xE1A0] =	vst v18;
	v24 =	vpop (erf);
	(erf) = vpow2.f32 v13  }
0x11e: {  	v25 =	vld [tilespmem:s18+$0x91A0];
	v23 =	vmul.f32 v4, v63;
	[tilespmem:s12+$0xE1B0] =	vst v20  }
0x11f: {  	v27 =	vld [tilespmem:s18+$0x91B0];
	v6 =	vmul.f32 v17, v4;
	[tilespmem:s12+$0xE1C0] =	vst v7;
	v26 =	vmul.f32 v24, v8  }
0x120: {  	v29 =	vld [tilespmem:s18+$0x91C0];
	v28 =	vmul.f32 v19, v4;
	[tilespmem:s12+$0xE1D0] =	vst v23  }
0x121: {  	v31 =	vld [tilespmem:s18+$0x91D0];
	[tilespmem:s12+$0xE1E0] =	vst v6;
	v30 =	vmul.f32 v26, v21  }
0x122: {  	v33 =	vld [tilespmem:s18+$0x91E0];
	[tilespmem:s12+$0xE1F0] =	vst v28;
	v32 =	vmul.f32 v26, v22  }
0x123: {  	v35 =	vld [tilespmem:s18+$0x91F0];
	v34 =	vmul.f32 v26, v25;
	[tilespmem:s18+$0xE180] =	vst v30  }
0x124: {  	v39 =	vld [tilespmem:s2+$0x9180];
	v37 =	vmul.f32 v26, v27;
	[tilespmem:s18+$0xE190] =	vst v32  }
0x125: {  	v9 =	vbroadcast v9, $0xF;
	v41 =	vld [tilespmem:s2+$0x9190];
	v38 =	vmul.f32 v26, v29;
	[tilespmem:s18+$0xE1A0] =	vst v34  }
0x126: {  	v44 =	vld [tilespmem:s2+$0x91A0];
	v40 =	vmul.f32 v26, v31;
	[tilespmem:s18+$0xE1B0] =	vst v37;
	v43 =	vpop (erf)  }
0x127: {  	v46 =	vld [tilespmem:s2+$0x91B0];
	v42 =	vmul.f32 v33, v26;
	[tilespmem:s18+$0xE1C0] =	vst v38;
	v9 =	vmul.f32 v43, v9  }
0x128: {  	v48 =	vld [tilespmem:s2+$0x91C0];
	v45 =	vmul.f32 v35, v26;
	[tilespmem:s18+$0xE1D0] =	vst v40  }
0x129: {  	v50 =	vld [tilespmem:s2+$0x91D0];
	[tilespmem:s18+$0xE1E0] =	vst v42;
	v49 =	vmul.f32 v9, v39  }
0x12a: {  	v51 =	vld [tilespmem:s2+$0x91E0];
	[tilespmem:s18+$0xE1F0] =	vst v45;
	v11 =	vmul.f32 v9, v41  }
0x12b: {  	v53 =	vld [tilespmem:s2+$0x91F0];
	v52 =	vmul.f32 v9, v44;
	[tilespmem:s2+$0xE180] =	vst v49  }
0x12c: {  	v54 =	vld [tilespmem:s22+$0xD190];
	v10 =	vmul.f32 v9, v46;
	[tilespmem:s2+$0xE190] =	vst v11  }
0x12d: {  	v55 =	vld [tilespmem:s24+$0xD180];
	v6 =	vmul.f32 v9, v48;
	[tilespmem:s2+$0xE1A0] =	vst v52  }
0x12e: {  	v56 =	vld [tilespmem:s24+$0xD190];
	v8 =	vmul.f32 v9, v50;
	[tilespmem:s2+$0xE1B0] =	vst v10  }
0x12f: {  	v57 =	vld [tilespmem:s11+$0xD180];
	v13 =	vmul.f32 v51, v9;
	[tilespmem:s2+$0xE1C0] =	vst v6  }
0x130: {  	v58 =	vld [tilespmem:s11+$0xD190];
	v12 =	vmul.f32 v53, v9;
	[tilespmem:s2+$0xE1D0] =	vst v8  }
0x131: {  	v3 =	vmul.f32 v54, v3;
	v59 =	vld [tilespmem:s19+$0xD180];
	[tilespmem:s2+$0xE1E0] =	vst v13  }
0x132: {  	v5 =	vmul.f32 v55, v2;
	v60 =	vld [tilespmem:s19+$0xD190];
	[tilespmem:s2+$0xE1F0] =	vst v12  }
0x133: {  	[tilespmem:s22+$0x12190] =	vst v3;
	v2 =	vmul.f32 v56, v2;
	v3 =	vld [tilespmem:s30+$0xD180]  }
0x134: {  	[tilespmem:s24+$0x12180] =	vst v5;
	v61 =	vmul.f32 v57, v4;
	v62 =	vld [tilespmem:s30+$0xD190]  }
0x135: {  	[tilespmem:s24+$0x12190] =	vst v2;
	v2 =	vmul.f32 v58, v4  }
0x136: {  	p2 =	slt.u32 s21, $0x78;
	[tilespmem:s11+$0x12180] =	vst v61;
	v63 =	vmul.f32 v59, v26  }
.Ltmp1:
0x137: {  	[tilespmem:s11+$0x12190] =	vst v2;
	v2 =	vmul.f32 v60, v26;
	(pc) =	sbr.rel @p2 .LBB2_5-.Ltmp1, $4  }
0x138: {  	s31 =	sadd.s32 $0x6, s21;
	[tilespmem:s19+$0x12180] =	vst v63;
	v3 =	vmul.f32 v3, v9  }
0x139: {  	s21 =	smov.u32 s31;
	[tilespmem:s19+$0x12190] =	vst v2;
	v2 =	vmul.f32 v62, v9  }
0x13a: {  	s1 =	simm.s32 $0x0;
	s3 =	simm.s32 $0x13150;
	s13 =	simm.s32 $0x90F0;
	[tilespmem:s30+$0x12180] =	vst v3  }
0x13b: {  	s12 =	simm.s32 $0xD0F0;
	s11 =	simm.s32 $0x120F0;
	s2 =	simm.s32 $0xE150;
	[tilespmem:s30+$0x12190] =	vst v2  }
.LBB2_6:
0x13c: {  	v3 =	vld [tilespmem:s13+$0xFFFFFF90]  }
0x13d: {  	s0 =	sshra.s32 s1, $0x2;
	v5 =	vld [tilespmem:s13+$0xFFFFFFA0]  }
0x13e: {  	v2 =	vld [tilespmem:s0+$0x5040]  }
0x13f: {  	v4 =	vld [tilespmem:s0+$0x5050]  }
0x140: {  	v7 =	vld [tilespmem:s13+$0xFFFFFFB0]  }
0x141: {  	v6 =	vld [tilespmem:s0+$0x5060]  }
0x142: {  	v9 =	vld [tilespmem:s13+$0xFFFFFFC0]  }
0x143: {  	v8 =	vld [tilespmem:s0+$0x5070]  }
0x144: {  	v52 =	vld [tilespmem:s13+$0xFFFFFFD0];
	v2 =	vmul.f32 v3, v2;
	v3 =	vmul.f32 v5, v4  }
0x145: {  	v51 =	vld [tilespmem:s0+$0x5080]  }
0x146: {  	v54 =	vld [tilespmem:s13+$0xFFFFFFE0];
	v2 =	vadd.f32 v3, v2;
	v3 =	vmul.f32 v7, v6  }
0x147: {  	v53 =	vld [tilespmem:s0+$0x5090]  }
0x148: {  	v56 =	vld [tilespmem:s13+$0xFFFFFFF0];
	v2 =	vadd.f32 v3, v2;
	v3 =	vmul.f32 v9, v8  }
0x149: {  	v55 =	vld [tilespmem:s0+$0x50A0]  }
0x14a: {  	v58 =	vld [tilespmem:s13+$0x0];
	v2 =	vadd.f32 v3, v2;
	v3 =	vmul.f32 v52, v51  }
0x14b: {  	v57 =	vld [tilespmem:s0+$0x50B0]  }
0x14c: {  	v60 =	vld [tilespmem:s2+$0xFFFFFFF0];
	v2 =	vadd.f32 v3, v2;
	v3 =	vmul.f32 v54, v53  }
0x14d: {  	v59 =	vld [tilespmem:s0+$0x50C0]  }
0x14e: {  	v61 =	vld [tilespmem:s2+$0x0];
	v2 =	vadd.f32 v3, v2;
	v3 =	vmul.f32 v56, v55  }
0x14f: {  	v62 =	vld [tilespmem:s0+$0x50D0]  }
0x150: {  	v2 =	vadd.f32 v3, v2;
	v3 =	vmul.f32 v58, v57;
	_ =	sdelay $0x1  }
0x151: {  	v2 =	vadd.f32 v3, v2;
	v3 =	vmul.f32 v60, v59;
	_ =	sdelay $0x1  }
0x152: {  	v2 =	vadd.f32 v3, v2;
	v3 =	vmul.f32 v62, v61;
	_ =	sdelay $0x1  }
0x153: {  	v2 =	vadd.f32 v3, v2;
	_ =	sdelay $0x1  }
0x154: {  	(xrf2) =	vadd.scan.msk.f32 $0xffff, v2;
	_ =	sdelay $0x9  }
0x155: {  	v2, _, _ =	vpop (xrf2)  }
0x156: {  	(v2sf) =	vpush v2, $0xF;
	_ =	sdelay $0xe  }
0x157: {  	s31 =	spop (v2sf)  }
0x158: {  	s0 =	smul.f32 $8.838834610e-02, s31;
	_ =	sdelay $0x1  }
0x159: {  	v2 =	vmov s0  }
0x15a: {  	v2 =	vmul.f32 $1.442695020e+00, v2;
	_ =	sdelay $0x1  }
0x15b: {  	v2 =	vbroadcast v2, $0x0;
	_ =	sdelay $0x1  }
0x15c: {  	(erf) = vpow2.f32 v2;
	_ =	sdelay $0x6  }
0x15d: {  	v2 =	vld [tilespmem:s12+$0xFFFFFF90]  }
0x15e: {  	v3 =	vbroadcast v61, $0xF  }
0x15f: {  	v63 =	vpop (erf)  }
0x160: {  	v3 =	vmul.f32 v63, v3;
	_ =	sdelay $0x1  }
0x161: {  	v2 =	vmul.f32 v3, v2;
	_ =	sdelay $0x1  }
0x162: {  	[tilespmem:s11+$0xFFFFFF90] =	vst v2  }
0x163: {  	v2 =	vld [tilespmem:s12+$0xFFFFFFA0];
	_ =	sdelay $0x4  }
0x164: {  	v2 =	vmul.f32 v3, v2;
	_ =	sdelay $0x1  }
0x165: {  	[tilespmem:s11+$0xFFFFFFA0] =	vst v2  }
0x166: {  	v2 =	vld [tilespmem:s12+$0xFFFFFFB0];
	_ =	sdelay $0x4  }
0x167: {  	v2 =	vmul.f32 v3, v2;
	_ =	sdelay $0x1  }
0x168: {  	[tilespmem:s11+$0xFFFFFFB0] =	vst v2  }
0x169: {  	v2 =	vld [tilespmem:s12+$0xFFFFFFC0];
	_ =	sdelay $0x4  }
0x16a: {  	v2 =	vmul.f32 v3, v2;
	_ =	sdelay $0x1  }
0x16b: {  	[tilespmem:s11+$0xFFFFFFC0] =	vst v2  }
0x16c: {  	v2 =	vld [tilespmem:s12+$0xFFFFFFD0];
	_ =	sdelay $0x4  }
0x16d: {  	v2 =	vmul.f32 v3, v2;
	_ =	sdelay $0x1  }
0x16e: {  	[tilespmem:s11+$0xFFFFFFD0] =	vst v2  }
0x16f: {  	v2 =	vld [tilespmem:s12+$0xFFFFFFE0];
	_ =	sdelay $0x4  }
0x170: {  	v2 =	vmul.f32 v3, v2;
	_ =	sdelay $0x1  }
0x171: {  	[tilespmem:s11+$0xFFFFFFE0] =	vst v2  }
0x172: {  	v2 =	vld [tilespmem:s12+$0xFFFFFFF0];
	_ =	sdelay $0x4  }
0x173: {  	v2 =	vmul.f32 v2, v3;
	_ =	sdelay $0x1  }
0x174: {  	[tilespmem:s11+$0xFFFFFFF0] =	vst v2  }
0x175: {  	v2 =	vld [tilespmem:s12+$0x0];
	_ =	sdelay $0x4  }
0x176: {  	v2 =	vmul.f32 v2, v3;
	_ =	sdelay $0x1  }
0x177: {  	[tilespmem:s11+$0x0] =	vst v2  }
0x178: {  	v2 =	vld [tilespmem:s2+$0xFFFFFFF0];
	_ =	sdelay $0x4  }
0x179: {  	v2 =	vmul.f32 v2, v3;
	_ =	sdelay $0x1  }
0x17a: {  	[tilespmem:s3+$0xFFFFFFF0] =	vst v2  }
0x17b: {  	v2 =	vld [tilespmem:s2+$0x0];
	_ =	sdelay $0x1  }
0x17c: {  	p2 =	sne.s32 s1, $0x280  }
.Ltmp2:
0x17d: {  	_ = 	snop;
	(pc) =	sbr.rel @p2 .LBB2_6-.Ltmp2, $4  }
0x17e: {  	_ = 	snop  }
0x17f: {  	v2 =	vmul.f32 v2, v3  }
0x180: {  	s13 =	sadd.s32 $0x80, s13;
	s1 =	sadd.s32 $0x280, s1;
	s12 =	sadd.s32 $0x80, s12  }
0x181: {  	s11 =	sadd.s32 $0x80, s11;
	s2 =	sadd.s32 $0x20, s2;
	[tilespmem:s3+$0x0] =	vst v2;
	s3 =	sadd.s32 $0x20, s3  }
0x182: {  	s0 =	rddreg [dreg:$0x1]  }
0x183: {  	[spmem:s0] =	stream.indirect.scatter.add.f32 [tilespmem:s25], [sflag:$0x2], $0x80, s15, s29, $0xb8;
	[tilespmem:$0x1FE80] =	vst v63  }
0x184: {  	_ =	swait.ge [sflag:s26], $0x4000  }
0x185: {  	s20 =	sadd.s32 $0x1, s20;
	[sflag:s26] =	ssyncset.done $0x0  }
0x186: {  	p2 =	sne.s32 s20, $0x9E;
	[sflag:s26] =	ssyncadd.s32 $0xFFFFC000  }
.Ltmp3:
0x187: {  	s31 =	rddreg [dreg:$0x2];
	(pc) =	sbr.rel @p2 .LBB2_4-.Ltmp3, $4  }
0x188: {  	[spmem:s31] =	stream.indirect.scatter.add.f32 [tilespmem:s28], [sflag:$0x2], $0x20, s15, s29, $0xb8;
	[tilespmem:$0x1FE80] =	vst v63  }
0x189: {  	_ =	swait.ge [sflag:s26], $0x1000  }
0x18a: {  	[sflag:s26] =	ssyncset.done $0x0  }
0x18b: {  	[sflag:s26] =	ssyncadd.s32 $0xFFFFF000  }
0x18c: {  	s0 =	stileid.u32;
	[bflag:$0x0] =	sbarrier.arrive $0xFFFF  }
0x18d: {  	s0 =	sshll.u32 s0, $0x6;
	s21 =	rddreg [dreg:$0x5]  }
0x18e: {  	s2 =	rddreg [dreg:$0x8];
	s0 =	sor.u32 $0x1C02, s0;
	s1 =	sshrl.u32 s21, $0x3  }
0x18f: {  	[hbm:s2], [sflag:s0] =	dma.local [spmem:s1], $0x800  }
0x190: {  	_ =	swait.ge [sflag:s26], $0x800  }
0x191: {  	[sflag:s26] =	ssyncset.done $0x0;
	s22 =	rddreg [dreg:$0x6]  }
0x192: {  	s17 =	rddreg [dreg:$0xe];
	[sflag:s26] =	ssyncadd.s32 $0xFFFFF800;
	s16 =	sshrl.u32 s22, $0x3  }
0x193: {  	[hbm:s17], [sflag:s0] =	dma.local [spmem:s16], $0x200  }
0x194: {  	_ =	swait.ge [sflag:s26], $0x200  }
0x195: {  	[sflag:s26] =	ssyncset.done $0x0;
	s24 =	rddreg [dreg:$0x7]  }
0x196: {  	s19 =	rddreg [dreg:$0x9];
	[sflag:s26] =	ssyncadd.s32 $0xFFFFFE00;
	s18 =	sshrl.u32 s24, $0x3  }
0x197: {  	[hbm:s19], [sflag:s0] =	dma.local [spmem:s18], $0x800  }
0x198: {  	_ =	swait.ge [sflag:s26], $0x800  }
0x199: {  	[sflag:s26] =	ssyncset.done $0x0;
	s16 =	rddreg [dreg:$0xb]  }
0x19a: {  	s30 =	rddreg [dreg:$0xf];
	[sflag:s26] =	ssyncadd.s32 $0xFFFFF800;
	s20 =	sshrl.u32 s16, $0x3  }
0x19b: {  	[hbm:s30], [sflag:s0] =	dma.local [spmem:s20], $0x200  }
0x19c: {  	_ =	swait.ge [sflag:s26], $0x200  }
0x19d: {  	[sflag:s26] =	ssyncset.done $0x0;
	s17 =	rddreg [dreg:$0xc]  }
0x19e: {  	s2 =	rddreg [dreg:$0xa];
	[sflag:s26] =	ssyncadd.s32 $0xFFFFFE00;
	s1 =	sshrl.u32 @!p1 s17, $0x3  }
0x19f: {  	[hbm:s2], [sflag:s0] =	dma.local @!p1 [spmem:s1], $0x800  }
0x1a0: {  	s1 =	simm.s32 @!p1 $0x2  }
0x1a1: {  	_ =	swait.ge @!p1 [sflag:s1], $0x800  }
0x1a2: {  	[sflag:s1] =	ssyncset.done @!p1 $0x0;
	s12 =	rddreg [dreg:$0xd]  }
0x1a3: {  	s3 =	rddreg [dreg:$0x10];
	[sflag:s1] =	ssyncadd.s32 @!p1 $0xFFFFF800;
	s2 =	sshrl.u32 @!p1 s12, $0x3  }
0x1a4: {  	[hbm:s3], [sflag:s0] =	dma.local @!p1 [spmem:s2], $0x200  }
0x1a5: {  	_ =	swait.ge @!p1 [sflag:s1], $0x200  }
0x1a6: {  	s19 =	rddreg [dreg:$0x4]  }
0x1a7: {  	s31 =	rddreg [dreg:$0x11];
	s19 =	sadd.s32 $0x1, s19  }
0x1a8: {  	p2 =	sne.s32 s19, s31  }
.Ltmp4:
0x1a9: {  	_ = 	snop;
	(pc) =	sbr.rel @p2 .LBB2_1-.Ltmp4, $3  }
0x1aa: {  	_ =	sdelay $0x1  }
0x1ab: {  	[sflag:s1] =	ssyncset.done @!p1 $0x0  }
0x1ac: {  	[sflag:s1] =	ssyncadd.s32 @!p1 $0xFFFFFE00  }
0x1ad: {  	_ =	sfence.sel $0x180000  }
0x1ae: {  	[bflag:$0x0] =	sbarrier.arrive $0xFFFF  }
0x1af: {  	_ =	strace $0x9000004A  }
0x1b0: {  	s0 =	stileid.u32;
	[bflag:$0x2] =	sbarrier.arrive $0xFFFF  }
0x1b1: {  	p0 =	sne.s32 s0, $0x0;
	s0 =	rddreg [dreg:$0x3]  }
0x1b2: {  	s0 =	sadd.s32 @!p0 $0x100000, s0  }
0x1b3: {  	[sflag:s0] =	ssyncadd.tile.s32 @!p0 $0x1;
	_ =	shalt  }
.Lfunc_end2:
_tile_overlayer_lowered:
.L_overlay_start_2:
0x1b4: {  	(tag) =	ssettag $0x2  }
0x1b5: {  	s0 =	rddreg [dreg:$0x0];
	s2 =	stileid.u32  }
0x1b6: {  	s1 =	rddreg [dreg:$0x1];
	p0 =	sne.s32 s2, $0x0  }
0x1b7: {  	s3 =	rddreg [dreg:$0x2];
	[bflag:$0x3] =	sbarrier.arrive $0xFFFF;
	s2 =	simm.s32 @!p0 $0x1C02  }
0x1b8: {  	[timem:s3], [sflag:s2] =	dma.local @!p0 [hbm:s0], s1  }
0x1b9: {  	s0 =	simm.s32 @!p0 $0x2  }
0x1ba: {  	_ =	swait.ge @!p0 [sflag:s0], s1  }
0x1bb: {  	s1 =	ssub.s32 @!p0 $0x0, s1;
	[sflag:s0] =	ssyncset.done @!p0 $0x0  }
0x1bc: {  	[sflag:s0] =	ssyncadd.s32 @!p0 s1  }
0x1bd: {  	[bflag:$0x3] =	sbarrier.arrive $0xFFFF  }
0x1be: {  	_ =	shalt  }

// kernel: kernel.22.cloned.1.call-start
scs
__scs_entry_jumppad:
0x0: {  	(pc) =	sbr.rel $0x88, $3  }
0x1: {  	(tag) =	ssettag $0x0;
	lr =	simm.s32 $0x1  }
0x2: {  	[smem:$0x3F8E] =	sst lr;
	_ =	strace $0xD0000000  }
0x3: {  	_ = 	snop  }
0x4: {  	_ = 	snop  }
0x5: {  	_ = 	snop  }
0x6: {  	_ = 	snop  }
0x7: {  	_ = 	snop  }
__scs_overlays_trampoline_lowered:
0x8: {  	[smem:$0x3F9D] =	sst s0  }
0x9: {  	[smem:$0x3F9E] =	sst s1  }
0xa: {  	[smem:$0x3F9F] =	sst s2  }
0xb: {  	[smem:$0x3FA0] =	sst s3  }
0xc: {  	[smem:$0x3FA1] =	sst s4  }
0xd: {  	[smem:$0x3FA2] =	sst s5  }
0xe: {  	[smem:$0x3FA3] =	sst s6  }
0xf: {  	[smem:$0x3FA4] =	sst s7  }
0x10: {  	[smem:$0x3FA5] =	sst s8  }
0x11: {  	[smem:$0x3FA6] =	sst s9;
	s0 =	simm.s32 @!p0 $0x0  }
0x12: {  	s1 =	sld [smem:$0x3F8C];
	s0 =	simm.s32 @p0 $0x1  }
0x13: {  	[smem:$0x3FA7] =	sst s0;
	s0 =	simm.s32 @!p1 $0x0  }
0x14: {  	s2 =	sld [smem:$0x3F8B];
	s0 =	simm.s32 @p1 $0x1  }
0x15: {  	[smem:$0x3FA8] =	sst s0;
	s0 =	simm.s32 @!p2 $0x0  }
0x16: {  	s3 =	sld [smem:$0x3FDB];
	s0 =	simm.s32 @p2 $0x1  }
0x17: {  	s4 =	simm.s32 $0x1BF5;
	[smem:$0x3FAA] =	sst s0  }
0x18: {  	s0 =	sld [smem:$0x3F8D];
	_ =	swait.ge [sflag:s4], $0x0  }
0x19: {  	s7 =	sld [smem:$0x3F8E]  }
0x1a: {  	s8 =	sadd.s32 $0xFFFFE003, lr  }
0x1b: {  	s9 =	sadd.s32 $0xFFFFFEF7, lr;
	s5 =	simm.s32 $0xFFFFFFFF;
	p2 =	slt.u32 s8, $0xFFFFF086  }
0x1c: {  	p1 =	slt.u32 s9, $0xF7A;
	s5 =	simm.s32 @!p2 $0x0  }
0x1d: {  	s5 =	simm.s32 @p1 $0x1;
	p0 =	seq.s32 s7, s2  }
0x1e: {  	s7 =	smul.u32 @!p0 $0xF7A, s2;
	p2 =	seq.s32 @!p0 s5, $0x0  }
0x1f: {  	s9 =	smul.u32 $0xF7A, s1;
	s8 =	simm.s32 @!p0 $0x1BF5;
	p2 =	por !p2, p0  }
0x20: {  	[sflag:s8] =	ssyncset.s32 @!p0 $0xFFFFF086;
	s6 =	sadd.s32 @!p0 s3, s7;
	s7 =	simm.s32 @!p0 $0x108  }
0x21: {  	s3 =	sadd.s32 s3, s9;
	s6 =	sadd.s32 @!p0 $0x88, s6;
	s7 =	simm.s32 @p2 $0x1082  }
0x22: {  	[simem:s7], [sflag:s8] =	dma.local @!p0 [hbm:s6], $0xF7A  }
0x23: {  	s9 =	sor.u32 $0xD0000000, s2;
	s6 =	simm.s32 $0x108;
	_ =	swait.ge @!p0 [sflag:s8], $0x0  }
0x24: {  	s3 =	sadd.s32 $0x88, s3;
	s6 =	simm.s32 @!p1 $0x1082;
	[sflag:s4] =	ssyncset.s32 $0xFFFFF086  }
0x25: {  	[simem:s6], [sflag:s4] =	dma.local [hbm:s3], $0xF7A  }
0x26: {  	[smem:$0x3F8E] =	sst s1;
	(tag) =	ssettag s2;
	_ =	strace s9  }
0x27: {  	s1 =	sld [smem:$0x3F9E]  }
0x28: {  	s2 =	sld [smem:$0x3F9F]  }
0x29: {  	s4 =	sld [smem:$0x3FA1]  }
0x2a: {  	p0 =	seq.s32 s5, $0x0;
	s5 =	sld [smem:$0x3FA2]  }
0x2b: {  	s6 =	sld [smem:$0x3FA3]  }
0x2c: {  	s7 =	sld [smem:$0x3FA4]  }
0x2d: {  	s3 =	simm.s32 $0x108;
	s8 =	sld [smem:$0x3FA5]  }
0x2e: {  	s3 =	simm.s32 @!p0 $0x1082;
	s9 =	sld [smem:$0x3FA6]  }
0x2f: {  	lr =	sadd.s32 s0, s3;
	s0 =	sld [smem:$0x3F9D]  }
0x30: {  	s3 =	sld [smem:$0x3FA0]  }
0x31: {  	[smem:$0x3FA9] =	sst s10  }
0x32: {  	s10 =	sld [smem:$0x3FA7];
	_ =	sdelay $0x3  }
0x33: {  	p0 =	seq.s32 s10, $0x1;
	s10 =	sld [smem:$0x3FA9];
	_ =	sdelay $0x3  }
0x34: {  	[smem:$0x3FA9] =	sst s10  }
0x35: {  	s10 =	sld [smem:$0x3FA8];
	_ =	sdelay $0x3  }
0x36: {  	p1 =	seq.s32 s10, $0x1;
	s10 =	sld [smem:$0x3FA9];
	_ =	sdelay $0x3  }
0x37: {  	[smem:$0x3FA9] =	sst s10  }
0x38: {  	s10 =	sld [smem:$0x3FAA]  }
0x39: {  	_ = 	snop;
	(pc) =	sbr.ind lr, $3  }
0x3a: {  	_ = 	snop  }
0x3b: {  	_ = 	snop  }
0x3c: {  	p2 =	seq.s32 s10, $0x1;
	s10 =	sld [smem:$0x3FA9]  }
0x3d: {  	_ =	shalt  }
0x3e: {  	_ =	shalt  }
0x3f: {  	_ =	shalt  }
0x40: {  	_ =	shalt  }
0x41: {  	_ =	shalt  }
0x42: {  	_ =	shalt  }
0x43: {  	_ =	shalt  }
0x44: {  	_ =	shalt  }
0x45: {  	_ =	shalt  }
0x46: {  	_ =	shalt  }
0x47: {  	_ =	shalt  }
0x48: {  	_ =	shalt  }
0x49: {  	_ =	shalt  }
0x4a: {  	_ =	shalt  }
0x4b: {  	_ =	shalt  }
0x4c: {  	_ =	shalt  }
0x4d: {  	_ =	shalt  }
0x4e: {  	_ =	shalt  }
0x4f: {  	_ =	shalt  }
0x50: {  	_ =	shalt  }
0x51: {  	_ =	shalt  }
0x52: {  	_ =	shalt  }
0x53: {  	_ =	shalt  }
0x54: {  	_ =	shalt  }
0x55: {  	_ =	shalt  }
0x56: {  	_ =	shalt  }
0x57: {  	_ =	shalt  }
0x58: {  	_ =	shalt  }
0x59: {  	_ =	shalt  }
0x5a: {  	_ =	shalt  }
0x5b: {  	_ =	shalt  }
0x5c: {  	_ =	shalt  }
0x5d: {  	_ =	shalt  }
0x5e: {  	_ =	shalt  }
0x5f: {  	_ =	shalt  }
0x60: {  	_ =	shalt  }
0x61: {  	_ =	shalt  }
0x62: {  	_ =	shalt  }
0x63: {  	_ =	shalt  }
0x64: {  	_ =	shalt  }
0x65: {  	_ =	shalt  }
0x66: {  	_ =	shalt  }
0x67: {  	_ =	shalt  }
0x68: {  	_ =	shalt  }
0x69: {  	_ =	shalt  }
0x6a: {  	_ =	shalt  }
0x6b: {  	_ =	shalt  }
0x6c: {  	_ =	shalt  }
0x6d: {  	_ =	shalt  }
0x6e: {  	_ =	shalt  }
0x6f: {  	_ =	shalt  }
0x70: {  	_ =	shalt  }
0x71: {  	_ =	shalt  }
0x72: {  	_ =	shalt  }
0x73: {  	_ =	shalt  }
0x74: {  	_ =	shalt  }
0x75: {  	_ =	shalt  }
0x76: {  	_ =	shalt  }
0x77: {  	_ =	shalt  }
0x78: {  	_ =	shalt  }
0x79: {  	_ =	shalt  }
0x7a: {  	_ =	shalt  }
0x7b: {  	_ =	shalt  }
0x7c: {  	_ =	shalt  }
0x7d: {  	_ =	shalt  }
0x7e: {  	_ =	shalt  }
0x7f: {  	_ =	shalt  }
0x80: {  	_ =	shalt  }
0x81: {  	_ =	shalt  }
0x82: {  	_ =	shalt  }
0x83: {  	_ =	shalt  }
0x84: {  	_ =	shalt  }
0x85: {  	_ =	shalt  }
0x86: {  	_ =	shalt  }
0x87: {  	_ =	shalt  }
.Lfunc_end0:
.L_simem_size_0:
called_computation.2_lowered:
.L_overlay_start_0:
0x88: {  	s2 =	sld [smem:$0x3FD9]  }
0x89: {  	s3 =	sld [smem:$0x3FFE];
	_ =	sdelay $0x1  }
0x8a: {  	s1 =	srdreg.scid  }
0x8b: {  	s0 =	sand.u32 $0x1, s1  }
0x8c: {  	s16 =	sshll.u32 s0, $0xA;
	s2 =	sadd.s32 s3, s2  }
0x8d: {  	s2 =	sadd.s32 s2, s16  }
0x8e: {  	[smem:$0x3FB5] =	sst s2  }
0x8f: {  	_ = 	snop  }
0x90: {  	(tm) =	ssettm $0x1  }
0x91: {  	s17 =	sld [smem:$0x3FFB];
	_ =	sdelay $0x3  }
0x92: {  	_ =	strace s17  }
0x93: {  	s2 =	sld [smem:$0x3FFC];
	_ =	sdelay $0x3  }
0x94: {  	_ =	strace s2  }
0x95: {  	s2 =	sld [smem:$0x3FFD];
	_ =	sdelay $0x3  }
0x96: {  	_ =	strace s2  }
0x97: {  	_ =	strace $0x8FFFFFFF  }
0x98: {  	s18 =	sld [smem:$0x3FDB];
	_ =	sdelay $0x1  }
0x99: {  	s19 =	simm.s32 $_scs_section_size  }
0x9a: {  	s4 =	simm.s32 $_size__tile_overlayer_lowered;
	s5 =	simm.s32 $_tile_overlayer_lowered  }
0x9b: {  	s22 =	simm.s32 $0x1BFF;
	s21 =	sshll.u32 s5, $0x1;
	s2 =	sadd.s32 s19, s18  }
0x9c: {  	s6 =	simm.s32 $0x0;
	s20 =	sshll.u32 s4, $0x1;
	s4 =	sadd.s32 s21, s2  }
0x9d: {  	[timem:s6], [sflag:s22] =	dma.local [hbm:s4], s20  }
0x9e: {  	_ =	swait.ge [sflag:s22], s20  }
0x9f: {  	s3 =	ssub.s32 $0x0, s20;
	[sflag:s22] =	ssyncset.done $0x0  }
0xa0: {  	[sflag:s22] =	ssyncadd.s32 s3;
	_ =	sdelay $0x1  }
0xa1: {  	s23 =	simm.s32 $0x1B8B  }
0xa2: {  	_ =	swait.ge [sflag:s23], $0x1  }
0xa3: {  	[sflag:s23] =	ssyncset.done $0x0  }
0xa4: {  	s25 =	simm.s32 $0x1B8E;
	s24 =	sld [smem:$0x3FFE];
	[sflag:s23] =	ssyncadd.s32 $0xFFFFFFFF  }
0xa5: {  	s26 =	simm.s32 $execute0_lowered;
	[smem:$0x3FD2] =	sst s25  }
0xa6: {  	s4 =	sshll.u32 s26, $0x1;
	_ =	strace $0x8000004C;
	[dreg:$0x1] =	wrdreg $0xFFFFFFFF  }
0xa7: {  	s28 =	simm.s32 $_size_execute0_lowered;
	s2 =	sadd.s32 s2, s4;
	[dreg:$0x0] =	wrdreg $0x0  }
0xa8: {  	s4 =	sshll.u32 s28, $0x1;
	[dreg:$0x2] =	wrdreg s2  }
0xa9: {  	[dreg:$0x3] =	wrdreg s4  }
0xaa: {  	[dreg:$0x4] =	wrdreg $0xC0  }
0xab: {  	_ =	task [dreg:s6], $0x5FFFF  }
0xac: {  	[dreg:$0x1] =	wrdreg $0xFFFFFFFF  }
0xad: {  	[dreg:$0x0] =	wrdreg $0x60  }
0xae: {  	[dreg:$0x2] =	wrdreg s24  }
0xaf: {  	[dreg:$0x3] =	wrdreg $0x131800  }
0xb0: {  	[dreg:$0x4] =	wrdreg $0x1D5800  }
0xb1: {  	[dreg:$0x5] =	wrdreg $0x9  }
0xb2: {  	_ =	task.clear_ibuf [dreg:s6], $0x6FFFF;
	_ =	strace $0x9000004C  }
0xb3: {  	s29 =	simm.s32 $0x9;
	_ =	strace $0x8000004E  }
0xb4: {  	_ =	swait.ge [sflag:s29], $0x1  }
0xb5: {  	[sflag:s29] =	ssyncadd.s32 $0xFFFFFFFF  }
0xb6: {  	_ =	strace $0x9000004E  }
0xb7: {  	_ =	sfence  }
0xb8: {  	s30 =	sld [smem:$0x0];
	_ =	sdelay $0x2  }
0xb9: {  	s31 =	sshll.u32 s1, $0xD;
	s1 =	sshrl.u32 s1, $0x2  }
0xba: {  	s3 =	sand.u32 $0x4000, s31;
	s1 =	sadd.s32 s1, s30  }
0xbb: {  	s0 =	sor.u32 s3, s0;
	s1 =	sshll.u32 s1, $0x11  }
0xbc: {  	s0 =	sor.u32 s1, s0  }
0xbd: {  	s0 =	sadd.s32 $0x8F2B, s0  }
0xbe: {  	[sflag:s0] =	ssyncadd.remote.s32 $0x1  }
0xbf: {  	_ =	sfence.sel $0xFFFF  }
0xc0: {  	[dreg:$0x0] =	wrdreg $0xFFFFFFFF;
	(pc) =	sbr.abs _section_cstart, $3  }
0xc1: {  	[dreg:$0x1] =	wrdreg $0xFFFFFFFF  }
0xc2: {  	_ =	task.clear_ibuf [dreg:s6], $0x2FFFF;
	_ =	strace $0x9FFFFFFF  }
0xc3: {  	(tm) =	ssettm $0x7FFFFFFF  }
tec
execute0_lowered:
.L_overlay_start_1:
0x0: {  	(tag) =	ssettag $0x1  }
0x1: {  	s0 =	rddreg [dreg:$0x0]  }
0x2: {  	s17 =	rddreg [dreg:$0x1]  }
0x3: {  	s18 =	rddreg [dreg:$0x2];
	s19 =	simm.s32 $0x0;
	s1 =	srdreg.scid  }
0x4: {  	s20 =	stileid.u32;
	s28 =	simm.s32 $0x12180;
	[smem:$0x7FF] =	sst s19  }
0x5: {  	s29 =	simm.s32 $0x80;
	s4 =	sadd.s32 $0x1F6200, s0;
	s6 =	sadd.s32 $0x1CE200, s0  }
0x6: {  	s5 =	sadd.s32 $0x4C00, s0;
	s7 =	sadd.s32 $0x2E600, s0;
	s8 =	sadd.s32 $0x174400, s0  }
0x7: {  	s1 =	sand.u32 $0x1, s1;
	s10 =	sadd.s32 $0x16A600, s0;
	s2 =	sadd.s32 $0x188200, s0  }
0x8: {  	s0 =	sadd.s32 $0x17E200, s0;
	s23 =	sshll.u32 s20, $0xE;
	s11 =	sor.u32 $0x10, s20  }
0x9: {  	s24 =	sshll.u32 s20, $0xC;
	s26 =	sor.u32 $0x20, s20;
	s13 =	sshll.u32 s20, $0x7  }
0xa: {  	p0 =	sgt.u32 s20, $0x8;
	p1 =	sgt.u32 s20, $0x7;
	_ =	strace $0x8000004D  }
0xb: {  	s3 =	ssub.s32 $0x2, s1;
	s21 =	sadd.s32 s23, s17;
	s12 =	sshll.u32 s11, $0xE  }
0xc: {  	s22 =	sadd.s32 s24, s18;
	s1 =	smul.u32 $0x1400, s1;
	s25 =	sshll.u32 s11, $0xC  }
0xd: {  	s11 =	sshll.u32 s11, $0x7;
	s14 =	sshll.u32 s26, $0x7;
	s31 =	sshll.u32 s26, $0xE  }
0xe: {  	s9 =	sshrl.u32 s3, $0x1;
	s24 =	sadd.s32 s12, s17;
	[dreg:$0x5] =	wrdreg s21  }
0xf: {  	s17 =	sadd.s32 s31, s17;
	[dreg:$0x6] =	wrdreg s22;
	s3 =	ssub.s32 s3, s9  }
0x10: {  	s13 =	sadd.s32 s13, s1;
	s11 =	sadd.s32 s1, s11;
	[dreg:$0x7] =	wrdreg s24  }
0x11: {  	s14 =	sadd.s32 s1, s14;
	s9 =	simm.s32 $0xD180;
	[dreg:$0xc] =	wrdreg s17  }
0x12: {  	s15 =	sshll.u32 s13, $0x4;
	s30 =	sshll.u32 s11, $0x4;
	s31 =	smax.u32 s3, $0x1  }
0x13: {  	s16 =	sshll.u32 s14, $0x4;
	s15 =	sadd.s32 s2, s15;
	[dreg:$0x11] =	wrdreg s31  }
0x14: {  	s23 =	sshll.u32 s13, $0x2;
	[dreg:$0x8] =	wrdreg s15;
	s15 =	sadd.s32 s2, s30  }
0x15: {  	s2 =	sadd.s32 s2, s16;
	s16 =	sadd.s32 s25, s18;
	[dreg:$0x9] =	wrdreg s15  }
0x16: {  	s25 =	sshll.u32 s11, $0x2;
	s30 =	sshll.u32 s14, $0x2;
	[dreg:$0xa] =	wrdreg s2  }
0x17: {  	s14 =	simm.s32 $0x1;
	s2 =	sadd.s32 s0, s23;
	[dreg:$0xb] =	wrdreg s16  }
0x18: {  	s15 =	sshll.u32 s26, $0xC;
	s26 =	sadd.s32 s0, s25;
	[dreg:$0xe] =	wrdreg s2  }
0x19: {  	s0 =	sadd.s32 s0, s30;
	s23 =	smul.u32 $0x4F00, s20;
	[dreg:$0xf] =	wrdreg s26  }
0x1a: {  	s25 =	simm.s32 $0xE180;
	s12 =	sadd.s32 s15, s18;
	[dreg:$0x10] =	wrdreg s0  }
0x1b: {  	v1 =	vimm.f32 $0.0e+00;
	v0 =	vmov s1;
	s26 =	simm.s32 $0x2;
	s15 =	simm.s32 $0x100;
	[dreg:$0xd] =	wrdreg s12  }
.LBB2_1:
0x1c: {  	s1 =	simm.s32 $0xE1C0  }
0x1d: {  	[tilespmem:s1+$0x20] =	vst v1  }
0x1e: {  	[tilespmem:s1+$0x10] =	vst v1  }
0x1f: {  	[tilespmem:s1+$0x0] =	vst v1  }
0x20: {  	[tilespmem:s1+$0xFFFFFFF0] =	vst v1  }
0x21: {  	[tilespmem:s1+$0xFFFFFFE0] =	vst v1  }
0x22: {  	[tilespmem:s1+$0xFFFFFFD0] =	vst v1  }
0x23: {  	[tilespmem:s1+$0xFFFFFFC0] =	vst v1  }
0x24: {  	[dreg:$0x4] =	wrdreg s19;
	s3 =	simm.s32 $0x0;
	s2 =	simm.s32 $0x80;
	[tilespmem:s1+$0x30] =	vst v1  }
.LBB2_2:
0x25: {  	p2 =	sne.s32 s2, $0x3F80;
	[tilespmem:s3+$0x12190] =	vst v1  }
0x26: {  	s1 =	sadd.s32 $0x80, s1;
	[tilespmem:s3+$0x12180] =	vst v1  }
0x27: {  	[tilespmem:s1+$0x20] =	vst v1  }
0x28: {  	[tilespmem:s1+$0x10] =	vst v1  }
0x29: {  	[tilespmem:s1+$0x0] =	vst v1  }
.Ltmp0:
0x2a: {  	[tilespmem:s1+$0xFFFFFFF0] =	vst v1;
	(pc) =	sbr.rel @p2 .LBB2_2-.Ltmp0, $4  }
0x2b: {  	[tilespmem:s1+$0xFFFFFFE0] =	vst v1  }
0x2c: {  	[tilespmem:s1+$0xFFFFFFD0] =	vst v1  }
0x2d: {  	[tilespmem:s1+$0xFFFFFFC0] =	vst v1  }
0x2e: {  	s3 =	sshra.s32 s2, $0x2;
	s2 =	sadd.s32 $0x80, s2;
	[tilespmem:s1+$0x30] =	vst v1  }
0x2f: {  	[tilespmem:s3+$0x12190] =	vst v1  }
0x30: {  	[tilespmem:s3+$0x12180] =	vst v1  }
0x31: {  	[spmem:s21] =	stream.linear.scatter [tilespmem:s25], [sflag:$0x2], $0x4000, $0x38;
	[tilespmem:$0x1FE80] =	vst v63  }
0x32: {  	_ =	swait.ge [sflag:s26], $0x4000  }
0x33: {  	[sflag:s26] =	ssyncset.done $0x0  }
0x34: {  	[sflag:s26] =	ssyncadd.s32 $0xFFFFC000  }
0x35: {  	[spmem:s22] =	stream.linear.scatter [tilespmem:s28], [sflag:$0x2], $0x1000, $0x38;
	[tilespmem:$0x1FE80] =	vst v63  }
0x36: {  	_ =	swait.ge [sflag:s26], $0x1000  }
0x37: {  	[sflag:s26] =	ssyncset.done $0x0  }
0x38: {  	[sflag:s26] =	ssyncadd.s32 $0xFFFFF000  }
0x39: {  	[spmem:s24] =	stream.linear.scatter [tilespmem:s25], [sflag:$0x2], $0x4000, $0x38;
	[tilespmem:$0x1FE80] =	vst v63  }
0x3a: {  	_ =	swait.ge [sflag:s26], $0x4000  }
0x3b: {  	[sflag:s26] =	ssyncset.done $0x0  }
0x3c: {  	[sflag:s26] =	ssyncadd.s32 $0xFFFFC000  }
0x3d: {  	[spmem:s16] =	stream.linear.scatter [tilespmem:s28], [sflag:$0x2], $0x1000, $0x38;
	[tilespmem:$0x1FE80] =	vst v63  }
0x3e: {  	_ =	swait.ge [sflag:s26], $0x1000  }
0x3f: {  	[sflag:s26] =	ssyncset.done $0x0  }
0x40: {  	s1 =	simm.s32 @!p0 $0xE180;
	[sflag:s26] =	ssyncadd.s32 $0xFFFFF000  }
0x41: {  	[spmem:s17] =	stream.linear.scatter @!p0 [tilespmem:s1], [sflag:$0x2], $0x4000, $0x38;
	[tilespmem:$0x1FE80] =	vst v63  }
0x42: {  	s1 =	simm.s32 @!p0 $0x2  }
0x43: {  	_ =	swait.ge @!p0 [sflag:s1], $0x4000  }
0x44: {  	[sflag:s1] =	ssyncset.done @!p0 $0x0  }
0x45: {  	s2 =	simm.s32 @!p0 $0x12180;
	[sflag:s1] =	ssyncadd.s32 @!p0 $0xFFFFC000  }
0x46: {  	[spmem:s12] =	stream.linear.scatter @!p0 [tilespmem:s2], [sflag:$0x2], $0x1000, $0x38;
	[tilespmem:$0x1FE80] =	vst v63  }
0x47: {  	_ =	swait.ge @!p0 [sflag:s1], $0x1000  }
0x48: {  	[sflag:s1] =	ssyncset.done @!p0 $0x0  }
0x49: {  	[sflag:s1] =	ssyncadd.s32 @!p0 $0xFFFFF000  }
0x4a: {  	s20 =	simm.s32 $0x0;
	s16 =	simm.s32 $0x0;
	[bflag:$0x0] =	sbarrier.arrive $0xFFFF  }
.LBB2_4:
0x4b: {  	s1 =	sshll.u32 s20, $0x7  }
0x4c: {  	s1 =	sadd.s32 s23, s1  }
0x4d: {  	s2 =	sshrl.u32 s1, $0x3  }
0x4e: {  	s3 =	sadd.s32 s8, s2  }
0x4f: {  	[tilespmem:s16], [sflag:$0x2] =	stream.linear.gather [hbm4b:s3+s16], $0x80, $0x38;
	[tilespmem:$0x1FE80] =	vst v63  }
0x50: {  	_ =	swait.ge [sflag:s26], $0x80  }
0x51: {  	[sflag:s26] =	ssyncset.done $0x0  }
0x52: {  	s2 =	sadd.s32 s10, s2;
	[sflag:s26] =	ssyncadd.s32 $0xFFFFFF80  }
0x53: {  	[tilespmem:s29], [sflag:$0x2] =	stream.linear.gather [hbm4b:s2+s16], $0x80, $0x38;
	[tilespmem:$0x1FE80] =	vst v63  }
0x54: {  	_ =	swait.ge [sflag:s26], $0x80  }
0x55: {  	[sflag:s26] =	ssyncset.done $0x0  }
0x56: {  	s0 =	simm.s32 $0x5180;
	[sflag:s26] =	ssyncadd.s32 $0xFFFFFF80  }
0x57: {  	[tilespmem:s0], [sflag:$0x1] =	stream.indirect.gather [hbm4b:s5+s29], $0x80, s16, s29, $0xb8;
	[tilespmem:$0x1FE80] =	vst v63  }
0x58: {  	s30 =	simm.s32 $0x180  }
0x59: {  	[tilespmem:s30], [sflag:$0x1] =	stream.indirect.gather [hbm4b:s4+s29], $0xA0, s29, s29, $0xb8;
	[tilespmem:$0x1FE80] =	vst v63  }
0x5a: {  	s31 =	simm.s32 $0x9180;
	s1 =	sshll.u32 s1, $0x2  }
0x5b: {  	[tilespmem:s31], [sflag:$0x1] =	stream.indirect.gather [hbm4b:s6+s29], $0x80, s16, s29, $0xb8;
	[tilespmem:$0x1FE80] =	vst v63  }
0x5c: {  	s1 =	sadd.s32 s7, s1  }
0x5d: {  	[tilespmem:s9], [sflag:$0x1] =	stream.linear.gather [hbm4b:s1+s16], $0x1000, $0x38;
	[tilespmem:$0x1FE80] =	vst v63  }
0x5e: {  	v2 =	vld [tilespmem:$0x80]  }
0x5f: {  	v3 =	vld [tilespmem:$0x90]  }
0x60: {  	v4 =	vld [tilespmem:$0xA0]  }
0x61: {  	v5 =	vld [tilespmem:$0xB0]  }
0x62: {  	v6 =	vld [tilespmem:$0xC0]  }
0x63: {  	v7 =	vld [tilespmem:$0xD0];
	v2 =	vsub.s32 v2, v0  }
0x64: {  	v8 =	vld [tilespmem:$0xE0];
	v3 =	vsub.s32 v3, v0;
	v2 =	vmin.u32 v2, $0x1400  }
0x65: {  	v63 =	vld [tilespmem:$0xF0];
	[tilespmem:$0x100] =	vst v2;
	v2 =	vmin.u32 v3, $0x1400;
	v3 =	vsub.s32 v4, v0  }
0x66: {  	[tilespmem:$0x110] =	vst v2;
	v2 =	vmin.u32 v3, $0x1400;
	v3 =	vsub.s32 v5, v0  }
0x67: {  	[tilespmem:$0x120] =	vst v2;
	v2 =	vmin.u32 v3, $0x1400;
	v3 =	vsub.s32 v6, v0  }
0x68: {  	[tilespmem:$0x130] =	vst v2;
	v2 =	vmin.u32 v3, $0x1400;
	v3 =	vsub.s32 v7, v0  }
0x69: {  	[tilespmem:$0x140] =	vst v2;
	v2 =	vmin.u32 v3, $0x1400;
	v3 =	vsub.s32 v8, v0  }
0x6a: {  	[tilespmem:$0x150] =	vst v2;
	v2 =	vmin.u32 v3, $0x1400;
	v3 =	vsub.s32 v63, v0  }
0x6b: {  	[tilespmem:$0x160] =	vst v2;
	v2 =	vmin.u32 v3, $0x1400  }
0x6c: {  	[tilespmem:$0x170] =	vst v2  }
0x6d: {  	_ =	swait.ge [sflag:s14], $0x4000  }
0x6e: {  	[sflag:s14] =	ssyncset.done $0x0  }
0x6f: {  	[sflag:s14] =	ssyncadd.s32 $0xFFFFC000  }
0x70: {  	_ =	swait.ge [sflag:s14], $0x5000  }
0x71: {  	[sflag:s14] =	ssyncset.done $0x0  }
0x72: {  	[sflag:s14] =	ssyncadd.s32 $0xFFFFB000  }
0x73: {  	_ =	swait.ge [sflag:s14], $0x4000  }
0x74: {  	[sflag:s14] =	ssyncset.done $0x0  }
0x75: {  	[sflag:s14] =	ssyncadd.s32 $0xFFFFC000  }
0x76: {  	_ =	swait.ge [sflag:s14], $0x1000  }
0x77: {  	[sflag:s14] =	ssyncset.done $0x0  }
0x78: {  	s21 =	simm.s32 $0x0;
	[sflag:s14] =	ssyncadd.s32 $0xFFFFF000  }
.LBB2_5:
0x79: {  	s1 =	sshll.u32 s21, $0x7  }
0x7a: {  	v8 =	vld [tilespmem:s1+$0x5180]  }
0x7b: {  	v10 =	vld [tilespmem:s1+$0x5190]  }
0x7c: {  	v12 =	vld [tilespmem:s1+$0x51A0]  }
0x7d: {  	v14 =	vld [tilespmem:s1+$0x51B0]  }
0x7e: {  	v16 =	vld [tilespmem:s1+$0x51C0]  }
0x7f: {  	v18 =	vld [tilespmem:s1+$0x51D0]  }
0x80: {  	v20 =	vld [tilespmem:s1+$0x51E0]  }
0x81: {  	s3 =	sshll.u32 s21, $0x5;
	v22 =	vld [tilespmem:s1+$0x51F0]  }
0x82: {  	s12 =	sor.u32 $0x1, s21;
	v7 =	vld [tilespmem:s3+$0xD190]  }
0x83: {  	v24 =	vld [tilespmem:s3+$0xD180];
	s17 =	sshll.u32 s12, $0x7  }
0x84: {  	v27 =	vld [tilespmem:s17+$0x5180]  }
0x85: {  	v29 =	vld [tilespmem:s17+$0x5190]  }
0x86: {  	v31 =	vld [tilespmem:s17+$0x51A0]  }
0x87: {  	v33 =	vld [tilespmem:s17+$0x51B0]  }
0x88: {  	v35 =	vld [tilespmem:s17+$0x51C0]  }
0x89: {  	v37 =	vld [tilespmem:s17+$0x51D0]  }
0x8a: {  	v39 =	vld [tilespmem:s17+$0x51E0]  }
0x8b: {  	s22 =	sshll.u32 s12, $0x5;
	v41 =	vld [tilespmem:s17+$0x51F0]  }
0x8c: {  	s24 =	sadd.s32 $0x2, s21;
	v3 =	vld [tilespmem:s22+$0xD190]  }
0x8d: {  	s13 =	sshll.u32 s24, $0x7;
	v43 =	vld [tilespmem:s22+$0xD180]  }
0x8e: {  	v46 =	vld [tilespmem:s13+$0x5180]  }
0x8f: {  	v48 =	vld [tilespmem:s13+$0x5190]  }
0x90: {  	v50 =	vld [tilespmem:s13+$0x51A0]  }
0x91: {  	v52 =	vld [tilespmem:s13+$0x51B0]  }
0x92: {  	v54 =	vld [tilespmem:s13+$0x51C0]  }
0x93: {  	v56 =	vld [tilespmem:s13+$0x51D0]  }
0x94: {  	s2 =	smul.u32 $0x280, s21;
	v58 =	vld [tilespmem:s13+$0x51E0]  }
0x95: {  	s24 =	sshll.u32 s24, $0x5;
	v60 =	vld [tilespmem:s13+$0x51F0]  }
0x96: {  	s11 =	sshra.s32 s2, $0x2;
	v2 =	vld [tilespmem:s24+$0xD190]  }
0x97: {  	v4 =	vld [tilespmem:s11+$0x180]  }
0x98: {  	v9 =	vld [tilespmem:s11+$0x190]  }
0x99: {  	v11 =	vld [tilespmem:s11+$0x1A0]  }
0x9a: {  	v13 =	vld [tilespmem:s11+$0x1B0]  }
0x9b: {  	v15 =	vld [tilespmem:s11+$0x1C0]  }
0x9c: {  	v17 =	vld [tilespmem:s11+$0x1D0]  }
0x9d: {  	v19 =	vld [tilespmem:s11+$0x1E0]  }
0x9e: {  	s18 =	smul.u32 $0x280, s12;
	v21 =	vld [tilespmem:s11+$0x1F0]  }
0x9f: {  	v23 =	vld [tilespmem:s11+$0x200]  }
0xa0: {  	v25 =	vld [tilespmem:s11+$0x210];
	s11 =	sshra.s32 s18, $0x2  }
0xa1: {  	v26 =	vld [tilespmem:s11+$0x180]  }
0xa2: {  	v28 =	vld [tilespmem:s11+$0x190]  }
0xa3: {  	v30 =	vld [tilespmem:s11+$0x1A0]  }
0xa4: {  	v32 =	vld [tilespmem:s11+$0x1B0]  }
0xa5: {  	v34 =	vld [tilespmem:s11+$0x1C0]  }
0xa6: {  	v36 =	vld [tilespmem:s11+$0x1D0]  }
0xa7: {  	v38 =	vld [tilespmem:s11+$0x1E0]  }
0xa8: {  	v40 =	vld [tilespmem:s11+$0x1F0]  }
0xa9: {  	s19 =	sadd.s32 $0x500, s2;
	v42 =	vld [tilespmem:s11+$0x200]  }
0xaa: {  	s12 =	sshra.s32 s19, $0x2;
	v44 =	vld [tilespmem:s11+$0x210]  }
0xab: {  	v45 =	vld [tilespmem:s12+$0x180]  }
0xac: {  	v47 =	vld [tilespmem:s12+$0x190]  }
0xad: {  	v49 =	vld [tilespmem:s12+$0x1A0]  }
0xae: {  	v51 =	vld [tilespmem:s12+$0x1B0]  }
0xaf: {  	v53 =	vld [tilespmem:s12+$0x1C0]  }
0xb0: {  	v55 =	vld [tilespmem:s12+$0x1D0]  }
0xb1: {  	v57 =	vld [tilespmem:s12+$0x1E0]  }
0xb2: {  	v59 =	vld [tilespmem:s12+$0x1F0]  }
0xb3: {  	v61 =	vmul.f32 v10, v9;
	v9 =	vld [tilespmem:s12+$0x200]  }
0xb4: {  	s30 =	sadd.s32 $0x780, s2;
	v10 =	vld [tilespmem:s24+$0xD180]  }
0xb5: {  	s19 =	sshra.s32 s30, $0x2;
	v4 =	vmul.f32 v8, v4;
	v62 =	vmul.f32 v12, v11;
	v11 =	vld [tilespmem:s12+$0x210]  }
0xb6: {  	s18 =	sadd.s32 $0x3, s21;
	v12 =	vld [tilespmem:s19+$0x180]  }
0xb7: {  	s12 =	sshll.u32 s18, $0x7;
	v63 =	vmul.f32 v14, v13;
	v14 =	vld [tilespmem:s19+$0x190];
	v4 =	vadd.f32 v61, v4  }
0xb8: {  	s31 =	sadd.s32 $0xA00, s2;
	s11 =	sshll.u32 s18, $0x5;
	v13 =	vld [tilespmem:s12+$0x5180]  }
0xb9: {  	s30 =	sshra.s32 s31, $0x2;
	v26 =	vmul.f32 v27, v26;
	v27 =	vld [tilespmem:s11+$0xD180];
	v4 =	vadd.f32 v62, v4  }
0xba: {  	v33 =	vmul.f32 v33, v32;
	v32 =	vld [tilespmem:s30+$0x180]  }
0xbb: {  	v61 =	vmul.f32 v16, v15;
	v15 =	vld [tilespmem:s12+$0x5190];
	v4 =	vadd.f32 v63, v4  }
0xbc: {  	v16 =	vld [tilespmem:s19+$0x1A0]  }
0xbd: {  	v62 =	vmul.f32 v18, v17;
	v17 =	vld [tilespmem:s12+$0x51A0];
	v4 =	vadd.f32 v61, v4  }
0xbe: {  	v18 =	vld [tilespmem:s19+$0x1B0]  }
0xbf: {  	v9 =	vmul.f32 v10, v9;
	v10 =	vld [tilespmem:s30+$0x200];
	v63 =	vmul.f32 v20, v19;
	v4 =	vadd.f32 v62, v4  }
0xc0: {  	s0 =	sadd.s32 $0x4, s21;
	v19 =	vld [tilespmem:s12+$0x51B0]  }
0xc1: {  	s18 =	sshll.u32 s0, $0x7;
	v20 =	vld [tilespmem:s19+$0x1C0];
	v61 =	vmul.f32 v22, v21;
	v4 =	vadd.f32 v63, v4  }
0xc2: {  	v12 =	vmul.f32 v13, v12;
	v13 =	vld [tilespmem:s18+$0x51C0]  }
0xc3: {  	v14 =	vmul.f32 v15, v14;
	v15 =	vld [tilespmem:s30+$0x1D0];
	v62 =	vmul.f32 v24, v23;
	v4 =	vadd.f32 v61, v4  }
0xc4: {  	v21 =	vld [tilespmem:s12+$0x51C0]  }
0xc5: {  	v22 =	vld [tilespmem:s19+$0x1D0];
	v63 =	vmul.f32 v25, v7;
	v4 =	vadd.f32 v62, v4  }
0xc6: {  	v12 =	vadd.f32 v14, v12;
	v14 =	vld [tilespmem:s30+$0x1F0];
	v61 =	vmul.f32 v29, v28  }
0xc7: {  	v23 =	vld [tilespmem:s12+$0x51D0];
	v8 =	vadd.f32 v63, v4  }
0xc8: {  	v24 =	vld [tilespmem:s19+$0x1E0];
	v26 =	vadd.f32 v61, v26;
	v62 =	vmul.f32 v31, v30  }
0xc9: {  	v25 =	vld [tilespmem:s12+$0x51E0];
	(xrf2) =	vadd.scan.msk.f32 $0xffff, v8  }
0xca: {  	v28 =	vld [tilespmem:s19+$0x1F0];
	v63 =	vadd.f32 v62, v26  }
0xcb: {  	v29 =	vld [tilespmem:s12+$0x51F0]  }
0xcc: {  	v30 =	vld [tilespmem:s19+$0x200];
	v61 =	vmul.f32 v35, v34;
	v8 =	vadd.f32 v33, v63  }
0xcd: {  	v31 =	vld [tilespmem:s19+$0x210];
	v63 =	vmul.f32 v46, v45;
	v45 =	vmul.f32 v48, v47  }
0xce: {  	v34 =	vld [tilespmem:s30+$0x190];
	v62 =	vmul.f32 v37, v36;
	v8 =	vadd.f32 v61, v8  }
0xcf: {  	v4 =	vld [tilespmem:s11+$0xD190];
	v47 =	vmul.f32 v50, v49;
	v35 =	vadd.f32 v45, v63  }
0xd0: {  	v37 =	vld [tilespmem:s18+$0x5190];
	v46 =	vmul.f32 v39, v38;
	v8 =	vadd.f32 v62, v8  }
0xd1: {  	v36 =	vld [tilespmem:s30+$0x1C0];
	v50 =	vmul.f32 v52, v51;
	v35 =	vadd.f32 v47, v35  }
0xd2: {  	v33 =	vld [tilespmem:s18+$0x5180];
	v48 =	vmul.f32 v41, v40;
	v8 =	vadd.f32 v46, v8  }
0xd3: {  	v38 =	vld [tilespmem:s30+$0x1A0];
	v51 =	vmul.f32 v43, v42;
	v35 =	vadd.f32 v50, v35;
	v49, _, _ =	vpop (xrf2)  }
0xd4: {  	v39 =	vld [tilespmem:s18+$0x51A0];
	v52 =	vmul.f32 v54, v53;
	v8 =	vadd.f32 v48, v8;
	(v2sf) =	vpush v49, $0xF  }
0xd5: {  	v40 =	vld [tilespmem:s30+$0x1B0];
	v53 =	vmul.f32 v44, v3  }
0xd6: {  	v54 =	vmul.f32 v56, v55;
	v42 =	vld [tilespmem:s18+$0x51D0];
	v35 =	vadd.f32 v52, v35;
	v8 =	vadd.f32 v51, v8  }
0xd7: {  	s19 =	sshll.u32 s0, $0x5;
	v55 =	vmul.f32 v17, v16;
	v16 =	vld [tilespmem:s30+$0x1E0]  }
0xd8: {  	v58 =	vmul.f32 v58, v57;
	v41 =	vld [tilespmem:s19+$0xD180];
	v56 =	vadd.f32 v54, v35;
	v8 =	vadd.f32 v53, v8  }
0xd9: {  	s2 =	sadd.s32 $0xC80, s2;
	v44 =	vld [tilespmem:s30+$0x210];
	s30 =	sadd.s32 $0x5, s21  }
0xda: {  	s31 =	sshra.s32 s2, $0x2;
	s2 =	sshll.u32 s30, $0x7;
	v45 =	vld [tilespmem:s18+$0x51B0];
	v63 =	vmul.f32 v60, v59;
	v17 =	vadd.f32 v58, v56;
	(xrf2) =	vadd.scan.msk.f32 $0xffff, v8  }
0xdb: {  	v61 =	vadd.f32 v55, v12;
	v55 =	vld [tilespmem:s2+$0x5190];
	v62 =	vmul.f32 v19, v18  }
0xdc: {  	v11 =	vmul.f32 v11, v2;
	v60 =	vld [tilespmem:s2+$0x51A0];
	v17 =	vadd.f32 v63, v17  }
0xdd: {  	v20 =	vmul.f32 v21, v20;
	v57 =	vmul.f32 v27, v30;
	v30 =	vld [tilespmem:s2+$0x51B0];
	v12 =	vadd.f32 v62, v61  }
0xde: {  	v43 =	vmul.f32 v37, v34;
	v34 =	vld [tilespmem:s31+$0x1D0];
	v33 =	vmul.f32 v33, v32;
	v9 =	vadd.f32 v9, v17  }
0xdf: {  	v26 =	vmul.f32 v23, v22;
	v47 =	vld [tilespmem:s31+$0x180];
	v12 =	vadd.f32 v20, v12  }
0xe0: {  	v50 =	vld [tilespmem:s2+$0x5180];
	v48 =	vadd.f32 v43, v33;
	v49 =	vmul.f32 v39, v38;
	v9 =	vadd.f32 v11, v9  }
0xe1: {  	v46 =	vmul.f32 v25, v24;
	v52 =	vld [tilespmem:s31+$0x190];
	v12 =	vadd.f32 v26, v12  }
0xe2: {  	v35 =	vld [tilespmem:s18+$0x51E0];
	v54 =	vmul.f32 v45, v40;
	v53 =	vadd.f32 v49, v48;
	(xrf2) =	vadd.scan.msk.f32 $0xffff, v9  }
0xe3: {  	v59 =	vmul.f32 v13, v36;
	v51 =	vmul.f32 v29, v28;
	v12 =	vadd.f32 v46, v12;
	v58 =	vld [tilespmem:s31+$0x1A0];
	s0 =	spop (v2sf)  }
0xe4: {  	v19 =	vld [tilespmem:s18+$0x51F0];
	v15 =	vmul.f32 v42, v15;
	v62 =	vmul.f32 v31, v4;
	v9 =	vadd.f32 v54, v53;
	v56, _, _ =	vpop (xrf2);
	s0 =	smul.f32 $8.838834610e-02, s0  }
0xe5: {  	v20 =	vmul.f32 v50, v47;
	v12 =	vadd.f32 v51, v12;
	v63 =	vld [tilespmem:s31+$0x1B0];
	(v2sf) =	vpush v56, $0xF  }
0xe6: {  	v31 =	vld [tilespmem:s31+$0x1C0];
	v17 =	vmul.f32 v55, v52;
	v9 =	vadd.f32 v59, v9;
	v61 =	vmov s0  }
0xe7: {  	v33 =	vld [tilespmem:s2+$0x51C0];
	v32 =	vmul.f32 v35, v16;
	v12 =	vadd.f32 v57, v12;
	v29 =	vmul.f32 $1.442695020e+00, v61  }
0xe8: {  	v8 =	vld [tilespmem:s19+$0xD190];
	v13 =	vmul.f32 v60, v58;
	v17 =	vadd.f32 v17, v20;
	v9 =	vadd.f32 v15, v9  }
0xe9: {  	v36 =	vld [tilespmem:s2+$0x51D0];
	v35 =	vmul.f32 v19, v14;
	v12 =	vadd.f32 v62, v12;
	v11 =	vbroadcast v29, $0x0  }
0xea: {  	v40 =	vld [tilespmem:s2+$0x51E0];
	v37 =	vmul.f32 v30, v63;
	v13 =	vadd.f32 v13, v17;
	v9 =	vadd.f32 v32, v9  }
0xeb: {  	v10 =	vmul.f32 v41, v10;
	v38 =	vld [tilespmem:s31+$0x1E0];
	(xrf2) =	vadd.scan.msk.f32 $0xffff, v12;
	(erf) = vpow2.f32 v11  }
0xec: {  	v43 =	vld [tilespmem:s31+$0x1F0];
	v42 =	vmul.f32 v33, v31;
	v41 =	vadd.f32 v37, v13;
	v9 =	vadd.f32 v35, v9;
	v39, _, _ =	vpop (xrf2)  }
0xed: {  	s30 =	sshll.u32 s30, $0x5;
	v45 =	vld [tilespmem:s2+$0x51F0];
	v44 =	vmul.f32 v44, v8;
	(v2sf) =	vpush v39, $0xF  }
0xee: {  	v47 =	vld [tilespmem:s30+$0xD180];
	v12 =	vmul.f32 v36, v34;
	v9 =	vadd.f32 v10, v9;
	v11 =	vadd.f32 v42, v41  }
0xef: {  	v46 =	vld [tilespmem:s31+$0x200]  }
0xf0: {  	v49 =	vld [tilespmem:s31+$0x210];
	v48 =	vmul.f32 v40, v38;
	v10 =	vadd.f32 v44, v9;
	v11 =	vadd.f32 v12, v11  }
0xf1: {  	v9 =	vld [tilespmem:s30+$0xD190]  }
0xf2: {  	v5 =	vld [tilespmem:s1+$0x9180];
	v14 =	vmul.f32 v45, v43;
	(xrf2) =	vadd.scan.msk.f32 $0xffff, v10;
	v11 =	vadd.f32 v48, v11  }
0xf3: {  	v6 =	vld [tilespmem:s1+$0x9190];
	v7 =	vbroadcast v7, $0xF  }
0xf4: {  	v51 =	vld [tilespmem:s1+$0x91A0];
	v13 =	vmul.f32 v47, v46;
	v11 =	vadd.f32 v14, v11;
	s31 =	spop (v2sf);
	v50 =	vpop (erf)  }
0xf5: {  	v52 =	vld [tilespmem:s1+$0x91B0];
	v53, _, _ =	vpop (xrf2);
	s0 =	smul.f32 $8.838834610e-02, s31;
	v7 =	vmul.f32 v50, v7  }
0xf6: {  	v54 =	vld [tilespmem:s1+$0x91C0];
	v10 =	vmul.f32 v49, v9;
	(v2sf) =	vpush v53, $0xF;
	v11 =	vadd.f32 v13, v11  }
0xf7: {  	v55 =	vld [tilespmem:s1+$0x91D0];
	v56 =	vmov s0;
	v5 =	vmul.f32 v7, v5  }
0xf8: {  	v59 =	vld [tilespmem:s1+$0x91F0];
	v60 =	vadd.f32 v10, v11;
	v17 =	vmul.f32 $1.442695020e+00, v56;
	v6 =	vmul.f32 v7, v6  }
0xf9: {  	v57 =	vld [tilespmem:s1+$0x91E0];
	v58 =	vmul.f32 v7, v51;
	[tilespmem:s1+$0xE180] =	vst v5  }
0xfa: {  	v61 =	vmul.f32 v7, v52;
	(xrf2) =	vadd.scan.msk.f32 $0xffff, v60;
	v62 =	vbroadcast v17, $0x0;
	[tilespmem:s1+$0xE190] =	vst v6  }
0xfb: {  	v63 =	vmul.f32 v7, v54;
	[tilespmem:s1+$0xE1A0] =	vst v58  }
0xfc: {  	v16, _, _ =	vpop (xrf2);
	v15 =	vmul.f32 v7, v55;
	s31 =	spop (v2sf);
	[tilespmem:s1+$0xE1B0] =	vst v61;
	(erf) = vpow2.f32 v62  }
0xfd: {  	v18 =	vmul.f32 v59, v7;
	(v2sf) =	vpush v16, $0xF;
	s0 =	smul.f32 $8.838834610e-02, s31;
	[tilespmem:s1+$0xE1C0] =	vst v63  }
0xfe: {  	v17 =	vmul.f32 v57, v7;
	[tilespmem:s1+$0xE1D0] =	vst v15  }
0xff: {  	[tilespmem:s1+$0xE1F0] =	vst v18;
	v19 =	vmov s0  }
0x100: {  	[tilespmem:s1+$0xE1E0] =	vst v17;
	v5 =	vmul.f32 $1.442695020e+00, v19  }
0x101: {  	v20 =	vld [tilespmem:s3+$0xD180]  }
0x102: {  	v10 =	vld [tilespmem:s3+$0xD190];
	v5 =	vbroadcast v5, $0x0  }
0x103: {  	v21 =	vld [tilespmem:s17+$0x9180]  }
0x104: {  	v22 =	vld [tilespmem:s17+$0x9190];
	v3 =	vbroadcast v3, $0xF;
	(erf) = vpow2.f32 v5;
	v26, _, _ =	vpop (xrf2)  }
0x105: {  	v24 =	vld [tilespmem:s17+$0x91A0];
	s1 =	spop (v2sf);
	v23 =	vpop (erf)  }
0x106: {  	v25 =	vld [tilespmem:s17+$0x91B0];
	v6 =	vmul.f32 v20, v7;
	s0 =	smul.f32 $8.838834610e-02, s1;
	(v2sf) =	vpush v26, $0xF;
	v3 =	vmul.f32 v23, v3  }
0x107: {  	v27 =	vld [tilespmem:s17+$0x91C0];
	v7 =	vmul.f32 v10, v7  }
0x108: {  	v29 =	vld [tilespmem:s17+$0x91D0];
	[tilespmem:s3+$0x12180] =	vst v6;
	v28 =	vmov s0;
	v30 =	vmul.f32 v3, v21  }
0x109: {  	v31 =	vld [tilespmem:s17+$0x91E0];
	[tilespmem:s3+$0x12190] =	vst v7;
	v15 =	vmul.f32 $1.442695020e+00, v28;
	v32 =	vmul.f32 v3, v22  }
0x10a: {  	v33 =	vld [tilespmem:s17+$0x91F0];
	v34 =	vmul.f32 v3, v24;
	[tilespmem:s17+$0xE180] =	vst v30  }
0x10b: {  	v35 =	vld [tilespmem:s13+$0x9180];
	v5 =	vmul.f32 v3, v25;
	v15 =	vbroadcast v15, $0x0;
	[tilespmem:s17+$0xE190] =	vst v32  }
0x10c: {  	v2 =	vbroadcast v2, $0xF;
	v37 =	vld [tilespmem:s13+$0x9190];
	v36 =	vmul.f32 v3, v27;
	s3 =	spop (v2sf);
	[tilespmem:s17+$0xE1A0] =	vst v34  }
0x10d: {  	v38 =	vld [tilespmem:s13+$0x91A0];
	v39 =	vmul.f32 v3, v29;
	s0 =	smul.f32 $8.838834610e-02, s3;
	[tilespmem:s17+$0xE1B0] =	vst v5;
	v40 =	vpop (erf);
	(erf) = vpow2.f32 v15  }
0x10e: {  	v41 =	vld [tilespmem:s13+$0x91B0];
	v42 =	vmul.f32 v31, v3;
	[tilespmem:s17+$0xE1C0] =	vst v36;
	v2 =	vmul.f32 v40, v2  }
0x10f: {  	v43 =	vld [tilespmem:s13+$0x91C0];
	v45 =	vmul.f32 v33, v3;
	[tilespmem:s17+$0xE1D0] =	vst v39;
	v44 =	vmov s0  }
0x110: {  	v47 =	vld [tilespmem:s13+$0x91D0];
	[tilespmem:s17+$0xE1E0] =	vst v42;
	v11 =	vmul.f32 $1.442695020e+00, v44;
	v46 =	vmul.f32 v2, v35  }
0x111: {  	v49 =	vld [tilespmem:s13+$0x91E0];
	[tilespmem:s17+$0xE1F0] =	vst v45;
	v48 =	vmul.f32 v2, v37  }
0x112: {  	v50 =	vld [tilespmem:s13+$0x91F0];
	v6 =	vmul.f32 v2, v38;
	v11 =	vbroadcast v11, $0x0;
	[tilespmem:s13+$0xE180] =	vst v46  }
0x113: {  	v36 =	vld [tilespmem:s22+$0xD180];
	v51 =	vmul.f32 v2, v41;
	[tilespmem:s13+$0xE190] =	vst v48  }
0x114: {  	v52 =	vld [tilespmem:s12+$0x9180];
	v10 =	vmul.f32 v2, v43;
	[tilespmem:s13+$0xE1A0] =	vst v6;
	(erf) = vpow2.f32 v11  }
0x115: {  	v4 =	vbroadcast v4, $0xF;
	v53 =	vld [tilespmem:s12+$0x9190];
	v55 =	vmul.f32 v2, v47;
	[tilespmem:s13+$0xE1B0] =	vst v51;
	s17 =	spop (v2sf)  }
0x116: {  	v56 =	vld [tilespmem:s12+$0x91A0];
	v57 =	vmul.f32 v49, v2;
	[tilespmem:s13+$0xE1C0] =	vst v10;
	v54 =	vpop (erf);
	s0 =	smul.f32 $8.838834610e-02, s17  }
0x117: {  	v58 =	vld [tilespmem:s12+$0x91B0];
	v59 =	vmul.f32 v50, v2;
	[tilespmem:s13+$0xE1D0] =	vst v55;
	v4 =	vmul.f32 v54, v4  }
0x118: {  	v60 =	vld [tilespmem:s12+$0x91C0];
	[tilespmem:s13+$0xE1E0] =	vst v57;
	v47 =	vmul.f32 v36, v3;
	v61 =	vmov s0  }
0x119: {  	v63 =	vld [tilespmem:s12+$0x91D0];
	[tilespmem:s13+$0xE1F0] =	vst v59;
	v62 =	vmul.f32 v4, v52;
	v13 =	vmul.f32 $1.442695020e+00, v61  }
0x11a: {  	v17 =	vld [tilespmem:s12+$0x91E0];
	[tilespmem:s22+$0x12180] =	vst v47;
	v16 =	vmul.f32 v4, v53  }
0x11b: {  	v19 =	vld [tilespmem:s12+$0x91F0];
	v18 =	vmul.f32 v4, v56;
	[tilespmem:s12+$0xE180] =	vst v62;
	v13 =	vbroadcast v13, $0x0  }
0x11c: {  	v8 =	vbroadcast v8, $0xF;
	v21 =	vld [tilespmem:s18+$0x9180];
	v20 =	vmul.f32 v4, v58;
	[tilespmem:s12+$0xE190] =	vst v16  }
0x11d: {  	v22 =	vld [tilespmem:s18+$0x9190];
	v7 =	vmul.f32 v4, v60;
	[tilespmem:s12+$0xE1A0] =	vst v18;
	v24 =	vpop (erf);
	(erf) = vpow2.f32 v13  }
0x11e: {  	v25 =	vld [tilespmem:s18+$0x91A0];
	v23 =	vmul.f32 v4, v63;
	[tilespmem:s12+$0xE1B0] =	vst v20  }
0x11f: {  	v27 =	vld [tilespmem:s18+$0x91B0];
	v6 =	vmul.f32 v17, v4;
	[tilespmem:s12+$0xE1C0] =	vst v7;
	v26 =	vmul.f32 v24, v8  }
0x120: {  	v29 =	vld [tilespmem:s18+$0x91C0];
	v28 =	vmul.f32 v19, v4;
	[tilespmem:s12+$0xE1D0] =	vst v23  }
0x121: {  	v31 =	vld [tilespmem:s18+$0x91D0];
	[tilespmem:s12+$0xE1E0] =	vst v6;
	v30 =	vmul.f32 v26, v21  }
0x122: {  	v33 =	vld [tilespmem:s18+$0x91E0];
	[tilespmem:s12+$0xE1F0] =	vst v28;
	v32 =	vmul.f32 v26, v22  }
0x123: {  	v35 =	vld [tilespmem:s18+$0x91F0];
	v34 =	vmul.f32 v26, v25;
	[tilespmem:s18+$0xE180] =	vst v30  }
0x124: {  	v39 =	vld [tilespmem:s2+$0x9180];
	v37 =	vmul.f32 v26, v27;
	[tilespmem:s18+$0xE190] =	vst v32  }
0x125: {  	v9 =	vbroadcast v9, $0xF;
	v41 =	vld [tilespmem:s2+$0x9190];
	v38 =	vmul.f32 v26, v29;
	[tilespmem:s18+$0xE1A0] =	vst v34  }
0x126: {  	v44 =	vld [tilespmem:s2+$0x91A0];
	v40 =	vmul.f32 v26, v31;
	[tilespmem:s18+$0xE1B0] =	vst v37;
	v43 =	vpop (erf)  }
0x127: {  	v46 =	vld [tilespmem:s2+$0x91B0];
	v42 =	vmul.f32 v33, v26;
	[tilespmem:s18+$0xE1C0] =	vst v38;
	v9 =	vmul.f32 v43, v9  }
0x128: {  	v48 =	vld [tilespmem:s2+$0x91C0];
	v45 =	vmul.f32 v35, v26;
	[tilespmem:s18+$0xE1D0] =	vst v40  }
0x129: {  	v50 =	vld [tilespmem:s2+$0x91D0];
	[tilespmem:s18+$0xE1E0] =	vst v42;
	v49 =	vmul.f32 v9, v39  }
0x12a: {  	v51 =	vld [tilespmem:s2+$0x91E0];
	[tilespmem:s18+$0xE1F0] =	vst v45;
	v11 =	vmul.f32 v9, v41  }
0x12b: {  	v53 =	vld [tilespmem:s2+$0x91F0];
	v52 =	vmul.f32 v9, v44;
	[tilespmem:s2+$0xE180] =	vst v49  }
0x12c: {  	v54 =	vld [tilespmem:s22+$0xD190];
	v10 =	vmul.f32 v9, v46;
	[tilespmem:s2+$0xE190] =	vst v11  }
0x12d: {  	v55 =	vld [tilespmem:s24+$0xD180];
	v6 =	vmul.f32 v9, v48;
	[tilespmem:s2+$0xE1A0] =	vst v52  }
0x12e: {  	v56 =	vld [tilespmem:s24+$0xD190];
	v8 =	vmul.f32 v9, v50;
	[tilespmem:s2+$0xE1B0] =	vst v10  }
0x12f: {  	v57 =	vld [tilespmem:s11+$0xD180];
	v13 =	vmul.f32 v51, v9;
	[tilespmem:s2+$0xE1C0] =	vst v6  }
0x130: {  	v58 =	vld [tilespmem:s11+$0xD190];
	v12 =	vmul.f32 v53, v9;
	[tilespmem:s2+$0xE1D0] =	vst v8  }
0x131: {  	v3 =	vmul.f32 v54, v3;
	v59 =	vld [tilespmem:s19+$0xD180];
	[tilespmem:s2+$0xE1E0] =	vst v13  }
0x132: {  	v5 =	vmul.f32 v55, v2;
	v60 =	vld [tilespmem:s19+$0xD190];
	[tilespmem:s2+$0xE1F0] =	vst v12  }
0x133: {  	[tilespmem:s22+$0x12190] =	vst v3;
	v2 =	vmul.f32 v56, v2;
	v3 =	vld [tilespmem:s30+$0xD180]  }
0x134: {  	[tilespmem:s24+$0x12180] =	vst v5;
	v61 =	vmul.f32 v57, v4;
	v62 =	vld [tilespmem:s30+$0xD190]  }
0x135: {  	[tilespmem:s24+$0x12190] =	vst v2;
	v2 =	vmul.f32 v58, v4  }
0x136: {  	p2 =	slt.u32 s21, $0x78;
	[tilespmem:s11+$0x12180] =	vst v61;
	v63 =	vmul.f32 v59, v26  }
.Ltmp1:
0x137: {  	[tilespmem:s11+$0x12190] =	vst v2;
	v2 =	vmul.f32 v60, v26;
	(pc) =	sbr.rel @p2 .LBB2_5-.Ltmp1, $4  }
0x138: {  	s31 =	sadd.s32 $0x6, s21;
	[tilespmem:s19+$0x12180] =	vst v63;
	v3 =	vmul.f32 v3, v9  }
0x139: {  	s21 =	smov.u32 s31;
	[tilespmem:s19+$0x12190] =	vst v2;
	v2 =	vmul.f32 v62, v9  }
0x13a: {  	s1 =	simm.s32 $0x0;
	s3 =	simm.s32 $0x13150;
	s13 =	simm.s32 $0x90F0;
	[tilespmem:s30+$0x12180] =	vst v3  }
0x13b: {  	s12 =	simm.s32 $0xD0F0;
	s11 =	simm.s32 $0x120F0;
	s2 =	simm.s32 $0xE150;
	[tilespmem:s30+$0x12190] =	vst v2  }
.LBB2_6:
0x13c: {  	v3 =	vld [tilespmem:s13+$0xFFFFFF90]  }
0x13d: {  	s0 =	sshra.s32 s1, $0x2;
	v5 =	vld [tilespmem:s13+$0xFFFFFFA0]  }
0x13e: {  	v2 =	vld [tilespmem:s0+$0x5040]  }
0x13f: {  	v4 =	vld [tilespmem:s0+$0x5050]  }
0x140: {  	v7 =	vld [tilespmem:s13+$0xFFFFFFB0]  }
0x141: {  	v6 =	vld [tilespmem:s0+$0x5060]  }
0x142: {  	v9 =	vld [tilespmem:s13+$0xFFFFFFC0]  }
0x143: {  	v8 =	vld [tilespmem:s0+$0x5070]  }
0x144: {  	v52 =	vld [tilespmem:s13+$0xFFFFFFD0];
	v2 =	vmul.f32 v3, v2;
	v3 =	vmul.f32 v5, v4  }
0x145: {  	v51 =	vld [tilespmem:s0+$0x5080]  }
0x146: {  	v54 =	vld [tilespmem:s13+$0xFFFFFFE0];
	v2 =	vadd.f32 v3, v2;
	v3 =	vmul.f32 v7, v6  }
0x147: {  	v53 =	vld [tilespmem:s0+$0x5090]  }
0x148: {  	v56 =	vld [tilespmem:s13+$0xFFFFFFF0];
	v2 =	vadd.f32 v3, v2;
	v3 =	vmul.f32 v9, v8  }
0x149: {  	v55 =	vld [tilespmem:s0+$0x50A0]  }
0x14a: {  	v58 =	vld [tilespmem:s13+$0x0];
	v2 =	vadd.f32 v3, v2;
	v3 =	vmul.f32 v52, v51  }
0x14b: {  	v57 =	vld [tilespmem:s0+$0x50B0]  }
0x14c: {  	v60 =	vld [tilespmem:s2+$0xFFFFFFF0];
	v2 =	vadd.f32 v3, v2;
	v3 =	vmul.f32 v54, v53  }
0x14d: {  	v59 =	vld [tilespmem:s0+$0x50C0]  }
0x14e: {  	v61 =	vld [tilespmem:s2+$0x0];
	v2 =	vadd.f32 v3, v2;
	v3 =	vmul.f32 v56, v55  }
0x14f: {  	v62 =	vld [tilespmem:s0+$0x50D0]  }
0x150: {  	v2 =	vadd.f32 v3, v2;
	v3 =	vmul.f32 v58, v57;
	_ =	sdelay $0x1  }
0x151: {  	v2 =	vadd.f32 v3, v2;
	v3 =	vmul.f32 v60, v59;
	_ =	sdelay $0x1  }
0x152: {  	v2 =	vadd.f32 v3, v2;
	v3 =	vmul.f32 v62, v61;
	_ =	sdelay $0x1  }
0x153: {  	v2 =	vadd.f32 v3, v2;
	_ =	sdelay $0x1  }
0x154: {  	(xrf2) =	vadd.scan.msk.f32 $0xffff, v2;
	_ =	sdelay $0x9  }
0x155: {  	v2, _, _ =	vpop (xrf2)  }
0x156: {  	(v2sf) =	vpush v2, $0xF;
	_ =	sdelay $0xe  }
0x157: {  	s31 =	spop (v2sf)  }
0x158: {  	s0 =	smul.f32 $8.838834610e-02, s31;
	_ =	sdelay $0x1  }
0x159: {  	v2 =	vmov s0  }
0x15a: {  	v2 =	vmul.f32 $1.442695020e+00, v2;
	_ =	sdelay $0x1  }
0x15b: {  	v2 =	vbroadcast v2, $0x0;
	_ =	sdelay $0x1  }
0x15c: {  	(erf) = vpow2.f32 v2;
	_ =	sdelay $0x6  }
0x15d: {  	v2 =	vld [tilespmem:s12+$0xFFFFFF90]  }
0x15e: {  	v3 =	vbroadcast v61, $0xF  }
0x15f: {  	v63 =	vpop (erf)  }
0x160: {  	v3 =	vmul.f32 v63, v3;
	_ =	sdelay $0x1  }
0x161: {  	v2 =	vmul.f32 v3, v2;
	_ =	sdelay $0x1  }
0x162: {  	[tilespmem:s11+$0xFFFFFF90] =	vst v2  }
0x163: {  	v2 =	vld [tilespmem:s12+$0xFFFFFFA0];
	_ =	sdelay $0x4  }
0x164: {  	v2 =	vmul.f32 v3, v2;
	_ =	sdelay $0x1  }
0x165: {  	[tilespmem:s11+$0xFFFFFFA0] =	vst v2  }
0x166: {  	v2 =	vld [tilespmem:s12+$0xFFFFFFB0];
	_ =	sdelay $0x4  }
0x167: {  	v2 =	vmul.f32 v3, v2;
	_ =	sdelay $0x1  }
0x168: {  	[tilespmem:s11+$0xFFFFFFB0] =	vst v2  }
0x169: {  	v2 =	vld [tilespmem:s12+$0xFFFFFFC0];
	_ =	sdelay $0x4  }
0x16a: {  	v2 =	vmul.f32 v3, v2;
	_ =	sdelay $0x1  }
0x16b: {  	[tilespmem:s11+$0xFFFFFFC0] =	vst v2  }
0x16c: {  	v2 =	vld [tilespmem:s12+$0xFFFFFFD0];
	_ =	sdelay $0x4  }
0x16d: {  	v2 =	vmul.f32 v3, v2;
	_ =	sdelay $0x1  }
0x16e: {  	[tilespmem:s11+$0xFFFFFFD0] =	vst v2  }
0x16f: {  	v2 =	vld [tilespmem:s12+$0xFFFFFFE0];
	_ =	sdelay $0x4  }
0x170: {  	v2 =	vmul.f32 v3, v2;
	_ =	sdelay $0x1  }
0x171: {  	[tilespmem:s11+$0xFFFFFFE0] =	vst v2  }
0x172: {  	v2 =	vld [tilespmem:s12+$0xFFFFFFF0];
	_ =	sdelay $0x4  }
0x173: {  	v2 =	vmul.f32 v2, v3;
	_ =	sdelay $0x1  }
0x174: {  	[tilespmem:s11+$0xFFFFFFF0] =	vst v2  }
0x175: {  	v2 =	vld [tilespmem:s12+$0x0];
	_ =	sdelay $0x4  }
0x176: {  	v2 =	vmul.f32 v2, v3;
	_ =	sdelay $0x1  }
0x177: {  	[tilespmem:s11+$0x0] =	vst v2  }
0x178: {  	v2 =	vld [tilespmem:s2+$0xFFFFFFF0];
	_ =	sdelay $0x4  }
0x179: {  	v2 =	vmul.f32 v2, v3;
	_ =	sdelay $0x1  }
0x17a: {  	[tilespmem:s3+$0xFFFFFFF0] =	vst v2  }
0x17b: {  	v2 =	vld [tilespmem:s2+$0x0];
	_ =	sdelay $0x1  }
0x17c: {  	p2 =	sne.s32 s1, $0x280  }
.Ltmp2:
0x17d: {  	_ = 	snop;
	(pc) =	sbr.rel @p2 .LBB2_6-.Ltmp2, $4  }
0x17e: {  	_ = 	snop  }
0x17f: {  	v2 =	vmul.f32 v2, v3  }
0x180: {  	s13 =	sadd.s32 $0x80, s13;
	s1 =	sadd.s32 $0x280, s1;
	s12 =	sadd.s32 $0x80, s12  }
0x181: {  	s11 =	sadd.s32 $0x80, s11;
	s2 =	sadd.s32 $0x20, s2;
	[tilespmem:s3+$0x0] =	vst v2;
	s3 =	sadd.s32 $0x20, s3  }
0x182: {  	s0 =	rddreg [dreg:$0x1]  }
0x183: {  	[spmem:s0] =	stream.indirect.scatter.add.f32 [tilespmem:s25], [sflag:$0x2], $0x80, s15, s29, $0xb8;
	[tilespmem:$0x1FE80] =	vst v63  }
0x184: {  	_ =	swait.ge [sflag:s26], $0x4000  }
0x185: {  	s20 =	sadd.s32 $0x1, s20;
	[sflag:s26] =	ssyncset.done $0x0  }
0x186: {  	p2 =	sne.s32 s20, $0x9E;
	[sflag:s26] =	ssyncadd.s32 $0xFFFFC000  }
.Ltmp3:
0x187: {  	s31 =	rddreg [dreg:$0x2];
	(pc) =	sbr.rel @p2 .LBB2_4-.Ltmp3, $4  }
0x188: {  	[spmem:s31] =	stream.indirect.scatter.add.f32 [tilespmem:s28], [sflag:$0x2], $0x20, s15, s29, $0xb8;
	[tilespmem:$0x1FE80] =	vst v63  }
0x189: {  	_ =	swait.ge [sflag:s26], $0x1000  }
0x18a: {  	[sflag:s26] =	ssyncset.done $0x0  }
0x18b: {  	[sflag:s26] =	ssyncadd.s32 $0xFFFFF000  }
0x18c: {  	s0 =	stileid.u32;
	[bflag:$0x0] =	sbarrier.arrive $0xFFFF  }
0x18d: {  	s0 =	sshll.u32 s0, $0x6;
	s21 =	rddreg [dreg:$0x5]  }
0x18e: {  	s2 =	rddreg [dreg:$0x8];
	s0 =	sor.u32 $0x1C02, s0;
	s1 =	sshrl.u32 s21, $0x3  }
0x18f: {  	[hbm:s2], [sflag:s0] =	dma.local [spmem:s1], $0x800  }
0x190: {  	_ =	swait.ge [sflag:s26], $0x800  }
0x191: {  	[sflag:s26] =	ssyncset.done $0x0;
	s22 =	rddreg [dreg:$0x6]  }
0x192: {  	s17 =	rddreg [dreg:$0xe];
	[sflag:s26] =	ssyncadd.s32 $0xFFFFF800;
	s16 =	sshrl.u32 s22, $0x3  }
0x193: {  	[hbm:s17], [sflag:s0] =	dma.local [spmem:s16], $0x200  }
0x194: {  	_ =	swait.ge [sflag:s26], $0x200  }
0x195: {  	[sflag:s26] =	ssyncset.done $0x0;
	s24 =	rddreg [dreg:$0x7]  }
0x196: {  	s19 =	rddreg [dreg:$0x9];
	[sflag:s26] =	ssyncadd.s32 $0xFFFFFE00;
	s18 =	sshrl.u32 s24, $0x3  }
0x197: {  	[hbm:s19], [sflag:s0] =	dma.local [spmem:s18], $0x800  }
0x198: {  	_ =	swait.ge [sflag:s26], $0x800  }
0x199: {  	[sflag:s26] =	ssyncset.done $0x0;
	s16 =	rddreg [dreg:$0xb]  }
0x19a: {  	s30 =	rddreg [dreg:$0xf];
	[sflag:s26] =	ssyncadd.s32 $0xFFFFF800;
	s20 =	sshrl.u32 s16, $0x3  }
0x19b: {  	[hbm:s30], [sflag:s0] =	dma.local [spmem:s20], $0x200  }
0x19c: {  	_ =	swait.ge [sflag:s26], $0x200  }
0x19d: {  	[sflag:s26] =	ssyncset.done $0x0;
	s17 =	rddreg [dreg:$0xc]  }
0x19e: {  	s2 =	rddreg [dreg:$0xa];
	[sflag:s26] =	ssyncadd.s32 $0xFFFFFE00;
	s1 =	sshrl.u32 @!p1 s17, $0x3  }
0x19f: {  	[hbm:s2], [sflag:s0] =	dma.local @!p1 [spmem:s1], $0x800  }
0x1a0: {  	s1 =	simm.s32 @!p1 $0x2  }
0x1a1: {  	_ =	swait.ge @!p1 [sflag:s1], $0x800  }
0x1a2: {  	[sflag:s1] =	ssyncset.done @!p1 $0x0;
	s12 =	rddreg [dreg:$0xd]  }
0x1a3: {  	s3 =	rddreg [dreg:$0x10];
	[sflag:s1] =	ssyncadd.s32 @!p1 $0xFFFFF800;
	s2 =	sshrl.u32 @!p1 s12, $0x3  }
0x1a4: {  	[hbm:s3], [sflag:s0] =	dma.local @!p1 [spmem:s2], $0x200  }
0x1a5: {  	_ =	swait.ge @!p1 [sflag:s1], $0x200  }
0x1a6: {  	s19 =	rddreg [dreg:$0x4]  }
0x1a7: {  	s31 =	rddreg [dreg:$0x11];
	s19 =	sadd.s32 $0x1, s19  }
0x1a8: {  	p2 =	sne.s32 s19, s31  }
.Ltmp4:
0x1a9: {  	_ = 	snop;
	(pc) =	sbr.rel @p2 .LBB2_1-.Ltmp4, $3  }
0x1aa: {  	_ =	sdelay $0x1  }
0x1ab: {  	[sflag:s1] =	ssyncset.done @!p1 $0x0  }
0x1ac: {  	[sflag:s1] =	ssyncadd.s32 @!p1 $0xFFFFFE00  }
0x1ad: {  	_ =	sfence.sel $0x180000  }
0x1ae: {  	[bflag:$0x0] =	sbarrier.arrive $0xFFFF  }
0x1af: {  	_ =	strace $0x9000004D  }
0x1b0: {  	s0 =	stileid.u32;
	[bflag:$0x2] =	sbarrier.arrive $0xFFFF  }
0x1b1: {  	p0 =	sne.s32 s0, $0x0;
	s0 =	rddreg [dreg:$0x3]  }
0x1b2: {  	s0 =	sadd.s32 @!p0 $0x100000, s0  }
0x1b3: {  	[sflag:s0] =	ssyncadd.tile.s32 @!p0 $0x1;
	_ =	shalt  }
.Lfunc_end2:
_tile_overlayer_lowered:
.L_overlay_start_2:
0x1b4: {  	(tag) =	ssettag $0x2  }
0x1b5: {  	s0 =	rddreg [dreg:$0x0];
	s2 =	stileid.u32  }
0x1b6: {  	s1 =	rddreg [dreg:$0x1];
	p0 =	sne.s32 s2, $0x0  }
0x1b7: {  	s3 =	rddreg [dreg:$0x2];
	[bflag:$0x3] =	sbarrier.arrive $0xFFFF;
	s2 =	simm.s32 @!p0 $0x1C02  }
0x1b8: {  	[timem:s3], [sflag:s2] =	dma.local @!p0 [hbm:s0], s1  }
0x1b9: {  	s0 =	simm.s32 @!p0 $0x2  }
0x1ba: {  	_ =	swait.ge @!p0 [sflag:s0], s1  }
0x1bb: {  	s1 =	ssub.s32 @!p0 $0x0, s1;
	[sflag:s0] =	ssyncset.done @!p0 $0x0  }
0x1bc: {  	[sflag:s0] =	ssyncadd.s32 @!p0 s1  }
0x1bd: {  	[bflag:$0x3] =	sbarrier.arrive $0xFFFF  }
0x1be: {  	_ =	shalt  }

</sc_bundles>
